<compile_context>
chip_gen: v7x
topology: tpu7x:2x2x1
jax: 0.10.2.dev20260603
libtpu: 0.0.44.dev20260713+nightly
codegen_flags: <defaults>
</compile_context>

<pallas_src>
import functools
import math

import jax
import jax.numpy as jnp
from jax import lax
from jax.experimental import pallas as pl
from jax.experimental.pallas import tpu as pltpu
from jax.experimental.pallas import tpu_sc as plsc

N = 10000
E = 320000
HID = 128
HEADS = 8
DH = HID // HEADS
MAXD = 500.0
RADIUS = 50.0

NC = 2
NS = 16
NW = NC * NS
CH = 128
NCHUNK = E // CH
CPW = (NCHUNK + NW - 1) // NW
NPAD = 10240
NPS = NPAD // NS


def _proj_tc(x, w3):
    def body(x_ref, w_ref, qkv_ref, qn_ref, kn_ref):
        xv = x_ref[...]
        qkv = jnp.dot(xv, w_ref[...], preferred_element_type=jnp.float32)
        qkv_ref[...] = qkv
        r = lax.broadcasted_iota(jnp.int32, (HID, HEADS), 0)
        c = lax.broadcasted_iota(jnp.int32, (HID, HEADS), 1)
        sel = (r // DH == c).astype(jnp.float32)
        q = qkv[:, :HID]
        k = qkv[:, HID:2 * HID]
        qn2 = jnp.dot(q * q, sel, preferred_element_type=jnp.float32)
        kn2 = jnp.dot(k * k, sel, preferred_element_type=jnp.float32)
        qn_ref[...] = jnp.max(qn2, axis=0, keepdims=True)
        kn_ref[...] = jnp.max(kn2, axis=0, keepdims=True)

    return pl.pallas_call(
        body,
        out_shape=(
            jax.ShapeDtypeStruct((N, 3 * HID), jnp.float32),
            jax.ShapeDtypeStruct((1, HEADS), jnp.float32),
            jax.ShapeDtypeStruct((1, HEADS), jnp.float32),
        ),
    )(x, w3)


def _spatial_density(coords):
    NP = 10240
    R = 1024
    C = 2048
    xs = jnp.pad(coords[:, 0], (0, NP - N), constant_values=1e9)
    ys = jnp.pad(coords[:, 1], (0, NP - N), constant_values=1e9)

    xsr = xs.reshape(NP, 1)
    ysr = ys.reshape(NP, 1)
    xsc = xs.reshape(1, NP)
    ysc = ys.reshape(1, NP)

    def body(xc_ref, yc_ref, xr_ref, yr_ref, out_ref):
        cx = xc_ref[...]
        cy = yc_ref[...]

        def step(j, acc):
            off = pl.multiple_of(j * C, 8)
            ox = xr_ref[pl.ds(off, C), :]
            oy = yr_ref[pl.ds(off, C), :]
            dx = cx - ox
            dy = cy - oy
            d = jnp.sqrt(dx * dx + dy * dy + 1e-12)
            return acc + jnp.sum(jnp.where(d <= RADIUS, 1.0, 0.0), axis=0, keepdims=True)

        acc = jax.lax.fori_loop(0, NP // C, step, jnp.zeros((1, R), jnp.float32))
        out_ref[...] = acc - 1.0

    out = pl.pallas_call(
        body,
        out_shape=jax.ShapeDtypeStruct((1, NP), jnp.float32),
        grid=(NP // R,),
        in_specs=[
            pl.BlockSpec((1, R), lambda i: (0, i)),
            pl.BlockSpec((1, R), lambda i: (0, i)),
            pl.BlockSpec((NP, 1), lambda i: (0, 0)),
            pl.BlockSpec((NP, 1), lambda i: (0, 0)),
        ],
        out_specs=pl.BlockSpec((1, R), lambda i: (0, i)),
    )(xsc, ysc, xsr, ysr)
    dens = out.reshape(NP)[:N]
    return dens / (dens.max() + 1e-08)


def _sc_gather(q, k, v, c128, row2d, col2d):
    mesh = plsc.VectorSubcoreMesh(core_axis_name="c", subcore_axis_name="s")

    @functools.partial(
        pl.kernel,
        mesh=mesh,
        out_type=(
            jax.ShapeDtypeStruct((E, HID), jnp.float32),
            jax.ShapeDtypeStruct((E, HID), jnp.float32),
            jax.ShapeDtypeStruct((E, HID), jnp.float32),
            jax.ShapeDtypeStruct((E, 16), jnp.float32),
        ),
        scratch_types=[
            pltpu.VMEM((CH,), jnp.int32),
            pltpu.VMEM((CH,), jnp.int32),
            pltpu.VMEM((CH, HID), jnp.float32),
            pltpu.VMEM((CH, HID), jnp.float32),
            pltpu.VMEM((CH, HID), jnp.float32),
            pltpu.VMEM((CH, HID), jnp.float32),
            pltpu.VMEM((CH, HID), jnp.float32),
            pltpu.VMEM((CH, 16), jnp.float32),
            pltpu.SemaphoreType.DMA,
        ],
    )
    def sck(q_hbm, k_hbm, v_hbm, c_hbm, row_hbm, col_hbm,
            qr_hbm, kc_hbm, vc_hbm, dxy_hbm,
            idxr_v, idxc_v, bq, bk, bv, bcr, bcc, bdxy, sem):
        cid = lax.axis_index("c")
        sid = lax.axis_index("s")
        wid = sid * NC + cid

        def chunk_body(i, carry):
            t = wid + i * NW

            @pl.when(t < NCHUNK)
            def _():
                base = t * CH
                pltpu.sync_copy(row_hbm.at[t], idxr_v)
                pltpu.sync_copy(col_hbm.at[t], idxc_v)
                cq = pltpu.async_copy(q_hbm.at[idxr_v], bq, sem)
                ck = pltpu.async_copy(k_hbm.at[idxc_v], bk, sem)
                cv = pltpu.async_copy(v_hbm.at[idxc_v], bv, sem)
                ccr = pltpu.async_copy(c_hbm.at[idxr_v], bcr, sem)
                ccc = pltpu.async_copy(c_hbm.at[idxc_v], bcc, sem)
                cq.wait()
                ck.wait()
                cv.wait()
                ccr.wait()
                ccc.wait()
                pltpu.sync_copy(bq, qr_hbm.at[pl.ds(base, CH)])
                pltpu.sync_copy(bk, kc_hbm.at[pl.ds(base, CH)])
                pltpu.sync_copy(bv, vc_hbm.at[pl.ds(base, CH)])
                for rr in range(CH):
                    bdxy[rr, :] = bcc[rr, pl.ds(0, 16)] - bcr[rr, pl.ds(0, 16)]
                pltpu.sync_copy(bdxy, dxy_hbm.at[pl.ds(base, CH)])

            return carry

        lax.fori_loop(0, CPW, chunk_body, 0)

    return sck(q, k, v, c128, row2d, col2d)


def _sc_nf(x, row2d, col2d, z128):
    mesh = plsc.VectorSubcoreMesh(core_axis_name="c", subcore_axis_name="s")

    @functools.partial(
        pl.kernel,
        mesh=mesh,
        out_type=jax.ShapeDtypeStruct((NC, NPAD, HID), jnp.float32),
        scratch_types=[
            pltpu.VMEM((CH,), jnp.int32),
            pltpu.VMEM((CH,), jnp.int32),
            pltpu.VMEM((CH, HID), jnp.float32),
            pltpu.VMEM_SHARED((NPAD, HID), jnp.float32),
            pltpu.SemaphoreType.DMA,
        ],
    )
    def sck(x_hbm, row_hbm, col_hbm, z_hbm, nf_hbm,
            idxr_v, idxc_v, buf, nf_sh, sem):
        cid = lax.axis_index("c")
        sid = lax.axis_index("s")
        wid = sid * NC + cid

        pltpu.sync_copy(z_hbm.at[pl.ds(sid * NPS, NPS)], nf_sh.at[pl.ds(sid * NPS, NPS)])
        plsc.subcore_barrier()

        def chunk_body(i, carry):
            t = wid + i * NW

            @pl.when(t < NCHUNK)
            def _():
                pltpu.sync_copy(row_hbm.at[t], idxr_v)
                pltpu.sync_copy(col_hbm.at[t], idxc_v)
                pltpu.async_copy(x_hbm.at[idxc_v], buf, sem).wait()
                pltpu.sync_copy(buf, nf_sh.at[idxr_v], add=True)

            return carry

        lax.fori_loop(0, CPW, chunk_body, 0)

        plsc.subcore_barrier()
        pltpu.sync_copy(nf_sh.at[pl.ds(sid * NPS, NPS)],
                        nf_hbm.at[cid, pl.ds(sid * NPS, NPS)])

    return sck(x, row2d, col2d, z128)


EC = 3200


def _edge_tc(qr, kc, vc, dx3, dy3, deT, diT, w1T, b1T, w2T, b2, temp, shift):
    def body(qr_ref, kc_ref, vc_ref, dx_ref, dy_ref, de_ref, di_ref,
             w1_ref, b1_ref, w2_ref, b2_ref, t_ref, s_ref, oa_ref, ob_ref):
        dxv = dx_ref[...].reshape(1, EC)
        dyv = dy_ref[...].reshape(1, EC)
        dist = jnp.sqrt(dxv * dxv + dyv * dyv)
        ang = jnp.arctan2(dyv, dxv)
        dbin = jnp.clip((dist / MAXD * 99.0).astype(jnp.int32), 0, 99)
        abin = jnp.clip(((ang + math.pi) / (2.0 * math.pi) * 15.0).astype(jnp.int32), 0, 15)

        id100 = lax.broadcasted_iota(jnp.int32, (100, EC), 0)
        ohd = (id100 == dbin).astype(jnp.float32)
        dembT = jnp.dot(de_ref[...], ohd, preferred_element_type=jnp.float32)
        ia16 = lax.broadcasted_iota(jnp.int32, (16, EC), 0)
        oha = (ia16 == abin).astype(jnp.float32)
        aembT = jnp.dot(di_ref[...], oha, preferred_element_type=jnp.float32)
        sembT = jnp.concatenate([dembT, aembT], axis=0)
        hT = jnp.maximum(jnp.dot(w1_ref[...], sembT, preferred_element_type=jnp.float32)
                         + b1_ref[...], 0.0)
        spT = jnp.dot(w2_ref[...], hT, preferred_element_type=jnp.float32) + b2_ref[...]
        sp = spT.reshape(EC, 1)

        r = lax.broadcasted_iota(jnp.int32, (HID, HEADS), 0)
        c = lax.broadcasted_iota(jnp.int32, (HID, HEADS), 1)
        sel = (r // DH == c).astype(jnp.float32)
        prod = qr_ref[...] * kc_ref[...]
        alpha = jnp.dot(prod, sel, preferred_element_type=jnp.float32) / math.sqrt(DH)
        alpha = (alpha + sp) / t_ref[...]
        ex = jnp.exp(alpha - s_ref[...])

        r8 = lax.broadcasted_iota(jnp.int32, (HEADS, HID), 0)
        c8 = lax.broadcasted_iota(jnp.int32, (HEADS, HID), 1)
        expand = (c8 // DH == r8).astype(jnp.float32)
        exx = jnp.dot(ex, expand, preferred_element_type=jnp.float32)
        exv = vc_ref[...] * exx
        oa_ref[...] = jnp.concatenate(
            [exv[:, :64], ex, jnp.ones((EC, 1), jnp.float32),
             jnp.zeros((EC, 55), jnp.float32)], axis=1)
        ob_ref[...] = jnp.concatenate(
            [exv[:, 64:], jnp.zeros((EC, 64), jnp.float32)], axis=1)

    grid = (E // EC,)
    return pl.pallas_call(
        body,
        out_shape=(
            jax.ShapeDtypeStruct((E, HID), jnp.float32),
            jax.ShapeDtypeStruct((E, HID), jnp.float32),
        ),
        grid=grid,
        in_specs=[
            pl.BlockSpec((EC, HID), lambda i: (i, 0)),
            pl.BlockSpec((EC, HID), lambda i: (i, 0)),
            pl.BlockSpec((EC, HID), lambda i: (i, 0)),
            pl.BlockSpec((1, 1, EC), lambda i: (i, 0, 0)),
            pl.BlockSpec((1, 1, EC), lambda i: (i, 0, 0)),
            pl.BlockSpec((HEADS, 100), lambda i: (0, 0)),
            pl.BlockSpec((HEADS, 16), lambda i: (0, 0)),
            pl.BlockSpec((DH, DH), lambda i: (0, 0)),
            pl.BlockSpec((DH, 1), lambda i: (0, 0)),
            pl.BlockSpec((1, DH), lambda i: (0, 0)),
            pl.BlockSpec((1, 1), lambda i: (0, 0)),
            pl.BlockSpec((1, HEADS), lambda i: (0, 0)),
            pl.BlockSpec((1, HEADS), lambda i: (0, 0)),
        ],
        out_specs=(
            pl.BlockSpec((EC, HID), lambda i: (i, 0)),
            pl.BlockSpec((EC, HID), lambda i: (i, 0)),
        ),
    )(qr, kc, vc, dx3, dy3, deT, diT, w1T, b1T, w2T, b2, temp, shift)


def _sc_scatter(msg, row2d, z128):
    mesh = plsc.VectorSubcoreMesh(core_axis_name="c", subcore_axis_name="s")

    @functools.partial(
        pl.kernel,
        mesh=mesh,
        out_type=jax.ShapeDtypeStruct((NC, NPAD, HID), jnp.float32),
        scratch_types=[
            pltpu.VMEM((CH,), jnp.int32),
            pltpu.VMEM((CH, HID), jnp.float32),
            pltpu.VMEM_SHARED((NPAD, HID), jnp.float32),
            pltpu.SemaphoreType.DMA,
        ],
    )
    def sck(msg_hbm, row_hbm, z_hbm, acc_hbm, idx_v, buf, acc_sh, sem):
        cid = lax.axis_index("c")
        sid = lax.axis_index("s")
        wid = sid * NC + cid

        pltpu.sync_copy(z_hbm.at[pl.ds(sid * NPS, NPS)], acc_sh.at[pl.ds(sid * NPS, NPS)])
        plsc.subcore_barrier()

        def chunk_body(i, carry):
            t = wid + i * NW

            @pl.when(t < NCHUNK)
            def _():
                pltpu.sync_copy(row_hbm.at[t], idx_v)
                pltpu.sync_copy(msg_hbm.at[pl.ds(t * CH, CH)], buf)
                pltpu.sync_copy(buf, acc_sh.at[idx_v], add=True)

            return carry

        lax.fori_loop(0, CPW, chunk_body, 0)

        plsc.subcore_barrier()
        pltpu.sync_copy(acc_sh.at[pl.ds(sid * NPS, NPS)],
                        acc_hbm.at[cid, pl.ds(sid * NPS, NPS)])

    return sck(msg, row2d, z128)


def _final_tc(accA, accB, nf, dens, x, d_w1, d_b1, d_w2, d_b2, out_w, out_b):
    def body(a_ref, b_ref, nf_ref, dens_ref, x_ref, w1_ref, b1_ref,
             w2_ref, b2_ref, ow_ref, ob_ref, o_ref):
        av = a_ref[...]
        bv = b_ref[...]
        deg_v = av[:, 72:73]
        cnt = jnp.maximum(deg_v, 1.0)
        xv = x_ref[...]
        xd = xv - nf_ref[...] / cnt
        ones = jnp.ones((HID, 1), jnp.float32)
        fv = jnp.sqrt(jnp.dot(xd * xd, ones, preferred_element_type=jnp.float32))
        fvn = fv / (jnp.max(fv) + 1e-08)
        degn = deg_v / (jnp.max(deg_v) + 1e-08)
        df = jnp.concatenate([degn, dens_ref[...], fvn], axis=1)
        hmid = jnp.maximum(
            jnp.dot(df, w1_ref[...], preferred_element_type=jnp.float32) + b1_ref[...], 0.0)
        densf = jnp.dot(hmid, w2_ref[...], preferred_element_type=jnp.float32) + b2_ref[...]

        r8 = lax.broadcasted_iota(jnp.int32, (HEADS, HID), 0)
        c8 = lax.broadcasted_iota(jnp.int32, (HEADS, HID), 1)
        expand = (c8 // DH == r8).astype(jnp.float32)
        den = jnp.dot(av[:, 64:72], expand, preferred_element_type=jnp.float32) + 1e-16
        att = jnp.concatenate([av[:, :64], bv[:, :64]], axis=1) / den
        o = att + densf
        o_ref[...] = jnp.dot(o, ow_ref[...], preferred_element_type=jnp.float32) + ob_ref[...]

    return pl.pallas_call(
        body,
        out_shape=jax.ShapeDtypeStruct((N, HID), jnp.float32),
    )(accA, accB, nf, dens, x, d_w1, d_b1, d_w2, d_b2, out_w, out_b)


def kernel(x, edge_index, spatial_coords, q_w, k_w, v_w, d_w1, d_b1, d_w2, d_b2,
           dist_emb, dir_emb, sp_w1, sp_b1, sp_w2, sp_b2, temperature, out_w, out_b):
    row = edge_index[0]
    col = edge_index[1]
    row2d = row.reshape(NCHUNK, CH)
    col2d = col.reshape(NCHUNK, CH)
    c128 = jnp.pad(spatial_coords, ((0, 0), (0, HID - 2)))

    dens = _spatial_density(spatial_coords)

    w3 = jnp.concatenate([q_w, k_w, v_w], axis=1)
    qkv, qn2, kn2 = _proj_tc(x, w3)
    q = qkv[:, :HID]
    k = qkv[:, HID:2 * HID]
    v = qkv[:, 2 * HID:]

    se_all = jnp.concatenate([
        jnp.repeat(dist_emb, 16, axis=0),
        jnp.tile(dir_emb, (100, 1)),
    ], axis=-1)
    sp_all = (jax.nn.relu(se_all @ sp_w1 + sp_b1) @ sp_w2 + sp_b2)[:, 0]
    spmax = jnp.abs(sp_all).max()
    shift = ((jnp.sqrt(qn2) * jnp.sqrt(kn2)) / math.sqrt(DH) + spmax) \
        / jnp.abs(temperature)[None, :]

    z128 = jnp.zeros((NPAD, HID), jnp.float32)
    qr, kc, vc, dxy = _sc_gather(q, k, v, c128, row2d, col2d)
    nf2 = _sc_nf(x, row2d, col2d, z128)

    dx3 = dxy[:, 0].reshape(E // EC, 1, EC)
    dy3 = dxy[:, 1].reshape(E // EC, 1, EC)
    msgA, msgB = _edge_tc(qr, kc, vc, dx3, dy3, dist_emb.T, dir_emb.T,
                          sp_w1.T, sp_b1.reshape(DH, 1), sp_w2.T,
                          sp_b2.reshape(1, 1), temperature.reshape(1, HEADS), shift)

    maccA = _sc_scatter(msgA, row2d, z128)
    maccB = _sc_scatter(msgB, row2d, z128)

    accA = maccA[0, :N] + maccA[1, :N]
    accB = maccB[0, :N] + maccB[1, :N]
    nf = nf2[0, :N] + nf2[1, :N]
    return _final_tc(accA, accB, nf, dens.reshape(N, 1), x,
                     d_w1, d_b1.reshape(1, HID // 2), d_w2, d_b2.reshape(1, HID),
                     out_w, out_b.reshape(1, HID))

# --- scband reference (transcript-rebuilt; emitter-appended) ---
"""Pipeline reference for scband-hierarchical-spatial-attention-76922864271781 (READ-ONLY COPY).

The authoritative reference and input builder live on the scoring server;
editing this copy changes nothing except your own understanding.
"""

import math
import jax, jax.numpy as jnp
import numpy as np

N = 10000
E = 320000
HID = 128
HEADS = 8
DH = HID // HEADS  # 16
MAXD = 500.0
RADIUS = 50.0


def setup_inputs(seed: int = 0) -> dict:
    key = jax.random.key(seed)
    ks = jax.random.split(key, 24)
    s = 1.0 / math.sqrt(HID)
    inp = {}
    inp['x'] = jax.random.normal(ks[0], (N, HID), dtype=jnp.float32)
    inp['edge_index'] = jax.random.randint(ks[1], (2, E), 0, N)
    inp['spatial_coords'] = jax.random.uniform(ks[2], (N, 2), minval=0.0, maxval=1000.0, dtype=jnp.float32)
    inp['q_w'] = jax.random.normal(ks[3], (HID, HID), dtype=jnp.float32) * s
    inp['k_w'] = jax.random.normal(ks[4], (HID, HID), dtype=jnp.float32) * s
    inp['v_w'] = jax.random.normal(ks[5], (HID, HID), dtype=jnp.float32) * s
    inp['d_w1'] = jax.random.normal(ks[6], (3, HID // 2), dtype=jnp.float32) * 0.5
    inp['d_b1'] = jnp.zeros((HID // 2,), dtype=jnp.float32)
    inp['d_w2'] = jax.random.normal(ks[7], (HID // 2, HID), dtype=jnp.float32) * (1.0 / math.sqrt(HID // 2))
    inp['d_b2'] = jnp.zeros((HID,), dtype=jnp.float32)
    inp['dist_emb'] = jax.random.normal(ks[8], (100, DH // 2), dtype=jnp.float32)
    inp['dir_emb'] = jax.random.normal(ks[9], (16, DH // 2), dtype=jnp.float32)
    inp['sp_w1'] = jax.random.normal(ks[10], (DH, DH), dtype=jnp.float32) * (1.0 / math.sqrt(DH))
    inp['sp_b1'] = jnp.zeros((DH,), dtype=jnp.float32)
    inp['sp_w2'] = jax.random.normal(ks[11], (DH, 1), dtype=jnp.float32) * (1.0 / math.sqrt(DH))
    inp['sp_b2'] = jnp.zeros((1,), dtype=jnp.float32)
    inp['temperature'] = jnp.ones((HEADS,), dtype=jnp.float32)
    inp['out_w'] = jax.random.normal(ks[12], (HID, HID), dtype=jnp.float32) * s
    inp['out_b'] = jnp.zeros((HID,), dtype=jnp.float32)
    return inp


def _spatial_density(coords, radius=RADIUS, chunk=1000):
    n = coords.shape[0]
    counts = []
    for s0 in range(0, n, chunk):
        c = coords[s0:s0 + chunk]
        d = jnp.sqrt(((c[:, None, :] - coords[None, :, :]) ** 2).sum(-1) + 1e-12)
        counts.append((d <= radius).sum(axis=1).astype(jnp.float32) - 1.0)
    dens = jnp.concatenate(counts)
    return dens / (dens.max() + 1e-08)


def reference(x, edge_index, spatial_coords, q_w, k_w, v_w, d_w1, d_b1, d_w2, d_b2,
              dist_emb, dir_emb, sp_w1, sp_b1, sp_w2, sp_b2, temperature, out_w, out_b):
    n = x.shape[0]
    row, col = edge_index[0], edge_index[1]
    # ---- LocalDensityEncoder ----
    deg = jnp.zeros((n,), dtype=jnp.float32).at[row].add(1.0)
    dens = _spatial_density(spatial_coords)
    nf = jnp.zeros_like(x).at[row].add(x[col])
    cnt = jnp.clip(deg, 1.0, None)[:, None]
    nmean = nf / cnt
    fv = jnp.linalg.norm(x - nmean, axis=-1)
    fv = fv / (fv.max() + 1e-08)
    df = jnp.stack([deg / (deg.max() + 1e-08), dens, fv], axis=-1)
    density_features = jax.nn.relu(df @ d_w1 + d_b1) @ d_w2 + d_b2
    # ---- q/k/v projections ----
    q = (x @ q_w).reshape(n, HEADS, DH)
    k = (x @ k_w).reshape(n, HEADS, DH)
    v = (x @ v_w).reshape(n, HEADS, DH)
    # ---- SpatialRelativePositionEncoder per edge ----
    rel = spatial_coords[col] - spatial_coords[row]
    dist = jnp.linalg.norm(rel, axis=-1)
    ang = jnp.arctan2(rel[:, 1], rel[:, 0])
    dbin = jnp.clip((dist / MAXD * 99.0).astype(jnp.int32), 0, 99)
    abin = jnp.clip(((ang + math.pi) / (2.0 * math.pi) * 15.0).astype(jnp.int32), 0, 15)
    semb = jnp.concatenate([dist_emb[dbin], dir_emb[abin]], axis=-1)
    sp = (jax.nn.relu(semb @ sp_w1 + sp_b1) @ sp_w2 + sp_b2)[:, 0]
    # ---- attention messages + segment softmax over dst (=row) ----
    alpha = (q[row] * k[col]).sum(-1) / math.sqrt(DH)
    alpha = (alpha + sp[:, None]) / temperature[None, :]
    m = jax.ops.segment_max(alpha, row, num_segments=n)
    m = jnp.where(jnp.isfinite(m), m, 0.0)
    ex = jnp.exp(alpha - m[row])
    den = jax.ops.segment_sum(ex, row, num_segments=n) + 1e-16
    attn = ex / den[row]
    out = jnp.zeros((n, HEADS, DH), dtype=jnp.float32).at[row].add(attn[:, :, None] * v[col])
    out = out.reshape(n, HID) + density_features
    return out @ out_w + out_b


if False:  # reference __main__ guard neutralized (emitter)
    o = reference(**setup_inputs())
    print(o.shape, o.dtype)

if __name__ == "__main__":
    import jax
    _d = setup_inputs()
    print(jax.jit(kernel)(*tuple(_d.values())))

</pallas_src>

<mosaic_0001>
#map = affine_map<(d0, d1) -> (0, 0)>
#map1 = affine_map<(d0, d1) -> (0, 0, 0)>
module attributes {stable_mosaic.version = 14 : i64} {
  func.func @sck(%arg0: i32, %arg1: i32, %arg2: memref<10000x128xf32, #tpu.memory_space<hbm>>, %arg3: memref<2500x128xi32, #tpu.memory_space<hbm>>, %arg4: memref<2500x128xi32, #tpu.memory_space<hbm>>, %arg5: memref<10240x128xf32, #tpu.memory_space<hbm>>, %arg6: memref<2x10240x128xf32, #tpu.memory_space<hbm>>, %arg7: memref<128xi32, #tpu.memory_space<vmem>>, %arg8: memref<128xi32, #tpu.memory_space<vmem>>, %arg9: memref<128x128xf32, #tpu.memory_space<vmem>>, %arg10: memref<10240x128xf32, #tpu.memory_space<vmem_shared>>, %arg11: memref<!tpu.dma_semaphore, #tpu.memory_space<semaphore_mem>>) attributes {dimension_semantics = [#tpu.dimension_semantics<core_parallel>, #tpu.dimension_semantics<subcore_parallel>], iteration_bounds = array<i64: 2, 16>, scalar_prefetch = 0 : i64, scratch_operands = 5 : i64, tpu.core_type = #tpu.core_type<sc_vector_subcore>, window_params = [{transform_indices = #map}, {transform_indices = #map}, {transform_indices = #map}, {transform_indices = #map}, {transform_indices = #map1}]} {
    %mul3A = arith.constant 2 : i32
    %mul3A_0 = arith.muli %arg1, %mul3A : i32
    %add3A = arith.addi %mul3A_0, %arg0 : i32
    %mul3A_1 = arith.constant 640 : i32
    %mul3A_2 = arith.muli %arg1, %mul3A_1 : i32
    %mul3A_3 = arith.constant 640 : i32
    %mul3A_4 = arith.muli %arg1, %mul3A_3 : i32
    "tpu.region"() ({
      %run_scoped3A = tpu.sem_alloc : memref<!tpu.dma_semaphore, #tpu.memory_space<semaphore_mem>>
      %dma_start3A = arith.constant 0 : i32
      %dma_start3A_15 = tpu.memref_slice %arg10[%mul3A_4, %dma_start3A] : memref<10240x128xf32, #tpu.memory_space<vmem_shared>> -> memref<640x128xf32, #tpu.memory_space<vmem_shared>>
      %dma_start3A_16 = arith.constant 0 : i32
      %dma_start3A_17 = tpu.memref_slice %arg5[%mul3A_2, %dma_start3A_16] : memref<10240x128xf32, #tpu.memory_space<hbm>> -> memref<640x128xf32, #tpu.memory_space<hbm>>
      tpu.enqueue_dma source(%dma_start3A_17 : memref<640x128xf32, #tpu.memory_space<hbm>>) target(%dma_start3A_15 : memref<640x128xf32, #tpu.memory_space<vmem_shared>>) target_semaphore(%run_scoped3A : memref<!tpu.dma_semaphore, #tpu.memory_space<semaphore_mem>>)
      %dma_wait3A = arith.constant 0 : i32
      %dma_wait3A_18 = tpu.memref_slice %arg10[%mul3A_4, %dma_wait3A] : memref<10240x128xf32, #tpu.memory_space<vmem_shared>> -> memref<640x128xf32, #tpu.memory_space<vmem_shared>>
      %dma_wait3A_19 = arith.constant 0 : i32
      %dma_wait3A_20 = tpu.memref_slice %arg5[%mul3A_2, %dma_wait3A_19] : memref<10240x128xf32, #tpu.memory_space<hbm>> -> memref<640x128xf32, #tpu.memory_space<hbm>>
      tpu.wait_dma2 semaphore(%run_scoped3A : memref<!tpu.dma_semaphore, #tpu.memory_space<semaphore_mem>>) src(%dma_wait3A_20 : memref<640x128xf32, #tpu.memory_space<hbm>>) dst(%dma_wait3A_18 : memref<640x128xf32, #tpu.memory_space<vmem_shared>>)
      tpu.yield
    }) : () -> ()
    %barrier3A = arith.constant 0 : index
    tpu.barrier barrier_id(%barrier3A)
    %scan3A = arith.constant 0 : i32
    %scan3A_5 = arith.constant 0 : i32
    %scan3A_6 = arith.constant 79 : i32
    %scan3A_7 = arith.addi %scan3A_5, %scan3A_6 : i32
    %scan3A_8 = arith.constant 1 : i32
    scf.for %scan3A_15 = %scan3A_5 to %scan3A_7 step %scan3A_8  : i32 {
      %mul3A_16 = arith.constant 32 : i32
      %mul3A_17 = arith.muli %scan3A_15, %mul3A_16 : i32
      %add3A_18 = arith.addi %add3A, %mul3A_17 : i32
      %lt3A = arith.constant 2500 : i32
      %lt3A_19 = arith.cmpi slt, %add3A_18, %lt3A : i32
      %convert_element_type3A = arith.extui %lt3A_19 : i1 to i32
      %cond3A = arith.constant 0 : i32
      %cond3A_20 = arith.cmpi ne, %convert_element_type3A, %cond3A : i32
      scf.if %cond3A_20 {
        "tpu.region"() ({
          %run_scoped3A = tpu.sem_alloc : memref<!tpu.dma_semaphore, #tpu.memory_space<semaphore_mem>>
          %dma_start3A_25 = arith.constant 0 : i32
          %dma_start3A_26 = tpu.memref_slice %arg3[%add3A_18, %dma_start3A_25] : memref<2500x128xi32, #tpu.memory_space<hbm>> -> memref<1x128xi32, #tpu.memory_space<hbm>>
          %dma_start3A_27 = tpu.memref_squeeze %dma_start3A_26 : memref<1x128xi32, #tpu.memory_space<hbm>> -> memref<128xi32, #tpu.memory_space<hbm>>
          %dma_start3A_28 = arith.constant 0 : i32
          %dma_start3A_29 = tpu.memref_slice %arg3[%add3A_18, %dma_start3A_28] : memref<2500x128xi32, #tpu.memory_space<hbm>> -> memref<1x128xi32, #tpu.memory_space<hbm>>
          %dma_start3A_30 = tpu.memref_squeeze %dma_start3A_29 : memref<1x128xi32, #tpu.memory_space<hbm>> -> memref<128xi32, #tpu.memory_space<hbm>>
          tpu.enqueue_dma source(%dma_start3A_30 : memref<128xi32, #tpu.memory_space<hbm>>) target(%arg7 : memref<128xi32, #tpu.memory_space<vmem>>) target_semaphore(%run_scoped3A : memref<!tpu.dma_semaphore, #tpu.memory_space<semaphore_mem>>)
          %dma_wait3A_31 = arith.constant 0 : i32
          %dma_wait3A_32 = tpu.memref_slice %arg3[%add3A_18, %dma_wait3A_31] : memref<2500x128xi32, #tpu.memory_space<hbm>> -> memref<1x128xi32, #tpu.memory_space<hbm>>
          %dma_wait3A_33 = tpu.memref_squeeze %dma_wait3A_32 : memref<1x128xi32, #tpu.memory_space<hbm>> -> memref<128xi32, #tpu.memory_space<hbm>>
          %dma_wait3A_34 = arith.constant 0 : i32
          %dma_wait3A_35 = tpu.memref_slice %arg3[%add3A_18, %dma_wait3A_34] : memref<2500x128xi32, #tpu.memory_space<hbm>> -> memref<1x128xi32, #tpu.memory_space<hbm>>
          %dma_wait3A_36 = tpu.memref_squeeze %dma_wait3A_35 : memref<1x128xi32, #tpu.memory_space<hbm>> -> memref<128xi32, #tpu.memory_space<hbm>>
          tpu.wait_dma2 semaphore(%run_scoped3A : memref<!tpu.dma_semaphore, #tpu.memory_space<semaphore_mem>>) src(%dma_wait3A_36 : memref<128xi32, #tpu.memory_space<hbm>>) dst(%arg7 : memref<128xi32, #tpu.memory_space<vmem>>)
          tpu.yield
        }) : () -> ()
        "tpu.region"() ({
          %run_scoped3A = tpu.sem_alloc : memref<!tpu.dma_semaphore, #tpu.memory_space<semaphore_mem>>
          %dma_start3A_25 = arith.constant 0 : i32
          %dma_start3A_26 = tpu.memref_slice %arg4[%add3A_18, %dma_start3A_25] : memref<2500x128xi32, #tpu.memory_space<hbm>> -> memref<1x128xi32, #tpu.memory_space<hbm>>
          %dma_start3A_27 = tpu.memref_squeeze %dma_start3A_26 : memref<1x128xi32, #tpu.memory_space<hbm>> -> memref<128xi32, #tpu.memory_space<hbm>>
          %dma_start3A_28 = arith.constant 0 : i32
          %dma_start3A_29 = tpu.memref_slice %arg4[%add3A_18, %dma_start3A_28] : memref<2500x128xi32, #tpu.memory_space<hbm>> -> memref<1x128xi32, #tpu.memory_space<hbm>>
          %dma_start3A_30 = tpu.memref_squeeze %dma_start3A_29 : memref<1x128xi32, #tpu.memory_space<hbm>> -> memref<128xi32, #tpu.memory_space<hbm>>
          tpu.enqueue_dma source(%dma_start3A_30 : memref<128xi32, #tpu.memory_space<hbm>>) target(%arg8 : memref<128xi32, #tpu.memory_space<vmem>>) target_semaphore(%run_scoped3A : memref<!tpu.dma_semaphore, #tpu.memory_space<semaphore_mem>>)
          %dma_wait3A_31 = arith.constant 0 : i32
          %dma_wait3A_32 = tpu.memref_slice %arg4[%add3A_18, %dma_wait3A_31] : memref<2500x128xi32, #tpu.memory_space<hbm>> -> memref<1x128xi32, #tpu.memory_space<hbm>>
          %dma_wait3A_33 = tpu.memref_squeeze %dma_wait3A_32 : memref<1x128xi32, #tpu.memory_space<hbm>> -> memref<128xi32, #tpu.memory_space<hbm>>
          %dma_wait3A_34 = arith.constant 0 : i32
          %dma_wait3A_35 = tpu.memref_slice %arg4[%add3A_18, %dma_wait3A_34] : memref<2500x128xi32, #tpu.memory_space<hbm>> -> memref<1x128xi32, #tpu.memory_space<hbm>>
          %dma_wait3A_36 = tpu.memref_squeeze %dma_wait3A_35 : memref<1x128xi32, #tpu.memory_space<hbm>> -> memref<128xi32, #tpu.memory_space<hbm>>
          tpu.wait_dma2 semaphore(%run_scoped3A : memref<!tpu.dma_semaphore, #tpu.memory_space<semaphore_mem>>) src(%dma_wait3A_36 : memref<128xi32, #tpu.memory_space<hbm>>) dst(%arg8 : memref<128xi32, #tpu.memory_space<vmem>>)
          tpu.yield
        }) : () -> ()
        %dma_start3A = arith.constant 0 : i32
        %dma_start3A_21 = arith.constant 0 : i32
        %dma_start3A_22 = tpu.memref_slice %arg2[%dma_start3A, %dma_start3A_21] : memref<10000x128xf32, #tpu.memory_space<hbm>> -> memref<10000x128xf32, #tpu.memory_space<hbm>>
        tpu.enqueue_indirect_dma source(%dma_start3A_22 : memref<10000x128xf32, #tpu.memory_space<hbm>>) target(%arg9 : memref<128x128xf32, #tpu.memory_space<vmem>>) offsets(%arg8 : memref<128xi32, #tpu.memory_space<vmem>>) semaphore(%arg11 : memref<!tpu.dma_semaphore, #tpu.memory_space<semaphore_mem>>)
        %dma_wait3A = arith.constant 0 : i32
        %dma_wait3A_23 = arith.constant 0 : i32
        %dma_wait3A_24 = tpu.memref_slice %arg2[%dma_wait3A, %dma_wait3A_23] : memref<10000x128xf32, #tpu.memory_space<hbm>> -> memref<10000x128xf32, #tpu.memory_space<hbm>>
        tpu.wait_indirect_dma semaphore(%arg11 : memref<!tpu.dma_semaphore, #tpu.memory_space<semaphore_mem>>) src(%dma_wait3A_24 : memref<10000x128xf32, #tpu.memory_space<hbm>>) dst(%arg9 : memref<128x128xf32, #tpu.memory_space<vmem>>)
        "tpu.region"() ({
          %run_scoped3A = tpu.sem_alloc : memref<!tpu.dma_semaphore, #tpu.memory_space<semaphore_mem>>
          %dma_start3A_25 = arith.constant 0 : i32
          %dma_start3A_26 = arith.constant 0 : i32
          %dma_start3A_27 = tpu.memref_slice %arg10[%dma_start3A_25, %dma_start3A_26] : memref<10240x128xf32, #tpu.memory_space<vmem_shared>> -> memref<10240x128xf32, #tpu.memory_space<vmem_shared>>
          tpu.enqueue_indirect_dma source(%arg9 : memref<128x128xf32, #tpu.memory_space<vmem>>) target(%dma_start3A_27 : memref<10240x128xf32, #tpu.memory_space<vmem_shared>>) offsets(%arg7 : memref<128xi32, #tpu.memory_space<vmem>>) semaphore(%run_scoped3A : memref<!tpu.dma_semaphore, #tpu.memory_space<semaphore_mem>>) {add = true}
          %dma_wait3A_28 = arith.constant 0 : i32
          %dma_wait3A_29 = arith.constant 0 : i32
          %dma_wait3A_30 = tpu.memref_slice %arg10[%dma_wait3A_28, %dma_wait3A_29] : memref<10240x128xf32, #tpu.memory_space<vmem_shared>> -> memref<10240x128xf32, #tpu.memory_space<vmem_shared>>
          tpu.wait_indirect_dma semaphore(%run_scoped3A : memref<!tpu.dma_semaphore, #tpu.memory_space<semaphore_mem>>) src(%arg9 : memref<128x128xf32, #tpu.memory_space<vmem>>) dst(%dma_wait3A_30 : memref<10240x128xf32, #tpu.memory_space<vmem_shared>>)
          tpu.yield
        }) : () -> ()
      } else {
      }
    }
    %scan3A_9 = arith.constant 79 : i32
    %barrier3A_10 = arith.constant 0 : index
    tpu.barrier barrier_id(%barrier3A_10)
    %mul3A_11 = arith.constant 640 : i32
    %mul3A_12 = arith.muli %arg1, %mul3A_11 : i32
    %mul3A_13 = arith.constant 640 : i32
    %mul3A_14 = arith.muli %arg1, %mul3A_13 : i32
    "tpu.region"() ({
      %run_scoped3A = tpu.sem_alloc : memref<!tpu.dma_semaphore, #tpu.memory_space<semaphore_mem>>
      %dma_start3A = arith.constant 0 : i32
      %dma_start3A_15 = tpu.memref_slice %arg6[%arg0, %mul3A_14, %dma_start3A] : memref<2x10240x128xf32, #tpu.memory_space<hbm>> -> memref<1x640x128xf32, #tpu.memory_space<hbm>>
      %dma_start3A_16 = tpu.memref_squeeze %dma_start3A_15 : memref<1x640x128xf32, #tpu.memory_space<hbm>> -> memref<640x128xf32, #tpu.memory_space<hbm>>
      %dma_start3A_17 = arith.constant 0 : i32
      %dma_start3A_18 = tpu.memref_slice %arg10[%mul3A_12, %dma_start3A_17] : memref<10240x128xf32, #tpu.memory_space<vmem_shared>> -> memref<640x128xf32, #tpu.memory_space<vmem_shared>>
      tpu.enqueue_dma source(%dma_start3A_18 : memref<640x128xf32, #tpu.memory_space<vmem_shared>>) target(%dma_start3A_16 : memref<640x128xf32, #tpu.memory_space<hbm>>) target_semaphore(%run_scoped3A : memref<!tpu.dma_semaphore, #tpu.memory_space<semaphore_mem>>)
      %dma_wait3A = arith.constant 0 : i32
      %dma_wait3A_19 = tpu.memref_slice %arg6[%arg0, %mul3A_14, %dma_wait3A] : memref<2x10240x128xf32, #tpu.memory_space<hbm>> -> memref<1x640x128xf32, #tpu.memory_space<hbm>>
      %dma_wait3A_20 = tpu.memref_squeeze %dma_wait3A_19 : memref<1x640x128xf32, #tpu.memory_space<hbm>> -> memref<640x128xf32, #tpu.memory_space<hbm>>
      %dma_wait3A_21 = arith.constant 0 : i32
      %dma_wait3A_22 = tpu.memref_slice %arg10[%mul3A_12, %dma_wait3A_21] : memref<10240x128xf32, #tpu.memory_space<vmem_shared>> -> memref<640x128xf32, #tpu.memory_space<vmem_shared>>
      tpu.wait_dma2 semaphore(%run_scoped3A : memref<!tpu.dma_semaphore, #tpu.memory_space<semaphore_mem>>) src(%dma_wait3A_22 : memref<640x128xf32, #tpu.memory_space<vmem_shared>>) dst(%dma_wait3A_20 : memref<640x128xf32, #tpu.memory_space<hbm>>)
      tpu.yield
    }) : () -> ()
    return
  }
}

#map = affine_map<(d0, d1) -> (0, 0)>
module attributes {stable_mosaic.version = 14 : i64} {
  func.func @sck(%arg0: i32, %arg1: i32, %arg2: memref<10000x128xf32, #tpu.memory_space<hbm>>, %arg3: memref<10000x128xf32, #tpu.memory_space<hbm>>, %arg4: memref<10000x128xf32, #tpu.memory_space<hbm>>, %arg5: memref<10000x128xf32, #tpu.memory_space<hbm>>, %arg6: memref<2500x128xi32, #tpu.memory_space<hbm>>, %arg7: memref<2500x128xi32, #tpu.memory_space<hbm>>, %arg8: memref<320000x128xf32, #tpu.memory_space<hbm>>, %arg9: memref<320000x128xf32, #tpu.memory_space<hbm>>, %arg10: memref<320000x128xf32, #tpu.memory_space<hbm>>, %arg11: memref<320000x16xf32, #tpu.memory_space<hbm>>, %arg12: memref<128xi32, #tpu.memory_space<vmem>>, %arg13: memref<128xi32, #tpu.memory_space<vmem>>, %arg14: memref<128x128xf32, #tpu.memory_space<vmem>>, %arg15: memref<128x128xf32, #tpu.memory_space<vmem>>, %arg16: memref<128x128xf32, #tpu.memory_space<vmem>>, %arg17: memref<128x128xf32, #tpu.memory_space<vmem>>, %arg18: memref<128x128xf32, #tpu.memory_space<vmem>>, %arg19: memref<128x16xf32, #tpu.memory_space<vmem>>, %arg20: memref<!tpu.dma_semaphore, #tpu.memory_space<semaphore_mem>>) attributes {dimension_semantics = [#tpu.dimension_semantics<core_parallel>, #tpu.dimension_semantics<subcore_parallel>], iteration_bounds = array<i64: 2, 16>, scalar_prefetch = 0 : i64, scratch_operands = 9 : i64, tpu.core_type = #tpu.core_type<sc_vector_subcore>, window_params = [{transform_indices = #map}, {transform_indices = #map}, {transform_indices = #map}, {transform_indices = #map}, {transform_indices = #map}, {transform_indices = #map}, {transform_indices = #map}, {transform_indices = #map}, {transform_indices = #map}, {transform_indices = #map}]} {
    %mul3A = arith.constant 2 : i32
    %mul3A_0 = arith.muli %arg1, %mul3A : i32
    %add3A = arith.addi %mul3A_0, %arg0 : i32
    %scan3A = arith.constant 0 : i32
    %scan3A_1 = arith.constant 0 : i32
    %scan3A_2 = arith.constant 79 : i32
    %scan3A_3 = arith.addi %scan3A_1, %scan3A_2 : i32
    %scan3A_4 = arith.constant 1 : i32
    scf.for %scan3A_6 = %scan3A_1 to %scan3A_3 step %scan3A_4  : i32 {
      %mul3A_7 = arith.constant 32 : i32
      %mul3A_8 = arith.muli %scan3A_6, %mul3A_7 : i32
      %add3A_9 = arith.addi %add3A, %mul3A_8 : i32
      %lt3A = arith.constant 2500 : i32
      %lt3A_10 = arith.cmpi slt, %add3A_9, %lt3A : i32
      %convert_element_type3A = arith.extui %lt3A_10 : i1 to i32
      %cond3A = arith.constant 0 : i32
      %cond3A_11 = arith.cmpi ne, %convert_element_type3A, %cond3A : i32
      scf.if %cond3A_11 {
        %mul3A_12 = arith.constant 128 : i32
        %mul3A_13 = arith.muli %add3A_9, %mul3A_12 : i32
        "tpu.region"() ({
          %run_scoped3A = tpu.sem_alloc : memref<!tpu.dma_semaphore, #tpu.memory_space<semaphore_mem>>
          %dma_start3A_2215 = arith.constant 0 : i32
          %dma_start3A_2216 = tpu.memref_slice %arg6[%add3A_9, %dma_start3A_2215] : memref<2500x128xi32, #tpu.memory_space<hbm>> -> memref<1x128xi32, #tpu.memory_space<hbm>>
          %dma_start3A_2217 = tpu.memref_squeeze %dma_start3A_2216 : memref<1x128xi32, #tpu.memory_space<hbm>> -> memref<128xi32, #tpu.memory_space<hbm>>
          %dma_start3A_2218 = arith.constant 0 : i32
          %dma_start3A_2219 = tpu.memref_slice %arg6[%add3A_9, %dma_start3A_2218] : memref<2500x128xi32, #tpu.memory_space<hbm>> -> memref<1x128xi32, #tpu.memory_space<hbm>>
          %dma_start3A_2220 = tpu.memref_squeeze %dma_start3A_2219 : memref<1x128xi32, #tpu.memory_space<hbm>> -> memref<128xi32, #tpu.memory_space<hbm>>
          tpu.enqueue_dma source(%dma_start3A_2220 : memref<128xi32, #tpu.memory_space<hbm>>) target(%arg12 : memref<128xi32, #tpu.memory_space<vmem>>) target_semaphore(%run_scoped3A : memref<!tpu.dma_semaphore, #tpu.memory_space<semaphore_mem>>)
          %dma_wait3A_2221 = arith.constant 0 : i32
          %dma_wait3A_2222 = tpu.memref_slice %arg6[%add3A_9, %dma_wait3A_2221] : memref<2500x128xi32, #tpu.memory_space<hbm>> -> memref<1x128xi32, #tpu.memory_space<hbm>>
          %dma_wait3A_2223 = tpu.memref_squeeze %dma_wait3A_2222 : memref<1x128xi32, #tpu.memory_space<hbm>> -> memref<128xi32, #tpu.memory_space<hbm>>
          %dma_wait3A_2224 = arith.constant 0 : i32
          %dma_wait3A_2225 = tpu.memref_slice %arg6[%add3A_9, %dma_wait3A_2224] : memref<2500x128xi32, #tpu.memory_space<hbm>> -> memref<1x128xi32, #tpu.memory_space<hbm>>
          %dma_wait3A_2226 = tpu.memref_squeeze %dma_wait3A_2225 : memref<1x128xi32, #tpu.memory_space<hbm>> -> memref<128xi32, #tpu.memory_space<hbm>>
          tpu.wait_dma2 semaphore(%run_scoped3A : memref<!tpu.dma_semaphore, #tpu.memory_space<semaphore_mem>>) src(%dma_wait3A_2226 : memref<128xi32, #tpu.memory_space<hbm>>) dst(%arg12 : memref<128xi32, #tpu.memory_space<vmem>>)
          tpu.yield
        }) : () -> ()
        "tpu.region"() ({
          %run_scoped3A = tpu.sem_alloc : memref<!tpu.dma_semaphore, #tpu.memory_space<semaphore_mem>>
          %dma_start3A_2215 = arith.constant 0 : i32
          %dma_start3A_2216 = tpu.memref_slice %arg7[%add3A_9, %dma_start3A_2215] : memref<2500x128xi32, #tpu.memory_space<hbm>> -> memref<1x128xi32, #tpu.memory_space<hbm>>
          %dma_start3A_2217 = tpu.memref_squeeze %dma_start3A_2216 : memref<1x128xi32, #tpu.memory_space<hbm>> -> memref<128xi32, #tpu.memory_space<hbm>>
          %dma_start3A_2218 = arith.constant 0 : i32
          %dma_start3A_2219 = tpu.memref_slice %arg7[%add3A_9, %dma_start3A_2218] : memref<2500x128xi32, #tpu.memory_space<hbm>> -> memref<1x128xi32, #tpu.memory_space<hbm>>
          %dma_start3A_2220 = tpu.memref_squeeze %dma_start3A_2219 : memref<1x128xi32, #tpu.memory_space<hbm>> -> memref<128xi32, #tpu.memory_space<hbm>>
          tpu.enqueue_dma source(%dma_start3A_2220 : memref<128xi32, #tpu.memory_space<hbm>>) target(%arg13 : memref<128xi32, #tpu.memory_space<vmem>>) target_semaphore(%run_scoped3A : memref<!tpu.dma_semaphore, #tpu.memory_space<semaphore_mem>>)
          %dma_wait3A_2221 = arith.constant 0 : i32
          %dma_wait3A_2222 = tpu.memref_slice %arg7[%add3A_9, %dma_wait3A_2221] : memref<2500x128xi32, #tpu.memory_space<hbm>> -> memref<1x128xi32, #tpu.memory_space<hbm>>
          %dma_wait3A_2223 = tpu.memref_squeeze %dma_wait3A_2222 : memref<1x128xi32, #tpu.memory_space<hbm>> -> memref<128xi32, #tpu.memory_space<hbm>>
          %dma_wait3A_2224 = arith.constant 0 : i32
          %dma_wait3A_2225 = tpu.memref_slice %arg7[%add3A_9, %dma_wait3A_2224] : memref<2500x128xi32, #tpu.memory_space<hbm>> -> memref<1x128xi32, #tpu.memory_space<hbm>>
          %dma_wait3A_2226 = tpu.memref_squeeze %dma_wait3A_2225 : memref<1x128xi32, #tpu.memory_space<hbm>> -> memref<128xi32, #tpu.memory_space<hbm>>
          tpu.wait_dma2 semaphore(%run_scoped3A : memref<!tpu.dma_semaphore, #tpu.memory_space<semaphore_mem>>) src(%dma_wait3A_2226 : memref<128xi32, #tpu.memory_space<hbm>>) dst(%arg13 : memref<128xi32, #tpu.memory_space<vmem>>)
          tpu.yield
        }) : () -> ()
        %dma_start3A = arith.constant 0 : i32
        %dma_start3A_14 = arith.constant 0 : i32
        %dma_start3A_15 = tpu.memref_slice %arg2[%dma_start3A, %dma_start3A_14] : memref<10000x128xf32, #tpu.memory_space<hbm>> -> memref<10000x128xf32, #tpu.memory_space<hbm>>
        tpu.enqueue_indirect_dma source(%dma_start3A_15 : memref<10000x128xf32, #tpu.memory_space<hbm>>) target(%arg14 : memref<128x128xf32, #tpu.memory_space<vmem>>) offsets(%arg12 : memref<128xi32, #tpu.memory_space<vmem>>) semaphore(%arg20 : memref<!tpu.dma_semaphore, #tpu.memory_space<semaphore_mem>>)
        %dma_start3A_16 = arith.constant 0 : i32
        %dma_start3A_17 = arith.constant 0 : i32
        %dma_start3A_18 = tpu.memref_slice %arg3[%dma_start3A_16, %dma_start3A_17] : memref<10000x128xf32, #tpu.memory_space<hbm>> -> memref<10000x128xf32, #tpu.memory_space<hbm>>
        tpu.enqueue_indirect_dma source(%dma_start3A_18 : memref<10000x128xf32, #tpu.memory_space<hbm>>) target(%arg15 : memref<128x128xf32, #tpu.memory_space<vmem>>) offsets(%arg13 : memref<128xi32, #tpu.memory_space<vmem>>) semaphore(%arg20 : memref<!tpu.dma_semaphore, #tpu.memory_space<semaphore_mem>>)
        %dma_start3A_19 = arith.constant 0 : i32
        %dma_start3A_20 = arith.constant 0 : i32
        %dma_start3A_21 = tpu.memref_slice %arg4[%dma_start3A_19, %dma_start3A_20] : memref<10000x128xf32, #tpu.memory_space<hbm>> -> memref<10000x128xf32, #tpu.memory_space<hbm>>
        tpu.enqueue_indirect_dma source(%dma_start3A_21 : memref<10000x128xf32, #tpu.memory_space<hbm>>) target(%arg16 : memref<128x128xf32, #tpu.memory_space<vmem>>) offsets(%arg13 : memref<128xi32, #tpu.memory_space<vmem>>) semaphore(%arg20 : memref<!tpu.dma_semaphore, #tpu.memory_space<semaphore_mem>>)
        %dma_start3A_22 = arith.constant 0 : i32
        %dma_start3A_23 = arith.constant 0 : i32
        %dma_start3A_24 = tpu.memref_slice %arg5[%dma_start3A_22, %dma_start3A_23] : memref<10000x128xf32, #tpu.memory_space<hbm>> -> memref<10000x128xf32, #tpu.memory_space<hbm>>
        tpu.enqueue_indirect_dma source(%dma_start3A_24 : memref<10000x128xf32, #tpu.memory_space<hbm>>) target(%arg17 : memref<128x128xf32, #tpu.memory_space<vmem>>) offsets(%arg12 : memref<128xi32, #tpu.memory_space<vmem>>) semaphore(%arg20 : memref<!tpu.dma_semaphore, #tpu.memory_space<semaphore_mem>>)
        %dma_start3A_25 = arith.constant 0 : i32
        %dma_start3A_26 = arith.constant 0 : i32
        %dma_start3A_27 = tpu.memref_slice %arg5[%dma_start3A_25, %dma_start3A_26] : memref<10000x128xf32, #tpu.memory_space<hbm>> -> memref<10000x128xf32, #tpu.memory_space<hbm>>
        tpu.enqueue_indirect_dma source(%dma_start3A_27 : memref<10000x128xf32, #tpu.memory_space<hbm>>) target(%arg18 : memref<128x128xf32, #tpu.memory_space<vmem>>) offsets(%arg13 : memref<128xi32, #tpu.memory_space<vmem>>) semaphore(%arg20 : memref<!tpu.dma_semaphore, #tpu.memory_space<semaphore_mem>>)
        %dma_wait3A = arith.constant 0 : i32
        %dma_wait3A_28 = arith.constant 0 : i32
        %dma_wait3A_29 = tpu.memref_slice %arg2[%dma_wait3A, %dma_wait3A_28] : memref<10000x128xf32, #tpu.memory_space<hbm>> -> memref<10000x128xf32, #tpu.memory_space<hbm>>
        tpu.wait_indirect_dma semaphore(%arg20 : memref<!tpu.dma_semaphore, #tpu.memory_space<semaphore_mem>>) src(%dma_wait3A_29 : memref<10000x128xf32, #tpu.memory_space<hbm>>) dst(%arg14 : memref<128x128xf32, #tpu.memory_space<vmem>>)
        %dma_wait3A_30 = arith.constant 0 : i32
        %dma_wait3A_31 = arith.constant 0 : i32
        %dma_wait3A_32 = tpu.memref_slice %arg3[%dma_wait3A_30, %dma_wait3A_31] : memref<10000x128xf32, #tpu.memory_space<hbm>> -> memref<10000x128xf32, #tpu.memory_space<hbm>>
        tpu.wait_indirect_dma semaphore(%arg20 : memref<!tpu.dma_semaphore, #tpu.memory_space<semaphore_mem>>) src(%dma_wait3A_32 : memref<10000x128xf32, #tpu.memory_space<hbm>>) dst(%arg15 : memref<128x128xf32, #tpu.memory_space<vmem>>)
        %dma_wait3A_33 = arith.constant 0 : i32
        %dma_wait3A_34 = arith.constant 0 : i32
        %dma_wait3A_35 = tpu.memref_slice %arg4[%dma_wait3A_33, %dma_wait3A_34] : memref<10000x128xf32, #tpu.memory_space<hbm>> -> memref<10000x128xf32, #tpu.memory_space<hbm>>
        tpu.wait_indirect_dma semaphore(%arg20 : memref<!tpu.dma_semaphore, #tpu.memory_space<semaphore_mem>>) src(%dma_wait3A_35 : memref<10000x128xf32, #tpu.memory_space<hbm>>) dst(%arg16 : memref<128x128xf32, #tpu.memory_space<vmem>>)
        %dma_wait3A_36 = arith.constant 0 : i32
        %dma_wait3A_37 = arith.constant 0 : i32
        %dma_wait3A_38 = tpu.memref_slice %arg5[%dma_wait3A_36, %dma_wait3A_37] : memref<10000x128xf32, #tpu.memory_space<hbm>> -> memref<10000x128xf32, #tpu.memory_space<hbm>>
        tpu.wait_indirect_dma semaphore(%arg20 : memref<!tpu.dma_semaphore, #tpu.memory_space<semaphore_mem>>) src(%dma_wait3A_38 : memref<10000x128xf32, #tpu.memory_space<hbm>>) dst(%arg17 : memref<128x128xf32, #tpu.memory_space<vmem>>)
        %dma_wait3A_39 = arith.constant 0 : i32
        %dma_wait3A_40 = arith.constant 0 : i32
        %dma_wait3A_41 = tpu.memref_slice %arg5[%dma_wait3A_39, %dma_wait3A_40] : memref<10000x128xf32, #tpu.memory_space<hbm>> -> memref<10000x128xf32, #tpu.memory_space<hbm>>
        tpu.wait_indirect_dma semaphore(%arg20 : memref<!tpu.dma_semaphore, #tpu.memory_space<semaphore_mem>>) src(%dma_wait3A_41 : memref<10000x128xf32, #tpu.memory_space<hbm>>) dst(%arg18 : memref<128x128xf32, #tpu.memory_space<vmem>>)
        "tpu.region"() ({
          %run_scoped3A = tpu.sem_alloc : memref<!tpu.dma_semaphore, #tpu.memory_space<semaphore_mem>>
          %dma_start3A_2215 = arith.constant 0 : i32
          %dma_start3A_2216 = tpu.memref_slice %arg8[%mul3A_13, %dma_start3A_2215] : memref<320000x128xf32, #tpu.memory_space<hbm>> -> memref<128x128xf32, #tpu.memory_space<hbm>>
          %dma_start3A_2217 = arith.constant 0 : i32
          %dma_start3A_2218 = tpu.memref_slice %arg8[%mul3A_13, %dma_start3A_2217] : memref<320000x128xf32, #tpu.memory_space<hbm>> -> memref<128x128xf32, #tpu.memory_space<hbm>>
          tpu.enqueue_dma source(%arg14 : memref<128x128xf32, #tpu.memory_space<vmem>>) target(%dma_start3A_2218 : memref<128x128xf32, #tpu.memory_space<hbm>>) target_semaphore(%run_scoped3A : memref<!tpu.dma_semaphore, #tpu.memory_space<semaphore_mem>>)
          %dma_wait3A_2219 = arith.constant 0 : i32
          %dma_wait3A_2220 = tpu.memref_slice %arg8[%mul3A_13, %dma_wait3A_2219] : memref<320000x128xf32, #tpu.memory_space<hbm>> -> memref<128x128xf32, #tpu.memory_space<hbm>>
          %dma_wait3A_2221 = arith.constant 0 : i32
          %dma_wait3A_2222 = tpu.memref_slice %arg8[%mul3A_13, %dma_wait3A_2221] : memref<320000x128xf32, #tpu.memory_space<hbm>> -> memref<128x128xf32, #tpu.memory_space<hbm>>
          tpu.wait_dma2 semaphore(%run_scoped3A : memref<!tpu.dma_semaphore, #tpu.memory_space<semaphore_mem>>) src(%arg14 : memref<128x128xf32, #tpu.memory_space<vmem>>) dst(%dma_wait3A_2222 : memref<128x128xf32, #tpu.memory_space<hbm>>)
          tpu.yield
        }) : () -> ()
        "tpu.region"() ({
          %run_scoped3A = tpu.sem_alloc : memref<!tpu.dma_semaphore, #tpu.memory_space<semaphore_mem>>
          %dma_start3A_2215 = arith.constant 0 : i32
          %dma_start3A_2216 = tpu.memref_slice %arg9[%mul3A_13, %dma_start3A_2215] : memref<320000x128xf32, #tpu.memory_space<hbm>> -> memref<128x128xf32, #tpu.memory_space<hbm>>
          %dma_start3A_2217 = arith.constant 0 : i32
          %dma_start3A_2218 = tpu.memref_slice %arg9[%mul3A_13, %dma_start3A_2217] : memref<320000x128xf32, #tpu.memory_space<hbm>> -> memref<128x128xf32, #tpu.memory_space<hbm>>
          tpu.enqueue_dma source(%arg15 : memref<128x128xf32, #tpu.memory_space<vmem>>) target(%dma_start3A_2218 : memref<128x128xf32, #tpu.memory_space<hbm>>) target_semaphore(%run_scoped3A : memref<!tpu.dma_semaphore, #tpu.memory_space<semaphore_mem>>)
          %dma_wait3A_2219 = arith.constant 0 : i32
          %dma_wait3A_2220 = tpu.memref_slice %arg9[%mul3A_13, %dma_wait3A_2219] : memref<320000x128xf32, #tpu.memory_space<hbm>> -> memref<128x128xf32, #tpu.memory_space<hbm>>
          %dma_wait3A_2221 = arith.constant 0 : i32
          %dma_wait3A_2222 = tpu.memref_slice %arg9[%mul3A_13, %dma_wait3A_2221] : memref<320000x128xf32, #tpu.memory_space<hbm>> -> memref<128x128xf32, #tpu.memory_space<hbm>>
          tpu.wait_dma2 semaphore(%run_scoped3A : memref<!tpu.dma_semaphore, #tpu.memory_space<semaphore_mem>>) src(%arg15 : memref<128x128xf32, #tpu.memory_space<vmem>>) dst(%dma_wait3A_2222 : memref<128x128xf32, #tpu.memory_space<hbm>>)
          tpu.yield
        }) : () -> ()
        "tpu.region"() ({
          %run_scoped3A = tpu.sem_alloc : memref<!tpu.dma_semaphore, #tpu.memory_space<semaphore_mem>>
          %dma_start3A_2215 = arith.constant 0 : i32
          %dma_start3A_2216 = tpu.memref_slice %arg10[%mul3A_13, %dma_start3A_2215] : memref<320000x128xf32, #tpu.memory_space<hbm>> -> memref<128x128xf32, #tpu.memory_space<hbm>>
          %dma_start3A_2217 = arith.constant 0 : i32
          %dma_start3A_2218 = tpu.memref_slice %arg10[%mul3A_13, %dma_start3A_2217] : memref<320000x128xf32, #tpu.memory_space<hbm>> -> memref<128x128xf32, #tpu.memory_space<hbm>>
          tpu.enqueue_dma source(%arg16 : memref<128x128xf32, #tpu.memory_space<vmem>>) target(%dma_start3A_2218 : memref<128x128xf32, #tpu.memory_space<hbm>>) target_semaphore(%run_scoped3A : memref<!tpu.dma_semaphore, #tpu.memory_space<semaphore_mem>>)
          %dma_wait3A_2219 = arith.constant 0 : i32
          %dma_wait3A_2220 = tpu.memref_slice %arg10[%mul3A_13, %dma_wait3A_2219] : memref<320000x128xf32, #tpu.memory_space<hbm>> -> memref<128x128xf32, #tpu.memory_space<hbm>>
          %dma_wait3A_2221 = arith.constant 0 : i32
          %dma_wait3A_2222 = tpu.memref_slice %arg10[%mul3A_13, %dma_wait3A_2221] : memref<320000x128xf32, #tpu.memory_space<hbm>> -> memref<128x128xf32, #tpu.memory_space<hbm>>
          tpu.wait_dma2 semaphore(%run_scoped3A : memref<!tpu.dma_semaphore, #tpu.memory_space<semaphore_mem>>) src(%arg16 : memref<128x128xf32, #tpu.memory_space<vmem>>) dst(%dma_wait3A_2222 : memref<128x128xf32, #tpu.memory_space<hbm>>)
          tpu.yield
        }) : () -> ()
        %get3A = arith.constant 0 : i32
        %get3A_42 = arith.index_cast %get3A : i32 to index
        %get3A_43 = arith.constant 0 : index
        %get3A_44 = tpu.vector_load %arg18[%get3A_42, %get3A_43] {strides = array<i32>} : memref<128x128xf32, #tpu.memory_space<vmem>>, vector<1x16xf32>,
        %get3A_45 = vector.shape_cast %get3A_44 : vector<1x16xf32> to vector<16xf32>
        %get3A_46 = arith.constant 0 : i32
        %get3A_47 = arith.index_cast %get3A_46 : i32 to index
        %get3A_48 = arith.constant 0 : index
        %get3A_49 = tpu.vector_load %arg17[%get3A_47, %get3A_48] {strides = array<i32>} : memref<128x128xf32, #tpu.memory_space<vmem>>, vector<1x16xf32>,
        %get3A_50 = vector.shape_cast %get3A_49 : vector<1x16xf32> to vector<16xf32>
        %sub3A = arith.subf %get3A_45, %get3A_50 : vector<16xf32>
        %swap3A = arith.constant 0 : i32
        %swap3A_51 = arith.index_cast %swap3A : i32 to index
        %swap3A_52 = arith.constant 0 : index
        %swap3A_53 = tpu.vector_load %arg19[%swap3A_51, %swap3A_52] {strides = array<i32>} : memref<128x16xf32, #tpu.memory_space<vmem>>, vector<1x16xf32>,
        %swap3A_54 = vector.shape_cast %swap3A_53 : vector<1x16xf32> to vector<16xf32>
        %swap3A_55 = vector.shape_cast %sub3A : vector<16xf32> to vector<1x16xf32>
        tpu.vector_store %arg19[%swap3A_51, %swap3A_52], %swap3A_55 {strides = array<i32>} : memref<128x16xf32, #tpu.memory_space<vmem>>, vector<1x16xf32>,
        %get3A_56 = arith.constant 1 : i32
        %get3A_57 = arith.index_cast %get3A_56 : i32 to index
        %get3A_58 = arith.constant 0 : index
        %get3A_59 = tpu.vector_load %arg18[%get3A_57, %get3A_58] {strides = array<i32>} : memref<128x128xf32, #tpu.memory_space<vmem>>, vector<1x16xf32>,
        %get3A_60 = vector.shape_cast %get3A_59 : vector<1x16xf32> to vector<16xf32>
        %get3A_61 = arith.constant 1 : i32
        %get3A_62 = arith.index_cast %get3A_61 : i32 to index
        %get3A_63 = arith.constant 0 : index
        %get3A_64 = tpu.vector_load %arg17[%get3A_62, %get3A_63] {strides = array<i32>} : memref<128x128xf32, #tpu.memory_space<vmem>>, vector<1x16xf32>,
        %get3A_65 = vector.shape_cast %get3A_64 : vector<1x16xf32> to vector<16xf32>
        %sub3A_66 = arith.subf %get3A_60, %get3A_65 : vector<16xf32>
        %swap3A_67 = arith.constant 1 : i32
        %swap3A_68 = arith.index_cast %swap3A_67 : i32 to index
        %swap3A_69 = arith.constant 0 : index
        %swap3A_70 = tpu.vector_load %arg19[%swap3A_68, %swap3A_69] {strides = array<i32>} : memref<128x16xf32, #tpu.memory_space<vmem>>, vector<1x16xf32>,
        %swap3A_71 = vector.shape_cast %swap3A_70 : vector<1x16xf32> to vector<16xf32>
        %swap3A_72 = vector.shape_cast %sub3A_66 : vector<16xf32> to vector<1x16xf32>
        tpu.vector_store %arg19[%swap3A_68, %swap3A_69], %swap3A_72 {strides = array<i32>} : memref<128x16xf32, #tpu.memory_space<vmem>>, vector<1x16xf32>,
        %get3A_73 = arith.constant 2 : i32
        %get3A_74 = arith.index_cast %get3A_73 : i32 to index
        %get3A_75 = arith.constant 0 : index
        %get3A_76 = tpu.vector_load %arg18[%get3A_74, %get3A_75] {strides = array<i32>} : memref<128x128xf32, #tpu.memory_space<vmem>>, vector<1x16xf32>,
        %get3A_77 = vector.shape_cast %get3A_76 : vector<1x16xf32> to vector<16xf32>
        %get3A_78 = arith.constant 2 : i32
        %get3A_79 = arith.index_cast %get3A_78 : i32 to index
        %get3A_80 = arith.constant 0 : index
        %get3A_81 = tpu.vector_load %arg17[%get3A_79, %get3A_80] {strides = array<i32>} : memref<128x128xf32, #tpu.memory_space<vmem>>, vector<1x16xf32>,
        %get3A_82 = vector.shape_cast %get3A_81 : vector<1x16xf32> to vector<16xf32>
        %sub3A_83 = arith.subf %get3A_77, %get3A_82 : vector<16xf32>
        %swap3A_84 = arith.constant 2 : i32
        %swap3A_85 = arith.index_cast %swap3A_84 : i32 to index
        %swap3A_86 = arith.constant 0 : index
        %swap3A_87 = tpu.vector_load %arg19[%swap3A_85, %swap3A_86] {strides = array<i32>} : memref<128x16xf32, #tpu.memory_space<vmem>>, vector<1x16xf32>,
        %swap3A_88 = vector.shape_cast %swap3A_87 : vector<1x16xf32> to vector<16xf32>
        %swap3A_89 = vector.shape_cast %sub3A_83 : vector<16xf32> to vector<1x16xf32>
        tpu.vector_store %arg19[%swap3A_85, %swap3A_86], %swap3A_89 {strides = array<i32>} : memref<128x16xf32, #tpu.memory_space<vmem>>, vector<1x16xf32>,
        %get3A_90 = arith.constant 3 : i32
        %get3A_91 = arith.index_cast %get3A_90 : i32 to index
        %get3A_92 = arith.constant 0 : index
        %get3A_93 = tpu.vector_load %arg18[%get3A_91, %get3A_92] {strides = array<i32>} : memref<128x128xf32, #tpu.memory_space<vmem>>, vector<1x16xf32>,
        %get3A_94 = vector.shape_cast %get3A_93 : vector<1x16xf32> to vector<16xf32>
        %get3A_95 = arith.constant 3 : i32
        %get3A_96 = arith.index_cast %get3A_95 : i32 to index
        %get3A_97 = arith.constant 0 : index
        %get3A_98 = tpu.vector_load %arg17[%get3A_96, %get3A_97] {strides = array<i32>} : memref<128x128xf32, #tpu.memory_space<vmem>>, vector<1x16xf32>,
        %get3A_99 = vector.shape_cast %get3A_98 : vector<1x16xf32> to vector<16xf32>
        %sub3A_100 = arith.subf %get3A_94, %get3A_99 : vector<16xf32>
        %swap3A_101 = arith.constant 3 : i32
        %swap3A_102 = arith.index_cast %swap3A_101 : i32 to index
        %swap3A_103 = arith.constant 0 : index
        %swap3A_104 = tpu.vector_load %arg19[%swap3A_102, %swap3A_103] {strides = array<i32>} : memref<128x16xf32, #tpu.memory_space<vmem>>, vector<1x16xf32>,
        %swap3A_105 = vector.shape_cast %swap3A_104 : vector<1x16xf32> to vector<16xf32>
        %swap3A_106 = vector.shape_cast %sub3A_100 : vector<16xf32> to vector<1x16xf32>
        tpu.vector_store %arg19[%swap3A_102, %swap3A_103], %swap3A_106 {strides = array<i32>} : memref<128x16xf32, #tpu.memory_space<vmem>>, vector<1x16xf32>,
        %get3A_107 = arith.constant 4 : i32
        %get3A_108 = arith.index_cast %get3A_107 : i32 to index
        %get3A_109 = arith.constant 0 : index
        %get3A_110 = tpu.vector_load %arg18[%get3A_108, %get3A_109] {strides = array<i32>} : memref<128x128xf32, #tpu.memory_space<vmem>>, vector<1x16xf32>,
        %get3A_111 = vector.shape_cast %get3A_110 : vector<1x16xf32> to vector<16xf32>
        %get3A_112 = arith.constant 4 : i32
        %get3A_113 = arith.index_cast %get3A_112 : i32 to index
        %get3A_114 = arith.constant 0 : index
        %get3A_115 = tpu.vector_load %arg17[%get3A_113, %get3A_114] {strides = array<i32>} : memref<128x128xf32, #tpu.memory_space<vmem>>, vector<1x16xf32>,
        %get3A_116 = vector.shape_cast %get3A_115 : vector<1x16xf32> to vector<16xf32>
        %sub3A_117 = arith.subf %get3A_111, %get3A_116 : vector<16xf32>
        %swap3A_118 = arith.constant 4 : i32
        %swap3A_119 = arith.index_cast %swap3A_118 : i32 to index
        %swap3A_120 = arith.constant 0 : index
        %swap3A_121 = tpu.vector_load %arg19[%swap3A_119, %swap3A_120] {strides = array<i32>} : memref<128x16xf32, #tpu.memory_space<vmem>>, vector<1x16xf32>,
        %swap3A_122 = vector.shape_cast %swap3A_121 : vector<1x16xf32> to vector<16xf32>
        %swap3A_123 = vector.shape_cast %sub3A_117 : vector<16xf32> to vector<1x16xf32>
        tpu.vector_store %arg19[%swap3A_119, %swap3A_120], %swap3A_123 {strides = array<i32>} : memref<128x16xf32, #tpu.memory_space<vmem>>, vector<1x16xf32>,
        %get3A_124 = arith.constant 5 : i32
        %get3A_125 = arith.index_cast %get3A_124 : i32 to index
        %get3A_126 = arith.constant 0 : index
        %get3A_127 = tpu.vector_load %arg18[%get3A_125, %get3A_126] {strides = array<i32>} : memref<128x128xf32, #tpu.memory_space<vmem>>, vector<1x16xf32>,
        %get3A_128 = vector.shape_cast %get3A_127 : vector<1x16xf32> to vector<16xf32>
        %get3A_129 = arith.constant 5 : i32
        %get3A_130 = arith.index_cast %get3A_129 : i32 to index
        %get3A_131 = arith.constant 0 : index
        %get3A_132 = tpu.vector_load %arg17[%get3A_130, %get3A_131] {strides = array<i32>} : memref<128x128xf32, #tpu.memory_space<vmem>>, vector<1x16xf32>,
        %get3A_133 = vector.shape_cast %get3A_132 : vector<1x16xf32> to vector<16xf32>
        %sub3A_134 = arith.subf %get3A_128, %get3A_133 : vector<16xf32>
        %swap3A_135 = arith.constant 5 : i32
        %swap3A_136 = arith.index_cast %swap3A_135 : i32 to index
        %swap3A_137 = arith.constant 0 : index
        %swap3A_138 = tpu.vector_load %arg19[%swap3A_136, %swap3A_137] {strides = array<i32>} : memref<128x16xf32, #tpu.memory_space<vmem>>, vector<1x16xf32>,
        %swap3A_139 = vector.shape_cast %swap3A_138 : vector<1x16xf32> to vector<16xf32>
        %swap3A_140 = vector.shape_cast %sub3A_134 : vector<16xf32> to vector<1x16xf32>
        tpu.vector_store %arg19[%swap3A_136, %swap3A_137], %swap3A_140 {strides = array<i32>} : memref<128x16xf32, #tpu.memory_space<vmem>>, vector<1x16xf32>,
        %get3A_141 = arith.constant 6 : i32
        %get3A_142 = arith.index_cast %get3A_141 : i32 to index
        %get3A_143 = arith.constant 0 : index
        %get3A_144 = tpu.vector_load %arg18[%get3A_142, %get3A_143] {strides = array<i32>} : memref<128x128xf32, #tpu.memory_space<vmem>>, vector<1x16xf32>,
        %get3A_145 = vector.shape_cast %get3A_144 : vector<1x16xf32> to vector<16xf32>
        %get3A_146 = arith.constant 6 : i32
        %get3A_147 = arith.index_cast %get3A_146 : i32 to index
        %get3A_148 = arith.constant 0 : index
        %get3A_149 = tpu.vector_load %arg17[%get3A_147, %get3A_148] {strides = array<i32>} : memref<128x128xf32, #tpu.memory_space<vmem>>, vector<1x16xf32>,
        %get3A_150 = vector.shape_cast %get3A_149 : vector<1x16xf32> to vector<16xf32>
        %sub3A_151 = arith.subf %get3A_145, %get3A_150 : vector<16xf32>
        %swap3A_152 = arith.constant 6 : i32
        %swap3A_153 = arith.index_cast %swap3A_152 : i32 to index
        %swap3A_154 = arith.constant 0 : index
        %swap3A_155 = tpu.vector_load %arg19[%swap3A_153, %swap3A_154] {strides = array<i32>} : memref<128x16xf32, #tpu.memory_space<vmem>>, vector<1x16xf32>,
        %swap3A_156 = vector.shape_cast %swap3A_155 : vector<1x16xf32> to vector<16xf32>
        %swap3A_157 = vector.shape_cast %sub3A_151 : vector<16xf32> to vector<1x16xf32>
        tpu.vector_store %arg19[%swap3A_153, %swap3A_154], %swap3A_157 {strides = array<i32>} : memref<128x16xf32, #tpu.memory_space<vmem>>, vector<1x16xf32>,
        %get3A_158 = arith.constant 7 : i32
        %get3A_159 = arith.index_cast %get3A_158 : i32 to index
        %get3A_160 = arith.constant 0 : index
        %get3A_161 = tpu.vector_load %arg18[%get3A_159, %get3A_160] {strides = array<i32>} : memref<128x128xf32, #tpu.memory_space<vmem>>, vector<1x16xf32>,
        %get3A_162 = vector.shape_cast %get3A_161 : vector<1x16xf32> to vector<16xf32>
        %get3A_163 = arith.constant 7 : i32
        %get3A_164 = arith.index_cast %get3A_163 : i32 to index
        %get3A_165 = arith.constant 0 : index
        %get3A_166 = tpu.vector_load %arg17[%get3A_164, %get3A_165] {strides = array<i32>} : memref<128x128xf32, #tpu.memory_space<vmem>>, vector<1x16xf32>,
        %get3A_167 = vector.shape_cast %get3A_166 : vector<1x16xf32> to vector<16xf32>
        %sub3A_168 = arith.subf %get3A_162, %get3A_167 : vector<16xf32>
        %swap3A_169 = arith.constant 7 : i32
        %swap3A_170 = arith.index_cast %swap3A_169 : i32 to index
        %swap3A_171 = arith.constant 0 : index
        %swap3A_172 = tpu.vector_load %arg19[%swap3A_170, %swap3A_171] {strides = array<i32>} : memref<128x16xf32, #tpu.memory_space<vmem>>, vector<1x16xf32>,
        %swap3A_173 = vector.shape_cast %swap3A_172 : vector<1x16xf32> to vector<16xf32>
        %swap3A_174 = vector.shape_cast %sub3A_168 : vector<16xf32> to vector<1x16xf32>
        tpu.vector_store %arg19[%swap3A_170, %swap3A_171], %swap3A_174 {strides = array<i32>} : memref<128x16xf32, #tpu.memory_space<vmem>>, vector<1x16xf32>,
        %get3A_175 = arith.constant 8 : i32
        %get3A_176 = arith.index_cast %get3A_175 : i32 to index
        %get3A_177 = arith.constant 0 : index
        %get3A_178 = tpu.vector_load %arg18[%get3A_176, %get3A_177] {strides = array<i32>} : memref<128x128xf32, #tpu.memory_space<vmem>>, vector<1x16xf32>,
        %get3A_179 = vector.shape_cast %get3A_178 : vector<1x16xf32> to vector<16xf32>
        %get3A_180 = arith.constant 8 : i32
        %get3A_181 = arith.index_cast %get3A_180 : i32 to index
        %get3A_182 = arith.constant 0 : index
        %get3A_183 = tpu.vector_load %arg17[%get3A_181, %get3A_182] {strides = array<i32>} : memref<128x128xf32, #tpu.memory_space<vmem>>, vector<1x16xf32>,
        %get3A_184 = vector.shape_cast %get3A_183 : vector<1x16xf32> to vector<16xf32>
        %sub3A_185 = arith.subf %get3A_179, %get3A_184 : vector<16xf32>
        %swap3A_186 = arith.constant 8 : i32
        %swap3A_187 = arith.index_cast %swap3A_186 : i32 to index
        %swap3A_188 = arith.constant 0 : index
        %swap3A_189 = tpu.vector_load %arg19[%swap3A_187, %swap3A_188] {strides = array<i32>} : memref<128x16xf32, #tpu.memory_space<vmem>>, vector<1x16xf32>,
        %swap3A_190 = vector.shape_cast %swap3A_189 : vector<1x16xf32> to vector<16xf32>
        %swap3A_191 = vector.shape_cast %sub3A_185 : vector<16xf32> to vector<1x16xf32>
        tpu.vector_store %arg19[%swap3A_187, %swap3A_188], %swap3A_191 {strides = array<i32>} : memref<128x16xf32, #tpu.memory_space<vmem>>, vector<1x16xf32>,
        %get3A_192 = arith.constant 9 : i32
        %get3A_193 = arith.index_cast %get3A_192 : i32 to index
        %get3A_194 = arith.constant 0 : index
        %get3A_195 = tpu.vector_load %arg18[%get3A_193, %get3A_194] {strides = array<i32>} : memref<128x128xf32, #tpu.memory_space<vmem>>, vector<1x16xf32>,
        %get3A_196 = vector.shape_cast %get3A_195 : vector<1x16xf32> to vector<16xf32>
        %get3A_197 = arith.constant 9 : i32
        %get3A_198 = arith.index_cast %get3A_197 : i32 to index
        %get3A_199 = arith.constant 0 : index
        %get3A_200 = tpu.vector_load %arg17[%get3A_198, %get3A_199] {strides = array<i32>} : memref<128x128xf32, #tpu.memory_space<vmem>>, vector<1x16xf32>,
        %get3A_201 = vector.shape_cast %get3A_200 : vector<1x16xf32> to vector<16xf32>
        %sub3A_202 = arith.subf %get3A_196, %get3A_201 : vector<16xf32>
        %swap3A_203 = arith.constant 9 : i32
        %swap3A_204 = arith.index_cast %swap3A_203 : i32 to index
        %swap3A_205 = arith.constant 0 : index
        %swap3A_206 = tpu.vector_load %arg19[%swap3A_204, %swap3A_205] {strides = array<i32>} : memref<128x16xf32, #tpu.memory_space<vmem>>, vector<1x16xf32>,
        %swap3A_207 = vector.shape_cast %swap3A_206 : vector<1x16xf32> to vector<16xf32>
        %swap3A_208 = vector.shape_cast %sub3A_202 : vector<16xf32> to vector<1x16xf32>
        tpu.vector_store %arg19[%swap3A_204, %swap3A_205], %swap3A_208 {strides = array<i32>} : memref<128x16xf32, #tpu.memory_space<vmem>>, vector<1x16xf32>,
        %get3A_209 = arith.constant 10 : i32
        %get3A_210 = arith.index_cast %get3A_209 : i32 to index
        %get3A_211 = arith.constant 0 : index
        %get3A_212 = tpu.vector_load %arg18[%get3A_210, %get3A_211] {strides = array<i32>} : memref<128x128xf32, #tpu.memory_space<vmem>>, vector<1x16xf32>,
        %get3A_213 = vector.shape_cast %get3A_212 : vector<1x16xf32> to vector<16xf32>
        %get3A_214 = arith.constant 10 : i32
        %get3A_215 = arith.index_cast %get3A_214 : i32 to index
        %get3A_216 = arith.constant 0 : index
        %get3A_217 = tpu.vector_load %arg17[%get3A_215, %get3A_216] {strides = array<i32>} : memref<128x128xf32, #tpu.memory_space<vmem>>, vector<1x16xf32>,
        %get3A_218 = vector.shape_cast %get3A_217 : vector<1x16xf32> to vector<16xf32>
        %sub3A_219 = arith.subf %get3A_213, %get3A_218 : vector<16xf32>
        %swap3A_220 = arith.constant 10 : i32
        %swap3A_221 = arith.index_cast %swap3A_220 : i32 to index
        %swap3A_222 = arith.constant 0 : index
        %swap3A_223 = tpu.vector_load %arg19[%swap3A_221, %swap3A_222] {strides = array<i32>} : memref<128x16xf32, #tpu.memory_space<vmem>>, vector<1x16xf32>,
        %swap3A_224 = vector.shape_cast %swap3A_223 : vector<1x16xf32> to vector<16xf32>
        %swap3A_225 = vector.shape_cast %sub3A_219 : vector<16xf32> to vector<1x16xf32>
        tpu.vector_store %arg19[%swap3A_221, %swap3A_222], %swap3A_225 {strides = array<i32>} : memref<128x16xf32, #tpu.memory_space<vmem>>, vector<1x16xf32>,
        %get3A_226 = arith.constant 11 : i32
        %get3A_227 = arith.index_cast %get3A_226 : i32 to index
        %get3A_228 = arith.constant 0 : index
        %get3A_229 = tpu.vector_load %arg18[%get3A_227, %get3A_228] {strides = array<i32>} : memref<128x128xf32, #tpu.memory_space<vmem>>, vector<1x16xf32>,
        %get3A_230 = vector.shape_cast %get3A_229 : vector<1x16xf32> to vector<16xf32>
        %get3A_231 = arith.constant 11 : i32
        %get3A_232 = arith.index_cast %get3A_231 : i32 to index
        %get3A_233 = arith.constant 0 : index
        %get3A_234 = tpu.vector_load %arg17[%get3A_232, %get3A_233] {strides = array<i32>} : memref<128x128xf32, #tpu.memory_space<vmem>>, vector<1x16xf32>,
        %get3A_235 = vector.shape_cast %get3A_234 : vector<1x16xf32> to vector<16xf32>
        %sub3A_236 = arith.subf %get3A_230, %get3A_235 : vector<16xf32>
        %swap3A_237 = arith.constant 11 : i32
        %swap3A_238 = arith.index_cast %swap3A_237 : i32 to index
        %swap3A_239 = arith.constant 0 : index
        %swap3A_240 = tpu.vector_load %arg19[%swap3A_238, %swap3A_239] {strides = array<i32>} : memref<128x16xf32, #tpu.memory_space<vmem>>, vector<1x16xf32>,
        %swap3A_241 = vector.shape_cast %swap3A_240 : vector<1x16xf32> to vector<16xf32>
        %swap3A_242 = vector.shape_cast %sub3A_236 : vector<16xf32> to vector<1x16xf32>
        tpu.vector_store %arg19[%swap3A_238, %swap3A_239], %swap3A_242 {strides = array<i32>} : memref<128x16xf32, #tpu.memory_space<vmem>>, vector<1x16xf32>,
        %get3A_243 = arith.constant 12 : i32
        %get3A_244 = arith.index_cast %get3A_243 : i32 to index
        %get3A_245 = arith.constant 0 : index
        %get3A_246 = tpu.vector_load %arg18[%get3A_244, %get3A_245] {strides = array<i32>} : memref<128x128xf32, #tpu.memory_space<vmem>>, vector<1x16xf32>,
        %get3A_247 = vector.shape_cast %get3A_246 : vector<1x16xf32> to vector<16xf32>
        %get3A_248 = arith.constant 12 : i32
        %get3A_249 = arith.index_cast %get3A_248 : i32 to index
        %get3A_250 = arith.constant 0 : index
        %get3A_251 = tpu.vector_load %arg17[%get3A_249, %get3A_250] {strides = array<i32>} : memref<128x128xf32, #tpu.memory_space<vmem>>, vector<1x16xf32>,
        %get3A_252 = vector.shape_cast %get3A_251 : vector<1x16xf32> to vector<16xf32>
        %sub3A_253 = arith.subf %get3A_247, %get3A_252 : vector<16xf32>
        %swap3A_254 = arith.constant 12 : i32
        %swap3A_255 = arith.index_cast %swap3A_254 : i32 to index
        %swap3A_256 = arith.constant 0 : index
        %swap3A_257 = tpu.vector_load %arg19[%swap3A_255, %swap3A_256] {strides = array<i32>} : memref<128x16xf32, #tpu.memory_space<vmem>>, vector<1x16xf32>,
        %swap3A_258 = vector.shape_cast %swap3A_257 : vector<1x16xf32> to vector<16xf32>
        %swap3A_259 = vector.shape_cast %sub3A_253 : vector<16xf32> to vector<1x16xf32>
        tpu.vector_store %arg19[%swap3A_255, %swap3A_256], %swap3A_259 {strides = array<i32>} : memref<128x16xf32, #tpu.memory_space<vmem>>, vector<1x16xf32>,
        %get3A_260 = arith.constant 13 : i32
        %get3A_261 = arith.index_cast %get3A_260 : i32 to index
        %get3A_262 = arith.constant 0 : index
        %get3A_263 = tpu.vector_load %arg18[%get3A_261, %get3A_262] {strides = array<i32>} : memref<128x128xf32, #tpu.memory_space<vmem>>, vector<1x16xf32>,
        %get3A_264 = vector.shape_cast %get3A_263 : vector<1x16xf32> to vector<16xf32>
        %get3A_265 = arith.constant 13 : i32
        %get3A_266 = arith.index_cast %get3A_265 : i32 to index
        %get3A_267 = arith.constant 0 : index
        %get3A_268 = tpu.vector_load %arg17[%get3A_266, %get3A_267] {strides = array<i32>} : memref<128x128xf32, #tpu.memory_space<vmem>>, vector<1x16xf32>,
        %get3A_269 = vector.shape_cast %get3A_268 : vector<1x16xf32> to vector<16xf32>
        %sub3A_270 = arith.subf %get3A_264, %get3A_269 : vector<16xf32>
        %swap3A_271 = arith.constant 13 : i32
        %swap3A_272 = arith.index_cast %swap3A_271 : i32 to index
        %swap3A_273 = arith.constant 0 : index
        %swap3A_274 = tpu.vector_load %arg19[%swap3A_272, %swap3A_273] {strides = array<i32>} : memref<128x16xf32, #tpu.memory_space<vmem>>, vector<1x16xf32>,
        %swap3A_275 = vector.shape_cast %swap3A_274 : vector<1x16xf32> to vector<16xf32>
        %swap3A_276 = vector.shape_cast %sub3A_270 : vector<16xf32> to vector<1x16xf32>
        tpu.vector_store %arg19[%swap3A_272, %swap3A_273], %swap3A_276 {strides = array<i32>} : memref<128x16xf32, #tpu.memory_space<vmem>>, vector<1x16xf32>,
        %get3A_277 = arith.constant 14 : i32
        %get3A_278 = arith.index_cast %get3A_277 : i32 to index
        %get3A_279 = arith.constant 0 : index
        %get3A_280 = tpu.vector_load %arg18[%get3A_278, %get3A_279] {strides = array<i32>} : memref<128x128xf32, #tpu.memory_space<vmem>>, vector<1x16xf32>,
        %get3A_281 = vector.shape_cast %get3A_280 : vector<1x16xf32> to vector<16xf32>
        %get3A_282 = arith.constant 14 : i32
        %get3A_283 = arith.index_cast %get3A_282 : i32 to index
        %get3A_284 = arith.constant 0 : index
        %get3A_285 = tpu.vector_load %arg17[%get3A_283, %get3A_284] {strides = array<i32>} : memref<128x128xf32, #tpu.memory_space<vmem>>, vector<1x16xf32>,
        %get3A_286 = vector.shape_cast %get3A_285 : vector<1x16xf32> to vector<16xf32>
        %sub3A_287 = arith.subf %get3A_281, %get3A_286 : vector<16xf32>
        %swap3A_288 = arith.constant 14 : i32
        %swap3A_289 = arith.index_cast %swap3A_288 : i32 to index
        %swap3A_290 = arith.constant 0 : index
        %swap3A_291 = tpu.vector_load %arg19[%swap3A_289, %swap3A_290] {strides = array<i32>} : memref<128x16xf32, #tpu.memory_space<vmem>>, vector<1x16xf32>,
        %swap3A_292 = vector.shape_cast %swap3A_291 : vector<1x16xf32> to vector<16xf32>
        %swap3A_293 = vector.shape_cast %sub3A_287 : vector<16xf32> to vector<1x16xf32>
        tpu.vector_store %arg19[%swap3A_289, %swap3A_290], %swap3A_293 {strides = array<i32>} : memref<128x16xf32, #tpu.memory_space<vmem>>, vector<1x16xf32>,
        %get3A_294 = arith.constant 15 : i32
        %get3A_295 = arith.index_cast %get3A_294 : i32 to index
        %get3A_296 = arith.constant 0 : index
        %get3A_297 = tpu.vector_load %arg18[%get3A_295, %get3A_296] {strides = array<i32>} : memref<128x128xf32, #tpu.memory_space<vmem>>, vector<1x16xf32>,
        %get3A_298 = vector.shape_cast %get3A_297 : vector<1x16xf32> to vector<16xf32>
        %get3A_299 = arith.constant 15 : i32
        %get3A_300 = arith.index_cast %get3A_299 : i32 to index
        %get3A_301 = arith.constant 0 : index
        %get3A_302 = tpu.vector_load %arg17[%get3A_300, %get3A_301] {strides = array<i32>} : memref<128x128xf32, #tpu.memory_space<vmem>>, vector<1x16xf32>,
        %get3A_303 = vector.shape_cast %get3A_302 : vector<1x16xf32> to vector<16xf32>
        %sub3A_304 = arith.subf %get3A_298, %get3A_303 : vector<16xf32>
        %swap3A_305 = arith.constant 15 : i32
        %swap3A_306 = arith.index_cast %swap3A_305 : i32 to index
        %swap3A_307 = arith.constant 0 : index
        %swap3A_308 = tpu.vector_load %arg19[%swap3A_306, %swap3A_307] {strides = array<i32>} : memref<128x16xf32, #tpu.memory_space<vmem>>, vector<1x16xf32>,
        %swap3A_309 = vector.shape_cast %swap3A_308 : vector<1x16xf32> to vector<16xf32>
        %swap3A_310 = vector.shape_cast %sub3A_304 : vector<16xf32> to vector<1x16xf32>
        tpu.vector_store %arg19[%swap3A_306, %swap3A_307], %swap3A_310 {strides = array<i32>} : memref<128x16xf32, #tpu.memory_space<vmem>>, vector<1x16xf32>,
        %get3A_311 = arith.constant 16 : i32
        %get3A_312 = arith.index_cast %get3A_311 : i32 to index
        %get3A_313 = arith.constant 0 : index
        %get3A_314 = tpu.vector_load %arg18[%get3A_312, %get3A_313] {strides = array<i32>} : memref<128x128xf32, #tpu.memory_space<vmem>>, vector<1x16xf32>,
        %get3A_315 = vector.shape_cast %get3A_314 : vector<1x16xf32> to vector<16xf32>
        %get3A_316 = arith.constant 16 : i32
        %get3A_317 = arith.index_cast %get3A_316 : i32 to index
        %get3A_318 = arith.constant 0 : index
        %get3A_319 = tpu.vector_load %arg17[%get3A_317, %get3A_318] {strides = array<i32>} : memref<128x128xf32, #tpu.memory_space<vmem>>, vector<1x16xf32>,
        %get3A_320 = vector.shape_cast %get3A_319 : vector<1x16xf32> to vector<16xf32>
        %sub3A_321 = arith.subf %get3A_315, %get3A_320 : vector<16xf32>
        %swap3A_322 = arith.constant 16 : i32
        %swap3A_323 = arith.index_cast %swap3A_322 : i32 to index
        %swap3A_324 = arith.constant 0 : index
        %swap3A_325 = tpu.vector_load %arg19[%swap3A_323, %swap3A_324] {strides = array<i32>} : memref<128x16xf32, #tpu.memory_space<vmem>>, vector<1x16xf32>,
        %swap3A_326 = vector.shape_cast %swap3A_325 : vector<1x16xf32> to vector<16xf32>
        %swap3A_327 = vector.shape_cast %sub3A_321 : vector<16xf32> to vector<1x16xf32>
        tpu.vector_store %arg19[%swap3A_323, %swap3A_324], %swap3A_327 {strides = array<i32>} : memref<128x16xf32, #tpu.memory_space<vmem>>, vector<1x16xf32>,
        %get3A_328 = arith.constant 17 : i32
        %get3A_329 = arith.index_cast %get3A_328 : i32 to index
        %get3A_330 = arith.constant 0 : index
        %get3A_331 = tpu.vector_load %arg18[%get3A_329, %get3A_330] {strides = array<i32>} : memref<128x128xf32, #tpu.memory_space<vmem>>, vector<1x16xf32>,
        %get3A_332 = vector.shape_cast %get3A_331 : vector<1x16xf32> to vector<16xf32>
        %get3A_333 = arith.constant 17 : i32
        %get3A_334 = arith.index_cast %get3A_333 : i32 to index
        %get3A_335 = arith.constant 0 : index
        %get3A_336 = tpu.vector_load %arg17[%get3A_334, %get3A_335] {strides = array<i32>} : memref<128x128xf32, #tpu.memory_space<vmem>>, vector<1x16xf32>,
        %get3A_337 = vector.shape_cast %get3A_336 : vector<1x16xf32> to vector<16xf32>
        %sub3A_338 = arith.subf %get3A_332, %get3A_337 : vector<16xf32>
        %swap3A_339 = arith.constant 17 : i32
        %swap3A_340 = arith.index_cast %swap3A_339 : i32 to index
        %swap3A_341 = arith.constant 0 : index
        %swap3A_342 = tpu.vector_load %arg19[%swap3A_340, %swap3A_341] {strides = array<i32>} : memref<128x16xf32, #tpu.memory_space<vmem>>, vector<1x16xf32>,
        %swap3A_343 = vector.shape_cast %swap3A_342 : vector<1x16xf32> to vector<16xf32>
        %swap3A_344 = vector.shape_cast %sub3A_338 : vector<16xf32> to vector<1x16xf32>
        tpu.vector_store %arg19[%swap3A_340, %swap3A_341], %swap3A_344 {strides = array<i32>} : memref<128x16xf32, #tpu.memory_space<vmem>>, vector<1x16xf32>,
        %get3A_345 = arith.constant 18 : i32
        %get3A_346 = arith.index_cast %get3A_345 : i32 to index
        %get3A_347 = arith.constant 0 : index
        %get3A_348 = tpu.vector_load %arg18[%get3A_346, %get3A_347] {strides = array<i32>} : memref<128x128xf32, #tpu.memory_space<vmem>>, vector<1x16xf32>,
        %get3A_349 = vector.shape_cast %get3A_348 : vector<1x16xf32> to vector<16xf32>
        %get3A_350 = arith.constant 18 : i32
        %get3A_351 = arith.index_cast %get3A_350 : i32 to index
        %get3A_352 = arith.constant 0 : index
        %get3A_353 = tpu.vector_load %arg17[%get3A_351, %get3A_352] {strides = array<i32>} : memref<128x128xf32, #tpu.memory_space<vmem>>, vector<1x16xf32>,
        %get3A_354 = vector.shape_cast %get3A_353 : vector<1x16xf32> to vector<16xf32>
        %sub3A_355 = arith.subf %get3A_349, %get3A_354 : vector<16xf32>
        %swap3A_356 = arith.constant 18 : i32
        %swap3A_357 = arith.index_cast %swap3A_356 : i32 to index
        %swap3A_358 = arith.constant 0 : index
        %swap3A_359 = tpu.vector_load %arg19[%swap3A_357, %swap3A_358] {strides = array<i32>} : memref<128x16xf32, #tpu.memory_space<vmem>>, vector<1x16xf32>,
        %swap3A_360 = vector.shape_cast %swap3A_359 : vector<1x16xf32> to vector<16xf32>
        %swap3A_361 = vector.shape_cast %sub3A_355 : vector<16xf32> to vector<1x16xf32>
        tpu.vector_store %arg19[%swap3A_357, %swap3A_358], %swap3A_361 {strides = array<i32>} : memref<128x16xf32, #tpu.memory_space<vmem>>, vector<1x16xf32>,
        %get3A_362 = arith.constant 19 : i32
        %get3A_363 = arith.index_cast %get3A_362 : i32 to index
        %get3A_364 = arith.constant 0 : index
        %get3A_365 = tpu.vector_load %arg18[%get3A_363, %get3A_364] {strides = array<i32>} : memref<128x128xf32, #tpu.memory_space<vmem>>, vector<1x16xf32>,
        %get3A_366 = vector.shape_cast %get3A_365 : vector<1x16xf32> to vector<16xf32>
        %get3A_367 = arith.constant 19 : i32
        %get3A_368 = arith.index_cast %get3A_367 : i32 to index
        %get3A_369 = arith.constant 0 : index
        %get3A_370 = tpu.vector_load %arg17[%get3A_368, %get3A_369] {strides = array<i32>} : memref<128x128xf32, #tpu.memory_space<vmem>>, vector<1x16xf32>,
        %get3A_371 = vector.shape_cast %get3A_370 : vector<1x16xf32> to vector<16xf32>
        %sub3A_372 = arith.subf %get3A_366, %get3A_371 : vector<16xf32>
        %swap3A_373 = arith.constant 19 : i32
        %swap3A_374 = arith.index_cast %swap3A_373 : i32 to index
        %swap3A_375 = arith.constant 0 : index
        %swap3A_376 = tpu.vector_load %arg19[%swap3A_374, %swap3A_375] {strides = array<i32>} : memref<128x16xf32, #tpu.memory_space<vmem>>, vector<1x16xf32>,
        %swap3A_377 = vector.shape_cast %swap3A_376 : vector<1x16xf32> to vector<16xf32>
        %swap3A_378 = vector.shape_cast %sub3A_372 : vector<16xf32> to vector<1x16xf32>
        tpu.vector_store %arg19[%swap3A_374, %swap3A_375], %swap3A_378 {strides = array<i32>} : memref<128x16xf32, #tpu.memory_space<vmem>>, vector<1x16xf32>,
        %get3A_379 = arith.constant 20 : i32
        %get3A_380 = arith.index_cast %get3A_379 : i32 to index
        %get3A_381 = arith.constant 0 : index
        %get3A_382 = tpu.vector_load %arg18[%get3A_380, %get3A_381] {strides = array<i32>} : memref<128x128xf32, #tpu.memory_space<vmem>>, vector<1x16xf32>,
        %get3A_383 = vector.shape_cast %get3A_382 : vector<1x16xf32> to vector<16xf32>
        %get3A_384 = arith.constant 20 : i32
        %get3A_385 = arith.index_cast %get3A_384 : i32 to index
        %get3A_386 = arith.constant 0 : index
        %get3A_387 = tpu.vector_load %arg17[%get3A_385, %get3A_386] {strides = array<i32>} : memref<128x128xf32, #tpu.memory_space<vmem>>, vector<1x16xf32>,
        %get3A_388 = vector.shape_cast %get3A_387 : vector<1x16xf32> to vector<16xf32>
        %sub3A_389 = arith.subf %get3A_383, %get3A_388 : vector<16xf32>
        %swap3A_390 = arith.constant 20 : i32
        %swap3A_391 = arith.index_cast %swap3A_390 : i32 to index
        %swap3A_392 = arith.constant 0 : index
        %swap3A_393 = tpu.vector_load %arg19[%swap3A_391, %swap3A_392] {strides = array<i32>} : memref<128x16xf32, #tpu.memory_space<vmem>>, vector<1x16xf32>,
        %swap3A_394 = vector.shape_cast %swap3A_393 : vector<1x16xf32> to vector<16xf32>
        %swap3A_395 = vector.shape_cast %sub3A_389 : vector<16xf32> to vector<1x16xf32>
        tpu.vector_store %arg19[%swap3A_391, %swap3A_392], %swap3A_395 {strides = array<i32>} : memref<128x16xf32, #tpu.memory_space<vmem>>, vector<1x16xf32>,
        %get3A_396 = arith.constant 21 : i32
        %get3A_397 = arith.index_cast %get3A_396 : i32 to index
        %get3A_398 = arith.constant 0 : index
        %get3A_399 = tpu.vector_load %arg18[%get3A_397, %get3A_398] {strides = array<i32>} : memref<128x128xf32, #tpu.memory_space<vmem>>, vector<1x16xf32>,
        %get3A_400 = vector.shape_cast %get3A_399 : vector<1x16xf32> to vector<16xf32>
        %get3A_401 = arith.constant 21 : i32
        %get3A_402 = arith.index_cast %get3A_401 : i32 to index
        %get3A_403 = arith.constant 0 : index
        %get3A_404 = tpu.vector_load %arg17[%get3A_402, %get3A_403] {strides = array<i32>} : memref<128x128xf32, #tpu.memory_space<vmem>>, vector<1x16xf32>,
        %get3A_405 = vector.shape_cast %get3A_404 : vector<1x16xf32> to vector<16xf32>
        %sub3A_406 = arith.subf %get3A_400, %get3A_405 : vector<16xf32>
        %swap3A_407 = arith.constant 21 : i32
        %swap3A_408 = arith.index_cast %swap3A_407 : i32 to index
        %swap3A_409 = arith.constant 0 : index
        %swap3A_410 = tpu.vector_load %arg19[%swap3A_408, %swap3A_409] {strides = array<i32>} : memref<128x16xf32, #tpu.memory_space<vmem>>, vector<1x16xf32>,
        %swap3A_411 = vector.shape_cast %swap3A_410 : vector<1x16xf32> to vector<16xf32>
        %swap3A_412 = vector.shape_cast %sub3A_406 : vector<16xf32> to vector<1x16xf32>
        tpu.vector_store %arg19[%swap3A_408, %swap3A_409], %swap3A_412 {strides = array<i32>} : memref<128x16xf32, #tpu.memory_space<vmem>>, vector<1x16xf32>,
        %get3A_413 = arith.constant 22 : i32
        %get3A_414 = arith.index_cast %get3A_413 : i32 to index
        %get3A_415 = arith.constant 0 : index
        %get3A_416 = tpu.vector_load %arg18[%get3A_414, %get3A_415] {strides = array<i32>} : memref<128x128xf32, #tpu.memory_space<vmem>>, vector<1x16xf32>,
        %get3A_417 = vector.shape_cast %get3A_416 : vector<1x16xf32> to vector<16xf32>
        %get3A_418 = arith.constant 22 : i32
        %get3A_419 = arith.index_cast %get3A_418 : i32 to index
        %get3A_420 = arith.constant 0 : index
        %get3A_421 = tpu.vector_load %arg17[%get3A_419, %get3A_420] {strides = array<i32>} : memref<128x128xf32, #tpu.memory_space<vmem>>, vector<1x16xf32>,
        %get3A_422 = vector.shape_cast %get3A_421 : vector<1x16xf32> to vector<16xf32>
        %sub3A_423 = arith.subf %get3A_417, %get3A_422 : vector<16xf32>
        %swap3A_424 = arith.constant 22 : i32
        %swap3A_425 = arith.index_cast %swap3A_424 : i32 to index
        %swap3A_426 = arith.constant 0 : index
        %swap3A_427 = tpu.vector_load %arg19[%swap3A_425, %swap3A_426] {strides = array<i32>} : memref<128x16xf32, #tpu.memory_space<vmem>>, vector<1x16xf32>,
        %swap3A_428 = vector.shape_cast %swap3A_427 : vector<1x16xf32> to vector<16xf32>
        %swap3A_429 = vector.shape_cast %sub3A_423 : vector<16xf32> to vector<1x16xf32>
        tpu.vector_store %arg19[%swap3A_425, %swap3A_426], %swap3A_429 {strides = array<i32>} : memref<128x16xf32, #tpu.memory_space<vmem>>, vector<1x16xf32>,
        %get3A_430 = arith.constant 23 : i32
        %get3A_431 = arith.index_cast %get3A_430 : i32 to index
        %get3A_432 = arith.constant 0 : index
        %get3A_433 = tpu.vector_load %arg18[%get3A_431, %get3A_432] {strides = array<i32>} : memref<128x128xf32, #tpu.memory_space<vmem>>, vector<1x16xf32>,
        %get3A_434 = vector.shape_cast %get3A_433 : vector<1x16xf32> to vector<16xf32>
        %get3A_435 = arith.constant 23 : i32
        %get3A_436 = arith.index_cast %get3A_435 : i32 to index
        %get3A_437 = arith.constant 0 : index
        %get3A_438 = tpu.vector_load %arg17[%get3A_436, %get3A_437] {strides = array<i32>} : memref<128x128xf32, #tpu.memory_space<vmem>>, vector<1x16xf32>,
        %get3A_439 = vector.shape_cast %get3A_438 : vector<1x16xf32> to vector<16xf32>
        %sub3A_440 = arith.subf %get3A_434, %get3A_439 : vector<16xf32>
        %swap3A_441 = arith.constant 23 : i32
        %swap3A_442 = arith.index_cast %swap3A_441 : i32 to index
        %swap3A_443 = arith.constant 0 : index
        %swap3A_444 = tpu.vector_load %arg19[%swap3A_442, %swap3A_443] {strides = array<i32>} : memref<128x16xf32, #tpu.memory_space<vmem>>, vector<1x16xf32>,
        %swap3A_445 = vector.shape_cast %swap3A_444 : vector<1x16xf32> to vector<16xf32>
        %swap3A_446 = vector.shape_cast %sub3A_440 : vector<16xf32> to vector<1x16xf32>
        tpu.vector_store %arg19[%swap3A_442, %swap3A_443], %swap3A_446 {strides = array<i32>} : memref<128x16xf32, #tpu.memory_space<vmem>>, vector<1x16xf32>,
        %get3A_447 = arith.constant 24 : i32
        %get3A_448 = arith.index_cast %get3A_447 : i32 to index
        %get3A_449 = arith.constant 0 : index
        %get3A_450 = tpu.vector_load %arg18[%get3A_448, %get3A_449] {strides = array<i32>} : memref<128x128xf32, #tpu.memory_space<vmem>>, vector<1x16xf32>,
        %get3A_451 = vector.shape_cast %get3A_450 : vector<1x16xf32> to vector<16xf32>
        %get3A_452 = arith.constant 24 : i32
        %get3A_453 = arith.index_cast %get3A_452 : i32 to index
        %get3A_454 = arith.constant 0 : index
        %get3A_455 = tpu.vector_load %arg17[%get3A_453, %get3A_454] {strides = array<i32>} : memref<128x128xf32, #tpu.memory_space<vmem>>, vector<1x16xf32>,
        %get3A_456 = vector.shape_cast %get3A_455 : vector<1x16xf32> to vector<16xf32>
        %sub3A_457 = arith.subf %get3A_451, %get3A_456 : vector<16xf32>
        %swap3A_458 = arith.constant 24 : i32
        %swap3A_459 = arith.index_cast %swap3A_458 : i32 to index
        %swap3A_460 = arith.constant 0 : index
        %swap3A_461 = tpu.vector_load %arg19[%swap3A_459, %swap3A_460] {strides = array<i32>} : memref<128x16xf32, #tpu.memory_space<vmem>>, vector<1x16xf32>,
        %swap3A_462 = vector.shape_cast %swap3A_461 : vector<1x16xf32> to vector<16xf32>
        %swap3A_463 = vector.shape_cast %sub3A_457 : vector<16xf32> to vector<1x16xf32>
        tpu.vector_store %arg19[%swap3A_459, %swap3A_460], %swap3A_463 {strides = array<i32>} : memref<128x16xf32, #tpu.memory_space<vmem>>, vector<1x16xf32>,
        %get3A_464 = arith.constant 25 : i32
        %get3A_465 = arith.index_cast %get3A_464 : i32 to index
        %get3A_466 = arith.constant 0 : index
        %get3A_467 = tpu.vector_load %arg18[%get3A_465, %get3A_466] {strides = array<i32>} : memref<128x128xf32, #tpu.memory_space<vmem>>, vector<1x16xf32>,
        %get3A_468 = vector.shape_cast %get3A_467 : vector<1x16xf32> to vector<16xf32>
        %get3A_469 = arith.constant 25 : i32
        %get3A_470 = arith.index_cast %get3A_469 : i32 to index
        %get3A_471 = arith.constant 0 : index
        %get3A_472 = tpu.vector_load %arg17[%get3A_470, %get3A_471] {strides = array<i32>} : memref<128x128xf32, #tpu.memory_space<vmem>>, vector<1x16xf32>,
        %get3A_473 = vector.shape_cast %get3A_472 : vector<1x16xf32> to vector<16xf32>
        %sub3A_474 = arith.subf %get3A_468, %get3A_473 : vector<16xf32>
        %swap3A_475 = arith.constant 25 : i32
        %swap3A_476 = arith.index_cast %swap3A_475 : i32 to index
        %swap3A_477 = arith.constant 0 : index
        %swap3A_478 = tpu.vector_load %arg19[%swap3A_476, %swap3A_477] {strides = array<i32>} : memref<128x16xf32, #tpu.memory_space<vmem>>, vector<1x16xf32>,
        %swap3A_479 = vector.shape_cast %swap3A_478 : vector<1x16xf32> to vector<16xf32>
        %swap3A_480 = vector.shape_cast %sub3A_474 : vector<16xf32> to vector<1x16xf32>
        tpu.vector_store %arg19[%swap3A_476, %swap3A_477], %swap3A_480 {strides = array<i32>} : memref<128x16xf32, #tpu.memory_space<vmem>>, vector<1x16xf32>,
        %get3A_481 = arith.constant 26 : i32
        %get3A_482 = arith.index_cast %get3A_481 : i32 to index
        %get3A_483 = arith.constant 0 : index
        %get3A_484 = tpu.vector_load %arg18[%get3A_482, %get3A_483] {strides = array<i32>} : memref<128x128xf32, #tpu.memory_space<vmem>>, vector<1x16xf32>,
        %get3A_485 = vector.shape_cast %get3A_484 : vector<1x16xf32> to vector<16xf32>
        %get3A_486 = arith.constant 26 : i32
        %get3A_487 = arith.index_cast %get3A_486 : i32 to index
        %get3A_488 = arith.constant 0 : index
        %get3A_489 = tpu.vector_load %arg17[%get3A_487, %get3A_488] {strides = array<i32>} : memref<128x128xf32, #tpu.memory_space<vmem>>, vector<1x16xf32>,
        %get3A_490 = vector.shape_cast %get3A_489 : vector<1x16xf32> to vector<16xf32>
        %sub3A_491 = arith.subf %get3A_485, %get3A_490 : vector<16xf32>
        %swap3A_492 = arith.constant 26 : i32
        %swap3A_493 = arith.index_cast %swap3A_492 : i32 to index
        %swap3A_494 = arith.constant 0 : index
        %swap3A_495 = tpu.vector_load %arg19[%swap3A_493, %swap3A_494] {strides = array<i32>} : memref<128x16xf32, #tpu.memory_space<vmem>>, vector<1x16xf32>,
        %swap3A_496 = vector.shape_cast %swap3A_495 : vector<1x16xf32> to vector<16xf32>
        %swap3A_497 = vector.shape_cast %sub3A_491 : vector<16xf32> to vector<1x16xf32>
        tpu.vector_store %arg19[%swap3A_493, %swap3A_494], %swap3A_497 {strides = array<i32>} : memref<128x16xf32, #tpu.memory_space<vmem>>, vector<1x16xf32>,
        %get3A_498 = arith.constant 27 : i32
        %get3A_499 = arith.index_cast %get3A_498 : i32 to index
        %get3A_500 = arith.constant 0 : index
        %get3A_501 = tpu.vector_load %arg18[%get3A_499, %get3A_500] {strides = array<i32>} : memref<128x128xf32, #tpu.memory_space<vmem>>, vector<1x16xf32>,
        %get3A_502 = vector.shape_cast %get3A_501 : vector<1x16xf32> to vector<16xf32>
        %get3A_503 = arith.constant 27 : i32
        %get3A_504 = arith.index_cast %get3A_503 : i32 to index
        %get3A_505 = arith.constant 0 : index
        %get3A_506 = tpu.vector_load %arg17[%get3A_504, %get3A_505] {strides = array<i32>} : memref<128x128xf32, #tpu.memory_space<vmem>>, vector<1x16xf32>,
        %get3A_507 = vector.shape_cast %get3A_506 : vector<1x16xf32> to vector<16xf32>
        %sub3A_508 = arith.subf %get3A_502, %get3A_507 : vector<16xf32>
        %swap3A_509 = arith.constant 27 : i32
        %swap3A_510 = arith.index_cast %swap3A_509 : i32 to index
        %swap3A_511 = arith.constant 0 : index
        %swap3A_512 = tpu.vector_load %arg19[%swap3A_510, %swap3A_511] {strides = array<i32>} : memref<128x16xf32, #tpu.memory_space<vmem>>, vector<1x16xf32>,
        %swap3A_513 = vector.shape_cast %swap3A_512 : vector<1x16xf32> to vector<16xf32>
        %swap3A_514 = vector.shape_cast %sub3A_508 : vector<16xf32> to vector<1x16xf32>
        tpu.vector_store %arg19[%swap3A_510, %swap3A_511], %swap3A_514 {strides = array<i32>} : memref<128x16xf32, #tpu.memory_space<vmem>>, vector<1x16xf32>,
        %get3A_515 = arith.constant 28 : i32
        %get3A_516 = arith.index_cast %get3A_515 : i32 to index
        %get3A_517 = arith.constant 0 : index
        %get3A_518 = tpu.vector_load %arg18[%get3A_516, %get3A_517] {strides = array<i32>} : memref<128x128xf32, #tpu.memory_space<vmem>>, vector<1x16xf32>,
        %get3A_519 = vector.shape_cast %get3A_518 : vector<1x16xf32> to vector<16xf32>
        %get3A_520 = arith.constant 28 : i32
        %get3A_521 = arith.index_cast %get3A_520 : i32 to index
        %get3A_522 = arith.constant 0 : index
        %get3A_523 = tpu.vector_load %arg17[%get3A_521, %get3A_522] {strides = array<i32>} : memref<128x128xf32, #tpu.memory_space<vmem>>, vector<1x16xf32>,
        %get3A_524 = vector.shape_cast %get3A_523 : vector<1x16xf32> to vector<16xf32>
        %sub3A_525 = arith.subf %get3A_519, %get3A_524 : vector<16xf32>
        %swap3A_526 = arith.constant 28 : i32
        %swap3A_527 = arith.index_cast %swap3A_526 : i32 to index
        %swap3A_528 = arith.constant 0 : index
        %swap3A_529 = tpu.vector_load %arg19[%swap3A_527, %swap3A_528] {strides = array<i32>} : memref<128x16xf32, #tpu.memory_space<vmem>>, vector<1x16xf32>,
        %swap3A_530 = vector.shape_cast %swap3A_529 : vector<1x16xf32> to vector<16xf32>
        %swap3A_531 = vector.shape_cast %sub3A_525 : vector<16xf32> to vector<1x16xf32>
        tpu.vector_store %arg19[%swap3A_527, %swap3A_528], %swap3A_531 {strides = array<i32>} : memref<128x16xf32, #tpu.memory_space<vmem>>, vector<1x16xf32>,
        %get3A_532 = arith.constant 29 : i32
        %get3A_533 = arith.index_cast %get3A_532 : i32 to index
        %get3A_534 = arith.constant 0 : index
        %get3A_535 = tpu.vector_load %arg18[%get3A_533, %get3A_534] {strides = array<i32>} : memref<128x128xf32, #tpu.memory_space<vmem>>, vector<1x16xf32>,
        %get3A_536 = vector.shape_cast %get3A_535 : vector<1x16xf32> to vector<16xf32>
        %get3A_537 = arith.constant 29 : i32
        %get3A_538 = arith.index_cast %get3A_537 : i32 to index
        %get3A_539 = arith.constant 0 : index
        %get3A_540 = tpu.vector_load %arg17[%get3A_538, %get3A_539] {strides = array<i32>} : memref<128x128xf32, #tpu.memory_space<vmem>>, vector<1x16xf32>,
        %get3A_541 = vector.shape_cast %get3A_540 : vector<1x16xf32> to vector<16xf32>
        %sub3A_542 = arith.subf %get3A_536, %get3A_541 : vector<16xf32>
        %swap3A_543 = arith.constant 29 : i32
        %swap3A_544 = arith.index_cast %swap3A_543 : i32 to index
        %swap3A_545 = arith.constant 0 : index
        %swap3A_546 = tpu.vector_load %arg19[%swap3A_544, %swap3A_545] {strides = array<i32>} : memref<128x16xf32, #tpu.memory_space<vmem>>, vector<1x16xf32>,
        %swap3A_547 = vector.shape_cast %swap3A_546 : vector<1x16xf32> to vector<16xf32>
        %swap3A_548 = vector.shape_cast %sub3A_542 : vector<16xf32> to vector<1x16xf32>
        tpu.vector_store %arg19[%swap3A_544, %swap3A_545], %swap3A_548 {strides = array<i32>} : memref<128x16xf32, #tpu.memory_space<vmem>>, vector<1x16xf32>,
        %get3A_549 = arith.constant 30 : i32
        %get3A_550 = arith.index_cast %get3A_549 : i32 to index
        %get3A_551 = arith.constant 0 : index
        %get3A_552 = tpu.vector_load %arg18[%get3A_550, %get3A_551] {strides = array<i32>} : memref<128x128xf32, #tpu.memory_space<vmem>>, vector<1x16xf32>,
        %get3A_553 = vector.shape_cast %get3A_552 : vector<1x16xf32> to vector<16xf32>
        %get3A_554 = arith.constant 30 : i32
        %get3A_555 = arith.index_cast %get3A_554 : i32 to index
        %get3A_556 = arith.constant 0 : index
        %get3A_557 = tpu.vector_load %arg17[%get3A_555, %get3A_556] {strides = array<i32>} : memref<128x128xf32, #tpu.memory_space<vmem>>, vector<1x16xf32>,
        %get3A_558 = vector.shape_cast %get3A_557 : vector<1x16xf32> to vector<16xf32>
        %sub3A_559 = arith.subf %get3A_553, %get3A_558 : vector<16xf32>
        %swap3A_560 = arith.constant 30 : i32
        %swap3A_561 = arith.index_cast %swap3A_560 : i32 to index
        %swap3A_562 = arith.constant 0 : index
        %swap3A_563 = tpu.vector_load %arg19[%swap3A_561, %swap3A_562] {strides = array<i32>} : memref<128x16xf32, #tpu.memory_space<vmem>>, vector<1x16xf32>,
        %swap3A_564 = vector.shape_cast %swap3A_563 : vector<1x16xf32> to vector<16xf32>
        %swap3A_565 = vector.shape_cast %sub3A_559 : vector<16xf32> to vector<1x16xf32>
        tpu.vector_store %arg19[%swap3A_561, %swap3A_562], %swap3A_565 {strides = array<i32>} : memref<128x16xf32, #tpu.memory_space<vmem>>, vector<1x16xf32>,
        %get3A_566 = arith.constant 31 : i32
        %get3A_567 = arith.index_cast %get3A_566 : i32 to index
        %get3A_568 = arith.constant 0 : index
        %get3A_569 = tpu.vector_load %arg18[%get3A_567, %get3A_568] {strides = array<i32>} : memref<128x128xf32, #tpu.memory_space<vmem>>, vector<1x16xf32>,
        %get3A_570 = vector.shape_cast %get3A_569 : vector<1x16xf32> to vector<16xf32>
        %get3A_571 = arith.constant 31 : i32
        %get3A_572 = arith.index_cast %get3A_571 : i32 to index
        %get3A_573 = arith.constant 0 : index
        %get3A_574 = tpu.vector_load %arg17[%get3A_572, %get3A_573] {strides = array<i32>} : memref<128x128xf32, #tpu.memory_space<vmem>>, vector<1x16xf32>,
        %get3A_575 = vector.shape_cast %get3A_574 : vector<1x16xf32> to vector<16xf32>
        %sub3A_576 = arith.subf %get3A_570, %get3A_575 : vector<16xf32>
        %swap3A_577 = arith.constant 31 : i32
        %swap3A_578 = arith.index_cast %swap3A_577 : i32 to index
        %swap3A_579 = arith.constant 0 : index
        %swap3A_580 = tpu.vector_load %arg19[%swap3A_578, %swap3A_579] {strides = array<i32>} : memref<128x16xf32, #tpu.memory_space<vmem>>, vector<1x16xf32>,
        %swap3A_581 = vector.shape_cast %swap3A_580 : vector<1x16xf32> to vector<16xf32>
        %swap3A_582 = vector.shape_cast %sub3A_576 : vector<16xf32> to vector<1x16xf32>
        tpu.vector_store %arg19[%swap3A_578, %swap3A_579], %swap3A_582 {strides = array<i32>} : memref<128x16xf32, #tpu.memory_space<vmem>>, vector<1x16xf32>,
        %get3A_583 = arith.constant 32 : i32
        %get3A_584 = arith.index_cast %get3A_583 : i32 to index
        %get3A_585 = arith.constant 0 : index
        %get3A_586 = tpu.vector_load %arg18[%get3A_584, %get3A_585] {strides = array<i32>} : memref<128x128xf32, #tpu.memory_space<vmem>>, vector<1x16xf32>,
        %get3A_587 = vector.shape_cast %get3A_586 : vector<1x16xf32> to vector<16xf32>
        %get3A_588 = arith.constant 32 : i32
        %get3A_589 = arith.index_cast %get3A_588 : i32 to index
        %get3A_590 = arith.constant 0 : index
        %get3A_591 = tpu.vector_load %arg17[%get3A_589, %get3A_590] {strides = array<i32>} : memref<128x128xf32, #tpu.memory_space<vmem>>, vector<1x16xf32>,
        %get3A_592 = vector.shape_cast %get3A_591 : vector<1x16xf32> to vector<16xf32>
        %sub3A_593 = arith.subf %get3A_587, %get3A_592 : vector<16xf32>
        %swap3A_594 = arith.constant 32 : i32
        %swap3A_595 = arith.index_cast %swap3A_594 : i32 to index
        %swap3A_596 = arith.constant 0 : index
        %swap3A_597 = tpu.vector_load %arg19[%swap3A_595, %swap3A_596] {strides = array<i32>} : memref<128x16xf32, #tpu.memory_space<vmem>>, vector<1x16xf32>,
        %swap3A_598 = vector.shape_cast %swap3A_597 : vector<1x16xf32> to vector<16xf32>
        %swap3A_599 = vector.shape_cast %sub3A_593 : vector<16xf32> to vector<1x16xf32>
        tpu.vector_store %arg19[%swap3A_595, %swap3A_596], %swap3A_599 {strides = array<i32>} : memref<128x16xf32, #tpu.memory_space<vmem>>, vector<1x16xf32>,
        %get3A_600 = arith.constant 33 : i32
        %get3A_601 = arith.index_cast %get3A_600 : i32 to index
        %get3A_602 = arith.constant 0 : index
        %get3A_603 = tpu.vector_load %arg18[%get3A_601, %get3A_602] {strides = array<i32>} : memref<128x128xf32, #tpu.memory_space<vmem>>, vector<1x16xf32>,
        %get3A_604 = vector.shape_cast %get3A_603 : vector<1x16xf32> to vector<16xf32>
        %get3A_605 = arith.constant 33 : i32
        %get3A_606 = arith.index_cast %get3A_605 : i32 to index
        %get3A_607 = arith.constant 0 : index
        %get3A_608 = tpu.vector_load %arg17[%get3A_606, %get3A_607] {strides = array<i32>} : memref<128x128xf32, #tpu.memory_space<vmem>>, vector<1x16xf32>,
        %get3A_609 = vector.shape_cast %get3A_608 : vector<1x16xf32> to vector<16xf32>
        %sub3A_610 = arith.subf %get3A_604, %get3A_609 : vector<16xf32>
        %swap3A_611 = arith.constant 33 : i32
        %swap3A_612 = arith.index_cast %swap3A_611 : i32 to index
        %swap3A_613 = arith.constant 0 : index
        %swap3A_614 = tpu.vector_load %arg19[%swap3A_612, %swap3A_613] {strides = array<i32>} : memref<128x16xf32, #tpu.memory_space<vmem>>, vector<1x16xf32>,
        %swap3A_615 = vector.shape_cast %swap3A_614 : vector<1x16xf32> to vector<16xf32>
        %swap3A_616 = vector.shape_cast %sub3A_610 : vector<16xf32> to vector<1x16xf32>
        tpu.vector_store %arg19[%swap3A_612, %swap3A_613], %swap3A_616 {strides = array<i32>} : memref<128x16xf32, #tpu.memory_space<vmem>>, vector<1x16xf32>,
        %get3A_617 = arith.constant 34 : i32
        %get3A_618 = arith.index_cast %get3A_617 : i32 to index
        %get3A_619 = arith.constant 0 : index
        %get3A_620 = tpu.vector_load %arg18[%get3A_618, %get3A_619] {strides = array<i32>} : memref<128x128xf32, #tpu.memory_space<vmem>>, vector<1x16xf32>,
        %get3A_621 = vector.shape_cast %get3A_620 : vector<1x16xf32> to vector<16xf32>
        %get3A_622 = arith.constant 34 : i32
        %get3A_623 = arith.index_cast %get3A_622 : i32 to index
        %get3A_624 = arith.constant 0 : index
        %get3A_625 = tpu.vector_load %arg17[%get3A_623, %get3A_624] {strides = array<i32>} : memref<128x128xf32, #tpu.memory_space<vmem>>, vector<1x16xf32>,
        %get3A_626 = vector.shape_cast %get3A_625 : vector<1x16xf32> to vector<16xf32>
        %sub3A_627 = arith.subf %get3A_621, %get3A_626 : vector<16xf32>
        %swap3A_628 = arith.constant 34 : i32
        %swap3A_629 = arith.index_cast %swap3A_628 : i32 to index
        %swap3A_630 = arith.constant 0 : index
        %swap3A_631 = tpu.vector_load %arg19[%swap3A_629, %swap3A_630] {strides = array<i32>} : memref<128x16xf32, #tpu.memory_space<vmem>>, vector<1x16xf32>,
        %swap3A_632 = vector.shape_cast %swap3A_631 : vector<1x16xf32> to vector<16xf32>
        %swap3A_633 = vector.shape_cast %sub3A_627 : vector<16xf32> to vector<1x16xf32>
        tpu.vector_store %arg19[%swap3A_629, %swap3A_630], %swap3A_633 {strides = array<i32>} : memref<128x16xf32, #tpu.memory_space<vmem>>, vector<1x16xf32>,
        %get3A_634 = arith.constant 35 : i32
        %get3A_635 = arith.index_cast %get3A_634 : i32 to index
        %get3A_636 = arith.constant 0 : index
        %get3A_637 = tpu.vector_load %arg18[%get3A_635, %get3A_636] {strides = array<i32>} : memref<128x128xf32, #tpu.memory_space<vmem>>, vector<1x16xf32>,
        %get3A_638 = vector.shape_cast %get3A_637 : vector<1x16xf32> to vector<16xf32>
        %get3A_639 = arith.constant 35 : i32
        %get3A_640 = arith.index_cast %get3A_639 : i32 to index
        %get3A_641 = arith.constant 0 : index
        %get3A_642 = tpu.vector_load %arg17[%get3A_640, %get3A_641] {strides = array<i32>} : memref<128x128xf32, #tpu.memory_space<vmem>>, vector<1x16xf32>,
        %get3A_643 = vector.shape_cast %get3A_642 : vector<1x16xf32> to vector<16xf32>
        %sub3A_644 = arith.subf %get3A_638, %get3A_643 : vector<16xf32>
        %swap3A_645 = arith.constant 35 : i32
        %swap3A_646 = arith.index_cast %swap3A_645 : i32 to index
        %swap3A_647 = arith.constant 0 : index
        %swap3A_648 = tpu.vector_load %arg19[%swap3A_646, %swap3A_647] {strides = array<i32>} : memref<128x16xf32, #tpu.memory_space<vmem>>, vector<1x16xf32>,
        %swap3A_649 = vector.shape_cast %swap3A_648 : vector<1x16xf32> to vector<16xf32>
        %swap3A_650 = vector.shape_cast %sub3A_644 : vector<16xf32> to vector<1x16xf32>
        tpu.vector_store %arg19[%swap3A_646, %swap3A_647], %swap3A_650 {strides = array<i32>} : memref<128x16xf32, #tpu.memory_space<vmem>>, vector<1x16xf32>,
        %get3A_651 = arith.constant 36 : i32
        %get3A_652 = arith.index_cast %get3A_651 : i32 to index
        %get3A_653 = arith.constant 0 : index
        %get3A_654 = tpu.vector_load %arg18[%get3A_652, %get3A_653] {strides = array<i32>} : memref<128x128xf32, #tpu.memory_space<vmem>>, vector<1x16xf32>,
        %get3A_655 = vector.shape_cast %get3A_654 : vector<1x16xf32> to vector<16xf32>
        %get3A_656 = arith.constant 36 : i32
        %get3A_657 = arith.index_cast %get3A_656 : i32 to index
        %get3A_658 = arith.constant 0 : index
        %get3A_659 = tpu.vector_load %arg17[%get3A_657, %get3A_658] {strides = array<i32>} : memref<128x128xf32, #tpu.memory_space<vmem>>, vector<1x16xf32>,
        %get3A_660 = vector.shape_cast %get3A_659 : vector<1x16xf32> to vector<16xf32>
        %sub3A_661 = arith.subf %get3A_655, %get3A_660 : vector<16xf32>
        %swap3A_662 = arith.constant 36 : i32
        %swap3A_663 = arith.index_cast %swap3A_662 : i32 to index
        %swap3A_664 = arith.constant 0 : index
        %swap3A_665 = tpu.vector_load %arg19[%swap3A_663, %swap3A_664] {strides = array<i32>} : memref<128x16xf32, #tpu.memory_space<vmem>>, vector<1x16xf32>,
        %swap3A_666 = vector.shape_cast %swap3A_665 : vector<1x16xf32> to vector<16xf32>
        %swap3A_667 = vector.shape_cast %sub3A_661 : vector<16xf32> to vector<1x16xf32>
        tpu.vector_store %arg19[%swap3A_663, %swap3A_664], %swap3A_667 {strides = array<i32>} : memref<128x16xf32, #tpu.memory_space<vmem>>, vector<1x16xf32>,
        %get3A_668 = arith.constant 37 : i32
        %get3A_669 = arith.index_cast %get3A_668 : i32 to index
        %get3A_670 = arith.constant 0 : index
        %get3A_671 = tpu.vector_load %arg18[%get3A_669, %get3A_670] {strides = array<i32>} : memref<128x128xf32, #tpu.memory_space<vmem>>, vector<1x16xf32>,
        %get3A_672 = vector.shape_cast %get3A_671 : vector<1x16xf32> to vector<16xf32>
        %get3A_673 = arith.constant 37 : i32
        %get3A_674 = arith.index_cast %get3A_673 : i32 to index
        %get3A_675 = arith.constant 0 : index
        %get3A_676 = tpu.vector_load %arg17[%get3A_674, %get3A_675] {strides = array<i32>} : memref<128x128xf32, #tpu.memory_space<vmem>>, vector<1x16xf32>,
        %get3A_677 = vector.shape_cast %get3A_676 : vector<1x16xf32> to vector<16xf32>
        %sub3A_678 = arith.subf %get3A_672, %get3A_677 : vector<16xf32>
        %swap3A_679 = arith.constant 37 : i32
        %swap3A_680 = arith.index_cast %swap3A_679 : i32 to index
        %swap3A_681 = arith.constant 0 : index
        %swap3A_682 = tpu.vector_load %arg19[%swap3A_680, %swap3A_681] {strides = array<i32>} : memref<128x16xf32, #tpu.memory_space<vmem>>, vector<1x16xf32>,
        %swap3A_683 = vector.shape_cast %swap3A_682 : vector<1x16xf32> to vector<16xf32>
        %swap3A_684 = vector.shape_cast %sub3A_678 : vector<16xf32> to vector<1x16xf32>
        tpu.vector_store %arg19[%swap3A_680, %swap3A_681], %swap3A_684 {strides = array<i32>} : memref<128x16xf32, #tpu.memory_space<vmem>>, vector<1x16xf32>,
        %get3A_685 = arith.constant 38 : i32
        %get3A_686 = arith.index_cast %get3A_685 : i32 to index
        %get3A_687 = arith.constant 0 : index
        %get3A_688 = tpu.vector_load %arg18[%get3A_686, %get3A_687] {strides = array<i32>} : memref<128x128xf32, #tpu.memory_space<vmem>>, vector<1x16xf32>,
        %get3A_689 = vector.shape_cast %get3A_688 : vector<1x16xf32> to vector<16xf32>
        %get3A_690 = arith.constant 38 : i32
        %get3A_691 = arith.index_cast %get3A_690 : i32 to index
        %get3A_692 = arith.constant 0 : index
        %get3A_693 = tpu.vector_load %arg17[%get3A_691, %get3A_692] {strides = array<i32>} : memref<128x128xf32, #tpu.memory_space<vmem>>, vector<1x16xf32>,
        %get3A_694 = vector.shape_cast %get3A_693 : vector<1x16xf32> to vector<16xf32>
        %sub3A_695 = arith.subf %get3A_689, %get3A_694 : vector<16xf32>
        %swap3A_696 = arith.constant 38 : i32
        %swap3A_697 = arith.index_cast %swap3A_696 : i32 to index
        %swap3A_698 = arith.constant 0 : index
        %swap3A_699 = tpu.vector_load %arg19[%swap3A_697, %swap3A_698] {strides = array<i32>} : memref<128x16xf32, #tpu.memory_space<vmem>>, vector<1x16xf32>,
        %swap3A_700 = vector.shape_cast %swap3A_699 : vector<1x16xf32> to vector<16xf32>
        %swap3A_701 = vector.shape_cast %sub3A_695 : vector<16xf32> to vector<1x16xf32>
        tpu.vector_store %arg19[%swap3A_697, %swap3A_698], %swap3A_701 {strides = array<i32>} : memref<128x16xf32, #tpu.memory_space<vmem>>, vector<1x16xf32>,
        %get3A_702 = arith.constant 39 : i32
        %get3A_703 = arith.index_cast %get3A_702 : i32 to index
        %get3A_704 = arith.constant 0 : index
        %get3A_705 = tpu.vector_load %arg18[%get3A_703, %get3A_704] {strides = array<i32>} : memref<128x128xf32, #tpu.memory_space<vmem>>, vector<1x16xf32>,
        %get3A_706 = vector.shape_cast %get3A_705 : vector<1x16xf32> to vector<16xf32>
        %get3A_707 = arith.constant 39 : i32
        %get3A_708 = arith.index_cast %get3A_707 : i32 to index
        %get3A_709 = arith.constant 0 : index
        %get3A_710 = tpu.vector_load %arg17[%get3A_708, %get3A_709] {strides = array<i32>} : memref<128x128xf32, #tpu.memory_space<vmem>>, vector<1x16xf32>,
        %get3A_711 = vector.shape_cast %get3A_710 : vector<1x16xf32> to vector<16xf32>
        %sub3A_712 = arith.subf %get3A_706, %get3A_711 : vector<16xf32>
        %swap3A_713 = arith.constant 39 : i32
        %swap3A_714 = arith.index_cast %swap3A_713 : i32 to index
        %swap3A_715 = arith.constant 0 : index
        %swap3A_716 = tpu.vector_load %arg19[%swap3A_714, %swap3A_715] {strides = array<i32>} : memref<128x16xf32, #tpu.memory_space<vmem>>, vector<1x16xf32>,
        %swap3A_717 = vector.shape_cast %swap3A_716 : vector<1x16xf32> to vector<16xf32>
        %swap3A_718 = vector.shape_cast %sub3A_712 : vector<16xf32> to vector<1x16xf32>
        tpu.vector_store %arg19[%swap3A_714, %swap3A_715], %swap3A_718 {strides = array<i32>} : memref<128x16xf32, #tpu.memory_space<vmem>>, vector<1x16xf32>,
        %get3A_719 = arith.constant 40 : i32
        %get3A_720 = arith.index_cast %get3A_719 : i32 to index
        %get3A_721 = arith.constant 0 : index
        %get3A_722 = tpu.vector_load %arg18[%get3A_720, %get3A_721] {strides = array<i32>} : memref<128x128xf32, #tpu.memory_space<vmem>>, vector<1x16xf32>,
        %get3A_723 = vector.shape_cast %get3A_722 : vector<1x16xf32> to vector<16xf32>
        %get3A_724 = arith.constant 40 : i32
        %get3A_725 = arith.index_cast %get3A_724 : i32 to index
        %get3A_726 = arith.constant 0 : index
        %get3A_727 = tpu.vector_load %arg17[%get3A_725, %get3A_726] {strides = array<i32>} : memref<128x128xf32, #tpu.memory_space<vmem>>, vector<1x16xf32>,
        %get3A_728 = vector.shape_cast %get3A_727 : vector<1x16xf32> to vector<16xf32>
        %sub3A_729 = arith.subf %get3A_723, %get3A_728 : vector<16xf32>
        %swap3A_730 = arith.constant 40 : i32
        %swap3A_731 = arith.index_cast %swap3A_730 : i32 to index
        %swap3A_732 = arith.constant 0 : index
        %swap3A_733 = tpu.vector_load %arg19[%swap3A_731, %swap3A_732] {strides = array<i32>} : memref<128x16xf32, #tpu.memory_space<vmem>>, vector<1x16xf32>,
        %swap3A_734 = vector.shape_cast %swap3A_733 : vector<1x16xf32> to vector<16xf32>
        %swap3A_735 = vector.shape_cast %sub3A_729 : vector<16xf32> to vector<1x16xf32>
        tpu.vector_store %arg19[%swap3A_731, %swap3A_732], %swap3A_735 {strides = array<i32>} : memref<128x16xf32, #tpu.memory_space<vmem>>, vector<1x16xf32>,
        %get3A_736 = arith.constant 41 : i32
        %get3A_737 = arith.index_cast %get3A_736 : i32 to index
        %get3A_738 = arith.constant 0 : index
        %get3A_739 = tpu.vector_load %arg18[%get3A_737, %get3A_738] {strides = array<i32>} : memref<128x128xf32, #tpu.memory_space<vmem>>, vector<1x16xf32>,
        %get3A_740 = vector.shape_cast %get3A_739 : vector<1x16xf32> to vector<16xf32>
        %get3A_741 = arith.constant 41 : i32
        %get3A_742 = arith.index_cast %get3A_741 : i32 to index
        %get3A_743 = arith.constant 0 : index
        %get3A_744 = tpu.vector_load %arg17[%get3A_742, %get3A_743] {strides = array<i32>} : memref<128x128xf32, #tpu.memory_space<vmem>>, vector<1x16xf32>,
        %get3A_745 = vector.shape_cast %get3A_744 : vector<1x16xf32> to vector<16xf32>
        %sub3A_746 = arith.subf %get3A_740, %get3A_745 : vector<16xf32>
        %swap3A_747 = arith.constant 41 : i32
        %swap3A_748 = arith.index_cast %swap3A_747 : i32 to index
        %swap3A_749 = arith.constant 0 : index
        %swap3A_750 = tpu.vector_load %arg19[%swap3A_748, %swap3A_749] {strides = array<i32>} : memref<128x16xf32, #tpu.memory_space<vmem>>, vector<1x16xf32>,
        %swap3A_751 = vector.shape_cast %swap3A_750 : vector<1x16xf32> to vector<16xf32>
        %swap3A_752 = vector.shape_cast %sub3A_746 : vector<16xf32> to vector<1x16xf32>
        tpu.vector_store %arg19[%swap3A_748, %swap3A_749], %swap3A_752 {strides = array<i32>} : memref<128x16xf32, #tpu.memory_space<vmem>>, vector<1x16xf32>,
        %get3A_753 = arith.constant 42 : i32
        %get3A_754 = arith.index_cast %get3A_753 : i32 to index
        %get3A_755 = arith.constant 0 : index
        %get3A_756 = tpu.vector_load %arg18[%get3A_754, %get3A_755] {strides = array<i32>} : memref<128x128xf32, #tpu.memory_space<vmem>>, vector<1x16xf32>,
        %get3A_757 = vector.shape_cast %get3A_756 : vector<1x16xf32> to vector<16xf32>
        %get3A_758 = arith.constant 42 : i32
        %get3A_759 = arith.index_cast %get3A_758 : i32 to index
        %get3A_760 = arith.constant 0 : index
        %get3A_761 = tpu.vector_load %arg17[%get3A_759, %get3A_760] {strides = array<i32>} : memref<128x128xf32, #tpu.memory_space<vmem>>, vector<1x16xf32>,
        %get3A_762 = vector.shape_cast %get3A_761 : vector<1x16xf32> to vector<16xf32>
        %sub3A_763 = arith.subf %get3A_757, %get3A_762 : vector<16xf32>
        %swap3A_764 = arith.constant 42 : i32
        %swap3A_765 = arith.index_cast %swap3A_764 : i32 to index
        %swap3A_766 = arith.constant 0 : index
        %swap3A_767 = tpu.vector_load %arg19[%swap3A_765, %swap3A_766] {strides = array<i32>} : memref<128x16xf32, #tpu.memory_space<vmem>>, vector<1x16xf32>,
        %swap3A_768 = vector.shape_cast %swap3A_767 : vector<1x16xf32> to vector<16xf32>
        %swap3A_769 = vector.shape_cast %sub3A_763 : vector<16xf32> to vector<1x16xf32>
        tpu.vector_store %arg19[%swap3A_765, %swap3A_766], %swap3A_769 {strides = array<i32>} : memref<128x16xf32, #tpu.memory_space<vmem>>, vector<1x16xf32>,
        %get3A_770 = arith.constant 43 : i32
        %get3A_771 = arith.index_cast %get3A_770 : i32 to index
        %get3A_772 = arith.constant 0 : index
        %get3A_773 = tpu.vector_load %arg18[%get3A_771, %get3A_772] {strides = array<i32>} : memref<128x128xf32, #tpu.memory_space<vmem>>, vector<1x16xf32>,
        %get3A_774 = vector.shape_cast %get3A_773 : vector<1x16xf32> to vector<16xf32>
        %get3A_775 = arith.constant 43 : i32
        %get3A_776 = arith.index_cast %get3A_775 : i32 to index
        %get3A_777 = arith.constant 0 : index
        %get3A_778 = tpu.vector_load %arg17[%get3A_776, %get3A_777] {strides = array<i32>} : memref<128x128xf32, #tpu.memory_space<vmem>>, vector<1x16xf32>,
        %get3A_779 = vector.shape_cast %get3A_778 : vector<1x16xf32> to vector<16xf32>
        %sub3A_780 = arith.subf %get3A_774, %get3A_779 : vector<16xf32>
        %swap3A_781 = arith.constant 43 : i32
        %swap3A_782 = arith.index_cast %swap3A_781 : i32 to index
        %swap3A_783 = arith.constant 0 : index
        %swap3A_784 = tpu.vector_load %arg19[%swap3A_782, %swap3A_783] {strides = array<i32>} : memref<128x16xf32, #tpu.memory_space<vmem>>, vector<1x16xf32>,
        %swap3A_785 = vector.shape_cast %swap3A_784 : vector<1x16xf32> to vector<16xf32>
        %swap3A_786 = vector.shape_cast %sub3A_780 : vector<16xf32> to vector<1x16xf32>
        tpu.vector_store %arg19[%swap3A_782, %swap3A_783], %swap3A_786 {strides = array<i32>} : memref<128x16xf32, #tpu.memory_space<vmem>>, vector<1x16xf32>,
        %get3A_787 = arith.constant 44 : i32
        %get3A_788 = arith.index_cast %get3A_787 : i32 to index
        %get3A_789 = arith.constant 0 : index
        %get3A_790 = tpu.vector_load %arg18[%get3A_788, %get3A_789] {strides = array<i32>} : memref<128x128xf32, #tpu.memory_space<vmem>>, vector<1x16xf32>,
        %get3A_791 = vector.shape_cast %get3A_790 : vector<1x16xf32> to vector<16xf32>
        %get3A_792 = arith.constant 44 : i32
        %get3A_793 = arith.index_cast %get3A_792 : i32 to index
        %get3A_794 = arith.constant 0 : index
        %get3A_795 = tpu.vector_load %arg17[%get3A_793, %get3A_794] {strides = array<i32>} : memref<128x128xf32, #tpu.memory_space<vmem>>, vector<1x16xf32>,
        %get3A_796 = vector.shape_cast %get3A_795 : vector<1x16xf32> to vector<16xf32>
        %sub3A_797 = arith.subf %get3A_791, %get3A_796 : vector<16xf32>
        %swap3A_798 = arith.constant 44 : i32
        %swap3A_799 = arith.index_cast %swap3A_798 : i32 to index
        %swap3A_800 = arith.constant 0 : index
        %swap3A_801 = tpu.vector_load %arg19[%swap3A_799, %swap3A_800] {strides = array<i32>} : memref<128x16xf32, #tpu.memory_space<vmem>>, vector<1x16xf32>,
        %swap3A_802 = vector.shape_cast %swap3A_801 : vector<1x16xf32> to vector<16xf32>
        %swap3A_803 = vector.shape_cast %sub3A_797 : vector<16xf32> to vector<1x16xf32>
        tpu.vector_store %arg19[%swap3A_799, %swap3A_800], %swap3A_803 {strides = array<i32>} : memref<128x16xf32, #tpu.memory_space<vmem>>, vector<1x16xf32>,
        %get3A_804 = arith.constant 45 : i32
        %get3A_805 = arith.index_cast %get3A_804 : i32 to index
        %get3A_806 = arith.constant 0 : index
        %get3A_807 = tpu.vector_load %arg18[%get3A_805, %get3A_806] {strides = array<i32>} : memref<128x128xf32, #tpu.memory_space<vmem>>, vector<1x16xf32>,
        %get3A_808 = vector.shape_cast %get3A_807 : vector<1x16xf32> to vector<16xf32>
        %get3A_809 = arith.constant 45 : i32
        %get3A_810 = arith.index_cast %get3A_809 : i32 to index
        %get3A_811 = arith.constant 0 : index
        %get3A_812 = tpu.vector_load %arg17[%get3A_810, %get3A_811] {strides = array<i32>} : memref<128x128xf32, #tpu.memory_space<vmem>>, vector<1x16xf32>,
        %get3A_813 = vector.shape_cast %get3A_812 : vector<1x16xf32> to vector<16xf32>
        %sub3A_814 = arith.subf %get3A_808, %get3A_813 : vector<16xf32>
        %swap3A_815 = arith.constant 45 : i32
        %swap3A_816 = arith.index_cast %swap3A_815 : i32 to index
        %swap3A_817 = arith.constant 0 : index
        %swap3A_818 = tpu.vector_load %arg19[%swap3A_816, %swap3A_817] {strides = array<i32>} : memref<128x16xf32, #tpu.memory_space<vmem>>, vector<1x16xf32>,
        %swap3A_819 = vector.shape_cast %swap3A_818 : vector<1x16xf32> to vector<16xf32>
        %swap3A_820 = vector.shape_cast %sub3A_814 : vector<16xf32> to vector<1x16xf32>
        tpu.vector_store %arg19[%swap3A_816, %swap3A_817], %swap3A_820 {strides = array<i32>} : memref<128x16xf32, #tpu.memory_space<vmem>>, vector<1x16xf32>,
        %get3A_821 = arith.constant 46 : i32
        %get3A_822 = arith.index_cast %get3A_821 : i32 to index
        %get3A_823 = arith.constant 0 : index
        %get3A_824 = tpu.vector_load %arg18[%get3A_822, %get3A_823] {strides = array<i32>} : memref<128x128xf32, #tpu.memory_space<vmem>>, vector<1x16xf32>,
        %get3A_825 = vector.shape_cast %get3A_824 : vector<1x16xf32> to vector<16xf32>
        %get3A_826 = arith.constant 46 : i32
        %get3A_827 = arith.index_cast %get3A_826 : i32 to index
        %get3A_828 = arith.constant 0 : index
        %get3A_829 = tpu.vector_load %arg17[%get3A_827, %get3A_828] {strides = array<i32>} : memref<128x128xf32, #tpu.memory_space<vmem>>, vector<1x16xf32>,
        %get3A_830 = vector.shape_cast %get3A_829 : vector<1x16xf32> to vector<16xf32>
        %sub3A_831 = arith.subf %get3A_825, %get3A_830 : vector<16xf32>
        %swap3A_832 = arith.constant 46 : i32
        %swap3A_833 = arith.index_cast %swap3A_832 : i32 to index
        %swap3A_834 = arith.constant 0 : index
        %swap3A_835 = tpu.vector_load %arg19[%swap3A_833, %swap3A_834] {strides = array<i32>} : memref<128x16xf32, #tpu.memory_space<vmem>>, vector<1x16xf32>,
        %swap3A_836 = vector.shape_cast %swap3A_835 : vector<1x16xf32> to vector<16xf32>
        %swap3A_837 = vector.shape_cast %sub3A_831 : vector<16xf32> to vector<1x16xf32>
        tpu.vector_store %arg19[%swap3A_833, %swap3A_834], %swap3A_837 {strides = array<i32>} : memref<128x16xf32, #tpu.memory_space<vmem>>, vector<1x16xf32>,
        %get3A_838 = arith.constant 47 : i32
        %get3A_839 = arith.index_cast %get3A_838 : i32 to index
        %get3A_840 = arith.constant 0 : index
        %get3A_841 = tpu.vector_load %arg18[%get3A_839, %get3A_840] {strides = array<i32>} : memref<128x128xf32, #tpu.memory_space<vmem>>, vector<1x16xf32>,
        %get3A_842 = vector.shape_cast %get3A_841 : vector<1x16xf32> to vector<16xf32>
        %get3A_843 = arith.constant 47 : i32
        %get3A_844 = arith.index_cast %get3A_843 : i32 to index
        %get3A_845 = arith.constant 0 : index
        %get3A_846 = tpu.vector_load %arg17[%get3A_844, %get3A_845] {strides = array<i32>} : memref<128x128xf32, #tpu.memory_space<vmem>>, vector<1x16xf32>,
        %get3A_847 = vector.shape_cast %get3A_846 : vector<1x16xf32> to vector<16xf32>
        %sub3A_848 = arith.subf %get3A_842, %get3A_847 : vector<16xf32>
        %swap3A_849 = arith.constant 47 : i32
        %swap3A_850 = arith.index_cast %swap3A_849 : i32 to index
        %swap3A_851 = arith.constant 0 : index
        %swap3A_852 = tpu.vector_load %arg19[%swap3A_850, %swap3A_851] {strides = array<i32>} : memref<128x16xf32, #tpu.memory_space<vmem>>, vector<1x16xf32>,
        %swap3A_853 = vector.shape_cast %swap3A_852 : vector<1x16xf32> to vector<16xf32>
        %swap3A_854 = vector.shape_cast %sub3A_848 : vector<16xf32> to vector<1x16xf32>
        tpu.vector_store %arg19[%swap3A_850, %swap3A_851], %swap3A_854 {strides = array<i32>} : memref<128x16xf32, #tpu.memory_space<vmem>>, vector<1x16xf32>,
        %get3A_855 = arith.constant 48 : i32
        %get3A_856 = arith.index_cast %get3A_855 : i32 to index
        %get3A_857 = arith.constant 0 : index
        %get3A_858 = tpu.vector_load %arg18[%get3A_856, %get3A_857] {strides = array<i32>} : memref<128x128xf32, #tpu.memory_space<vmem>>, vector<1x16xf32>,
        %get3A_859 = vector.shape_cast %get3A_858 : vector<1x16xf32> to vector<16xf32>
        %get3A_860 = arith.constant 48 : i32
        %get3A_861 = arith.index_cast %get3A_860 : i32 to index
        %get3A_862 = arith.constant 0 : index
        %get3A_863 = tpu.vector_load %arg17[%get3A_861, %get3A_862] {strides = array<i32>} : memref<128x128xf32, #tpu.memory_space<vmem>>, vector<1x16xf32>,
        %get3A_864 = vector.shape_cast %get3A_863 : vector<1x16xf32> to vector<16xf32>
        %sub3A_865 = arith.subf %get3A_859, %get3A_864 : vector<16xf32>
        %swap3A_866 = arith.constant 48 : i32
        %swap3A_867 = arith.index_cast %swap3A_866 : i32 to index
        %swap3A_868 = arith.constant 0 : index
        %swap3A_869 = tpu.vector_load %arg19[%swap3A_867, %swap3A_868] {strides = array<i32>} : memref<128x16xf32, #tpu.memory_space<vmem>>, vector<1x16xf32>,
        %swap3A_870 = vector.shape_cast %swap3A_869 : vector<1x16xf32> to vector<16xf32>
        %swap3A_871 = vector.shape_cast %sub3A_865 : vector<16xf32> to vector<1x16xf32>
        tpu.vector_store %arg19[%swap3A_867, %swap3A_868], %swap3A_871 {strides = array<i32>} : memref<128x16xf32, #tpu.memory_space<vmem>>, vector<1x16xf32>,
        %get3A_872 = arith.constant 49 : i32
        %get3A_873 = arith.index_cast %get3A_872 : i32 to index
        %get3A_874 = arith.constant 0 : index
        %get3A_875 = tpu.vector_load %arg18[%get3A_873, %get3A_874] {strides = array<i32>} : memref<128x128xf32, #tpu.memory_space<vmem>>, vector<1x16xf32>,
        %get3A_876 = vector.shape_cast %get3A_875 : vector<1x16xf32> to vector<16xf32>
        %get3A_877 = arith.constant 49 : i32
        %get3A_878 = arith.index_cast %get3A_877 : i32 to index
        %get3A_879 = arith.constant 0 : index
        %get3A_880 = tpu.vector_load %arg17[%get3A_878, %get3A_879] {strides = array<i32>} : memref<128x128xf32, #tpu.memory_space<vmem>>, vector<1x16xf32>,
        %get3A_881 = vector.shape_cast %get3A_880 : vector<1x16xf32> to vector<16xf32>
        %sub3A_882 = arith.subf %get3A_876, %get3A_881 : vector<16xf32>
        %swap3A_883 = arith.constant 49 : i32
        %swap3A_884 = arith.index_cast %swap3A_883 : i32 to index
        %swap3A_885 = arith.constant 0 : index
        %swap3A_886 = tpu.vector_load %arg19[%swap3A_884, %swap3A_885] {strides = array<i32>} : memref<128x16xf32, #tpu.memory_space<vmem>>, vector<1x16xf32>,
        %swap3A_887 = vector.shape_cast %swap3A_886 : vector<1x16xf32> to vector<16xf32>
        %swap3A_888 = vector.shape_cast %sub3A_882 : vector<16xf32> to vector<1x16xf32>
        tpu.vector_store %arg19[%swap3A_884, %swap3A_885], %swap3A_888 {strides = array<i32>} : memref<128x16xf32, #tpu.memory_space<vmem>>, vector<1x16xf32>,
        %get3A_889 = arith.constant 50 : i32
        %get3A_890 = arith.index_cast %get3A_889 : i32 to index
        %get3A_891 = arith.constant 0 : index
        %get3A_892 = tpu.vector_load %arg18[%get3A_890, %get3A_891] {strides = array<i32>} : memref<128x128xf32, #tpu.memory_space<vmem>>, vector<1x16xf32>,
        %get3A_893 = vector.shape_cast %get3A_892 : vector<1x16xf32> to vector<16xf32>
        %get3A_894 = arith.constant 50 : i32
        %get3A_895 = arith.index_cast %get3A_894 : i32 to index
        %get3A_896 = arith.constant 0 : index
        %get3A_897 = tpu.vector_load %arg17[%get3A_895, %get3A_896] {strides = array<i32>} : memref<128x128xf32, #tpu.memory_space<vmem>>, vector<1x16xf32>,
        %get3A_898 = vector.shape_cast %get3A_897 : vector<1x16xf32> to vector<16xf32>
        %sub3A_899 = arith.subf %get3A_893, %get3A_898 : vector<16xf32>
        %swap3A_900 = arith.constant 50 : i32
        %swap3A_901 = arith.index_cast %swap3A_900 : i32 to index
        %swap3A_902 = arith.constant 0 : index
        %swap3A_903 = tpu.vector_load %arg19[%swap3A_901, %swap3A_902] {strides = array<i32>} : memref<128x16xf32, #tpu.memory_space<vmem>>, vector<1x16xf32>,
        %swap3A_904 = vector.shape_cast %swap3A_903 : vector<1x16xf32> to vector<16xf32>
        %swap3A_905 = vector.shape_cast %sub3A_899 : vector<16xf32> to vector<1x16xf32>
        tpu.vector_store %arg19[%swap3A_901, %swap3A_902], %swap3A_905 {strides = array<i32>} : memref<128x16xf32, #tpu.memory_space<vmem>>, vector<1x16xf32>,
        %get3A_906 = arith.constant 51 : i32
        %get3A_907 = arith.index_cast %get3A_906 : i32 to index
        %get3A_908 = arith.constant 0 : index
        %get3A_909 = tpu.vector_load %arg18[%get3A_907, %get3A_908] {strides = array<i32>} : memref<128x128xf32, #tpu.memory_space<vmem>>, vector<1x16xf32>,
        %get3A_910 = vector.shape_cast %get3A_909 : vector<1x16xf32> to vector<16xf32>
        %get3A_911 = arith.constant 51 : i32
        %get3A_912 = arith.index_cast %get3A_911 : i32 to index
        %get3A_913 = arith.constant 0 : index
        %get3A_914 = tpu.vector_load %arg17[%get3A_912, %get3A_913] {strides = array<i32>} : memref<128x128xf32, #tpu.memory_space<vmem>>, vector<1x16xf32>,
        %get3A_915 = vector.shape_cast %get3A_914 : vector<1x16xf32> to vector<16xf32>
        %sub3A_916 = arith.subf %get3A_910, %get3A_915 : vector<16xf32>
        %swap3A_917 = arith.constant 51 : i32
        %swap3A_918 = arith.index_cast %swap3A_917 : i32 to index
        %swap3A_919 = arith.constant 0 : index
        %swap3A_920 = tpu.vector_load %arg19[%swap3A_918, %swap3A_919] {strides = array<i32>} : memref<128x16xf32, #tpu.memory_space<vmem>>, vector<1x16xf32>,
        %swap3A_921 = vector.shape_cast %swap3A_920 : vector<1x16xf32> to vector<16xf32>
        %swap3A_922 = vector.shape_cast %sub3A_916 : vector<16xf32> to vector<1x16xf32>
        tpu.vector_store %arg19[%swap3A_918, %swap3A_919], %swap3A_922 {strides = array<i32>} : memref<128x16xf32, #tpu.memory_space<vmem>>, vector<1x16xf32>,
        %get3A_923 = arith.constant 52 : i32
        %get3A_924 = arith.index_cast %get3A_923 : i32 to index
        %get3A_925 = arith.constant 0 : index
        %get3A_926 = tpu.vector_load %arg18[%get3A_924, %get3A_925] {strides = array<i32>} : memref<128x128xf32, #tpu.memory_space<vmem>>, vector<1x16xf32>,
        %get3A_927 = vector.shape_cast %get3A_926 : vector<1x16xf32> to vector<16xf32>
        %get3A_928 = arith.constant 52 : i32
        %get3A_929 = arith.index_cast %get3A_928 : i32 to index
        %get3A_930 = arith.constant 0 : index
        %get3A_931 = tpu.vector_load %arg17[%get3A_929, %get3A_930] {strides = array<i32>} : memref<128x128xf32, #tpu.memory_space<vmem>>, vector<1x16xf32>,
        %get3A_932 = vector.shape_cast %get3A_931 : vector<1x16xf32> to vector<16xf32>
        %sub3A_933 = arith.subf %get3A_927, %get3A_932 : vector<16xf32>
        %swap3A_934 = arith.constant 52 : i32
        %swap3A_935 = arith.index_cast %swap3A_934 : i32 to index
        %swap3A_936 = arith.constant 0 : index
        %swap3A_937 = tpu.vector_load %arg19[%swap3A_935, %swap3A_936] {strides = array<i32>} : memref<128x16xf32, #tpu.memory_space<vmem>>, vector<1x16xf32>,
        %swap3A_938 = vector.shape_cast %swap3A_937 : vector<1x16xf32> to vector<16xf32>
        %swap3A_939 = vector.shape_cast %sub3A_933 : vector<16xf32> to vector<1x16xf32>
        tpu.vector_store %arg19[%swap3A_935, %swap3A_936], %swap3A_939 {strides = array<i32>} : memref<128x16xf32, #tpu.memory_space<vmem>>, vector<1x16xf32>,
        %get3A_940 = arith.constant 53 : i32
        %get3A_941 = arith.index_cast %get3A_940 : i32 to index
        %get3A_942 = arith.constant 0 : index
        %get3A_943 = tpu.vector_load %arg18[%get3A_941, %get3A_942] {strides = array<i32>} : memref<128x128xf32, #tpu.memory_space<vmem>>, vector<1x16xf32>,
        %get3A_944 = vector.shape_cast %get3A_943 : vector<1x16xf32> to vector<16xf32>
        %get3A_945 = arith.constant 53 : i32
        %get3A_946 = arith.index_cast %get3A_945 : i32 to index
        %get3A_947 = arith.constant 0 : index
        %get3A_948 = tpu.vector_load %arg17[%get3A_946, %get3A_947] {strides = array<i32>} : memref<128x128xf32, #tpu.memory_space<vmem>>, vector<1x16xf32>,
        %get3A_949 = vector.shape_cast %get3A_948 : vector<1x16xf32> to vector<16xf32>
        %sub3A_950 = arith.subf %get3A_944, %get3A_949 : vector<16xf32>
        %swap3A_951 = arith.constant 53 : i32
        %swap3A_952 = arith.index_cast %swap3A_951 : i32 to index
        %swap3A_953 = arith.constant 0 : index
        %swap3A_954 = tpu.vector_load %arg19[%swap3A_952, %swap3A_953] {strides = array<i32>} : memref<128x16xf32, #tpu.memory_space<vmem>>, vector<1x16xf32>,
        %swap3A_955 = vector.shape_cast %swap3A_954 : vector<1x16xf32> to vector<16xf32>
        %swap3A_956 = vector.shape_cast %sub3A_950 : vector<16xf32> to vector<1x16xf32>
        tpu.vector_store %arg19[%swap3A_952, %swap3A_953], %swap3A_956 {strides = array<i32>} : memref<128x16xf32, #tpu.memory_space<vmem>>, vector<1x16xf32>,
        %get3A_957 = arith.constant 54 : i32
        %get3A_958 = arith.index_cast %get3A_957 : i32 to index
        %get3A_959 = arith.constant 0 : index
        %get3A_960 = tpu.vector_load %arg18[%get3A_958, %get3A_959] {strides = array<i32>} : memref<128x128xf32, #tpu.memory_space<vmem>>, vector<1x16xf32>,
        %get3A_961 = vector.shape_cast %get3A_960 : vector<1x16xf32> to vector<16xf32>
        %get3A_962 = arith.constant 54 : i32
        %get3A_963 = arith.index_cast %get3A_962 : i32 to index
        %get3A_964 = arith.constant 0 : index
        %get3A_965 = tpu.vector_load %arg17[%get3A_963, %get3A_964] {strides = array<i32>} : memref<128x128xf32, #tpu.memory_space<vmem>>, vector<1x16xf32>,
        %get3A_966 = vector.shape_cast %get3A_965 : vector<1x16xf32> to vector<16xf32>
        %sub3A_967 = arith.subf %get3A_961, %get3A_966 : vector<16xf32>
        %swap3A_968 = arith.constant 54 : i32
        %swap3A_969 = arith.index_cast %swap3A_968 : i32 to index
        %swap3A_970 = arith.constant 0 : index
        %swap3A_971 = tpu.vector_load %arg19[%swap3A_969, %swap3A_970] {strides = array<i32>} : memref<128x16xf32, #tpu.memory_space<vmem>>, vector<1x16xf32>,
        %swap3A_972 = vector.shape_cast %swap3A_971 : vector<1x16xf32> to vector<16xf32>
        %swap3A_973 = vector.shape_cast %sub3A_967 : vector<16xf32> to vector<1x16xf32>
        tpu.vector_store %arg19[%swap3A_969, %swap3A_970], %swap3A_973 {strides = array<i32>} : memref<128x16xf32, #tpu.memory_space<vmem>>, vector<1x16xf32>,
        %get3A_974 = arith.constant 55 : i32
        %get3A_975 = arith.index_cast %get3A_974 : i32 to index
        %get3A_976 = arith.constant 0 : index
        %get3A_977 = tpu.vector_load %arg18[%get3A_975, %get3A_976] {strides = array<i32>} : memref<128x128xf32, #tpu.memory_space<vmem>>, vector<1x16xf32>,
        %get3A_978 = vector.shape_cast %get3A_977 : vector<1x16xf32> to vector<16xf32>
        %get3A_979 = arith.constant 55 : i32
        %get3A_980 = arith.index_cast %get3A_979 : i32 to index
        %get3A_981 = arith.constant 0 : index
        %get3A_982 = tpu.vector_load %arg17[%get3A_980, %get3A_981] {strides = array<i32>} : memref<128x128xf32, #tpu.memory_space<vmem>>, vector<1x16xf32>,
        %get3A_983 = vector.shape_cast %get3A_982 : vector<1x16xf32> to vector<16xf32>
        %sub3A_984 = arith.subf %get3A_978, %get3A_983 : vector<16xf32>
        %swap3A_985 = arith.constant 55 : i32
        %swap3A_986 = arith.index_cast %swap3A_985 : i32 to index
        %swap3A_987 = arith.constant 0 : index
        %swap3A_988 = tpu.vector_load %arg19[%swap3A_986, %swap3A_987] {strides = array<i32>} : memref<128x16xf32, #tpu.memory_space<vmem>>, vector<1x16xf32>,
        %swap3A_989 = vector.shape_cast %swap3A_988 : vector<1x16xf32> to vector<16xf32>
        %swap3A_990 = vector.shape_cast %sub3A_984 : vector<16xf32> to vector<1x16xf32>
        tpu.vector_store %arg19[%swap3A_986, %swap3A_987], %swap3A_990 {strides = array<i32>} : memref<128x16xf32, #tpu.memory_space<vmem>>, vector<1x16xf32>,
        %get3A_991 = arith.constant 56 : i32
        %get3A_992 = arith.index_cast %get3A_991 : i32 to index
        %get3A_993 = arith.constant 0 : index
        %get3A_994 = tpu.vector_load %arg18[%get3A_992, %get3A_993] {strides = array<i32>} : memref<128x128xf32, #tpu.memory_space<vmem>>, vector<1x16xf32>,
        %get3A_995 = vector.shape_cast %get3A_994 : vector<1x16xf32> to vector<16xf32>
        %get3A_996 = arith.constant 56 : i32
        %get3A_997 = arith.index_cast %get3A_996 : i32 to index
        %get3A_998 = arith.constant 0 : index
        %get3A_999 = tpu.vector_load %arg17[%get3A_997, %get3A_998] {strides = array<i32>} : memref<128x128xf32, #tpu.memory_space<vmem>>, vector<1x16xf32>,
        %get3A_1000 = vector.shape_cast %get3A_999 : vector<1x16xf32> to vector<16xf32>
        %sub3A_1001 = arith.subf %get3A_995, %get3A_1000 : vector<16xf32>
        %swap3A_1002 = arith.constant 56 : i32
        %swap3A_1003 = arith.index_cast %swap3A_1002 : i32 to index
        %swap3A_1004 = arith.constant 0 : index
        %swap3A_1005 = tpu.vector_load %arg19[%swap3A_1003, %swap3A_1004] {strides = array<i32>} : memref<128x16xf32, #tpu.memory_space<vmem>>, vector<1x16xf32>,
        %swap3A_1006 = vector.shape_cast %swap3A_1005 : vector<1x16xf32> to vector<16xf32>
        %swap3A_1007 = vector.shape_cast %sub3A_1001 : vector<16xf32> to vector<1x16xf32>
        tpu.vector_store %arg19[%swap3A_1003, %swap3A_1004], %swap3A_1007 {strides = array<i32>} : memref<128x16xf32, #tpu.memory_space<vmem>>, vector<1x16xf32>,
        %get3A_1008 = arith.constant 57 : i32
        %get3A_1009 = arith.index_cast %get3A_1008 : i32 to index
        %get3A_1010 = arith.constant 0 : index
        %get3A_1011 = tpu.vector_load %arg18[%get3A_1009, %get3A_1010] {strides = array<i32>} : memref<128x128xf32, #tpu.memory_space<vmem>>, vector<1x16xf32>,
        %get3A_1012 = vector.shape_cast %get3A_1011 : vector<1x16xf32> to vector<16xf32>
        %get3A_1013 = arith.constant 57 : i32
        %get3A_1014 = arith.index_cast %get3A_1013 : i32 to index
        %get3A_1015 = arith.constant 0 : index
        %get3A_1016 = tpu.vector_load %arg17[%get3A_1014, %get3A_1015] {strides = array<i32>} : memref<128x128xf32, #tpu.memory_space<vmem>>, vector<1x16xf32>,
        %get3A_1017 = vector.shape_cast %get3A_1016 : vector<1x16xf32> to vector<16xf32>
        %sub3A_1018 = arith.subf %get3A_1012, %get3A_1017 : vector<16xf32>
        %swap3A_1019 = arith.constant 57 : i32
        %swap3A_1020 = arith.index_cast %swap3A_1019 : i32 to index
        %swap3A_1021 = arith.constant 0 : index
        %swap3A_1022 = tpu.vector_load %arg19[%swap3A_1020, %swap3A_1021] {strides = array<i32>} : memref<128x16xf32, #tpu.memory_space<vmem>>, vector<1x16xf32>,
        %swap3A_1023 = vector.shape_cast %swap3A_1022 : vector<1x16xf32> to vector<16xf32>
        %swap3A_1024 = vector.shape_cast %sub3A_1018 : vector<16xf32> to vector<1x16xf32>
        tpu.vector_store %arg19[%swap3A_1020, %swap3A_1021], %swap3A_1024 {strides = array<i32>} : memref<128x16xf32, #tpu.memory_space<vmem>>, vector<1x16xf32>,
        %get3A_1025 = arith.constant 58 : i32
        %get3A_1026 = arith.index_cast %get3A_1025 : i32 to index
        %get3A_1027 = arith.constant 0 : index
        %get3A_1028 = tpu.vector_load %arg18[%get3A_1026, %get3A_1027] {strides = array<i32>} : memref<128x128xf32, #tpu.memory_space<vmem>>, vector<1x16xf32>,
        %get3A_1029 = vector.shape_cast %get3A_1028 : vector<1x16xf32> to vector<16xf32>
        %get3A_1030 = arith.constant 58 : i32
        %get3A_1031 = arith.index_cast %get3A_1030 : i32 to index
        %get3A_1032 = arith.constant 0 : index
        %get3A_1033 = tpu.vector_load %arg17[%get3A_1031, %get3A_1032] {strides = array<i32>} : memref<128x128xf32, #tpu.memory_space<vmem>>, vector<1x16xf32>,
        %get3A_1034 = vector.shape_cast %get3A_1033 : vector<1x16xf32> to vector<16xf32>
        %sub3A_1035 = arith.subf %get3A_1029, %get3A_1034 : vector<16xf32>
        %swap3A_1036 = arith.constant 58 : i32
        %swap3A_1037 = arith.index_cast %swap3A_1036 : i32 to index
        %swap3A_1038 = arith.constant 0 : index
        %swap3A_1039 = tpu.vector_load %arg19[%swap3A_1037, %swap3A_1038] {strides = array<i32>} : memref<128x16xf32, #tpu.memory_space<vmem>>, vector<1x16xf32>,
        %swap3A_1040 = vector.shape_cast %swap3A_1039 : vector<1x16xf32> to vector<16xf32>
        %swap3A_1041 = vector.shape_cast %sub3A_1035 : vector<16xf32> to vector<1x16xf32>
        tpu.vector_store %arg19[%swap3A_1037, %swap3A_1038], %swap3A_1041 {strides = array<i32>} : memref<128x16xf32, #tpu.memory_space<vmem>>, vector<1x16xf32>,
        %get3A_1042 = arith.constant 59 : i32
        %get3A_1043 = arith.index_cast %get3A_1042 : i32 to index
        %get3A_1044 = arith.constant 0 : index
        %get3A_1045 = tpu.vector_load %arg18[%get3A_1043, %get3A_1044] {strides = array<i32>} : memref<128x128xf32, #tpu.memory_space<vmem>>, vector<1x16xf32>,
        %get3A_1046 = vector.shape_cast %get3A_1045 : vector<1x16xf32> to vector<16xf32>
        %get3A_1047 = arith.constant 59 : i32
        %get3A_1048 = arith.index_cast %get3A_1047 : i32 to index
        %get3A_1049 = arith.constant 0 : index
        %get3A_1050 = tpu.vector_load %arg17[%get3A_1048, %get3A_1049] {strides = array<i32>} : memref<128x128xf32, #tpu.memory_space<vmem>>, vector<1x16xf32>,
        %get3A_1051 = vector.shape_cast %get3A_1050 : vector<1x16xf32> to vector<16xf32>
        %sub3A_1052 = arith.subf %get3A_1046, %get3A_1051 : vector<16xf32>
        %swap3A_1053 = arith.constant 59 : i32
        %swap3A_1054 = arith.index_cast %swap3A_1053 : i32 to index
        %swap3A_1055 = arith.constant 0 : index
        %swap3A_1056 = tpu.vector_load %arg19[%swap3A_1054, %swap3A_1055] {strides = array<i32>} : memref<128x16xf32, #tpu.memory_space<vmem>>, vector<1x16xf32>,
        %swap3A_1057 = vector.shape_cast %swap3A_1056 : vector<1x16xf32> to vector<16xf32>
        %swap3A_1058 = vector.shape_cast %sub3A_1052 : vector<16xf32> to vector<1x16xf32>
        tpu.vector_store %arg19[%swap3A_1054, %swap3A_1055], %swap3A_1058 {strides = array<i32>} : memref<128x16xf32, #tpu.memory_space<vmem>>, vector<1x16xf32>,
        %get3A_1059 = arith.constant 60 : i32
        %get3A_1060 = arith.index_cast %get3A_1059 : i32 to index
        %get3A_1061 = arith.constant 0 : index
        %get3A_1062 = tpu.vector_load %arg18[%get3A_1060, %get3A_1061] {strides = array<i32>} : memref<128x128xf32, #tpu.memory_space<vmem>>, vector<1x16xf32>,
        %get3A_1063 = vector.shape_cast %get3A_1062 : vector<1x16xf32> to vector<16xf32>
        %get3A_1064 = arith.constant 60 : i32
        %get3A_1065 = arith.index_cast %get3A_1064 : i32 to index
        %get3A_1066 = arith.constant 0 : index
        %get3A_1067 = tpu.vector_load %arg17[%get3A_1065, %get3A_1066] {strides = array<i32>} : memref<128x128xf32, #tpu.memory_space<vmem>>, vector<1x16xf32>,
        %get3A_1068 = vector.shape_cast %get3A_1067 : vector<1x16xf32> to vector<16xf32>
        %sub3A_1069 = arith.subf %get3A_1063, %get3A_1068 : vector<16xf32>
        %swap3A_1070 = arith.constant 60 : i32
        %swap3A_1071 = arith.index_cast %swap3A_1070 : i32 to index
        %swap3A_1072 = arith.constant 0 : index
        %swap3A_1073 = tpu.vector_load %arg19[%swap3A_1071, %swap3A_1072] {strides = array<i32>} : memref<128x16xf32, #tpu.memory_space<vmem>>, vector<1x16xf32>,
        %swap3A_1074 = vector.shape_cast %swap3A_1073 : vector<1x16xf32> to vector<16xf32>
        %swap3A_1075 = vector.shape_cast %sub3A_1069 : vector<16xf32> to vector<1x16xf32>
        tpu.vector_store %arg19[%swap3A_1071, %swap3A_1072], %swap3A_1075 {strides = array<i32>} : memref<128x16xf32, #tpu.memory_space<vmem>>, vector<1x16xf32>,
        %get3A_1076 = arith.constant 61 : i32
        %get3A_1077 = arith.index_cast %get3A_1076 : i32 to index
        %get3A_1078 = arith.constant 0 : index
        %get3A_1079 = tpu.vector_load %arg18[%get3A_1077, %get3A_1078] {strides = array<i32>} : memref<128x128xf32, #tpu.memory_space<vmem>>, vector<1x16xf32>,
        %get3A_1080 = vector.shape_cast %get3A_1079 : vector<1x16xf32> to vector<16xf32>
        %get3A_1081 = arith.constant 61 : i32
        %get3A_1082 = arith.index_cast %get3A_1081 : i32 to index
        %get3A_1083 = arith.constant 0 : index
        %get3A_1084 = tpu.vector_load %arg17[%get3A_1082, %get3A_1083] {strides = array<i32>} : memref<128x128xf32, #tpu.memory_space<vmem>>, vector<1x16xf32>,
        %get3A_1085 = vector.shape_cast %get3A_1084 : vector<1x16xf32> to vector<16xf32>
        %sub3A_1086 = arith.subf %get3A_1080, %get3A_1085 : vector<16xf32>
        %swap3A_1087 = arith.constant 61 : i32
        %swap3A_1088 = arith.index_cast %swap3A_1087 : i32 to index
        %swap3A_1089 = arith.constant 0 : index
        %swap3A_1090 = tpu.vector_load %arg19[%swap3A_1088, %swap3A_1089] {strides = array<i32>} : memref<128x16xf32, #tpu.memory_space<vmem>>, vector<1x16xf32>,
        %swap3A_1091 = vector.shape_cast %swap3A_1090 : vector<1x16xf32> to vector<16xf32>
        %swap3A_1092 = vector.shape_cast %sub3A_1086 : vector<16xf32> to vector<1x16xf32>
        tpu.vector_store %arg19[%swap3A_1088, %swap3A_1089], %swap3A_1092 {strides = array<i32>} : memref<128x16xf32, #tpu.memory_space<vmem>>, vector<1x16xf32>,
        %get3A_1093 = arith.constant 62 : i32
        %get3A_1094 = arith.index_cast %get3A_1093 : i32 to index
        %get3A_1095 = arith.constant 0 : index
        %get3A_1096 = tpu.vector_load %arg18[%get3A_1094, %get3A_1095] {strides = array<i32>} : memref<128x128xf32, #tpu.memory_space<vmem>>, vector<1x16xf32>,
        %get3A_1097 = vector.shape_cast %get3A_1096 : vector<1x16xf32> to vector<16xf32>
        %get3A_1098 = arith.constant 62 : i32
        %get3A_1099 = arith.index_cast %get3A_1098 : i32 to index
        %get3A_1100 = arith.constant 0 : index
        %get3A_1101 = tpu.vector_load %arg17[%get3A_1099, %get3A_1100] {strides = array<i32>} : memref<128x128xf32, #tpu.memory_space<vmem>>, vector<1x16xf32>,
        %get3A_1102 = vector.shape_cast %get3A_1101 : vector<1x16xf32> to vector<16xf32>
        %sub3A_1103 = arith.subf %get3A_1097, %get3A_1102 : vector<16xf32>
        %swap3A_1104 = arith.constant 62 : i32
        %swap3A_1105 = arith.index_cast %swap3A_1104 : i32 to index
        %swap3A_1106 = arith.constant 0 : index
        %swap3A_1107 = tpu.vector_load %arg19[%swap3A_1105, %swap3A_1106] {strides = array<i32>} : memref<128x16xf32, #tpu.memory_space<vmem>>, vector<1x16xf32>,
        %swap3A_1108 = vector.shape_cast %swap3A_1107 : vector<1x16xf32> to vector<16xf32>
        %swap3A_1109 = vector.shape_cast %sub3A_1103 : vector<16xf32> to vector<1x16xf32>
        tpu.vector_store %arg19[%swap3A_1105, %swap3A_1106], %swap3A_1109 {strides = array<i32>} : memref<128x16xf32, #tpu.memory_space<vmem>>, vector<1x16xf32>,
        %get3A_1110 = arith.constant 63 : i32
        %get3A_1111 = arith.index_cast %get3A_1110 : i32 to index
        %get3A_1112 = arith.constant 0 : index
        %get3A_1113 = tpu.vector_load %arg18[%get3A_1111, %get3A_1112] {strides = array<i32>} : memref<128x128xf32, #tpu.memory_space<vmem>>, vector<1x16xf32>,
        %get3A_1114 = vector.shape_cast %get3A_1113 : vector<1x16xf32> to vector<16xf32>
        %get3A_1115 = arith.constant 63 : i32
        %get3A_1116 = arith.index_cast %get3A_1115 : i32 to index
        %get3A_1117 = arith.constant 0 : index
        %get3A_1118 = tpu.vector_load %arg17[%get3A_1116, %get3A_1117] {strides = array<i32>} : memref<128x128xf32, #tpu.memory_space<vmem>>, vector<1x16xf32>,
        %get3A_1119 = vector.shape_cast %get3A_1118 : vector<1x16xf32> to vector<16xf32>
        %sub3A_1120 = arith.subf %get3A_1114, %get3A_1119 : vector<16xf32>
        %swap3A_1121 = arith.constant 63 : i32
        %swap3A_1122 = arith.index_cast %swap3A_1121 : i32 to index
        %swap3A_1123 = arith.constant 0 : index
        %swap3A_1124 = tpu.vector_load %arg19[%swap3A_1122, %swap3A_1123] {strides = array<i32>} : memref<128x16xf32, #tpu.memory_space<vmem>>, vector<1x16xf32>,
        %swap3A_1125 = vector.shape_cast %swap3A_1124 : vector<1x16xf32> to vector<16xf32>
        %swap3A_1126 = vector.shape_cast %sub3A_1120 : vector<16xf32> to vector<1x16xf32>
        tpu.vector_store %arg19[%swap3A_1122, %swap3A_1123], %swap3A_1126 {strides = array<i32>} : memref<128x16xf32, #tpu.memory_space<vmem>>, vector<1x16xf32>,
        %get3A_1127 = arith.constant 64 : i32
        %get3A_1128 = arith.index_cast %get3A_1127 : i32 to index
        %get3A_1129 = arith.constant 0 : index
        %get3A_1130 = tpu.vector_load %arg18[%get3A_1128, %get3A_1129] {strides = array<i32>} : memref<128x128xf32, #tpu.memory_space<vmem>>, vector<1x16xf32>,
        %get3A_1131 = vector.shape_cast %get3A_1130 : vector<1x16xf32> to vector<16xf32>
        %get3A_1132 = arith.constant 64 : i32
        %get3A_1133 = arith.index_cast %get3A_1132 : i32 to index
        %get3A_1134 = arith.constant 0 : index
        %get3A_1135 = tpu.vector_load %arg17[%get3A_1133, %get3A_1134] {strides = array<i32>} : memref<128x128xf32, #tpu.memory_space<vmem>>, vector<1x16xf32>,
        %get3A_1136 = vector.shape_cast %get3A_1135 : vector<1x16xf32> to vector<16xf32>
        %sub3A_1137 = arith.subf %get3A_1131, %get3A_1136 : vector<16xf32>
        %swap3A_1138 = arith.constant 64 : i32
        %swap3A_1139 = arith.index_cast %swap3A_1138 : i32 to index
        %swap3A_1140 = arith.constant 0 : index
        %swap3A_1141 = tpu.vector_load %arg19[%swap3A_1139, %swap3A_1140] {strides = array<i32>} : memref<128x16xf32, #tpu.memory_space<vmem>>, vector<1x16xf32>,
        %swap3A_1142 = vector.shape_cast %swap3A_1141 : vector<1x16xf32> to vector<16xf32>
        %swap3A_1143 = vector.shape_cast %sub3A_1137 : vector<16xf32> to vector<1x16xf32>
        tpu.vector_store %arg19[%swap3A_1139, %swap3A_1140], %swap3A_1143 {strides = array<i32>} : memref<128x16xf32, #tpu.memory_space<vmem>>, vector<1x16xf32>,
        %get3A_1144 = arith.constant 65 : i32
        %get3A_1145 = arith.index_cast %get3A_1144 : i32 to index
        %get3A_1146 = arith.constant 0 : index
        %get3A_1147 = tpu.vector_load %arg18[%get3A_1145, %get3A_1146] {strides = array<i32>} : memref<128x128xf32, #tpu.memory_space<vmem>>, vector<1x16xf32>,
        %get3A_1148 = vector.shape_cast %get3A_1147 : vector<1x16xf32> to vector<16xf32>
        %get3A_1149 = arith.constant 65 : i32
        %get3A_1150 = arith.index_cast %get3A_1149 : i32 to index
        %get3A_1151 = arith.constant 0 : index
        %get3A_1152 = tpu.vector_load %arg17[%get3A_1150, %get3A_1151] {strides = array<i32>} : memref<128x128xf32, #tpu.memory_space<vmem>>, vector<1x16xf32>,
        %get3A_1153 = vector.shape_cast %get3A_1152 : vector<1x16xf32> to vector<16xf32>
        %sub3A_1154 = arith.subf %get3A_1148, %get3A_1153 : vector<16xf32>
        %swap3A_1155 = arith.constant 65 : i32
        %swap3A_1156 = arith.index_cast %swap3A_1155 : i32 to index
        %swap3A_1157 = arith.constant 0 : index
        %swap3A_1158 = tpu.vector_load %arg19[%swap3A_1156, %swap3A_1157] {strides = array<i32>} : memref<128x16xf32, #tpu.memory_space<vmem>>, vector<1x16xf32>,
        %swap3A_1159 = vector.shape_cast %swap3A_1158 : vector<1x16xf32> to vector<16xf32>
        %swap3A_1160 = vector.shape_cast %sub3A_1154 : vector<16xf32> to vector<1x16xf32>
        tpu.vector_store %arg19[%swap3A_1156, %swap3A_1157], %swap3A_1160 {strides = array<i32>} : memref<128x16xf32, #tpu.memory_space<vmem>>, vector<1x16xf32>,
        %get3A_1161 = arith.constant 66 : i32
        %get3A_1162 = arith.index_cast %get3A_1161 : i32 to index
        %get3A_1163 = arith.constant 0 : index
        %get3A_1164 = tpu.vector_load %arg18[%get3A_1162, %get3A_1163] {strides = array<i32>} : memref<128x128xf32, #tpu.memory_space<vmem>>, vector<1x16xf32>,
        %get3A_1165 = vector.shape_cast %get3A_1164 : vector<1x16xf32> to vector<16xf32>
        %get3A_1166 = arith.constant 66 : i32
        %get3A_1167 = arith.index_cast %get3A_1166 : i32 to index
        %get3A_1168 = arith.constant 0 : index
        %get3A_1169 = tpu.vector_load %arg17[%get3A_1167, %get3A_1168] {strides = array<i32>} : memref<128x128xf32, #tpu.memory_space<vmem>>, vector<1x16xf32>,
        %get3A_1170 = vector.shape_cast %get3A_1169 : vector<1x16xf32> to vector<16xf32>
        %sub3A_1171 = arith.subf %get3A_1165, %get3A_1170 : vector<16xf32>
        %swap3A_1172 = arith.constant 66 : i32
        %swap3A_1173 = arith.index_cast %swap3A_1172 : i32 to index
        %swap3A_1174 = arith.constant 0 : index
        %swap3A_1175 = tpu.vector_load %arg19[%swap3A_1173, %swap3A_1174] {strides = array<i32>} : memref<128x16xf32, #tpu.memory_space<vmem>>, vector<1x16xf32>,
        %swap3A_1176 = vector.shape_cast %swap3A_1175 : vector<1x16xf32> to vector<16xf32>
        %swap3A_1177 = vector.shape_cast %sub3A_1171 : vector<16xf32> to vector<1x16xf32>
        tpu.vector_store %arg19[%swap3A_1173, %swap3A_1174], %swap3A_1177 {strides = array<i32>} : memref<128x16xf32, #tpu.memory_space<vmem>>, vector<1x16xf32>,
        %get3A_1178 = arith.constant 67 : i32
        %get3A_1179 = arith.index_cast %get3A_1178 : i32 to index
        %get3A_1180 = arith.constant 0 : index
        %get3A_1181 = tpu.vector_load %arg18[%get3A_1179, %get3A_1180] {strides = array<i32>} : memref<128x128xf32, #tpu.memory_space<vmem>>, vector<1x16xf32>,
        %get3A_1182 = vector.shape_cast %get3A_1181 : vector<1x16xf32> to vector<16xf32>
        %get3A_1183 = arith.constant 67 : i32
        %get3A_1184 = arith.index_cast %get3A_1183 : i32 to index
        %get3A_1185 = arith.constant 0 : index
        %get3A_1186 = tpu.vector_load %arg17[%get3A_1184, %get3A_1185] {strides = array<i32>} : memref<128x128xf32, #tpu.memory_space<vmem>>, vector<1x16xf32>,
        %get3A_1187 = vector.shape_cast %get3A_1186 : vector<1x16xf32> to vector<16xf32>
        %sub3A_1188 = arith.subf %get3A_1182, %get3A_1187 : vector<16xf32>
        %swap3A_1189 = arith.constant 67 : i32
        %swap3A_1190 = arith.index_cast %swap3A_1189 : i32 to index
        %swap3A_1191 = arith.constant 0 : index
        %swap3A_1192 = tpu.vector_load %arg19[%swap3A_1190, %swap3A_1191] {strides = array<i32>} : memref<128x16xf32, #tpu.memory_space<vmem>>, vector<1x16xf32>,
        %swap3A_1193 = vector.shape_cast %swap3A_1192 : vector<1x16xf32> to vector<16xf32>
        %swap3A_1194 = vector.shape_cast %sub3A_1188 : vector<16xf32> to vector<1x16xf32>
        tpu.vector_store %arg19[%swap3A_1190, %swap3A_1191], %swap3A_1194 {strides = array<i32>} : memref<128x16xf32, #tpu.memory_space<vmem>>, vector<1x16xf32>,
        %get3A_1195 = arith.constant 68 : i32
        %get3A_1196 = arith.index_cast %get3A_1195 : i32 to index
        %get3A_1197 = arith.constant 0 : index
        %get3A_1198 = tpu.vector_load %arg18[%get3A_1196, %get3A_1197] {strides = array<i32>} : memref<128x128xf32, #tpu.memory_space<vmem>>, vector<1x16xf32>,
        %get3A_1199 = vector.shape_cast %get3A_1198 : vector<1x16xf32> to vector<16xf32>
        %get3A_1200 = arith.constant 68 : i32
        %get3A_1201 = arith.index_cast %get3A_1200 : i32 to index
        %get3A_1202 = arith.constant 0 : index
        %get3A_1203 = tpu.vector_load %arg17[%get3A_1201, %get3A_1202] {strides = array<i32>} : memref<128x128xf32, #tpu.memory_space<vmem>>, vector<1x16xf32>,
        %get3A_1204 = vector.shape_cast %get3A_1203 : vector<1x16xf32> to vector<16xf32>
        %sub3A_1205 = arith.subf %get3A_1199, %get3A_1204 : vector<16xf32>
        %swap3A_1206 = arith.constant 68 : i32
        %swap3A_1207 = arith.index_cast %swap3A_1206 : i32 to index
        %swap3A_1208 = arith.constant 0 : index
        %swap3A_1209 = tpu.vector_load %arg19[%swap3A_1207, %swap3A_1208] {strides = array<i32>} : memref<128x16xf32, #tpu.memory_space<vmem>>, vector<1x16xf32>,
        %swap3A_1210 = vector.shape_cast %swap3A_1209 : vector<1x16xf32> to vector<16xf32>
        %swap3A_1211 = vector.shape_cast %sub3A_1205 : vector<16xf32> to vector<1x16xf32>
        tpu.vector_store %arg19[%swap3A_1207, %swap3A_1208], %swap3A_1211 {strides = array<i32>} : memref<128x16xf32, #tpu.memory_space<vmem>>, vector<1x16xf32>,
        %get3A_1212 = arith.constant 69 : i32
        %get3A_1213 = arith.index_cast %get3A_1212 : i32 to index
        %get3A_1214 = arith.constant 0 : index
        %get3A_1215 = tpu.vector_load %arg18[%get3A_1213, %get3A_1214] {strides = array<i32>} : memref<128x128xf32, #tpu.memory_space<vmem>>, vector<1x16xf32>,
        %get3A_1216 = vector.shape_cast %get3A_1215 : vector<1x16xf32> to vector<16xf32>
        %get3A_1217 = arith.constant 69 : i32
        %get3A_1218 = arith.index_cast %get3A_1217 : i32 to index
        %get3A_1219 = arith.constant 0 : index
        %get3A_1220 = tpu.vector_load %arg17[%get3A_1218, %get3A_1219] {strides = array<i32>} : memref<128x128xf32, #tpu.memory_space<vmem>>, vector<1x16xf32>,
        %get3A_1221 = vector.shape_cast %get3A_1220 : vector<1x16xf32> to vector<16xf32>
        %sub3A_1222 = arith.subf %get3A_1216, %get3A_1221 : vector<16xf32>
        %swap3A_1223 = arith.constant 69 : i32
        %swap3A_1224 = arith.index_cast %swap3A_1223 : i32 to index
        %swap3A_1225 = arith.constant 0 : index
        %swap3A_1226 = tpu.vector_load %arg19[%swap3A_1224, %swap3A_1225] {strides = array<i32>} : memref<128x16xf32, #tpu.memory_space<vmem>>, vector<1x16xf32>,
        %swap3A_1227 = vector.shape_cast %swap3A_1226 : vector<1x16xf32> to vector<16xf32>
        %swap3A_1228 = vector.shape_cast %sub3A_1222 : vector<16xf32> to vector<1x16xf32>
        tpu.vector_store %arg19[%swap3A_1224, %swap3A_1225], %swap3A_1228 {strides = array<i32>} : memref<128x16xf32, #tpu.memory_space<vmem>>, vector<1x16xf32>,
        %get3A_1229 = arith.constant 70 : i32
        %get3A_1230 = arith.index_cast %get3A_1229 : i32 to index
        %get3A_1231 = arith.constant 0 : index
        %get3A_1232 = tpu.vector_load %arg18[%get3A_1230, %get3A_1231] {strides = array<i32>} : memref<128x128xf32, #tpu.memory_space<vmem>>, vector<1x16xf32>,
        %get3A_1233 = vector.shape_cast %get3A_1232 : vector<1x16xf32> to vector<16xf32>
        %get3A_1234 = arith.constant 70 : i32
        %get3A_1235 = arith.index_cast %get3A_1234 : i32 to index
        %get3A_1236 = arith.constant 0 : index
        %get3A_1237 = tpu.vector_load %arg17[%get3A_1235, %get3A_1236] {strides = array<i32>} : memref<128x128xf32, #tpu.memory_space<vmem>>, vector<1x16xf32>,
        %get3A_1238 = vector.shape_cast %get3A_1237 : vector<1x16xf32> to vector<16xf32>
        %sub3A_1239 = arith.subf %get3A_1233, %get3A_1238 : vector<16xf32>
        %swap3A_1240 = arith.constant 70 : i32
        %swap3A_1241 = arith.index_cast %swap3A_1240 : i32 to index
        %swap3A_1242 = arith.constant 0 : index
        %swap3A_1243 = tpu.vector_load %arg19[%swap3A_1241, %swap3A_1242] {strides = array<i32>} : memref<128x16xf32, #tpu.memory_space<vmem>>, vector<1x16xf32>,
        %swap3A_1244 = vector.shape_cast %swap3A_1243 : vector<1x16xf32> to vector<16xf32>
        %swap3A_1245 = vector.shape_cast %sub3A_1239 : vector<16xf32> to vector<1x16xf32>
        tpu.vector_store %arg19[%swap3A_1241, %swap3A_1242], %swap3A_1245 {strides = array<i32>} : memref<128x16xf32, #tpu.memory_space<vmem>>, vector<1x16xf32>,
        %get3A_1246 = arith.constant 71 : i32
        %get3A_1247 = arith.index_cast %get3A_1246 : i32 to index
        %get3A_1248 = arith.constant 0 : index
        %get3A_1249 = tpu.vector_load %arg18[%get3A_1247, %get3A_1248] {strides = array<i32>} : memref<128x128xf32, #tpu.memory_space<vmem>>, vector<1x16xf32>,
        %get3A_1250 = vector.shape_cast %get3A_1249 : vector<1x16xf32> to vector<16xf32>
        %get3A_1251 = arith.constant 71 : i32
        %get3A_1252 = arith.index_cast %get3A_1251 : i32 to index
        %get3A_1253 = arith.constant 0 : index
        %get3A_1254 = tpu.vector_load %arg17[%get3A_1252, %get3A_1253] {strides = array<i32>} : memref<128x128xf32, #tpu.memory_space<vmem>>, vector<1x16xf32>,
        %get3A_1255 = vector.shape_cast %get3A_1254 : vector<1x16xf32> to vector<16xf32>
        %sub3A_1256 = arith.subf %get3A_1250, %get3A_1255 : vector<16xf32>
        %swap3A_1257 = arith.constant 71 : i32
        %swap3A_1258 = arith.index_cast %swap3A_1257 : i32 to index
        %swap3A_1259 = arith.constant 0 : index
        %swap3A_1260 = tpu.vector_load %arg19[%swap3A_1258, %swap3A_1259] {strides = array<i32>} : memref<128x16xf32, #tpu.memory_space<vmem>>, vector<1x16xf32>,
        %swap3A_1261 = vector.shape_cast %swap3A_1260 : vector<1x16xf32> to vector<16xf32>
        %swap3A_1262 = vector.shape_cast %sub3A_1256 : vector<16xf32> to vector<1x16xf32>
        tpu.vector_store %arg19[%swap3A_1258, %swap3A_1259], %swap3A_1262 {strides = array<i32>} : memref<128x16xf32, #tpu.memory_space<vmem>>, vector<1x16xf32>,
        %get3A_1263 = arith.constant 72 : i32
        %get3A_1264 = arith.index_cast %get3A_1263 : i32 to index
        %get3A_1265 = arith.constant 0 : index
        %get3A_1266 = tpu.vector_load %arg18[%get3A_1264, %get3A_1265] {strides = array<i32>} : memref<128x128xf32, #tpu.memory_space<vmem>>, vector<1x16xf32>,
        %get3A_1267 = vector.shape_cast %get3A_1266 : vector<1x16xf32> to vector<16xf32>
        %get3A_1268 = arith.constant 72 : i32
        %get3A_1269 = arith.index_cast %get3A_1268 : i32 to index
        %get3A_1270 = arith.constant 0 : index
        %get3A_1271 = tpu.vector_load %arg17[%get3A_1269, %get3A_1270] {strides = array<i32>} : memref<128x128xf32, #tpu.memory_space<vmem>>, vector<1x16xf32>,
        %get3A_1272 = vector.shape_cast %get3A_1271 : vector<1x16xf32> to vector<16xf32>
        %sub3A_1273 = arith.subf %get3A_1267, %get3A_1272 : vector<16xf32>
        %swap3A_1274 = arith.constant 72 : i32
        %swap3A_1275 = arith.index_cast %swap3A_1274 : i32 to index
        %swap3A_1276 = arith.constant 0 : index
        %swap3A_1277 = tpu.vector_load %arg19[%swap3A_1275, %swap3A_1276] {strides = array<i32>} : memref<128x16xf32, #tpu.memory_space<vmem>>, vector<1x16xf32>,
        %swap3A_1278 = vector.shape_cast %swap3A_1277 : vector<1x16xf32> to vector<16xf32>
        %swap3A_1279 = vector.shape_cast %sub3A_1273 : vector<16xf32> to vector<1x16xf32>
        tpu.vector_store %arg19[%swap3A_1275, %swap3A_1276], %swap3A_1279 {strides = array<i32>} : memref<128x16xf32, #tpu.memory_space<vmem>>, vector<1x16xf32>,
        %get3A_1280 = arith.constant 73 : i32
        %get3A_1281 = arith.index_cast %get3A_1280 : i32 to index
        %get3A_1282 = arith.constant 0 : index
        %get3A_1283 = tpu.vector_load %arg18[%get3A_1281, %get3A_1282] {strides = array<i32>} : memref<128x128xf32, #tpu.memory_space<vmem>>, vector<1x16xf32>,
        %get3A_1284 = vector.shape_cast %get3A_1283 : vector<1x16xf32> to vector<16xf32>
        %get3A_1285 = arith.constant 73 : i32
        %get3A_1286 = arith.index_cast %get3A_1285 : i32 to index
        %get3A_1287 = arith.constant 0 : index
        %get3A_1288 = tpu.vector_load %arg17[%get3A_1286, %get3A_1287] {strides = array<i32>} : memref<128x128xf32, #tpu.memory_space<vmem>>, vector<1x16xf32>,
        %get3A_1289 = vector.shape_cast %get3A_1288 : vector<1x16xf32> to vector<16xf32>
        %sub3A_1290 = arith.subf %get3A_1284, %get3A_1289 : vector<16xf32>
        %swap3A_1291 = arith.constant 73 : i32
        %swap3A_1292 = arith.index_cast %swap3A_1291 : i32 to index
        %swap3A_1293 = arith.constant 0 : index
        %swap3A_1294 = tpu.vector_load %arg19[%swap3A_1292, %swap3A_1293] {strides = array<i32>} : memref<128x16xf32, #tpu.memory_space<vmem>>, vector<1x16xf32>,
        %swap3A_1295 = vector.shape_cast %swap3A_1294 : vector<1x16xf32> to vector<16xf32>
        %swap3A_1296 = vector.shape_cast %sub3A_1290 : vector<16xf32> to vector<1x16xf32>
        tpu.vector_store %arg19[%swap3A_1292, %swap3A_1293], %swap3A_1296 {strides = array<i32>} : memref<128x16xf32, #tpu.memory_space<vmem>>, vector<1x16xf32>,
        %get3A_1297 = arith.constant 74 : i32
        %get3A_1298 = arith.index_cast %get3A_1297 : i32 to index
        %get3A_1299 = arith.constant 0 : index
        %get3A_1300 = tpu.vector_load %arg18[%get3A_1298, %get3A_1299] {strides = array<i32>} : memref<128x128xf32, #tpu.memory_space<vmem>>, vector<1x16xf32>,
        %get3A_1301 = vector.shape_cast %get3A_1300 : vector<1x16xf32> to vector<16xf32>
        %get3A_1302 = arith.constant 74 : i32
        %get3A_1303 = arith.index_cast %get3A_1302 : i32 to index
        %get3A_1304 = arith.constant 0 : index
        %get3A_1305 = tpu.vector_load %arg17[%get3A_1303, %get3A_1304] {strides = array<i32>} : memref<128x128xf32, #tpu.memory_space<vmem>>, vector<1x16xf32>,
        %get3A_1306 = vector.shape_cast %get3A_1305 : vector<1x16xf32> to vector<16xf32>
        %sub3A_1307 = arith.subf %get3A_1301, %get3A_1306 : vector<16xf32>
        %swap3A_1308 = arith.constant 74 : i32
        %swap3A_1309 = arith.index_cast %swap3A_1308 : i32 to index
        %swap3A_1310 = arith.constant 0 : index
        %swap3A_1311 = tpu.vector_load %arg19[%swap3A_1309, %swap3A_1310] {strides = array<i32>} : memref<128x16xf32, #tpu.memory_space<vmem>>, vector<1x16xf32>,
        %swap3A_1312 = vector.shape_cast %swap3A_1311 : vector<1x16xf32> to vector<16xf32>
        %swap3A_1313 = vector.shape_cast %sub3A_1307 : vector<16xf32> to vector<1x16xf32>
        tpu.vector_store %arg19[%swap3A_1309, %swap3A_1310], %swap3A_1313 {strides = array<i32>} : memref<128x16xf32, #tpu.memory_space<vmem>>, vector<1x16xf32>,
        %get3A_1314 = arith.constant 75 : i32
        %get3A_1315 = arith.index_cast %get3A_1314 : i32 to index
        %get3A_1316 = arith.constant 0 : index
        %get3A_1317 = tpu.vector_load %arg18[%get3A_1315, %get3A_1316] {strides = array<i32>} : memref<128x128xf32, #tpu.memory_space<vmem>>, vector<1x16xf32>,
        %get3A_1318 = vector.shape_cast %get3A_1317 : vector<1x16xf32> to vector<16xf32>
        %get3A_1319 = arith.constant 75 : i32
        %get3A_1320 = arith.index_cast %get3A_1319 : i32 to index
        %get3A_1321 = arith.constant 0 : index
        %get3A_1322 = tpu.vector_load %arg17[%get3A_1320, %get3A_1321] {strides = array<i32>} : memref<128x128xf32, #tpu.memory_space<vmem>>, vector<1x16xf32>,
        %get3A_1323 = vector.shape_cast %get3A_1322 : vector<1x16xf32> to vector<16xf32>
        %sub3A_1324 = arith.subf %get3A_1318, %get3A_1323 : vector<16xf32>
        %swap3A_1325 = arith.constant 75 : i32
        %swap3A_1326 = arith.index_cast %swap3A_1325 : i32 to index
        %swap3A_1327 = arith.constant 0 : index
        %swap3A_1328 = tpu.vector_load %arg19[%swap3A_1326, %swap3A_1327] {strides = array<i32>} : memref<128x16xf32, #tpu.memory_space<vmem>>, vector<1x16xf32>,
        %swap3A_1329 = vector.shape_cast %swap3A_1328 : vector<1x16xf32> to vector<16xf32>
        %swap3A_1330 = vector.shape_cast %sub3A_1324 : vector<16xf32> to vector<1x16xf32>
        tpu.vector_store %arg19[%swap3A_1326, %swap3A_1327], %swap3A_1330 {strides = array<i32>} : memref<128x16xf32, #tpu.memory_space<vmem>>, vector<1x16xf32>,
        %get3A_1331 = arith.constant 76 : i32
        %get3A_1332 = arith.index_cast %get3A_1331 : i32 to index
        %get3A_1333 = arith.constant 0 : index
        %get3A_1334 = tpu.vector_load %arg18[%get3A_1332, %get3A_1333] {strides = array<i32>} : memref<128x128xf32, #tpu.memory_space<vmem>>, vector<1x16xf32>,
        %get3A_1335 = vector.shape_cast %get3A_1334 : vector<1x16xf32> to vector<16xf32>
        %get3A_1336 = arith.constant 76 : i32
        %get3A_1337 = arith.index_cast %get3A_1336 : i32 to index
        %get3A_1338 = arith.constant 0 : index
        %get3A_1339 = tpu.vector_load %arg17[%get3A_1337, %get3A_1338] {strides = array<i32>} : memref<128x128xf32, #tpu.memory_space<vmem>>, vector<1x16xf32>,
        %get3A_1340 = vector.shape_cast %get3A_1339 : vector<1x16xf32> to vector<16xf32>
        %sub3A_1341 = arith.subf %get3A_1335, %get3A_1340 : vector<16xf32>
        %swap3A_1342 = arith.constant 76 : i32
        %swap3A_1343 = arith.index_cast %swap3A_1342 : i32 to index
        %swap3A_1344 = arith.constant 0 : index
        %swap3A_1345 = tpu.vector_load %arg19[%swap3A_1343, %swap3A_1344] {strides = array<i32>} : memref<128x16xf32, #tpu.memory_space<vmem>>, vector<1x16xf32>,
        %swap3A_1346 = vector.shape_cast %swap3A_1345 : vector<1x16xf32> to vector<16xf32>
        %swap3A_1347 = vector.shape_cast %sub3A_1341 : vector<16xf32> to vector<1x16xf32>
        tpu.vector_store %arg19[%swap3A_1343, %swap3A_1344], %swap3A_1347 {strides = array<i32>} : memref<128x16xf32, #tpu.memory_space<vmem>>, vector<1x16xf32>,
        %get3A_1348 = arith.constant 77 : i32
        %get3A_1349 = arith.index_cast %get3A_1348 : i32 to index
        %get3A_1350 = arith.constant 0 : index
        %get3A_1351 = tpu.vector_load %arg18[%get3A_1349, %get3A_1350] {strides = array<i32>} : memref<128x128xf32, #tpu.memory_space<vmem>>, vector<1x16xf32>,
        %get3A_1352 = vector.shape_cast %get3A_1351 : vector<1x16xf32> to vector<16xf32>
        %get3A_1353 = arith.constant 77 : i32
        %get3A_1354 = arith.index_cast %get3A_1353 : i32 to index
        %get3A_1355 = arith.constant 0 : index
        %get3A_1356 = tpu.vector_load %arg17[%get3A_1354, %get3A_1355] {strides = array<i32>} : memref<128x128xf32, #tpu.memory_space<vmem>>, vector<1x16xf32>,
        %get3A_1357 = vector.shape_cast %get3A_1356 : vector<1x16xf32> to vector<16xf32>
        %sub3A_1358 = arith.subf %get3A_1352, %get3A_1357 : vector<16xf32>
        %swap3A_1359 = arith.constant 77 : i32
        %swap3A_1360 = arith.index_cast %swap3A_1359 : i32 to index
        %swap3A_1361 = arith.constant 0 : index
        %swap3A_1362 = tpu.vector_load %arg19[%swap3A_1360, %swap3A_1361] {strides = array<i32>} : memref<128x16xf32, #tpu.memory_space<vmem>>, vector<1x16xf32>,
        %swap3A_1363 = vector.shape_cast %swap3A_1362 : vector<1x16xf32> to vector<16xf32>
        %swap3A_1364 = vector.shape_cast %sub3A_1358 : vector<16xf32> to vector<1x16xf32>
        tpu.vector_store %arg19[%swap3A_1360, %swap3A_1361], %swap3A_1364 {strides = array<i32>} : memref<128x16xf32, #tpu.memory_space<vmem>>, vector<1x16xf32>,
        %get3A_1365 = arith.constant 78 : i32
        %get3A_1366 = arith.index_cast %get3A_1365 : i32 to index
        %get3A_1367 = arith.constant 0 : index
        %get3A_1368 = tpu.vector_load %arg18[%get3A_1366, %get3A_1367] {strides = array<i32>} : memref<128x128xf32, #tpu.memory_space<vmem>>, vector<1x16xf32>,
        %get3A_1369 = vector.shape_cast %get3A_1368 : vector<1x16xf32> to vector<16xf32>
        %get3A_1370 = arith.constant 78 : i32
        %get3A_1371 = arith.index_cast %get3A_1370 : i32 to index
        %get3A_1372 = arith.constant 0 : index
        %get3A_1373 = tpu.vector_load %arg17[%get3A_1371, %get3A_1372] {strides = array<i32>} : memref<128x128xf32, #tpu.memory_space<vmem>>, vector<1x16xf32>,
        %get3A_1374 = vector.shape_cast %get3A_1373 : vector<1x16xf32> to vector<16xf32>
        %sub3A_1375 = arith.subf %get3A_1369, %get3A_1374 : vector<16xf32>
        %swap3A_1376 = arith.constant 78 : i32
        %swap3A_1377 = arith.index_cast %swap3A_1376 : i32 to index
        %swap3A_1378 = arith.constant 0 : index
        %swap3A_1379 = tpu.vector_load %arg19[%swap3A_1377, %swap3A_1378] {strides = array<i32>} : memref<128x16xf32, #tpu.memory_space<vmem>>, vector<1x16xf32>,
        %swap3A_1380 = vector.shape_cast %swap3A_1379 : vector<1x16xf32> to vector<16xf32>
        %swap3A_1381 = vector.shape_cast %sub3A_1375 : vector<16xf32> to vector<1x16xf32>
        tpu.vector_store %arg19[%swap3A_1377, %swap3A_1378], %swap3A_1381 {strides = array<i32>} : memref<128x16xf32, #tpu.memory_space<vmem>>, vector<1x16xf32>,
        %get3A_1382 = arith.constant 79 : i32
        %get3A_1383 = arith.index_cast %get3A_1382 : i32 to index
        %get3A_1384 = arith.constant 0 : index
        %get3A_1385 = tpu.vector_load %arg18[%get3A_1383, %get3A_1384] {strides = array<i32>} : memref<128x128xf32, #tpu.memory_space<vmem>>, vector<1x16xf32>,
        %get3A_1386 = vector.shape_cast %get3A_1385 : vector<1x16xf32> to vector<16xf32>
        %get3A_1387 = arith.constant 79 : i32
        %get3A_1388 = arith.index_cast %get3A_1387 : i32 to index
        %get3A_1389 = arith.constant 0 : index
        %get3A_1390 = tpu.vector_load %arg17[%get3A_1388, %get3A_1389] {strides = array<i32>} : memref<128x128xf32, #tpu.memory_space<vmem>>, vector<1x16xf32>,
        %get3A_1391 = vector.shape_cast %get3A_1390 : vector<1x16xf32> to vector<16xf32>
        %sub3A_1392 = arith.subf %get3A_1386, %get3A_1391 : vector<16xf32>
        %swap3A_1393 = arith.constant 79 : i32
        %swap3A_1394 = arith.index_cast %swap3A_1393 : i32 to index
        %swap3A_1395 = arith.constant 0 : index
        %swap3A_1396 = tpu.vector_load %arg19[%swap3A_1394, %swap3A_1395] {strides = array<i32>} : memref<128x16xf32, #tpu.memory_space<vmem>>, vector<1x16xf32>,
        %swap3A_1397 = vector.shape_cast %swap3A_1396 : vector<1x16xf32> to vector<16xf32>
        %swap3A_1398 = vector.shape_cast %sub3A_1392 : vector<16xf32> to vector<1x16xf32>
        tpu.vector_store %arg19[%swap3A_1394, %swap3A_1395], %swap3A_1398 {strides = array<i32>} : memref<128x16xf32, #tpu.memory_space<vmem>>, vector<1x16xf32>,
        %get3A_1399 = arith.constant 80 : i32
        %get3A_1400 = arith.index_cast %get3A_1399 : i32 to index
        %get3A_1401 = arith.constant 0 : index
        %get3A_1402 = tpu.vector_load %arg18[%get3A_1400, %get3A_1401] {strides = array<i32>} : memref<128x128xf32, #tpu.memory_space<vmem>>, vector<1x16xf32>,
        %get3A_1403 = vector.shape_cast %get3A_1402 : vector<1x16xf32> to vector<16xf32>
        %get3A_1404 = arith.constant 80 : i32
        %get3A_1405 = arith.index_cast %get3A_1404 : i32 to index
        %get3A_1406 = arith.constant 0 : index
        %get3A_1407 = tpu.vector_load %arg17[%get3A_1405, %get3A_1406] {strides = array<i32>} : memref<128x128xf32, #tpu.memory_space<vmem>>, vector<1x16xf32>,
        %get3A_1408 = vector.shape_cast %get3A_1407 : vector<1x16xf32> to vector<16xf32>
        %sub3A_1409 = arith.subf %get3A_1403, %get3A_1408 : vector<16xf32>
        %swap3A_1410 = arith.constant 80 : i32
        %swap3A_1411 = arith.index_cast %swap3A_1410 : i32 to index
        %swap3A_1412 = arith.constant 0 : index
        %swap3A_1413 = tpu.vector_load %arg19[%swap3A_1411, %swap3A_1412] {strides = array<i32>} : memref<128x16xf32, #tpu.memory_space<vmem>>, vector<1x16xf32>,
        %swap3A_1414 = vector.shape_cast %swap3A_1413 : vector<1x16xf32> to vector<16xf32>
        %swap3A_1415 = vector.shape_cast %sub3A_1409 : vector<16xf32> to vector<1x16xf32>
        tpu.vector_store %arg19[%swap3A_1411, %swap3A_1412], %swap3A_1415 {strides = array<i32>} : memref<128x16xf32, #tpu.memory_space<vmem>>, vector<1x16xf32>,
        %get3A_1416 = arith.constant 81 : i32
        %get3A_1417 = arith.index_cast %get3A_1416 : i32 to index
        %get3A_1418 = arith.constant 0 : index
        %get3A_1419 = tpu.vector_load %arg18[%get3A_1417, %get3A_1418] {strides = array<i32>} : memref<128x128xf32, #tpu.memory_space<vmem>>, vector<1x16xf32>,
        %get3A_1420 = vector.shape_cast %get3A_1419 : vector<1x16xf32> to vector<16xf32>
        %get3A_1421 = arith.constant 81 : i32
        %get3A_1422 = arith.index_cast %get3A_1421 : i32 to index
        %get3A_1423 = arith.constant 0 : index
        %get3A_1424 = tpu.vector_load %arg17[%get3A_1422, %get3A_1423] {strides = array<i32>} : memref<128x128xf32, #tpu.memory_space<vmem>>, vector<1x16xf32>,
        %get3A_1425 = vector.shape_cast %get3A_1424 : vector<1x16xf32> to vector<16xf32>
        %sub3A_1426 = arith.subf %get3A_1420, %get3A_1425 : vector<16xf32>
        %swap3A_1427 = arith.constant 81 : i32
        %swap3A_1428 = arith.index_cast %swap3A_1427 : i32 to index
        %swap3A_1429 = arith.constant 0 : index
        %swap3A_1430 = tpu.vector_load %arg19[%swap3A_1428, %swap3A_1429] {strides = array<i32>} : memref<128x16xf32, #tpu.memory_space<vmem>>, vector<1x16xf32>,
        %swap3A_1431 = vector.shape_cast %swap3A_1430 : vector<1x16xf32> to vector<16xf32>
        %swap3A_1432 = vector.shape_cast %sub3A_1426 : vector<16xf32> to vector<1x16xf32>
        tpu.vector_store %arg19[%swap3A_1428, %swap3A_1429], %swap3A_1432 {strides = array<i32>} : memref<128x16xf32, #tpu.memory_space<vmem>>, vector<1x16xf32>,
        %get3A_1433 = arith.constant 82 : i32
        %get3A_1434 = arith.index_cast %get3A_1433 : i32 to index
        %get3A_1435 = arith.constant 0 : index
        %get3A_1436 = tpu.vector_load %arg18[%get3A_1434, %get3A_1435] {strides = array<i32>} : memref<128x128xf32, #tpu.memory_space<vmem>>, vector<1x16xf32>,
        %get3A_1437 = vector.shape_cast %get3A_1436 : vector<1x16xf32> to vector<16xf32>
        %get3A_1438 = arith.constant 82 : i32
        %get3A_1439 = arith.index_cast %get3A_1438 : i32 to index
        %get3A_1440 = arith.constant 0 : index
        %get3A_1441 = tpu.vector_load %arg17[%get3A_1439, %get3A_1440] {strides = array<i32>} : memref<128x128xf32, #tpu.memory_space<vmem>>, vector<1x16xf32>,
        %get3A_1442 = vector.shape_cast %get3A_1441 : vector<1x16xf32> to vector<16xf32>
        %sub3A_1443 = arith.subf %get3A_1437, %get3A_1442 : vector<16xf32>
        %swap3A_1444 = arith.constant 82 : i32
        %swap3A_1445 = arith.index_cast %swap3A_1444 : i32 to index
        %swap3A_1446 = arith.constant 0 : index
        %swap3A_1447 = tpu.vector_load %arg19[%swap3A_1445, %swap3A_1446] {strides = array<i32>} : memref<128x16xf32, #tpu.memory_space<vmem>>, vector<1x16xf32>,
        %swap3A_1448 = vector.shape_cast %swap3A_1447 : vector<1x16xf32> to vector<16xf32>
        %swap3A_1449 = vector.shape_cast %sub3A_1443 : vector<16xf32> to vector<1x16xf32>
        tpu.vector_store %arg19[%swap3A_1445, %swap3A_1446], %swap3A_1449 {strides = array<i32>} : memref<128x16xf32, #tpu.memory_space<vmem>>, vector<1x16xf32>,
        %get3A_1450 = arith.constant 83 : i32
        %get3A_1451 = arith.index_cast %get3A_1450 : i32 to index
        %get3A_1452 = arith.constant 0 : index
        %get3A_1453 = tpu.vector_load %arg18[%get3A_1451, %get3A_1452] {strides = array<i32>} : memref<128x128xf32, #tpu.memory_space<vmem>>, vector<1x16xf32>,
        %get3A_1454 = vector.shape_cast %get3A_1453 : vector<1x16xf32> to vector<16xf32>
        %get3A_1455 = arith.constant 83 : i32
        %get3A_1456 = arith.index_cast %get3A_1455 : i32 to index
        %get3A_1457 = arith.constant 0 : index
        %get3A_1458 = tpu.vector_load %arg17[%get3A_1456, %get3A_1457] {strides = array<i32>} : memref<128x128xf32, #tpu.memory_space<vmem>>, vector<1x16xf32>,
        %get3A_1459 = vector.shape_cast %get3A_1458 : vector<1x16xf32> to vector<16xf32>
        %sub3A_1460 = arith.subf %get3A_1454, %get3A_1459 : vector<16xf32>
        %swap3A_1461 = arith.constant 83 : i32
        %swap3A_1462 = arith.index_cast %swap3A_1461 : i32 to index
        %swap3A_1463 = arith.constant 0 : index
        %swap3A_1464 = tpu.vector_load %arg19[%swap3A_1462, %swap3A_1463] {strides = array<i32>} : memref<128x16xf32, #tpu.memory_space<vmem>>, vector<1x16xf32>,
        %swap3A_1465 = vector.shape_cast %swap3A_1464 : vector<1x16xf32> to vector<16xf32>
        %swap3A_1466 = vector.shape_cast %sub3A_1460 : vector<16xf32> to vector<1x16xf32>
        tpu.vector_store %arg19[%swap3A_1462, %swap3A_1463], %swap3A_1466 {strides = array<i32>} : memref<128x16xf32, #tpu.memory_space<vmem>>, vector<1x16xf32>,
        %get3A_1467 = arith.constant 84 : i32
        %get3A_1468 = arith.index_cast %get3A_1467 : i32 to index
        %get3A_1469 = arith.constant 0 : index
        %get3A_1470 = tpu.vector_load %arg18[%get3A_1468, %get3A_1469] {strides = array<i32>} : memref<128x128xf32, #tpu.memory_space<vmem>>, vector<1x16xf32>,
        %get3A_1471 = vector.shape_cast %get3A_1470 : vector<1x16xf32> to vector<16xf32>
        %get3A_1472 = arith.constant 84 : i32
        %get3A_1473 = arith.index_cast %get3A_1472 : i32 to index
        %get3A_1474 = arith.constant 0 : index
        %get3A_1475 = tpu.vector_load %arg17[%get3A_1473, %get3A_1474] {strides = array<i32>} : memref<128x128xf32, #tpu.memory_space<vmem>>, vector<1x16xf32>,
        %get3A_1476 = vector.shape_cast %get3A_1475 : vector<1x16xf32> to vector<16xf32>
        %sub3A_1477 = arith.subf %get3A_1471, %get3A_1476 : vector<16xf32>
        %swap3A_1478 = arith.constant 84 : i32
        %swap3A_1479 = arith.index_cast %swap3A_1478 : i32 to index
        %swap3A_1480 = arith.constant 0 : index
        %swap3A_1481 = tpu.vector_load %arg19[%swap3A_1479, %swap3A_1480] {strides = array<i32>} : memref<128x16xf32, #tpu.memory_space<vmem>>, vector<1x16xf32>,
        %swap3A_1482 = vector.shape_cast %swap3A_1481 : vector<1x16xf32> to vector<16xf32>
        %swap3A_1483 = vector.shape_cast %sub3A_1477 : vector<16xf32> to vector<1x16xf32>
        tpu.vector_store %arg19[%swap3A_1479, %swap3A_1480], %swap3A_1483 {strides = array<i32>} : memref<128x16xf32, #tpu.memory_space<vmem>>, vector<1x16xf32>,
        %get3A_1484 = arith.constant 85 : i32
        %get3A_1485 = arith.index_cast %get3A_1484 : i32 to index
        %get3A_1486 = arith.constant 0 : index
        %get3A_1487 = tpu.vector_load %arg18[%get3A_1485, %get3A_1486] {strides = array<i32>} : memref<128x128xf32, #tpu.memory_space<vmem>>, vector<1x16xf32>,
        %get3A_1488 = vector.shape_cast %get3A_1487 : vector<1x16xf32> to vector<16xf32>
        %get3A_1489 = arith.constant 85 : i32
        %get3A_1490 = arith.index_cast %get3A_1489 : i32 to index
        %get3A_1491 = arith.constant 0 : index
        %get3A_1492 = tpu.vector_load %arg17[%get3A_1490, %get3A_1491] {strides = array<i32>} : memref<128x128xf32, #tpu.memory_space<vmem>>, vector<1x16xf32>,
        %get3A_1493 = vector.shape_cast %get3A_1492 : vector<1x16xf32> to vector<16xf32>
        %sub3A_1494 = arith.subf %get3A_1488, %get3A_1493 : vector<16xf32>
        %swap3A_1495 = arith.constant 85 : i32
        %swap3A_1496 = arith.index_cast %swap3A_1495 : i32 to index
        %swap3A_1497 = arith.constant 0 : index
        %swap3A_1498 = tpu.vector_load %arg19[%swap3A_1496, %swap3A_1497] {strides = array<i32>} : memref<128x16xf32, #tpu.memory_space<vmem>>, vector<1x16xf32>,
        %swap3A_1499 = vector.shape_cast %swap3A_1498 : vector<1x16xf32> to vector<16xf32>
        %swap3A_1500 = vector.shape_cast %sub3A_1494 : vector<16xf32> to vector<1x16xf32>
        tpu.vector_store %arg19[%swap3A_1496, %swap3A_1497], %swap3A_1500 {strides = array<i32>} : memref<128x16xf32, #tpu.memory_space<vmem>>, vector<1x16xf32>,
        %get3A_1501 = arith.constant 86 : i32
        %get3A_1502 = arith.index_cast %get3A_1501 : i32 to index
        %get3A_1503 = arith.constant 0 : index
        %get3A_1504 = tpu.vector_load %arg18[%get3A_1502, %get3A_1503] {strides = array<i32>} : memref<128x128xf32, #tpu.memory_space<vmem>>, vector<1x16xf32>,
        %get3A_1505 = vector.shape_cast %get3A_1504 : vector<1x16xf32> to vector<16xf32>
        %get3A_1506 = arith.constant 86 : i32
        %get3A_1507 = arith.index_cast %get3A_1506 : i32 to index
        %get3A_1508 = arith.constant 0 : index
        %get3A_1509 = tpu.vector_load %arg17[%get3A_1507, %get3A_1508] {strides = array<i32>} : memref<128x128xf32, #tpu.memory_space<vmem>>, vector<1x16xf32>,
        %get3A_1510 = vector.shape_cast %get3A_1509 : vector<1x16xf32> to vector<16xf32>
        %sub3A_1511 = arith.subf %get3A_1505, %get3A_1510 : vector<16xf32>
        %swap3A_1512 = arith.constant 86 : i32
        %swap3A_1513 = arith.index_cast %swap3A_1512 : i32 to index
        %swap3A_1514 = arith.constant 0 : index
        %swap3A_1515 = tpu.vector_load %arg19[%swap3A_1513, %swap3A_1514] {strides = array<i32>} : memref<128x16xf32, #tpu.memory_space<vmem>>, vector<1x16xf32>,
        %swap3A_1516 = vector.shape_cast %swap3A_1515 : vector<1x16xf32> to vector<16xf32>
        %swap3A_1517 = vector.shape_cast %sub3A_1511 : vector<16xf32> to vector<1x16xf32>
        tpu.vector_store %arg19[%swap3A_1513, %swap3A_1514], %swap3A_1517 {strides = array<i32>} : memref<128x16xf32, #tpu.memory_space<vmem>>, vector<1x16xf32>,
        %get3A_1518 = arith.constant 87 : i32
        %get3A_1519 = arith.index_cast %get3A_1518 : i32 to index
        %get3A_1520 = arith.constant 0 : index
        %get3A_1521 = tpu.vector_load %arg18[%get3A_1519, %get3A_1520] {strides = array<i32>} : memref<128x128xf32, #tpu.memory_space<vmem>>, vector<1x16xf32>,
        %get3A_1522 = vector.shape_cast %get3A_1521 : vector<1x16xf32> to vector<16xf32>
        %get3A_1523 = arith.constant 87 : i32
        %get3A_1524 = arith.index_cast %get3A_1523 : i32 to index
        %get3A_1525 = arith.constant 0 : index
        %get3A_1526 = tpu.vector_load %arg17[%get3A_1524, %get3A_1525] {strides = array<i32>} : memref<128x128xf32, #tpu.memory_space<vmem>>, vector<1x16xf32>,
        %get3A_1527 = vector.shape_cast %get3A_1526 : vector<1x16xf32> to vector<16xf32>
        %sub3A_1528 = arith.subf %get3A_1522, %get3A_1527 : vector<16xf32>
        %swap3A_1529 = arith.constant 87 : i32
        %swap3A_1530 = arith.index_cast %swap3A_1529 : i32 to index
        %swap3A_1531 = arith.constant 0 : index
        %swap3A_1532 = tpu.vector_load %arg19[%swap3A_1530, %swap3A_1531] {strides = array<i32>} : memref<128x16xf32, #tpu.memory_space<vmem>>, vector<1x16xf32>,
        %swap3A_1533 = vector.shape_cast %swap3A_1532 : vector<1x16xf32> to vector<16xf32>
        %swap3A_1534 = vector.shape_cast %sub3A_1528 : vector<16xf32> to vector<1x16xf32>
        tpu.vector_store %arg19[%swap3A_1530, %swap3A_1531], %swap3A_1534 {strides = array<i32>} : memref<128x16xf32, #tpu.memory_space<vmem>>, vector<1x16xf32>,
        %get3A_1535 = arith.constant 88 : i32
        %get3A_1536 = arith.index_cast %get3A_1535 : i32 to index
        %get3A_1537 = arith.constant 0 : index
        %get3A_1538 = tpu.vector_load %arg18[%get3A_1536, %get3A_1537] {strides = array<i32>} : memref<128x128xf32, #tpu.memory_space<vmem>>, vector<1x16xf32>,
        %get3A_1539 = vector.shape_cast %get3A_1538 : vector<1x16xf32> to vector<16xf32>
        %get3A_1540 = arith.constant 88 : i32
        %get3A_1541 = arith.index_cast %get3A_1540 : i32 to index
        %get3A_1542 = arith.constant 0 : index
        %get3A_1543 = tpu.vector_load %arg17[%get3A_1541, %get3A_1542] {strides = array<i32>} : memref<128x128xf32, #tpu.memory_space<vmem>>, vector<1x16xf32>,
        %get3A_1544 = vector.shape_cast %get3A_1543 : vector<1x16xf32> to vector<16xf32>
        %sub3A_1545 = arith.subf %get3A_1539, %get3A_1544 : vector<16xf32>
        %swap3A_1546 = arith.constant 88 : i32
        %swap3A_1547 = arith.index_cast %swap3A_1546 : i32 to index
        %swap3A_1548 = arith.constant 0 : index
        %swap3A_1549 = tpu.vector_load %arg19[%swap3A_1547, %swap3A_1548] {strides = array<i32>} : memref<128x16xf32, #tpu.memory_space<vmem>>, vector<1x16xf32>,
        %swap3A_1550 = vector.shape_cast %swap3A_1549 : vector<1x16xf32> to vector<16xf32>
        %swap3A_1551 = vector.shape_cast %sub3A_1545 : vector<16xf32> to vector<1x16xf32>
        tpu.vector_store %arg19[%swap3A_1547, %swap3A_1548], %swap3A_1551 {strides = array<i32>} : memref<128x16xf32, #tpu.memory_space<vmem>>, vector<1x16xf32>,
        %get3A_1552 = arith.constant 89 : i32
        %get3A_1553 = arith.index_cast %get3A_1552 : i32 to index
        %get3A_1554 = arith.constant 0 : index
        %get3A_1555 = tpu.vector_load %arg18[%get3A_1553, %get3A_1554] {strides = array<i32>} : memref<128x128xf32, #tpu.memory_space<vmem>>, vector<1x16xf32>,
        %get3A_1556 = vector.shape_cast %get3A_1555 : vector<1x16xf32> to vector<16xf32>
        %get3A_1557 = arith.constant 89 : i32
        %get3A_1558 = arith.index_cast %get3A_1557 : i32 to index
        %get3A_1559 = arith.constant 0 : index
        %get3A_1560 = tpu.vector_load %arg17[%get3A_1558, %get3A_1559] {strides = array<i32>} : memref<128x128xf32, #tpu.memory_space<vmem>>, vector<1x16xf32>,
        %get3A_1561 = vector.shape_cast %get3A_1560 : vector<1x16xf32> to vector<16xf32>
        %sub3A_1562 = arith.subf %get3A_1556, %get3A_1561 : vector<16xf32>
        %swap3A_1563 = arith.constant 89 : i32
        %swap3A_1564 = arith.index_cast %swap3A_1563 : i32 to index
        %swap3A_1565 = arith.constant 0 : index
        %swap3A_1566 = tpu.vector_load %arg19[%swap3A_1564, %swap3A_1565] {strides = array<i32>} : memref<128x16xf32, #tpu.memory_space<vmem>>, vector<1x16xf32>,
        %swap3A_1567 = vector.shape_cast %swap3A_1566 : vector<1x16xf32> to vector<16xf32>
        %swap3A_1568 = vector.shape_cast %sub3A_1562 : vector<16xf32> to vector<1x16xf32>
        tpu.vector_store %arg19[%swap3A_1564, %swap3A_1565], %swap3A_1568 {strides = array<i32>} : memref<128x16xf32, #tpu.memory_space<vmem>>, vector<1x16xf32>,
        %get3A_1569 = arith.constant 90 : i32
        %get3A_1570 = arith.index_cast %get3A_1569 : i32 to index
        %get3A_1571 = arith.constant 0 : index
        %get3A_1572 = tpu.vector_load %arg18[%get3A_1570, %get3A_1571] {strides = array<i32>} : memref<128x128xf32, #tpu.memory_space<vmem>>, vector<1x16xf32>,
        %get3A_1573 = vector.shape_cast %get3A_1572 : vector<1x16xf32> to vector<16xf32>
        %get3A_1574 = arith.constant 90 : i32
        %get3A_1575 = arith.index_cast %get3A_1574 : i32 to index
        %get3A_1576 = arith.constant 0 : index
        %get3A_1577 = tpu.vector_load %arg17[%get3A_1575, %get3A_1576] {strides = array<i32>} : memref<128x128xf32, #tpu.memory_space<vmem>>, vector<1x16xf32>,
        %get3A_1578 = vector.shape_cast %get3A_1577 : vector<1x16xf32> to vector<16xf32>
        %sub3A_1579 = arith.subf %get3A_1573, %get3A_1578 : vector<16xf32>
        %swap3A_1580 = arith.constant 90 : i32
        %swap3A_1581 = arith.index_cast %swap3A_1580 : i32 to index
        %swap3A_1582 = arith.constant 0 : index
        %swap3A_1583 = tpu.vector_load %arg19[%swap3A_1581, %swap3A_1582] {strides = array<i32>} : memref<128x16xf32, #tpu.memory_space<vmem>>, vector<1x16xf32>,
        %swap3A_1584 = vector.shape_cast %swap3A_1583 : vector<1x16xf32> to vector<16xf32>
        %swap3A_1585 = vector.shape_cast %sub3A_1579 : vector<16xf32> to vector<1x16xf32>
        tpu.vector_store %arg19[%swap3A_1581, %swap3A_1582], %swap3A_1585 {strides = array<i32>} : memref<128x16xf32, #tpu.memory_space<vmem>>, vector<1x16xf32>,
        %get3A_1586 = arith.constant 91 : i32
        %get3A_1587 = arith.index_cast %get3A_1586 : i32 to index
        %get3A_1588 = arith.constant 0 : index
        %get3A_1589 = tpu.vector_load %arg18[%get3A_1587, %get3A_1588] {strides = array<i32>} : memref<128x128xf32, #tpu.memory_space<vmem>>, vector<1x16xf32>,
        %get3A_1590 = vector.shape_cast %get3A_1589 : vector<1x16xf32> to vector<16xf32>
        %get3A_1591 = arith.constant 91 : i32
        %get3A_1592 = arith.index_cast %get3A_1591 : i32 to index
        %get3A_1593 = arith.constant 0 : index
        %get3A_1594 = tpu.vector_load %arg17[%get3A_1592, %get3A_1593] {strides = array<i32>} : memref<128x128xf32, #tpu.memory_space<vmem>>, vector<1x16xf32>,
        %get3A_1595 = vector.shape_cast %get3A_1594 : vector<1x16xf32> to vector<16xf32>
        %sub3A_1596 = arith.subf %get3A_1590, %get3A_1595 : vector<16xf32>
        %swap3A_1597 = arith.constant 91 : i32
        %swap3A_1598 = arith.index_cast %swap3A_1597 : i32 to index
        %swap3A_1599 = arith.constant 0 : index
        %swap3A_1600 = tpu.vector_load %arg19[%swap3A_1598, %swap3A_1599] {strides = array<i32>} : memref<128x16xf32, #tpu.memory_space<vmem>>, vector<1x16xf32>,
        %swap3A_1601 = vector.shape_cast %swap3A_1600 : vector<1x16xf32> to vector<16xf32>
        %swap3A_1602 = vector.shape_cast %sub3A_1596 : vector<16xf32> to vector<1x16xf32>
        tpu.vector_store %arg19[%swap3A_1598, %swap3A_1599], %swap3A_1602 {strides = array<i32>} : memref<128x16xf32, #tpu.memory_space<vmem>>, vector<1x16xf32>,
        %get3A_1603 = arith.constant 92 : i32
        %get3A_1604 = arith.index_cast %get3A_1603 : i32 to index
        %get3A_1605 = arith.constant 0 : index
        %get3A_1606 = tpu.vector_load %arg18[%get3A_1604, %get3A_1605] {strides = array<i32>} : memref<128x128xf32, #tpu.memory_space<vmem>>, vector<1x16xf32>,
        %get3A_1607 = vector.shape_cast %get3A_1606 : vector<1x16xf32> to vector<16xf32>
        %get3A_1608 = arith.constant 92 : i32
        %get3A_1609 = arith.index_cast %get3A_1608 : i32 to index
        %get3A_1610 = arith.constant 0 : index
        %get3A_1611 = tpu.vector_load %arg17[%get3A_1609, %get3A_1610] {strides = array<i32>} : memref<128x128xf32, #tpu.memory_space<vmem>>, vector<1x16xf32>,
        %get3A_1612 = vector.shape_cast %get3A_1611 : vector<1x16xf32> to vector<16xf32>
        %sub3A_1613 = arith.subf %get3A_1607, %get3A_1612 : vector<16xf32>
        %swap3A_1614 = arith.constant 92 : i32
        %swap3A_1615 = arith.index_cast %swap3A_1614 : i32 to index
        %swap3A_1616 = arith.constant 0 : index
        %swap3A_1617 = tpu.vector_load %arg19[%swap3A_1615, %swap3A_1616] {strides = array<i32>} : memref<128x16xf32, #tpu.memory_space<vmem>>, vector<1x16xf32>,
        %swap3A_1618 = vector.shape_cast %swap3A_1617 : vector<1x16xf32> to vector<16xf32>
        %swap3A_1619 = vector.shape_cast %sub3A_1613 : vector<16xf32> to vector<1x16xf32>
        tpu.vector_store %arg19[%swap3A_1615, %swap3A_1616], %swap3A_1619 {strides = array<i32>} : memref<128x16xf32, #tpu.memory_space<vmem>>, vector<1x16xf32>,
        %get3A_1620 = arith.constant 93 : i32
        %get3A_1621 = arith.index_cast %get3A_1620 : i32 to index
        %get3A_1622 = arith.constant 0 : index
        %get3A_1623 = tpu.vector_load %arg18[%get3A_1621, %get3A_1622] {strides = array<i32>} : memref<128x128xf32, #tpu.memory_space<vmem>>, vector<1x16xf32>,
        %get3A_1624 = vector.shape_cast %get3A_1623 : vector<1x16xf32> to vector<16xf32>
        %get3A_1625 = arith.constant 93 : i32
        %get3A_1626 = arith.index_cast %get3A_1625 : i32 to index
        %get3A_1627 = arith.constant 0 : index
        %get3A_1628 = tpu.vector_load %arg17[%get3A_1626, %get3A_1627] {strides = array<i32>} : memref<128x128xf32, #tpu.memory_space<vmem>>, vector<1x16xf32>,
        %get3A_1629 = vector.shape_cast %get3A_1628 : vector<1x16xf32> to vector<16xf32>
        %sub3A_1630 = arith.subf %get3A_1624, %get3A_1629 : vector<16xf32>
        %swap3A_1631 = arith.constant 93 : i32
        %swap3A_1632 = arith.index_cast %swap3A_1631 : i32 to index
        %swap3A_1633 = arith.constant 0 : index
        %swap3A_1634 = tpu.vector_load %arg19[%swap3A_1632, %swap3A_1633] {strides = array<i32>} : memref<128x16xf32, #tpu.memory_space<vmem>>, vector<1x16xf32>,
        %swap3A_1635 = vector.shape_cast %swap3A_1634 : vector<1x16xf32> to vector<16xf32>
        %swap3A_1636 = vector.shape_cast %sub3A_1630 : vector<16xf32> to vector<1x16xf32>
        tpu.vector_store %arg19[%swap3A_1632, %swap3A_1633], %swap3A_1636 {strides = array<i32>} : memref<128x16xf32, #tpu.memory_space<vmem>>, vector<1x16xf32>,
        %get3A_1637 = arith.constant 94 : i32
        %get3A_1638 = arith.index_cast %get3A_1637 : i32 to index
        %get3A_1639 = arith.constant 0 : index
        %get3A_1640 = tpu.vector_load %arg18[%get3A_1638, %get3A_1639] {strides = array<i32>} : memref<128x128xf32, #tpu.memory_space<vmem>>, vector<1x16xf32>,
        %get3A_1641 = vector.shape_cast %get3A_1640 : vector<1x16xf32> to vector<16xf32>
        %get3A_1642 = arith.constant 94 : i32
        %get3A_1643 = arith.index_cast %get3A_1642 : i32 to index
        %get3A_1644 = arith.constant 0 : index
        %get3A_1645 = tpu.vector_load %arg17[%get3A_1643, %get3A_1644] {strides = array<i32>} : memref<128x128xf32, #tpu.memory_space<vmem>>, vector<1x16xf32>,
        %get3A_1646 = vector.shape_cast %get3A_1645 : vector<1x16xf32> to vector<16xf32>
        %sub3A_1647 = arith.subf %get3A_1641, %get3A_1646 : vector<16xf32>
        %swap3A_1648 = arith.constant 94 : i32
        %swap3A_1649 = arith.index_cast %swap3A_1648 : i32 to index
        %swap3A_1650 = arith.constant 0 : index
        %swap3A_1651 = tpu.vector_load %arg19[%swap3A_1649, %swap3A_1650] {strides = array<i32>} : memref<128x16xf32, #tpu.memory_space<vmem>>, vector<1x16xf32>,
        %swap3A_1652 = vector.shape_cast %swap3A_1651 : vector<1x16xf32> to vector<16xf32>
        %swap3A_1653 = vector.shape_cast %sub3A_1647 : vector<16xf32> to vector<1x16xf32>
        tpu.vector_store %arg19[%swap3A_1649, %swap3A_1650], %swap3A_1653 {strides = array<i32>} : memref<128x16xf32, #tpu.memory_space<vmem>>, vector<1x16xf32>,
        %get3A_1654 = arith.constant 95 : i32
        %get3A_1655 = arith.index_cast %get3A_1654 : i32 to index
        %get3A_1656 = arith.constant 0 : index
        %get3A_1657 = tpu.vector_load %arg18[%get3A_1655, %get3A_1656] {strides = array<i32>} : memref<128x128xf32, #tpu.memory_space<vmem>>, vector<1x16xf32>,
        %get3A_1658 = vector.shape_cast %get3A_1657 : vector<1x16xf32> to vector<16xf32>
        %get3A_1659 = arith.constant 95 : i32
        %get3A_1660 = arith.index_cast %get3A_1659 : i32 to index
        %get3A_1661 = arith.constant 0 : index
        %get3A_1662 = tpu.vector_load %arg17[%get3A_1660, %get3A_1661] {strides = array<i32>} : memref<128x128xf32, #tpu.memory_space<vmem>>, vector<1x16xf32>,
        %get3A_1663 = vector.shape_cast %get3A_1662 : vector<1x16xf32> to vector<16xf32>
        %sub3A_1664 = arith.subf %get3A_1658, %get3A_1663 : vector<16xf32>
        %swap3A_1665 = arith.constant 95 : i32
        %swap3A_1666 = arith.index_cast %swap3A_1665 : i32 to index
        %swap3A_1667 = arith.constant 0 : index
        %swap3A_1668 = tpu.vector_load %arg19[%swap3A_1666, %swap3A_1667] {strides = array<i32>} : memref<128x16xf32, #tpu.memory_space<vmem>>, vector<1x16xf32>,
        %swap3A_1669 = vector.shape_cast %swap3A_1668 : vector<1x16xf32> to vector<16xf32>
        %swap3A_1670 = vector.shape_cast %sub3A_1664 : vector<16xf32> to vector<1x16xf32>
        tpu.vector_store %arg19[%swap3A_1666, %swap3A_1667], %swap3A_1670 {strides = array<i32>} : memref<128x16xf32, #tpu.memory_space<vmem>>, vector<1x16xf32>,
        %get3A_1671 = arith.constant 96 : i32
        %get3A_1672 = arith.index_cast %get3A_1671 : i32 to index
        %get3A_1673 = arith.constant 0 : index
        %get3A_1674 = tpu.vector_load %arg18[%get3A_1672, %get3A_1673] {strides = array<i32>} : memref<128x128xf32, #tpu.memory_space<vmem>>, vector<1x16xf32>,
        %get3A_1675 = vector.shape_cast %get3A_1674 : vector<1x16xf32> to vector<16xf32>
        %get3A_1676 = arith.constant 96 : i32
        %get3A_1677 = arith.index_cast %get3A_1676 : i32 to index
        %get3A_1678 = arith.constant 0 : index
        %get3A_1679 = tpu.vector_load %arg17[%get3A_1677, %get3A_1678] {strides = array<i32>} : memref<128x128xf32, #tpu.memory_space<vmem>>, vector<1x16xf32>,
        %get3A_1680 = vector.shape_cast %get3A_1679 : vector<1x16xf32> to vector<16xf32>
        %sub3A_1681 = arith.subf %get3A_1675, %get3A_1680 : vector<16xf32>
        %swap3A_1682 = arith.constant 96 : i32
        %swap3A_1683 = arith.index_cast %swap3A_1682 : i32 to index
        %swap3A_1684 = arith.constant 0 : index
        %swap3A_1685 = tpu.vector_load %arg19[%swap3A_1683, %swap3A_1684] {strides = array<i32>} : memref<128x16xf32, #tpu.memory_space<vmem>>, vector<1x16xf32>,
        %swap3A_1686 = vector.shape_cast %swap3A_1685 : vector<1x16xf32> to vector<16xf32>
        %swap3A_1687 = vector.shape_cast %sub3A_1681 : vector<16xf32> to vector<1x16xf32>
        tpu.vector_store %arg19[%swap3A_1683, %swap3A_1684], %swap3A_1687 {strides = array<i32>} : memref<128x16xf32, #tpu.memory_space<vmem>>, vector<1x16xf32>,
        %get3A_1688 = arith.constant 97 : i32
        %get3A_1689 = arith.index_cast %get3A_1688 : i32 to index
        %get3A_1690 = arith.constant 0 : index
        %get3A_1691 = tpu.vector_load %arg18[%get3A_1689, %get3A_1690] {strides = array<i32>} : memref<128x128xf32, #tpu.memory_space<vmem>>, vector<1x16xf32>,
        %get3A_1692 = vector.shape_cast %get3A_1691 : vector<1x16xf32> to vector<16xf32>
        %get3A_1693 = arith.constant 97 : i32
        %get3A_1694 = arith.index_cast %get3A_1693 : i32 to index
        %get3A_1695 = arith.constant 0 : index
        %get3A_1696 = tpu.vector_load %arg17[%get3A_1694, %get3A_1695] {strides = array<i32>} : memref<128x128xf32, #tpu.memory_space<vmem>>, vector<1x16xf32>,
        %get3A_1697 = vector.shape_cast %get3A_1696 : vector<1x16xf32> to vector<16xf32>
        %sub3A_1698 = arith.subf %get3A_1692, %get3A_1697 : vector<16xf32>
        %swap3A_1699 = arith.constant 97 : i32
        %swap3A_1700 = arith.index_cast %swap3A_1699 : i32 to index
        %swap3A_1701 = arith.constant 0 : index
        %swap3A_1702 = tpu.vector_load %arg19[%swap3A_1700, %swap3A_1701] {strides = array<i32>} : memref<128x16xf32, #tpu.memory_space<vmem>>, vector<1x16xf32>,
        %swap3A_1703 = vector.shape_cast %swap3A_1702 : vector<1x16xf32> to vector<16xf32>
        %swap3A_1704 = vector.shape_cast %sub3A_1698 : vector<16xf32> to vector<1x16xf32>
        tpu.vector_store %arg19[%swap3A_1700, %swap3A_1701], %swap3A_1704 {strides = array<i32>} : memref<128x16xf32, #tpu.memory_space<vmem>>, vector<1x16xf32>,
        %get3A_1705 = arith.constant 98 : i32
        %get3A_1706 = arith.index_cast %get3A_1705 : i32 to index
        %get3A_1707 = arith.constant 0 : index
        %get3A_1708 = tpu.vector_load %arg18[%get3A_1706, %get3A_1707] {strides = array<i32>} : memref<128x128xf32, #tpu.memory_space<vmem>>, vector<1x16xf32>,
        %get3A_1709 = vector.shape_cast %get3A_1708 : vector<1x16xf32> to vector<16xf32>
        %get3A_1710 = arith.constant 98 : i32
        %get3A_1711 = arith.index_cast %get3A_1710 : i32 to index
        %get3A_1712 = arith.constant 0 : index
        %get3A_1713 = tpu.vector_load %arg17[%get3A_1711, %get3A_1712] {strides = array<i32>} : memref<128x128xf32, #tpu.memory_space<vmem>>, vector<1x16xf32>,
        %get3A_1714 = vector.shape_cast %get3A_1713 : vector<1x16xf32> to vector<16xf32>
        %sub3A_1715 = arith.subf %get3A_1709, %get3A_1714 : vector<16xf32>
        %swap3A_1716 = arith.constant 98 : i32
        %swap3A_1717 = arith.index_cast %swap3A_1716 : i32 to index
        %swap3A_1718 = arith.constant 0 : index
        %swap3A_1719 = tpu.vector_load %arg19[%swap3A_1717, %swap3A_1718] {strides = array<i32>} : memref<128x16xf32, #tpu.memory_space<vmem>>, vector<1x16xf32>,
        %swap3A_1720 = vector.shape_cast %swap3A_1719 : vector<1x16xf32> to vector<16xf32>
        %swap3A_1721 = vector.shape_cast %sub3A_1715 : vector<16xf32> to vector<1x16xf32>
        tpu.vector_store %arg19[%swap3A_1717, %swap3A_1718], %swap3A_1721 {strides = array<i32>} : memref<128x16xf32, #tpu.memory_space<vmem>>, vector<1x16xf32>,
        %get3A_1722 = arith.constant 99 : i32
        %get3A_1723 = arith.index_cast %get3A_1722 : i32 to index
        %get3A_1724 = arith.constant 0 : index
        %get3A_1725 = tpu.vector_load %arg18[%get3A_1723, %get3A_1724] {strides = array<i32>} : memref<128x128xf32, #tpu.memory_space<vmem>>, vector<1x16xf32>,
        %get3A_1726 = vector.shape_cast %get3A_1725 : vector<1x16xf32> to vector<16xf32>
        %get3A_1727 = arith.constant 99 : i32
        %get3A_1728 = arith.index_cast %get3A_1727 : i32 to index
        %get3A_1729 = arith.constant 0 : index
        %get3A_1730 = tpu.vector_load %arg17[%get3A_1728, %get3A_1729] {strides = array<i32>} : memref<128x128xf32, #tpu.memory_space<vmem>>, vector<1x16xf32>,
        %get3A_1731 = vector.shape_cast %get3A_1730 : vector<1x16xf32> to vector<16xf32>
        %sub3A_1732 = arith.subf %get3A_1726, %get3A_1731 : vector<16xf32>
        %swap3A_1733 = arith.constant 99 : i32
        %swap3A_1734 = arith.index_cast %swap3A_1733 : i32 to index
        %swap3A_1735 = arith.constant 0 : index
        %swap3A_1736 = tpu.vector_load %arg19[%swap3A_1734, %swap3A_1735] {strides = array<i32>} : memref<128x16xf32, #tpu.memory_space<vmem>>, vector<1x16xf32>,
        %swap3A_1737 = vector.shape_cast %swap3A_1736 : vector<1x16xf32> to vector<16xf32>
        %swap3A_1738 = vector.shape_cast %sub3A_1732 : vector<16xf32> to vector<1x16xf32>
        tpu.vector_store %arg19[%swap3A_1734, %swap3A_1735], %swap3A_1738 {strides = array<i32>} : memref<128x16xf32, #tpu.memory_space<vmem>>, vector<1x16xf32>,
        %get3A_1739 = arith.constant 100 : i32
        %get3A_1740 = arith.index_cast %get3A_1739 : i32 to index
        %get3A_1741 = arith.constant 0 : index
        %get3A_1742 = tpu.vector_load %arg18[%get3A_1740, %get3A_1741] {strides = array<i32>} : memref<128x128xf32, #tpu.memory_space<vmem>>, vector<1x16xf32>,
        %get3A_1743 = vector.shape_cast %get3A_1742 : vector<1x16xf32> to vector<16xf32>
        %get3A_1744 = arith.constant 100 : i32
        %get3A_1745 = arith.index_cast %get3A_1744 : i32 to index
        %get3A_1746 = arith.constant 0 : index
        %get3A_1747 = tpu.vector_load %arg17[%get3A_1745, %get3A_1746] {strides = array<i32>} : memref<128x128xf32, #tpu.memory_space<vmem>>, vector<1x16xf32>,
        %get3A_1748 = vector.shape_cast %get3A_1747 : vector<1x16xf32> to vector<16xf32>
        %sub3A_1749 = arith.subf %get3A_1743, %get3A_1748 : vector<16xf32>
        %swap3A_1750 = arith.constant 100 : i32
        %swap3A_1751 = arith.index_cast %swap3A_1750 : i32 to index
        %swap3A_1752 = arith.constant 0 : index
        %swap3A_1753 = tpu.vector_load %arg19[%swap3A_1751, %swap3A_1752] {strides = array<i32>} : memref<128x16xf32, #tpu.memory_space<vmem>>, vector<1x16xf32>,
        %swap3A_1754 = vector.shape_cast %swap3A_1753 : vector<1x16xf32> to vector<16xf32>
        %swap3A_1755 = vector.shape_cast %sub3A_1749 : vector<16xf32> to vector<1x16xf32>
        tpu.vector_store %arg19[%swap3A_1751, %swap3A_1752], %swap3A_1755 {strides = array<i32>} : memref<128x16xf32, #tpu.memory_space<vmem>>, vector<1x16xf32>,
        %get3A_1756 = arith.constant 101 : i32
        %get3A_1757 = arith.index_cast %get3A_1756 : i32 to index
        %get3A_1758 = arith.constant 0 : index
        %get3A_1759 = tpu.vector_load %arg18[%get3A_1757, %get3A_1758] {strides = array<i32>} : memref<128x128xf32, #tpu.memory_space<vmem>>, vector<1x16xf32>,
        %get3A_1760 = vector.shape_cast %get3A_1759 : vector<1x16xf32> to vector<16xf32>
        %get3A_1761 = arith.constant 101 : i32
        %get3A_1762 = arith.index_cast %get3A_1761 : i32 to index
        %get3A_1763 = arith.constant 0 : index
        %get3A_1764 = tpu.vector_load %arg17[%get3A_1762, %get3A_1763] {strides = array<i32>} : memref<128x128xf32, #tpu.memory_space<vmem>>, vector<1x16xf32>,
        %get3A_1765 = vector.shape_cast %get3A_1764 : vector<1x16xf32> to vector<16xf32>
        %sub3A_1766 = arith.subf %get3A_1760, %get3A_1765 : vector<16xf32>
        %swap3A_1767 = arith.constant 101 : i32
        %swap3A_1768 = arith.index_cast %swap3A_1767 : i32 to index
        %swap3A_1769 = arith.constant 0 : index
        %swap3A_1770 = tpu.vector_load %arg19[%swap3A_1768, %swap3A_1769] {strides = array<i32>} : memref<128x16xf32, #tpu.memory_space<vmem>>, vector<1x16xf32>,
        %swap3A_1771 = vector.shape_cast %swap3A_1770 : vector<1x16xf32> to vector<16xf32>
        %swap3A_1772 = vector.shape_cast %sub3A_1766 : vector<16xf32> to vector<1x16xf32>
        tpu.vector_store %arg19[%swap3A_1768, %swap3A_1769], %swap3A_1772 {strides = array<i32>} : memref<128x16xf32, #tpu.memory_space<vmem>>, vector<1x16xf32>,
        %get3A_1773 = arith.constant 102 : i32
        %get3A_1774 = arith.index_cast %get3A_1773 : i32 to index
        %get3A_1775 = arith.constant 0 : index
        %get3A_1776 = tpu.vector_load %arg18[%get3A_1774, %get3A_1775] {strides = array<i32>} : memref<128x128xf32, #tpu.memory_space<vmem>>, vector<1x16xf32>,
        %get3A_1777 = vector.shape_cast %get3A_1776 : vector<1x16xf32> to vector<16xf32>
        %get3A_1778 = arith.constant 102 : i32
        %get3A_1779 = arith.index_cast %get3A_1778 : i32 to index
        %get3A_1780 = arith.constant 0 : index
        %get3A_1781 = tpu.vector_load %arg17[%get3A_1779, %get3A_1780] {strides = array<i32>} : memref<128x128xf32, #tpu.memory_space<vmem>>, vector<1x16xf32>,
        %get3A_1782 = vector.shape_cast %get3A_1781 : vector<1x16xf32> to vector<16xf32>
        %sub3A_1783 = arith.subf %get3A_1777, %get3A_1782 : vector<16xf32>
        %swap3A_1784 = arith.constant 102 : i32
        %swap3A_1785 = arith.index_cast %swap3A_1784 : i32 to index
        %swap3A_1786 = arith.constant 0 : index
        %swap3A_1787 = tpu.vector_load %arg19[%swap3A_1785, %swap3A_1786] {strides = array<i32>} : memref<128x16xf32, #tpu.memory_space<vmem>>, vector<1x16xf32>,
        %swap3A_1788 = vector.shape_cast %swap3A_1787 : vector<1x16xf32> to vector<16xf32>
        %swap3A_1789 = vector.shape_cast %sub3A_1783 : vector<16xf32> to vector<1x16xf32>
        tpu.vector_store %arg19[%swap3A_1785, %swap3A_1786], %swap3A_1789 {strides = array<i32>} : memref<128x16xf32, #tpu.memory_space<vmem>>, vector<1x16xf32>,
        %get3A_1790 = arith.constant 103 : i32
        %get3A_1791 = arith.index_cast %get3A_1790 : i32 to index
        %get3A_1792 = arith.constant 0 : index
        %get3A_1793 = tpu.vector_load %arg18[%get3A_1791, %get3A_1792] {strides = array<i32>} : memref<128x128xf32, #tpu.memory_space<vmem>>, vector<1x16xf32>,
        %get3A_1794 = vector.shape_cast %get3A_1793 : vector<1x16xf32> to vector<16xf32>
        %get3A_1795 = arith.constant 103 : i32
        %get3A_1796 = arith.index_cast %get3A_1795 : i32 to index
        %get3A_1797 = arith.constant 0 : index
        %get3A_1798 = tpu.vector_load %arg17[%get3A_1796, %get3A_1797] {strides = array<i32>} : memref<128x128xf32, #tpu.memory_space<vmem>>, vector<1x16xf32>,
        %get3A_1799 = vector.shape_cast %get3A_1798 : vector<1x16xf32> to vector<16xf32>
        %sub3A_1800 = arith.subf %get3A_1794, %get3A_1799 : vector<16xf32>
        %swap3A_1801 = arith.constant 103 : i32
        %swap3A_1802 = arith.index_cast %swap3A_1801 : i32 to index
        %swap3A_1803 = arith.constant 0 : index
        %swap3A_1804 = tpu.vector_load %arg19[%swap3A_1802, %swap3A_1803] {strides = array<i32>} : memref<128x16xf32, #tpu.memory_space<vmem>>, vector<1x16xf32>,
        %swap3A_1805 = vector.shape_cast %swap3A_1804 : vector<1x16xf32> to vector<16xf32>
        %swap3A_1806 = vector.shape_cast %sub3A_1800 : vector<16xf32> to vector<1x16xf32>
        tpu.vector_store %arg19[%swap3A_1802, %swap3A_1803], %swap3A_1806 {strides = array<i32>} : memref<128x16xf32, #tpu.memory_space<vmem>>, vector<1x16xf32>,
        %get3A_1807 = arith.constant 104 : i32
        %get3A_1808 = arith.index_cast %get3A_1807 : i32 to index
        %get3A_1809 = arith.constant 0 : index
        %get3A_1810 = tpu.vector_load %arg18[%get3A_1808, %get3A_1809] {strides = array<i32>} : memref<128x128xf32, #tpu.memory_space<vmem>>, vector<1x16xf32>,
        %get3A_1811 = vector.shape_cast %get3A_1810 : vector<1x16xf32> to vector<16xf32>
        %get3A_1812 = arith.constant 104 : i32
        %get3A_1813 = arith.index_cast %get3A_1812 : i32 to index
        %get3A_1814 = arith.constant 0 : index
        %get3A_1815 = tpu.vector_load %arg17[%get3A_1813, %get3A_1814] {strides = array<i32>} : memref<128x128xf32, #tpu.memory_space<vmem>>, vector<1x16xf32>,
        %get3A_1816 = vector.shape_cast %get3A_1815 : vector<1x16xf32> to vector<16xf32>
        %sub3A_1817 = arith.subf %get3A_1811, %get3A_1816 : vector<16xf32>
        %swap3A_1818 = arith.constant 104 : i32
        %swap3A_1819 = arith.index_cast %swap3A_1818 : i32 to index
        %swap3A_1820 = arith.constant 0 : index
        %swap3A_1821 = tpu.vector_load %arg19[%swap3A_1819, %swap3A_1820] {strides = array<i32>} : memref<128x16xf32, #tpu.memory_space<vmem>>, vector<1x16xf32>,
        %swap3A_1822 = vector.shape_cast %swap3A_1821 : vector<1x16xf32> to vector<16xf32>
        %swap3A_1823 = vector.shape_cast %sub3A_1817 : vector<16xf32> to vector<1x16xf32>
        tpu.vector_store %arg19[%swap3A_1819, %swap3A_1820], %swap3A_1823 {strides = array<i32>} : memref<128x16xf32, #tpu.memory_space<vmem>>, vector<1x16xf32>,
        %get3A_1824 = arith.constant 105 : i32
        %get3A_1825 = arith.index_cast %get3A_1824 : i32 to index
        %get3A_1826 = arith.constant 0 : index
        %get3A_1827 = tpu.vector_load %arg18[%get3A_1825, %get3A_1826] {strides = array<i32>} : memref<128x128xf32, #tpu.memory_space<vmem>>, vector<1x16xf32>,
        %get3A_1828 = vector.shape_cast %get3A_1827 : vector<1x16xf32> to vector<16xf32>
        %get3A_1829 = arith.constant 105 : i32
        %get3A_1830 = arith.index_cast %get3A_1829 : i32 to index
        %get3A_1831 = arith.constant 0 : index
        %get3A_1832 = tpu.vector_load %arg17[%get3A_1830, %get3A_1831] {strides = array<i32>} : memref<128x128xf32, #tpu.memory_space<vmem>>, vector<1x16xf32>,
        %get3A_1833 = vector.shape_cast %get3A_1832 : vector<1x16xf32> to vector<16xf32>
        %sub3A_1834 = arith.subf %get3A_1828, %get3A_1833 : vector<16xf32>
        %swap3A_1835 = arith.constant 105 : i32
        %swap3A_1836 = arith.index_cast %swap3A_1835 : i32 to index
        %swap3A_1837 = arith.constant 0 : index
        %swap3A_1838 = tpu.vector_load %arg19[%swap3A_1836, %swap3A_1837] {strides = array<i32>} : memref<128x16xf32, #tpu.memory_space<vmem>>, vector<1x16xf32>,
        %swap3A_1839 = vector.shape_cast %swap3A_1838 : vector<1x16xf32> to vector<16xf32>
        %swap3A_1840 = vector.shape_cast %sub3A_1834 : vector<16xf32> to vector<1x16xf32>
        tpu.vector_store %arg19[%swap3A_1836, %swap3A_1837], %swap3A_1840 {strides = array<i32>} : memref<128x16xf32, #tpu.memory_space<vmem>>, vector<1x16xf32>,
        %get3A_1841 = arith.constant 106 : i32
        %get3A_1842 = arith.index_cast %get3A_1841 : i32 to index
        %get3A_1843 = arith.constant 0 : index
        %get3A_1844 = tpu.vector_load %arg18[%get3A_1842, %get3A_1843] {strides = array<i32>} : memref<128x128xf32, #tpu.memory_space<vmem>>, vector<1x16xf32>,
        %get3A_1845 = vector.shape_cast %get3A_1844 : vector<1x16xf32> to vector<16xf32>
        %get3A_1846 = arith.constant 106 : i32
        %get3A_1847 = arith.index_cast %get3A_1846 : i32 to index
        %get3A_1848 = arith.constant 0 : index
        %get3A_1849 = tpu.vector_load %arg17[%get3A_1847, %get3A_1848] {strides = array<i32>} : memref<128x128xf32, #tpu.memory_space<vmem>>, vector<1x16xf32>,
        %get3A_1850 = vector.shape_cast %get3A_1849 : vector<1x16xf32> to vector<16xf32>
        %sub3A_1851 = arith.subf %get3A_1845, %get3A_1850 : vector<16xf32>
        %swap3A_1852 = arith.constant 106 : i32
        %swap3A_1853 = arith.index_cast %swap3A_1852 : i32 to index
        %swap3A_1854 = arith.constant 0 : index
        %swap3A_1855 = tpu.vector_load %arg19[%swap3A_1853, %swap3A_1854] {strides = array<i32>} : memref<128x16xf32, #tpu.memory_space<vmem>>, vector<1x16xf32>,
        %swap3A_1856 = vector.shape_cast %swap3A_1855 : vector<1x16xf32> to vector<16xf32>
        %swap3A_1857 = vector.shape_cast %sub3A_1851 : vector<16xf32> to vector<1x16xf32>
        tpu.vector_store %arg19[%swap3A_1853, %swap3A_1854], %swap3A_1857 {strides = array<i32>} : memref<128x16xf32, #tpu.memory_space<vmem>>, vector<1x16xf32>,
        %get3A_1858 = arith.constant 107 : i32
        %get3A_1859 = arith.index_cast %get3A_1858 : i32 to index
        %get3A_1860 = arith.constant 0 : index
        %get3A_1861 = tpu.vector_load %arg18[%get3A_1859, %get3A_1860] {strides = array<i32>} : memref<128x128xf32, #tpu.memory_space<vmem>>, vector<1x16xf32>,
        %get3A_1862 = vector.shape_cast %get3A_1861 : vector<1x16xf32> to vector<16xf32>
        %get3A_1863 = arith.constant 107 : i32
        %get3A_1864 = arith.index_cast %get3A_1863 : i32 to index
        %get3A_1865 = arith.constant 0 : index
        %get3A_1866 = tpu.vector_load %arg17[%get3A_1864, %get3A_1865] {strides = array<i32>} : memref<128x128xf32, #tpu.memory_space<vmem>>, vector<1x16xf32>,
        %get3A_1867 = vector.shape_cast %get3A_1866 : vector<1x16xf32> to vector<16xf32>
        %sub3A_1868 = arith.subf %get3A_1862, %get3A_1867 : vector<16xf32>
        %swap3A_1869 = arith.constant 107 : i32
        %swap3A_1870 = arith.index_cast %swap3A_1869 : i32 to index
        %swap3A_1871 = arith.constant 0 : index
        %swap3A_1872 = tpu.vector_load %arg19[%swap3A_1870, %swap3A_1871] {strides = array<i32>} : memref<128x16xf32, #tpu.memory_space<vmem>>, vector<1x16xf32>,
        %swap3A_1873 = vector.shape_cast %swap3A_1872 : vector<1x16xf32> to vector<16xf32>
        %swap3A_1874 = vector.shape_cast %sub3A_1868 : vector<16xf32> to vector<1x16xf32>
        tpu.vector_store %arg19[%swap3A_1870, %swap3A_1871], %swap3A_1874 {strides = array<i32>} : memref<128x16xf32, #tpu.memory_space<vmem>>, vector<1x16xf32>,
        %get3A_1875 = arith.constant 108 : i32
        %get3A_1876 = arith.index_cast %get3A_1875 : i32 to index
        %get3A_1877 = arith.constant 0 : index
        %get3A_1878 = tpu.vector_load %arg18[%get3A_1876, %get3A_1877] {strides = array<i32>} : memref<128x128xf32, #tpu.memory_space<vmem>>, vector<1x16xf32>,
        %get3A_1879 = vector.shape_cast %get3A_1878 : vector<1x16xf32> to vector<16xf32>
        %get3A_1880 = arith.constant 108 : i32
        %get3A_1881 = arith.index_cast %get3A_1880 : i32 to index
        %get3A_1882 = arith.constant 0 : index
        %get3A_1883 = tpu.vector_load %arg17[%get3A_1881, %get3A_1882] {strides = array<i32>} : memref<128x128xf32, #tpu.memory_space<vmem>>, vector<1x16xf32>,
        %get3A_1884 = vector.shape_cast %get3A_1883 : vector<1x16xf32> to vector<16xf32>
        %sub3A_1885 = arith.subf %get3A_1879, %get3A_1884 : vector<16xf32>
        %swap3A_1886 = arith.constant 108 : i32
        %swap3A_1887 = arith.index_cast %swap3A_1886 : i32 to index
        %swap3A_1888 = arith.constant 0 : index
        %swap3A_1889 = tpu.vector_load %arg19[%swap3A_1887, %swap3A_1888] {strides = array<i32>} : memref<128x16xf32, #tpu.memory_space<vmem>>, vector<1x16xf32>,
        %swap3A_1890 = vector.shape_cast %swap3A_1889 : vector<1x16xf32> to vector<16xf32>
        %swap3A_1891 = vector.shape_cast %sub3A_1885 : vector<16xf32> to vector<1x16xf32>
        tpu.vector_store %arg19[%swap3A_1887, %swap3A_1888], %swap3A_1891 {strides = array<i32>} : memref<128x16xf32, #tpu.memory_space<vmem>>, vector<1x16xf32>,
        %get3A_1892 = arith.constant 109 : i32
        %get3A_1893 = arith.index_cast %get3A_1892 : i32 to index
        %get3A_1894 = arith.constant 0 : index
        %get3A_1895 = tpu.vector_load %arg18[%get3A_1893, %get3A_1894] {strides = array<i32>} : memref<128x128xf32, #tpu.memory_space<vmem>>, vector<1x16xf32>,
        %get3A_1896 = vector.shape_cast %get3A_1895 : vector<1x16xf32> to vector<16xf32>
        %get3A_1897 = arith.constant 109 : i32
        %get3A_1898 = arith.index_cast %get3A_1897 : i32 to index
        %get3A_1899 = arith.constant 0 : index
        %get3A_1900 = tpu.vector_load %arg17[%get3A_1898, %get3A_1899] {strides = array<i32>} : memref<128x128xf32, #tpu.memory_space<vmem>>, vector<1x16xf32>,
        %get3A_1901 = vector.shape_cast %get3A_1900 : vector<1x16xf32> to vector<16xf32>
        %sub3A_1902 = arith.subf %get3A_1896, %get3A_1901 : vector<16xf32>
        %swap3A_1903 = arith.constant 109 : i32
        %swap3A_1904 = arith.index_cast %swap3A_1903 : i32 to index
        %swap3A_1905 = arith.constant 0 : index
        %swap3A_1906 = tpu.vector_load %arg19[%swap3A_1904, %swap3A_1905] {strides = array<i32>} : memref<128x16xf32, #tpu.memory_space<vmem>>, vector<1x16xf32>,
        %swap3A_1907 = vector.shape_cast %swap3A_1906 : vector<1x16xf32> to vector<16xf32>
        %swap3A_1908 = vector.shape_cast %sub3A_1902 : vector<16xf32> to vector<1x16xf32>
        tpu.vector_store %arg19[%swap3A_1904, %swap3A_1905], %swap3A_1908 {strides = array<i32>} : memref<128x16xf32, #tpu.memory_space<vmem>>, vector<1x16xf32>,
        %get3A_1909 = arith.constant 110 : i32
        %get3A_1910 = arith.index_cast %get3A_1909 : i32 to index
        %get3A_1911 = arith.constant 0 : index
        %get3A_1912 = tpu.vector_load %arg18[%get3A_1910, %get3A_1911] {strides = array<i32>} : memref<128x128xf32, #tpu.memory_space<vmem>>, vector<1x16xf32>,
        %get3A_1913 = vector.shape_cast %get3A_1912 : vector<1x16xf32> to vector<16xf32>
        %get3A_1914 = arith.constant 110 : i32
        %get3A_1915 = arith.index_cast %get3A_1914 : i32 to index
        %get3A_1916 = arith.constant 0 : index
        %get3A_1917 = tpu.vector_load %arg17[%get3A_1915, %get3A_1916] {strides = array<i32>} : memref<128x128xf32, #tpu.memory_space<vmem>>, vector<1x16xf32>,
        %get3A_1918 = vector.shape_cast %get3A_1917 : vector<1x16xf32> to vector<16xf32>
        %sub3A_1919 = arith.subf %get3A_1913, %get3A_1918 : vector<16xf32>
        %swap3A_1920 = arith.constant 110 : i32
        %swap3A_1921 = arith.index_cast %swap3A_1920 : i32 to index
        %swap3A_1922 = arith.constant 0 : index
        %swap3A_1923 = tpu.vector_load %arg19[%swap3A_1921, %swap3A_1922] {strides = array<i32>} : memref<128x16xf32, #tpu.memory_space<vmem>>, vector<1x16xf32>,
        %swap3A_1924 = vector.shape_cast %swap3A_1923 : vector<1x16xf32> to vector<16xf32>
        %swap3A_1925 = vector.shape_cast %sub3A_1919 : vector<16xf32> to vector<1x16xf32>
        tpu.vector_store %arg19[%swap3A_1921, %swap3A_1922], %swap3A_1925 {strides = array<i32>} : memref<128x16xf32, #tpu.memory_space<vmem>>, vector<1x16xf32>,
        %get3A_1926 = arith.constant 111 : i32
        %get3A_1927 = arith.index_cast %get3A_1926 : i32 to index
        %get3A_1928 = arith.constant 0 : index
        %get3A_1929 = tpu.vector_load %arg18[%get3A_1927, %get3A_1928] {strides = array<i32>} : memref<128x128xf32, #tpu.memory_space<vmem>>, vector<1x16xf32>,
        %get3A_1930 = vector.shape_cast %get3A_1929 : vector<1x16xf32> to vector<16xf32>
        %get3A_1931 = arith.constant 111 : i32
        %get3A_1932 = arith.index_cast %get3A_1931 : i32 to index
        %get3A_1933 = arith.constant 0 : index
        %get3A_1934 = tpu.vector_load %arg17[%get3A_1932, %get3A_1933] {strides = array<i32>} : memref<128x128xf32, #tpu.memory_space<vmem>>, vector<1x16xf32>,
        %get3A_1935 = vector.shape_cast %get3A_1934 : vector<1x16xf32> to vector<16xf32>
        %sub3A_1936 = arith.subf %get3A_1930, %get3A_1935 : vector<16xf32>
        %swap3A_1937 = arith.constant 111 : i32
        %swap3A_1938 = arith.index_cast %swap3A_1937 : i32 to index
        %swap3A_1939 = arith.constant 0 : index
        %swap3A_1940 = tpu.vector_load %arg19[%swap3A_1938, %swap3A_1939] {strides = array<i32>} : memref<128x16xf32, #tpu.memory_space<vmem>>, vector<1x16xf32>,
        %swap3A_1941 = vector.shape_cast %swap3A_1940 : vector<1x16xf32> to vector<16xf32>
        %swap3A_1942 = vector.shape_cast %sub3A_1936 : vector<16xf32> to vector<1x16xf32>
        tpu.vector_store %arg19[%swap3A_1938, %swap3A_1939], %swap3A_1942 {strides = array<i32>} : memref<128x16xf32, #tpu.memory_space<vmem>>, vector<1x16xf32>,
        %get3A_1943 = arith.constant 112 : i32
        %get3A_1944 = arith.index_cast %get3A_1943 : i32 to index
        %get3A_1945 = arith.constant 0 : index
        %get3A_1946 = tpu.vector_load %arg18[%get3A_1944, %get3A_1945] {strides = array<i32>} : memref<128x128xf32, #tpu.memory_space<vmem>>, vector<1x16xf32>,
        %get3A_1947 = vector.shape_cast %get3A_1946 : vector<1x16xf32> to vector<16xf32>
        %get3A_1948 = arith.constant 112 : i32
        %get3A_1949 = arith.index_cast %get3A_1948 : i32 to index
        %get3A_1950 = arith.constant 0 : index
        %get3A_1951 = tpu.vector_load %arg17[%get3A_1949, %get3A_1950] {strides = array<i32>} : memref<128x128xf32, #tpu.memory_space<vmem>>, vector<1x16xf32>,
        %get3A_1952 = vector.shape_cast %get3A_1951 : vector<1x16xf32> to vector<16xf32>
        %sub3A_1953 = arith.subf %get3A_1947, %get3A_1952 : vector<16xf32>
        %swap3A_1954 = arith.constant 112 : i32
        %swap3A_1955 = arith.index_cast %swap3A_1954 : i32 to index
        %swap3A_1956 = arith.constant 0 : index
        %swap3A_1957 = tpu.vector_load %arg19[%swap3A_1955, %swap3A_1956] {strides = array<i32>} : memref<128x16xf32, #tpu.memory_space<vmem>>, vector<1x16xf32>,
        %swap3A_1958 = vector.shape_cast %swap3A_1957 : vector<1x16xf32> to vector<16xf32>
        %swap3A_1959 = vector.shape_cast %sub3A_1953 : vector<16xf32> to vector<1x16xf32>
        tpu.vector_store %arg19[%swap3A_1955, %swap3A_1956], %swap3A_1959 {strides = array<i32>} : memref<128x16xf32, #tpu.memory_space<vmem>>, vector<1x16xf32>,
        %get3A_1960 = arith.constant 113 : i32
        %get3A_1961 = arith.index_cast %get3A_1960 : i32 to index
        %get3A_1962 = arith.constant 0 : index
        %get3A_1963 = tpu.vector_load %arg18[%get3A_1961, %get3A_1962] {strides = array<i32>} : memref<128x128xf32, #tpu.memory_space<vmem>>, vector<1x16xf32>,
        %get3A_1964 = vector.shape_cast %get3A_1963 : vector<1x16xf32> to vector<16xf32>
        %get3A_1965 = arith.constant 113 : i32
        %get3A_1966 = arith.index_cast %get3A_1965 : i32 to index
        %get3A_1967 = arith.constant 0 : index
        %get3A_1968 = tpu.vector_load %arg17[%get3A_1966, %get3A_1967] {strides = array<i32>} : memref<128x128xf32, #tpu.memory_space<vmem>>, vector<1x16xf32>,
        %get3A_1969 = vector.shape_cast %get3A_1968 : vector<1x16xf32> to vector<16xf32>
        %sub3A_1970 = arith.subf %get3A_1964, %get3A_1969 : vector<16xf32>
        %swap3A_1971 = arith.constant 113 : i32
        %swap3A_1972 = arith.index_cast %swap3A_1971 : i32 to index
        %swap3A_1973 = arith.constant 0 : index
        %swap3A_1974 = tpu.vector_load %arg19[%swap3A_1972, %swap3A_1973] {strides = array<i32>} : memref<128x16xf32, #tpu.memory_space<vmem>>, vector<1x16xf32>,
        %swap3A_1975 = vector.shape_cast %swap3A_1974 : vector<1x16xf32> to vector<16xf32>
        %swap3A_1976 = vector.shape_cast %sub3A_1970 : vector<16xf32> to vector<1x16xf32>
        tpu.vector_store %arg19[%swap3A_1972, %swap3A_1973], %swap3A_1976 {strides = array<i32>} : memref<128x16xf32, #tpu.memory_space<vmem>>, vector<1x16xf32>,
        %get3A_1977 = arith.constant 114 : i32
        %get3A_1978 = arith.index_cast %get3A_1977 : i32 to index
        %get3A_1979 = arith.constant 0 : index
        %get3A_1980 = tpu.vector_load %arg18[%get3A_1978, %get3A_1979] {strides = array<i32>} : memref<128x128xf32, #tpu.memory_space<vmem>>, vector<1x16xf32>,
        %get3A_1981 = vector.shape_cast %get3A_1980 : vector<1x16xf32> to vector<16xf32>
        %get3A_1982 = arith.constant 114 : i32
        %get3A_1983 = arith.index_cast %get3A_1982 : i32 to index
        %get3A_1984 = arith.constant 0 : index
        %get3A_1985 = tpu.vector_load %arg17[%get3A_1983, %get3A_1984] {strides = array<i32>} : memref<128x128xf32, #tpu.memory_space<vmem>>, vector<1x16xf32>,
        %get3A_1986 = vector.shape_cast %get3A_1985 : vector<1x16xf32> to vector<16xf32>
        %sub3A_1987 = arith.subf %get3A_1981, %get3A_1986 : vector<16xf32>
        %swap3A_1988 = arith.constant 114 : i32
        %swap3A_1989 = arith.index_cast %swap3A_1988 : i32 to index
        %swap3A_1990 = arith.constant 0 : index
        %swap3A_1991 = tpu.vector_load %arg19[%swap3A_1989, %swap3A_1990] {strides = array<i32>} : memref<128x16xf32, #tpu.memory_space<vmem>>, vector<1x16xf32>,
        %swap3A_1992 = vector.shape_cast %swap3A_1991 : vector<1x16xf32> to vector<16xf32>
        %swap3A_1993 = vector.shape_cast %sub3A_1987 : vector<16xf32> to vector<1x16xf32>
        tpu.vector_store %arg19[%swap3A_1989, %swap3A_1990], %swap3A_1993 {strides = array<i32>} : memref<128x16xf32, #tpu.memory_space<vmem>>, vector<1x16xf32>,
        %get3A_1994 = arith.constant 115 : i32
        %get3A_1995 = arith.index_cast %get3A_1994 : i32 to index
        %get3A_1996 = arith.constant 0 : index
        %get3A_1997 = tpu.vector_load %arg18[%get3A_1995, %get3A_1996] {strides = array<i32>} : memref<128x128xf32, #tpu.memory_space<vmem>>, vector<1x16xf32>,
        %get3A_1998 = vector.shape_cast %get3A_1997 : vector<1x16xf32> to vector<16xf32>
        %get3A_1999 = arith.constant 115 : i32
        %get3A_2000 = arith.index_cast %get3A_1999 : i32 to index
        %get3A_2001 = arith.constant 0 : index
        %get3A_2002 = tpu.vector_load %arg17[%get3A_2000, %get3A_2001] {strides = array<i32>} : memref<128x128xf32, #tpu.memory_space<vmem>>, vector<1x16xf32>,
        %get3A_2003 = vector.shape_cast %get3A_2002 : vector<1x16xf32> to vector<16xf32>
        %sub3A_2004 = arith.subf %get3A_1998, %get3A_2003 : vector<16xf32>
        %swap3A_2005 = arith.constant 115 : i32
        %swap3A_2006 = arith.index_cast %swap3A_2005 : i32 to index
        %swap3A_2007 = arith.constant 0 : index
        %swap3A_2008 = tpu.vector_load %arg19[%swap3A_2006, %swap3A_2007] {strides = array<i32>} : memref<128x16xf32, #tpu.memory_space<vmem>>, vector<1x16xf32>,
        %swap3A_2009 = vector.shape_cast %swap3A_2008 : vector<1x16xf32> to vector<16xf32>
        %swap3A_2010 = vector.shape_cast %sub3A_2004 : vector<16xf32> to vector<1x16xf32>
        tpu.vector_store %arg19[%swap3A_2006, %swap3A_2007], %swap3A_2010 {strides = array<i32>} : memref<128x16xf32, #tpu.memory_space<vmem>>, vector<1x16xf32>,
        %get3A_2011 = arith.constant 116 : i32
        %get3A_2012 = arith.index_cast %get3A_2011 : i32 to index
        %get3A_2013 = arith.constant 0 : index
        %get3A_2014 = tpu.vector_load %arg18[%get3A_2012, %get3A_2013] {strides = array<i32>} : memref<128x128xf32, #tpu.memory_space<vmem>>, vector<1x16xf32>,
        %get3A_2015 = vector.shape_cast %get3A_2014 : vector<1x16xf32> to vector<16xf32>
        %get3A_2016 = arith.constant 116 : i32
        %get3A_2017 = arith.index_cast %get3A_2016 : i32 to index
        %get3A_2018 = arith.constant 0 : index
        %get3A_2019 = tpu.vector_load %arg17[%get3A_2017, %get3A_2018] {strides = array<i32>} : memref<128x128xf32, #tpu.memory_space<vmem>>, vector<1x16xf32>,
        %get3A_2020 = vector.shape_cast %get3A_2019 : vector<1x16xf32> to vector<16xf32>
        %sub3A_2021 = arith.subf %get3A_2015, %get3A_2020 : vector<16xf32>
        %swap3A_2022 = arith.constant 116 : i32
        %swap3A_2023 = arith.index_cast %swap3A_2022 : i32 to index
        %swap3A_2024 = arith.constant 0 : index
        %swap3A_2025 = tpu.vector_load %arg19[%swap3A_2023, %swap3A_2024] {strides = array<i32>} : memref<128x16xf32, #tpu.memory_space<vmem>>, vector<1x16xf32>,
        %swap3A_2026 = vector.shape_cast %swap3A_2025 : vector<1x16xf32> to vector<16xf32>
        %swap3A_2027 = vector.shape_cast %sub3A_2021 : vector<16xf32> to vector<1x16xf32>
        tpu.vector_store %arg19[%swap3A_2023, %swap3A_2024], %swap3A_2027 {strides = array<i32>} : memref<128x16xf32, #tpu.memory_space<vmem>>, vector<1x16xf32>,
        %get3A_2028 = arith.constant 117 : i32
        %get3A_2029 = arith.index_cast %get3A_2028 : i32 to index
        %get3A_2030 = arith.constant 0 : index
        %get3A_2031 = tpu.vector_load %arg18[%get3A_2029, %get3A_2030] {strides = array<i32>} : memref<128x128xf32, #tpu.memory_space<vmem>>, vector<1x16xf32>,
        %get3A_2032 = vector.shape_cast %get3A_2031 : vector<1x16xf32> to vector<16xf32>
        %get3A_2033 = arith.constant 117 : i32
        %get3A_2034 = arith.index_cast %get3A_2033 : i32 to index
        %get3A_2035 = arith.constant 0 : index
        %get3A_2036 = tpu.vector_load %arg17[%get3A_2034, %get3A_2035] {strides = array<i32>} : memref<128x128xf32, #tpu.memory_space<vmem>>, vector<1x16xf32>,
        %get3A_2037 = vector.shape_cast %get3A_2036 : vector<1x16xf32> to vector<16xf32>
        %sub3A_2038 = arith.subf %get3A_2032, %get3A_2037 : vector<16xf32>
        %swap3A_2039 = arith.constant 117 : i32
        %swap3A_2040 = arith.index_cast %swap3A_2039 : i32 to index
        %swap3A_2041 = arith.constant 0 : index
        %swap3A_2042 = tpu.vector_load %arg19[%swap3A_2040, %swap3A_2041] {strides = array<i32>} : memref<128x16xf32, #tpu.memory_space<vmem>>, vector<1x16xf32>,
        %swap3A_2043 = vector.shape_cast %swap3A_2042 : vector<1x16xf32> to vector<16xf32>
        %swap3A_2044 = vector.shape_cast %sub3A_2038 : vector<16xf32> to vector<1x16xf32>
        tpu.vector_store %arg19[%swap3A_2040, %swap3A_2041], %swap3A_2044 {strides = array<i32>} : memref<128x16xf32, #tpu.memory_space<vmem>>, vector<1x16xf32>,
        %get3A_2045 = arith.constant 118 : i32
        %get3A_2046 = arith.index_cast %get3A_2045 : i32 to index
        %get3A_2047 = arith.constant 0 : index
        %get3A_2048 = tpu.vector_load %arg18[%get3A_2046, %get3A_2047] {strides = array<i32>} : memref<128x128xf32, #tpu.memory_space<vmem>>, vector<1x16xf32>,
        %get3A_2049 = vector.shape_cast %get3A_2048 : vector<1x16xf32> to vector<16xf32>
        %get3A_2050 = arith.constant 118 : i32
        %get3A_2051 = arith.index_cast %get3A_2050 : i32 to index
        %get3A_2052 = arith.constant 0 : index
        %get3A_2053 = tpu.vector_load %arg17[%get3A_2051, %get3A_2052] {strides = array<i32>} : memref<128x128xf32, #tpu.memory_space<vmem>>, vector<1x16xf32>,
        %get3A_2054 = vector.shape_cast %get3A_2053 : vector<1x16xf32> to vector<16xf32>
        %sub3A_2055 = arith.subf %get3A_2049, %get3A_2054 : vector<16xf32>
        %swap3A_2056 = arith.constant 118 : i32
        %swap3A_2057 = arith.index_cast %swap3A_2056 : i32 to index
        %swap3A_2058 = arith.constant 0 : index
        %swap3A_2059 = tpu.vector_load %arg19[%swap3A_2057, %swap3A_2058] {strides = array<i32>} : memref<128x16xf32, #tpu.memory_space<vmem>>, vector<1x16xf32>,
        %swap3A_2060 = vector.shape_cast %swap3A_2059 : vector<1x16xf32> to vector<16xf32>
        %swap3A_2061 = vector.shape_cast %sub3A_2055 : vector<16xf32> to vector<1x16xf32>
        tpu.vector_store %arg19[%swap3A_2057, %swap3A_2058], %swap3A_2061 {strides = array<i32>} : memref<128x16xf32, #tpu.memory_space<vmem>>, vector<1x16xf32>,
        %get3A_2062 = arith.constant 119 : i32
        %get3A_2063 = arith.index_cast %get3A_2062 : i32 to index
        %get3A_2064 = arith.constant 0 : index
        %get3A_2065 = tpu.vector_load %arg18[%get3A_2063, %get3A_2064] {strides = array<i32>} : memref<128x128xf32, #tpu.memory_space<vmem>>, vector<1x16xf32>,
        %get3A_2066 = vector.shape_cast %get3A_2065 : vector<1x16xf32> to vector<16xf32>
        %get3A_2067 = arith.constant 119 : i32
        %get3A_2068 = arith.index_cast %get3A_2067 : i32 to index
        %get3A_2069 = arith.constant 0 : index
        %get3A_2070 = tpu.vector_load %arg17[%get3A_2068, %get3A_2069] {strides = array<i32>} : memref<128x128xf32, #tpu.memory_space<vmem>>, vector<1x16xf32>,
        %get3A_2071 = vector.shape_cast %get3A_2070 : vector<1x16xf32> to vector<16xf32>
        %sub3A_2072 = arith.subf %get3A_2066, %get3A_2071 : vector<16xf32>
        %swap3A_2073 = arith.constant 119 : i32
        %swap3A_2074 = arith.index_cast %swap3A_2073 : i32 to index
        %swap3A_2075 = arith.constant 0 : index
        %swap3A_2076 = tpu.vector_load %arg19[%swap3A_2074, %swap3A_2075] {strides = array<i32>} : memref<128x16xf32, #tpu.memory_space<vmem>>, vector<1x16xf32>,
        %swap3A_2077 = vector.shape_cast %swap3A_2076 : vector<1x16xf32> to vector<16xf32>
        %swap3A_2078 = vector.shape_cast %sub3A_2072 : vector<16xf32> to vector<1x16xf32>
        tpu.vector_store %arg19[%swap3A_2074, %swap3A_2075], %swap3A_2078 {strides = array<i32>} : memref<128x16xf32, #tpu.memory_space<vmem>>, vector<1x16xf32>,
        %get3A_2079 = arith.constant 120 : i32
        %get3A_2080 = arith.index_cast %get3A_2079 : i32 to index
        %get3A_2081 = arith.constant 0 : index
        %get3A_2082 = tpu.vector_load %arg18[%get3A_2080, %get3A_2081] {strides = array<i32>} : memref<128x128xf32, #tpu.memory_space<vmem>>, vector<1x16xf32>,
        %get3A_2083 = vector.shape_cast %get3A_2082 : vector<1x16xf32> to vector<16xf32>
        %get3A_2084 = arith.constant 120 : i32
        %get3A_2085 = arith.index_cast %get3A_2084 : i32 to index
        %get3A_2086 = arith.constant 0 : index
        %get3A_2087 = tpu.vector_load %arg17[%get3A_2085, %get3A_2086] {strides = array<i32>} : memref<128x128xf32, #tpu.memory_space<vmem>>, vector<1x16xf32>,
        %get3A_2088 = vector.shape_cast %get3A_2087 : vector<1x16xf32> to vector<16xf32>
        %sub3A_2089 = arith.subf %get3A_2083, %get3A_2088 : vector<16xf32>
        %swap3A_2090 = arith.constant 120 : i32
        %swap3A_2091 = arith.index_cast %swap3A_2090 : i32 to index
        %swap3A_2092 = arith.constant 0 : index
        %swap3A_2093 = tpu.vector_load %arg19[%swap3A_2091, %swap3A_2092] {strides = array<i32>} : memref<128x16xf32, #tpu.memory_space<vmem>>, vector<1x16xf32>,
        %swap3A_2094 = vector.shape_cast %swap3A_2093 : vector<1x16xf32> to vector<16xf32>
        %swap3A_2095 = vector.shape_cast %sub3A_2089 : vector<16xf32> to vector<1x16xf32>
        tpu.vector_store %arg19[%swap3A_2091, %swap3A_2092], %swap3A_2095 {strides = array<i32>} : memref<128x16xf32, #tpu.memory_space<vmem>>, vector<1x16xf32>,
        %get3A_2096 = arith.constant 121 : i32
        %get3A_2097 = arith.index_cast %get3A_2096 : i32 to index
        %get3A_2098 = arith.constant 0 : index
        %get3A_2099 = tpu.vector_load %arg18[%get3A_2097, %get3A_2098] {strides = array<i32>} : memref<128x128xf32, #tpu.memory_space<vmem>>, vector<1x16xf32>,
        %get3A_2100 = vector.shape_cast %get3A_2099 : vector<1x16xf32> to vector<16xf32>
        %get3A_2101 = arith.constant 121 : i32
        %get3A_2102 = arith.index_cast %get3A_2101 : i32 to index
        %get3A_2103 = arith.constant 0 : index
        %get3A_2104 = tpu.vector_load %arg17[%get3A_2102, %get3A_2103] {strides = array<i32>} : memref<128x128xf32, #tpu.memory_space<vmem>>, vector<1x16xf32>,
        %get3A_2105 = vector.shape_cast %get3A_2104 : vector<1x16xf32> to vector<16xf32>
        %sub3A_2106 = arith.subf %get3A_2100, %get3A_2105 : vector<16xf32>
        %swap3A_2107 = arith.constant 121 : i32
        %swap3A_2108 = arith.index_cast %swap3A_2107 : i32 to index
        %swap3A_2109 = arith.constant 0 : index
        %swap3A_2110 = tpu.vector_load %arg19[%swap3A_2108, %swap3A_2109] {strides = array<i32>} : memref<128x16xf32, #tpu.memory_space<vmem>>, vector<1x16xf32>,
        %swap3A_2111 = vector.shape_cast %swap3A_2110 : vector<1x16xf32> to vector<16xf32>
        %swap3A_2112 = vector.shape_cast %sub3A_2106 : vector<16xf32> to vector<1x16xf32>
        tpu.vector_store %arg19[%swap3A_2108, %swap3A_2109], %swap3A_2112 {strides = array<i32>} : memref<128x16xf32, #tpu.memory_space<vmem>>, vector<1x16xf32>,
        %get3A_2113 = arith.constant 122 : i32
        %get3A_2114 = arith.index_cast %get3A_2113 : i32 to index
        %get3A_2115 = arith.constant 0 : index
        %get3A_2116 = tpu.vector_load %arg18[%get3A_2114, %get3A_2115] {strides = array<i32>} : memref<128x128xf32, #tpu.memory_space<vmem>>, vector<1x16xf32>,
        %get3A_2117 = vector.shape_cast %get3A_2116 : vector<1x16xf32> to vector<16xf32>
        %get3A_2118 = arith.constant 122 : i32
        %get3A_2119 = arith.index_cast %get3A_2118 : i32 to index
        %get3A_2120 = arith.constant 0 : index
        %get3A_2121 = tpu.vector_load %arg17[%get3A_2119, %get3A_2120] {strides = array<i32>} : memref<128x128xf32, #tpu.memory_space<vmem>>, vector<1x16xf32>,
        %get3A_2122 = vector.shape_cast %get3A_2121 : vector<1x16xf32> to vector<16xf32>
        %sub3A_2123 = arith.subf %get3A_2117, %get3A_2122 : vector<16xf32>
        %swap3A_2124 = arith.constant 122 : i32
        %swap3A_2125 = arith.index_cast %swap3A_2124 : i32 to index
        %swap3A_2126 = arith.constant 0 : index
        %swap3A_2127 = tpu.vector_load %arg19[%swap3A_2125, %swap3A_2126] {strides = array<i32>} : memref<128x16xf32, #tpu.memory_space<vmem>>, vector<1x16xf32>,
        %swap3A_2128 = vector.shape_cast %swap3A_2127 : vector<1x16xf32> to vector<16xf32>
        %swap3A_2129 = vector.shape_cast %sub3A_2123 : vector<16xf32> to vector<1x16xf32>
        tpu.vector_store %arg19[%swap3A_2125, %swap3A_2126], %swap3A_2129 {strides = array<i32>} : memref<128x16xf32, #tpu.memory_space<vmem>>, vector<1x16xf32>,
        %get3A_2130 = arith.constant 123 : i32
        %get3A_2131 = arith.index_cast %get3A_2130 : i32 to index
        %get3A_2132 = arith.constant 0 : index
        %get3A_2133 = tpu.vector_load %arg18[%get3A_2131, %get3A_2132] {strides = array<i32>} : memref<128x128xf32, #tpu.memory_space<vmem>>, vector<1x16xf32>,
        %get3A_2134 = vector.shape_cast %get3A_2133 : vector<1x16xf32> to vector<16xf32>
        %get3A_2135 = arith.constant 123 : i32
        %get3A_2136 = arith.index_cast %get3A_2135 : i32 to index
        %get3A_2137 = arith.constant 0 : index
        %get3A_2138 = tpu.vector_load %arg17[%get3A_2136, %get3A_2137] {strides = array<i32>} : memref<128x128xf32, #tpu.memory_space<vmem>>, vector<1x16xf32>,
        %get3A_2139 = vector.shape_cast %get3A_2138 : vector<1x16xf32> to vector<16xf32>
        %sub3A_2140 = arith.subf %get3A_2134, %get3A_2139 : vector<16xf32>
        %swap3A_2141 = arith.constant 123 : i32
        %swap3A_2142 = arith.index_cast %swap3A_2141 : i32 to index
        %swap3A_2143 = arith.constant 0 : index
        %swap3A_2144 = tpu.vector_load %arg19[%swap3A_2142, %swap3A_2143] {strides = array<i32>} : memref<128x16xf32, #tpu.memory_space<vmem>>, vector<1x16xf32>,
        %swap3A_2145 = vector.shape_cast %swap3A_2144 : vector<1x16xf32> to vector<16xf32>
        %swap3A_2146 = vector.shape_cast %sub3A_2140 : vector<16xf32> to vector<1x16xf32>
        tpu.vector_store %arg19[%swap3A_2142, %swap3A_2143], %swap3A_2146 {strides = array<i32>} : memref<128x16xf32, #tpu.memory_space<vmem>>, vector<1x16xf32>,
        %get3A_2147 = arith.constant 124 : i32
        %get3A_2148 = arith.index_cast %get3A_2147 : i32 to index
        %get3A_2149 = arith.constant 0 : index
        %get3A_2150 = tpu.vector_load %arg18[%get3A_2148, %get3A_2149] {strides = array<i32>} : memref<128x128xf32, #tpu.memory_space<vmem>>, vector<1x16xf32>,
        %get3A_2151 = vector.shape_cast %get3A_2150 : vector<1x16xf32> to vector<16xf32>
        %get3A_2152 = arith.constant 124 : i32
        %get3A_2153 = arith.index_cast %get3A_2152 : i32 to index
        %get3A_2154 = arith.constant 0 : index
        %get3A_2155 = tpu.vector_load %arg17[%get3A_2153, %get3A_2154] {strides = array<i32>} : memref<128x128xf32, #tpu.memory_space<vmem>>, vector<1x16xf32>,
        %get3A_2156 = vector.shape_cast %get3A_2155 : vector<1x16xf32> to vector<16xf32>
        %sub3A_2157 = arith.subf %get3A_2151, %get3A_2156 : vector<16xf32>
        %swap3A_2158 = arith.constant 124 : i32
        %swap3A_2159 = arith.index_cast %swap3A_2158 : i32 to index
        %swap3A_2160 = arith.constant 0 : index
        %swap3A_2161 = tpu.vector_load %arg19[%swap3A_2159, %swap3A_2160] {strides = array<i32>} : memref<128x16xf32, #tpu.memory_space<vmem>>, vector<1x16xf32>,
        %swap3A_2162 = vector.shape_cast %swap3A_2161 : vector<1x16xf32> to vector<16xf32>
        %swap3A_2163 = vector.shape_cast %sub3A_2157 : vector<16xf32> to vector<1x16xf32>
        tpu.vector_store %arg19[%swap3A_2159, %swap3A_2160], %swap3A_2163 {strides = array<i32>} : memref<128x16xf32, #tpu.memory_space<vmem>>, vector<1x16xf32>,
        %get3A_2164 = arith.constant 125 : i32
        %get3A_2165 = arith.index_cast %get3A_2164 : i32 to index
        %get3A_2166 = arith.constant 0 : index
        %get3A_2167 = tpu.vector_load %arg18[%get3A_2165, %get3A_2166] {strides = array<i32>} : memref<128x128xf32, #tpu.memory_space<vmem>>, vector<1x16xf32>,
        %get3A_2168 = vector.shape_cast %get3A_2167 : vector<1x16xf32> to vector<16xf32>
        %get3A_2169 = arith.constant 125 : i32
        %get3A_2170 = arith.index_cast %get3A_2169 : i32 to index
        %get3A_2171 = arith.constant 0 : index
        %get3A_2172 = tpu.vector_load %arg17[%get3A_2170, %get3A_2171] {strides = array<i32>} : memref<128x128xf32, #tpu.memory_space<vmem>>, vector<1x16xf32>,
        %get3A_2173 = vector.shape_cast %get3A_2172 : vector<1x16xf32> to vector<16xf32>
        %sub3A_2174 = arith.subf %get3A_2168, %get3A_2173 : vector<16xf32>
        %swap3A_2175 = arith.constant 125 : i32
        %swap3A_2176 = arith.index_cast %swap3A_2175 : i32 to index
        %swap3A_2177 = arith.constant 0 : index
        %swap3A_2178 = tpu.vector_load %arg19[%swap3A_2176, %swap3A_2177] {strides = array<i32>} : memref<128x16xf32, #tpu.memory_space<vmem>>, vector<1x16xf32>,
        %swap3A_2179 = vector.shape_cast %swap3A_2178 : vector<1x16xf32> to vector<16xf32>
        %swap3A_2180 = vector.shape_cast %sub3A_2174 : vector<16xf32> to vector<1x16xf32>
        tpu.vector_store %arg19[%swap3A_2176, %swap3A_2177], %swap3A_2180 {strides = array<i32>} : memref<128x16xf32, #tpu.memory_space<vmem>>, vector<1x16xf32>,
        %get3A_2181 = arith.constant 126 : i32
        %get3A_2182 = arith.index_cast %get3A_2181 : i32 to index
        %get3A_2183 = arith.constant 0 : index
        %get3A_2184 = tpu.vector_load %arg18[%get3A_2182, %get3A_2183] {strides = array<i32>} : memref<128x128xf32, #tpu.memory_space<vmem>>, vector<1x16xf32>,
        %get3A_2185 = vector.shape_cast %get3A_2184 : vector<1x16xf32> to vector<16xf32>
        %get3A_2186 = arith.constant 126 : i32
        %get3A_2187 = arith.index_cast %get3A_2186 : i32 to index
        %get3A_2188 = arith.constant 0 : index
        %get3A_2189 = tpu.vector_load %arg17[%get3A_2187, %get3A_2188] {strides = array<i32>} : memref<128x128xf32, #tpu.memory_space<vmem>>, vector<1x16xf32>,
        %get3A_2190 = vector.shape_cast %get3A_2189 : vector<1x16xf32> to vector<16xf32>
        %sub3A_2191 = arith.subf %get3A_2185, %get3A_2190 : vector<16xf32>
        %swap3A_2192 = arith.constant 126 : i32
        %swap3A_2193 = arith.index_cast %swap3A_2192 : i32 to index
        %swap3A_2194 = arith.constant 0 : index
        %swap3A_2195 = tpu.vector_load %arg19[%swap3A_2193, %swap3A_2194] {strides = array<i32>} : memref<128x16xf32, #tpu.memory_space<vmem>>, vector<1x16xf32>,
        %swap3A_2196 = vector.shape_cast %swap3A_2195 : vector<1x16xf32> to vector<16xf32>
        %swap3A_2197 = vector.shape_cast %sub3A_2191 : vector<16xf32> to vector<1x16xf32>
        tpu.vector_store %arg19[%swap3A_2193, %swap3A_2194], %swap3A_2197 {strides = array<i32>} : memref<128x16xf32, #tpu.memory_space<vmem>>, vector<1x16xf32>,
        %get3A_2198 = arith.constant 127 : i32
        %get3A_2199 = arith.index_cast %get3A_2198 : i32 to index
        %get3A_2200 = arith.constant 0 : index
        %get3A_2201 = tpu.vector_load %arg18[%get3A_2199, %get3A_2200] {strides = array<i32>} : memref<128x128xf32, #tpu.memory_space<vmem>>, vector<1x16xf32>,
        %get3A_2202 = vector.shape_cast %get3A_2201 : vector<1x16xf32> to vector<16xf32>
        %get3A_2203 = arith.constant 127 : i32
        %get3A_2204 = arith.index_cast %get3A_2203 : i32 to index
        %get3A_2205 = arith.constant 0 : index
        %get3A_2206 = tpu.vector_load %arg17[%get3A_2204, %get3A_2205] {strides = array<i32>} : memref<128x128xf32, #tpu.memory_space<vmem>>, vector<1x16xf32>,
        %get3A_2207 = vector.shape_cast %get3A_2206 : vector<1x16xf32> to vector<16xf32>
        %sub3A_2208 = arith.subf %get3A_2202, %get3A_2207 : vector<16xf32>
        %swap3A_2209 = arith.constant 127 : i32
        %swap3A_2210 = arith.index_cast %swap3A_2209 : i32 to index
        %swap3A_2211 = arith.constant 0 : index
        %swap3A_2212 = tpu.vector_load %arg19[%swap3A_2210, %swap3A_2211] {strides = array<i32>} : memref<128x16xf32, #tpu.memory_space<vmem>>, vector<1x16xf32>,
        %swap3A_2213 = vector.shape_cast %swap3A_2212 : vector<1x16xf32> to vector<16xf32>
        %swap3A_2214 = vector.shape_cast %sub3A_2208 : vector<16xf32> to vector<1x16xf32>
        tpu.vector_store %arg19[%swap3A_2210, %swap3A_2211], %swap3A_2214 {strides = array<i32>} : memref<128x16xf32, #tpu.memory_space<vmem>>, vector<1x16xf32>,
        "tpu.region"() ({
          %run_scoped3A = tpu.sem_alloc : memref<!tpu.dma_semaphore, #tpu.memory_space<semaphore_mem>>
          %dma_start3A_2215 = arith.constant 0 : i32
          %dma_start3A_2216 = tpu.memref_slice %arg11[%mul3A_13, %dma_start3A_2215] : memref<320000x16xf32, #tpu.memory_space<hbm>> -> memref<128x16xf32, #tpu.memory_space<hbm>>
          %dma_start3A_2217 = arith.constant 0 : i32
          %dma_start3A_2218 = tpu.memref_slice %arg11[%mul3A_13, %dma_start3A_2217] : memref<320000x16xf32, #tpu.memory_space<hbm>> -> memref<128x16xf32, #tpu.memory_space<hbm>>
          tpu.enqueue_dma source(%arg19 : memref<128x16xf32, #tpu.memory_space<vmem>>) target(%dma_start3A_2218 : memref<128x16xf32, #tpu.memory_space<hbm>>) target_semaphore(%run_scoped3A : memref<!tpu.dma_semaphore, #tpu.memory_space<semaphore_mem>>)
          %dma_wait3A_2219 = arith.constant 0 : i32
          %dma_wait3A_2220 = tpu.memref_slice %arg11[%mul3A_13, %dma_wait3A_2219] : memref<320000x16xf32, #tpu.memory_space<hbm>> -> memref<128x16xf32, #tpu.memory_space<hbm>>
          %dma_wait3A_2221 = arith.constant 0 : i32
          %dma_wait3A_2222 = tpu.memref_slice %arg11[%mul3A_13, %dma_wait3A_2221] : memref<320000x16xf32, #tpu.memory_space<hbm>> -> memref<128x16xf32, #tpu.memory_space<hbm>>
          tpu.wait_dma2 semaphore(%run_scoped3A : memref<!tpu.dma_semaphore, #tpu.memory_space<semaphore_mem>>) src(%arg19 : memref<128x16xf32, #tpu.memory_space<vmem>>) dst(%dma_wait3A_2222 : memref<128x16xf32, #tpu.memory_space<hbm>>)
          tpu.yield
        }) : () -> ()
      } else {
      }
    }
    %scan3A_5 = arith.constant 79 : i32
    return
  }
}

#map = affine_map<(d0, d1) -> (0, 0)>
#map1 = affine_map<(d0, d1) -> (0, 0, 0)>
module attributes {stable_mosaic.version = 14 : i64} {
  func.func @sck(%arg0: i32, %arg1: i32, %arg2: memref<320000x128xf32, #tpu.memory_space<hbm>>, %arg3: memref<2500x128xi32, #tpu.memory_space<hbm>>, %arg4: memref<10240x128xf32, #tpu.memory_space<hbm>>, %arg5: memref<2x10240x128xf32, #tpu.memory_space<hbm>>, %arg6: memref<128xi32, #tpu.memory_space<vmem>>, %arg7: memref<128x128xf32, #tpu.memory_space<vmem>>, %arg8: memref<10240x128xf32, #tpu.memory_space<vmem_shared>>, %arg9: memref<!tpu.dma_semaphore, #tpu.memory_space<semaphore_mem>>) attributes {dimension_semantics = [#tpu.dimension_semantics<core_parallel>, #tpu.dimension_semantics<subcore_parallel>], iteration_bounds = array<i64: 2, 16>, scalar_prefetch = 0 : i64, scratch_operands = 4 : i64, tpu.core_type = #tpu.core_type<sc_vector_subcore>, window_params = [{transform_indices = #map}, {transform_indices = #map}, {transform_indices = #map}, {transform_indices = #map1}]} {
    %mul3A = arith.constant 2 : i32
    %mul3A_0 = arith.muli %arg1, %mul3A : i32
    %add3A = arith.addi %mul3A_0, %arg0 : i32
    %mul3A_1 = arith.constant 640 : i32
    %mul3A_2 = arith.muli %arg1, %mul3A_1 : i32
    %mul3A_3 = arith.constant 640 : i32
    %mul3A_4 = arith.muli %arg1, %mul3A_3 : i32
    "tpu.region"() ({
      %run_scoped3A = tpu.sem_alloc : memref<!tpu.dma_semaphore, #tpu.memory_space<semaphore_mem>>
      %dma_start3A = arith.constant 0 : i32
      %dma_start3A_15 = tpu.memref_slice %arg8[%mul3A_4, %dma_start3A] : memref<10240x128xf32, #tpu.memory_space<vmem_shared>> -> memref<640x128xf32, #tpu.memory_space<vmem_shared>>
      %dma_start3A_16 = arith.constant 0 : i32
      %dma_start3A_17 = tpu.memref_slice %arg4[%mul3A_2, %dma_start3A_16] : memref<10240x128xf32, #tpu.memory_space<hbm>> -> memref<640x128xf32, #tpu.memory_space<hbm>>
      tpu.enqueue_dma source(%dma_start3A_17 : memref<640x128xf32, #tpu.memory_space<hbm>>) target(%dma_start3A_15 : memref<640x128xf32, #tpu.memory_space<vmem_shared>>) target_semaphore(%run_scoped3A : memref<!tpu.dma_semaphore, #tpu.memory_space<semaphore_mem>>)
      %dma_wait3A = arith.constant 0 : i32
      %dma_wait3A_18 = tpu.memref_slice %arg8[%mul3A_4, %dma_wait3A] : memref<10240x128xf32, #tpu.memory_space<vmem_shared>> -> memref<640x128xf32, #tpu.memory_space<vmem_shared>>
      %dma_wait3A_19 = arith.constant 0 : i32
      %dma_wait3A_20 = tpu.memref_slice %arg4[%mul3A_2, %dma_wait3A_19] : memref<10240x128xf32, #tpu.memory_space<hbm>> -> memref<640x128xf32, #tpu.memory_space<hbm>>
      tpu.wait_dma2 semaphore(%run_scoped3A : memref<!tpu.dma_semaphore, #tpu.memory_space<semaphore_mem>>) src(%dma_wait3A_20 : memref<640x128xf32, #tpu.memory_space<hbm>>) dst(%dma_wait3A_18 : memref<640x128xf32, #tpu.memory_space<vmem_shared>>)
      tpu.yield
    }) : () -> ()
    %barrier3A = arith.constant 0 : index
    tpu.barrier barrier_id(%barrier3A)
    %scan3A = arith.constant 0 : i32
    %scan3A_5 = arith.constant 0 : i32
    %scan3A_6 = arith.constant 79 : i32
    %scan3A_7 = arith.addi %scan3A_5, %scan3A_6 : i32
    %scan3A_8 = arith.constant 1 : i32
    scf.for %scan3A_15 = %scan3A_5 to %scan3A_7 step %scan3A_8  : i32 {
      %mul3A_16 = arith.constant 32 : i32
      %mul3A_17 = arith.muli %scan3A_15, %mul3A_16 : i32
      %add3A_18 = arith.addi %add3A, %mul3A_17 : i32
      %lt3A = arith.constant 2500 : i32
      %lt3A_19 = arith.cmpi slt, %add3A_18, %lt3A : i32
      %convert_element_type3A = arith.extui %lt3A_19 : i1 to i32
      %cond3A = arith.constant 0 : i32
      %cond3A_20 = arith.cmpi ne, %convert_element_type3A, %cond3A : i32
      scf.if %cond3A_20 {
        "tpu.region"() ({
          %run_scoped3A = tpu.sem_alloc : memref<!tpu.dma_semaphore, #tpu.memory_space<semaphore_mem>>
          %dma_start3A = arith.constant 0 : i32
          %dma_start3A_23 = tpu.memref_slice %arg3[%add3A_18, %dma_start3A] : memref<2500x128xi32, #tpu.memory_space<hbm>> -> memref<1x128xi32, #tpu.memory_space<hbm>>
          %dma_start3A_24 = tpu.memref_squeeze %dma_start3A_23 : memref<1x128xi32, #tpu.memory_space<hbm>> -> memref<128xi32, #tpu.memory_space<hbm>>
          %dma_start3A_25 = arith.constant 0 : i32
          %dma_start3A_26 = tpu.memref_slice %arg3[%add3A_18, %dma_start3A_25] : memref<2500x128xi32, #tpu.memory_space<hbm>> -> memref<1x128xi32, #tpu.memory_space<hbm>>
          %dma_start3A_27 = tpu.memref_squeeze %dma_start3A_26 : memref<1x128xi32, #tpu.memory_space<hbm>> -> memref<128xi32, #tpu.memory_space<hbm>>
          tpu.enqueue_dma source(%dma_start3A_27 : memref<128xi32, #tpu.memory_space<hbm>>) target(%arg6 : memref<128xi32, #tpu.memory_space<vmem>>) target_semaphore(%run_scoped3A : memref<!tpu.dma_semaphore, #tpu.memory_space<semaphore_mem>>)
          %dma_wait3A = arith.constant 0 : i32
          %dma_wait3A_28 = tpu.memref_slice %arg3[%add3A_18, %dma_wait3A] : memref<2500x128xi32, #tpu.memory_space<hbm>> -> memref<1x128xi32, #tpu.memory_space<hbm>>
          %dma_wait3A_29 = tpu.memref_squeeze %dma_wait3A_28 : memref<1x128xi32, #tpu.memory_space<hbm>> -> memref<128xi32, #tpu.memory_space<hbm>>
          %dma_wait3A_30 = arith.constant 0 : i32
          %dma_wait3A_31 = tpu.memref_slice %arg3[%add3A_18, %dma_wait3A_30] : memref<2500x128xi32, #tpu.memory_space<hbm>> -> memref<1x128xi32, #tpu.memory_space<hbm>>
          %dma_wait3A_32 = tpu.memref_squeeze %dma_wait3A_31 : memref<1x128xi32, #tpu.memory_space<hbm>> -> memref<128xi32, #tpu.memory_space<hbm>>
          tpu.wait_dma2 semaphore(%run_scoped3A : memref<!tpu.dma_semaphore, #tpu.memory_space<semaphore_mem>>) src(%dma_wait3A_32 : memref<128xi32, #tpu.memory_space<hbm>>) dst(%arg6 : memref<128xi32, #tpu.memory_space<vmem>>)
          tpu.yield
        }) : () -> ()
        %mul3A_21 = arith.constant 128 : i32
        %mul3A_22 = arith.muli %add3A_18, %mul3A_21 : i32
        "tpu.region"() ({
          %run_scoped3A = tpu.sem_alloc : memref<!tpu.dma_semaphore, #tpu.memory_space<semaphore_mem>>
          %dma_start3A = arith.constant 0 : i32
          %dma_start3A_23 = tpu.memref_slice %arg2[%mul3A_22, %dma_start3A] : memref<320000x128xf32, #tpu.memory_space<hbm>> -> memref<128x128xf32, #tpu.memory_space<hbm>>
          %dma_start3A_24 = arith.constant 0 : i32
          %dma_start3A_25 = tpu.memref_slice %arg2[%mul3A_22, %dma_start3A_24] : memref<320000x128xf32, #tpu.memory_space<hbm>> -> memref<128x128xf32, #tpu.memory_space<hbm>>
          tpu.enqueue_dma source(%dma_start3A_25 : memref<128x128xf32, #tpu.memory_space<hbm>>) target(%arg7 : memref<128x128xf32, #tpu.memory_space<vmem>>) target_semaphore(%run_scoped3A : memref<!tpu.dma_semaphore, #tpu.memory_space<semaphore_mem>>)
          %dma_wait3A = arith.constant 0 : i32
          %dma_wait3A_26 = tpu.memref_slice %arg2[%mul3A_22, %dma_wait3A] : memref<320000x128xf32, #tpu.memory_space<hbm>> -> memref<128x128xf32, #tpu.memory_space<hbm>>
          %dma_wait3A_27 = arith.constant 0 : i32
          %dma_wait3A_28 = tpu.memref_slice %arg2[%mul3A_22, %dma_wait3A_27] : memref<320000x128xf32, #tpu.memory_space<hbm>> -> memref<128x128xf32, #tpu.memory_space<hbm>>
          tpu.wait_dma2 semaphore(%run_scoped3A : memref<!tpu.dma_semaphore, #tpu.memory_space<semaphore_mem>>) src(%dma_wait3A_28 : memref<128x128xf32, #tpu.memory_space<hbm>>) dst(%arg7 : memref<128x128xf32, #tpu.memory_space<vmem>>)
          tpu.yield
        }) : () -> ()
        "tpu.region"() ({
          %run_scoped3A = tpu.sem_alloc : memref<!tpu.dma_semaphore, #tpu.memory_space<semaphore_mem>>
          %dma_start3A = arith.constant 0 : i32
          %dma_start3A_23 = arith.constant 0 : i32
          %dma_start3A_24 = tpu.memref_slice %arg8[%dma_start3A, %dma_start3A_23] : memref<10240x128xf32, #tpu.memory_space<vmem_shared>> -> memref<10240x128xf32, #tpu.memory_space<vmem_shared>>
          tpu.enqueue_indirect_dma source(%arg7 : memref<128x128xf32, #tpu.memory_space<vmem>>) target(%dma_start3A_24 : memref<10240x128xf32, #tpu.memory_space<vmem_shared>>) offsets(%arg6 : memref<128xi32, #tpu.memory_space<vmem>>) semaphore(%run_scoped3A : memref<!tpu.dma_semaphore, #tpu.memory_space<semaphore_mem>>) {add = true}
          %dma_wait3A = arith.constant 0 : i32
          %dma_wait3A_25 = arith.constant 0 : i32
          %dma_wait3A_26 = tpu.memref_slice %arg8[%dma_wait3A, %dma_wait3A_25] : memref<10240x128xf32, #tpu.memory_space<vmem_shared>> -> memref<10240x128xf32, #tpu.memory_space<vmem_shared>>
          tpu.wait_indirect_dma semaphore(%run_scoped3A : memref<!tpu.dma_semaphore, #tpu.memory_space<semaphore_mem>>) src(%arg7 : memref<128x128xf32, #tpu.memory_space<vmem>>) dst(%dma_wait3A_26 : memref<10240x128xf32, #tpu.memory_space<vmem_shared>>)
          tpu.yield
        }) : () -> ()
      } else {
      }
    }
    %scan3A_9 = arith.constant 79 : i32
    %barrier3A_10 = arith.constant 0 : index
    tpu.barrier barrier_id(%barrier3A_10)
    %mul3A_11 = arith.constant 640 : i32
    %mul3A_12 = arith.muli %arg1, %mul3A_11 : i32
    %mul3A_13 = arith.constant 640 : i32
    %mul3A_14 = arith.muli %arg1, %mul3A_13 : i32
    "tpu.region"() ({
      %run_scoped3A = tpu.sem_alloc : memref<!tpu.dma_semaphore, #tpu.memory_space<semaphore_mem>>
      %dma_start3A = arith.constant 0 : i32
      %dma_start3A_15 = tpu.memref_slice %arg5[%arg0, %mul3A_14, %dma_start3A] : memref<2x10240x128xf32, #tpu.memory_space<hbm>> -> memref<1x640x128xf32, #tpu.memory_space<hbm>>
      %dma_start3A_16 = tpu.memref_squeeze %dma_start3A_15 : memref<1x640x128xf32, #tpu.memory_space<hbm>> -> memref<640x128xf32, #tpu.memory_space<hbm>>
      %dma_start3A_17 = arith.constant 0 : i32
      %dma_start3A_18 = tpu.memref_slice %arg8[%mul3A_12, %dma_start3A_17] : memref<10240x128xf32, #tpu.memory_space<vmem_shared>> -> memref<640x128xf32, #tpu.memory_space<vmem_shared>>
      tpu.enqueue_dma source(%dma_start3A_18 : memref<640x128xf32, #tpu.memory_space<vmem_shared>>) target(%dma_start3A_16 : memref<640x128xf32, #tpu.memory_space<hbm>>) target_semaphore(%run_scoped3A : memref<!tpu.dma_semaphore, #tpu.memory_space<semaphore_mem>>)
      %dma_wait3A = arith.constant 0 : i32
      %dma_wait3A_19 = tpu.memref_slice %arg5[%arg0, %mul3A_14, %dma_wait3A] : memref<2x10240x128xf32, #tpu.memory_space<hbm>> -> memref<1x640x128xf32, #tpu.memory_space<hbm>>
      %dma_wait3A_20 = tpu.memref_squeeze %dma_wait3A_19 : memref<1x640x128xf32, #tpu.memory_space<hbm>> -> memref<640x128xf32, #tpu.memory_space<hbm>>
      %dma_wait3A_21 = arith.constant 0 : i32
      %dma_wait3A_22 = tpu.memref_slice %arg8[%mul3A_12, %dma_wait3A_21] : memref<10240x128xf32, #tpu.memory_space<vmem_shared>> -> memref<640x128xf32, #tpu.memory_space<vmem_shared>>
      tpu.wait_dma2 semaphore(%run_scoped3A : memref<!tpu.dma_semaphore, #tpu.memory_space<semaphore_mem>>) src(%dma_wait3A_22 : memref<640x128xf32, #tpu.memory_space<vmem_shared>>) dst(%dma_wait3A_20 : memref<640x128xf32, #tpu.memory_space<hbm>>)
      tpu.yield
    }) : () -> ()
    return
  }
}

#map = affine_map<(d0, d1) -> (0, 0)>
#map1 = affine_map<(d0, d1) -> (0, 0, 0)>
module attributes {stable_mosaic.version = 14 : i64} {
  func.func @sck(%arg0: i32, %arg1: i32, %arg2: memref<320000x128xf32, #tpu.memory_space<hbm>>, %arg3: memref<2500x128xi32, #tpu.memory_space<hbm>>, %arg4: memref<10240x128xf32, #tpu.memory_space<hbm>>, %arg5: memref<2x10240x128xf32, #tpu.memory_space<hbm>>, %arg6: memref<128xi32, #tpu.memory_space<vmem>>, %arg7: memref<128x128xf32, #tpu.memory_space<vmem>>, %arg8: memref<10240x128xf32, #tpu.memory_space<vmem_shared>>, %arg9: memref<!tpu.dma_semaphore, #tpu.memory_space<semaphore_mem>>) attributes {dimension_semantics = [#tpu.dimension_semantics<core_parallel>, #tpu.dimension_semantics<subcore_parallel>], iteration_bounds = array<i64: 2, 16>, scalar_prefetch = 0 : i64, scratch_operands = 4 : i64, tpu.core_type = #tpu.core_type<sc_vector_subcore>, window_params = [{transform_indices = #map}, {transform_indices = #map}, {transform_indices = #map}, {transform_indices = #map1}]} {
    %mul3A = arith.constant 2 : i32
    %mul3A_0 = arith.muli %arg1, %mul3A : i32
    %add3A = arith.addi %mul3A_0, %arg0 : i32
    %mul3A_1 = arith.constant 640 : i32
    %mul3A_2 = arith.muli %arg1, %mul3A_1 : i32
    %mul3A_3 = arith.constant 640 : i32
    %mul3A_4 = arith.muli %arg1, %mul3A_3 : i32
    "tpu.region"() ({
      %run_scoped3A = tpu.sem_alloc : memref<!tpu.dma_semaphore, #tpu.memory_space<semaphore_mem>>
      %dma_start3A = arith.constant 0 : i32
      %dma_start3A_15 = tpu.memref_slice %arg8[%mul3A_4, %dma_start3A] : memref<10240x128xf32, #tpu.memory_space<vmem_shared>> -> memref<640x128xf32, #tpu.memory_space<vmem_shared>>
      %dma_start3A_16 = arith.constant 0 : i32
      %dma_start3A_17 = tpu.memref_slice %arg4[%mul3A_2, %dma_start3A_16] : memref<10240x128xf32, #tpu.memory_space<hbm>> -> memref<640x128xf32, #tpu.memory_space<hbm>>
      tpu.enqueue_dma source(%dma_start3A_17 : memref<640x128xf32, #tpu.memory_space<hbm>>) target(%dma_start3A_15 : memref<640x128xf32, #tpu.memory_space<vmem_shared>>) target_semaphore(%run_scoped3A : memref<!tpu.dma_semaphore, #tpu.memory_space<semaphore_mem>>)
      %dma_wait3A = arith.constant 0 : i32
      %dma_wait3A_18 = tpu.memref_slice %arg8[%mul3A_4, %dma_wait3A] : memref<10240x128xf32, #tpu.memory_space<vmem_shared>> -> memref<640x128xf32, #tpu.memory_space<vmem_shared>>
      %dma_wait3A_19 = arith.constant 0 : i32
      %dma_wait3A_20 = tpu.memref_slice %arg4[%mul3A_2, %dma_wait3A_19] : memref<10240x128xf32, #tpu.memory_space<hbm>> -> memref<640x128xf32, #tpu.memory_space<hbm>>
      tpu.wait_dma2 semaphore(%run_scoped3A : memref<!tpu.dma_semaphore, #tpu.memory_space<semaphore_mem>>) src(%dma_wait3A_20 : memref<640x128xf32, #tpu.memory_space<hbm>>) dst(%dma_wait3A_18 : memref<640x128xf32, #tpu.memory_space<vmem_shared>>)
      tpu.yield
    }) : () -> ()
    %barrier3A = arith.constant 0 : index
    tpu.barrier barrier_id(%barrier3A)
    %scan3A = arith.constant 0 : i32
    %scan3A_5 = arith.constant 0 : i32
    %scan3A_6 = arith.constant 79 : i32
    %scan3A_7 = arith.addi %scan3A_5, %scan3A_6 : i32
    %scan3A_8 = arith.constant 1 : i32
    scf.for %scan3A_15 = %scan3A_5 to %scan3A_7 step %scan3A_8  : i32 {
      %mul3A_16 = arith.constant 32 : i32
      %mul3A_17 = arith.muli %scan3A_15, %mul3A_16 : i32
      %add3A_18 = arith.addi %add3A, %mul3A_17 : i32
      %lt3A = arith.constant 2500 : i32
      %lt3A_19 = arith.cmpi slt, %add3A_18, %lt3A : i32
      %convert_element_type3A = arith.extui %lt3A_19 : i1 to i32
      %cond3A = arith.constant 0 : i32
      %cond3A_20 = arith.cmpi ne, %convert_element_type3A, %cond3A : i32
      scf.if %cond3A_20 {
        "tpu.region"() ({
          %run_scoped3A = tpu.sem_alloc : memref<!tpu.dma_semaphore, #tpu.memory_space<semaphore_mem>>
          %dma_start3A = arith.constant 0 : i32
          %dma_start3A_23 = tpu.memref_slice %arg3[%add3A_18, %dma_start3A] : memref<2500x128xi32, #tpu.memory_space<hbm>> -> memref<1x128xi32, #tpu.memory_space<hbm>>
          %dma_start3A_24 = tpu.memref_squeeze %dma_start3A_23 : memref<1x128xi32, #tpu.memory_space<hbm>> -> memref<128xi32, #tpu.memory_space<hbm>>
          %dma_start3A_25 = arith.constant 0 : i32
          %dma_start3A_26 = tpu.memref_slice %arg3[%add3A_18, %dma_start3A_25] : memref<2500x128xi32, #tpu.memory_space<hbm>> -> memref<1x128xi32, #tpu.memory_space<hbm>>
          %dma_start3A_27 = tpu.memref_squeeze %dma_start3A_26 : memref<1x128xi32, #tpu.memory_space<hbm>> -> memref<128xi32, #tpu.memory_space<hbm>>
          tpu.enqueue_dma source(%dma_start3A_27 : memref<128xi32, #tpu.memory_space<hbm>>) target(%arg6 : memref<128xi32, #tpu.memory_space<vmem>>) target_semaphore(%run_scoped3A : memref<!tpu.dma_semaphore, #tpu.memory_space<semaphore_mem>>)
          %dma_wait3A = arith.constant 0 : i32
          %dma_wait3A_28 = tpu.memref_slice %arg3[%add3A_18, %dma_wait3A] : memref<2500x128xi32, #tpu.memory_space<hbm>> -> memref<1x128xi32, #tpu.memory_space<hbm>>
          %dma_wait3A_29 = tpu.memref_squeeze %dma_wait3A_28 : memref<1x128xi32, #tpu.memory_space<hbm>> -> memref<128xi32, #tpu.memory_space<hbm>>
          %dma_wait3A_30 = arith.constant 0 : i32
          %dma_wait3A_31 = tpu.memref_slice %arg3[%add3A_18, %dma_wait3A_30] : memref<2500x128xi32, #tpu.memory_space<hbm>> -> memref<1x128xi32, #tpu.memory_space<hbm>>
          %dma_wait3A_32 = tpu.memref_squeeze %dma_wait3A_31 : memref<1x128xi32, #tpu.memory_space<hbm>> -> memref<128xi32, #tpu.memory_space<hbm>>
          tpu.wait_dma2 semaphore(%run_scoped3A : memref<!tpu.dma_semaphore, #tpu.memory_space<semaphore_mem>>) src(%dma_wait3A_32 : memref<128xi32, #tpu.memory_space<hbm>>) dst(%arg6 : memref<128xi32, #tpu.memory_space<vmem>>)
          tpu.yield
        }) : () -> ()
        %mul3A_21 = arith.constant 128 : i32
        %mul3A_22 = arith.muli %add3A_18, %mul3A_21 : i32
        "tpu.region"() ({
          %run_scoped3A = tpu.sem_alloc : memref<!tpu.dma_semaphore, #tpu.memory_space<semaphore_mem>>
          %dma_start3A = arith.constant 0 : i32
          %dma_start3A_23 = tpu.memref_slice %arg2[%mul3A_22, %dma_start3A] : memref<320000x128xf32, #tpu.memory_space<hbm>> -> memref<128x128xf32, #tpu.memory_space<hbm>>
          %dma_start3A_24 = arith.constant 0 : i32
          %dma_start3A_25 = tpu.memref_slice %arg2[%mul3A_22, %dma_start3A_24] : memref<320000x128xf32, #tpu.memory_space<hbm>> -> memref<128x128xf32, #tpu.memory_space<hbm>>
          tpu.enqueue_dma source(%dma_start3A_25 : memref<128x128xf32, #tpu.memory_space<hbm>>) target(%arg7 : memref<128x128xf32, #tpu.memory_space<vmem>>) target_semaphore(%run_scoped3A : memref<!tpu.dma_semaphore, #tpu.memory_space<semaphore_mem>>)
          %dma_wait3A = arith.constant 0 : i32
          %dma_wait3A_26 = tpu.memref_slice %arg2[%mul3A_22, %dma_wait3A] : memref<320000x128xf32, #tpu.memory_space<hbm>> -> memref<128x128xf32, #tpu.memory_space<hbm>>
          %dma_wait3A_27 = arith.constant 0 : i32
          %dma_wait3A_28 = tpu.memref_slice %arg2[%mul3A_22, %dma_wait3A_27] : memref<320000x128xf32, #tpu.memory_space<hbm>> -> memref<128x128xf32, #tpu.memory_space<hbm>>
          tpu.wait_dma2 semaphore(%run_scoped3A : memref<!tpu.dma_semaphore, #tpu.memory_space<semaphore_mem>>) src(%dma_wait3A_28 : memref<128x128xf32, #tpu.memory_space<hbm>>) dst(%arg7 : memref<128x128xf32, #tpu.memory_space<vmem>>)
          tpu.yield
        }) : () -> ()
        "tpu.region"() ({
          %run_scoped3A = tpu.sem_alloc : memref<!tpu.dma_semaphore, #tpu.memory_space<semaphore_mem>>
          %dma_start3A = arith.constant 0 : i32
          %dma_start3A_23 = arith.constant 0 : i32
          %dma_start3A_24 = tpu.memref_slice %arg8[%dma_start3A, %dma_start3A_23] : memref<10240x128xf32, #tpu.memory_space<vmem_shared>> -> memref<10240x128xf32, #tpu.memory_space<vmem_shared>>
          tpu.enqueue_indirect_dma source(%arg7 : memref<128x128xf32, #tpu.memory_space<vmem>>) target(%dma_start3A_24 : memref<10240x128xf32, #tpu.memory_space<vmem_shared>>) offsets(%arg6 : memref<128xi32, #tpu.memory_space<vmem>>) semaphore(%run_scoped3A : memref<!tpu.dma_semaphore, #tpu.memory_space<semaphore_mem>>) {add = true}
          %dma_wait3A = arith.constant 0 : i32
          %dma_wait3A_25 = arith.constant 0 : i32
          %dma_wait3A_26 = tpu.memref_slice %arg8[%dma_wait3A, %dma_wait3A_25] : memref<10240x128xf32, #tpu.memory_space<vmem_shared>> -> memref<10240x128xf32, #tpu.memory_space<vmem_shared>>
          tpu.wait_indirect_dma semaphore(%run_scoped3A : memref<!tpu.dma_semaphore, #tpu.memory_space<semaphore_mem>>) src(%arg7 : memref<128x128xf32, #tpu.memory_space<vmem>>) dst(%dma_wait3A_26 : memref<10240x128xf32, #tpu.memory_space<vmem_shared>>)
          tpu.yield
        }) : () -> ()
      } else {
      }
    }
    %scan3A_9 = arith.constant 79 : i32
    %barrier3A_10 = arith.constant 0 : index
    tpu.barrier barrier_id(%barrier3A_10)
    %mul3A_11 = arith.constant 640 : i32
    %mul3A_12 = arith.muli %arg1, %mul3A_11 : i32
    %mul3A_13 = arith.constant 640 : i32
    %mul3A_14 = arith.muli %arg1, %mul3A_13 : i32
    "tpu.region"() ({
      %run_scoped3A = tpu.sem_alloc : memref<!tpu.dma_semaphore, #tpu.memory_space<semaphore_mem>>
      %dma_start3A = arith.constant 0 : i32
      %dma_start3A_15 = tpu.memref_slice %arg5[%arg0, %mul3A_14, %dma_start3A] : memref<2x10240x128xf32, #tpu.memory_space<hbm>> -> memref<1x640x128xf32, #tpu.memory_space<hbm>>
      %dma_start3A_16 = tpu.memref_squeeze %dma_start3A_15 : memref<1x640x128xf32, #tpu.memory_space<hbm>> -> memref<640x128xf32, #tpu.memory_space<hbm>>
      %dma_start3A_17 = arith.constant 0 : i32
      %dma_start3A_18 = tpu.memref_slice %arg8[%mul3A_12, %dma_start3A_17] : memref<10240x128xf32, #tpu.memory_space<vmem_shared>> -> memref<640x128xf32, #tpu.memory_space<vmem_shared>>
      tpu.enqueue_dma source(%dma_start3A_18 : memref<640x128xf32, #tpu.memory_space<vmem_shared>>) target(%dma_start3A_16 : memref<640x128xf32, #tpu.memory_space<hbm>>) target_semaphore(%run_scoped3A : memref<!tpu.dma_semaphore, #tpu.memory_space<semaphore_mem>>)
      %dma_wait3A = arith.constant 0 : i32
      %dma_wait3A_19 = tpu.memref_slice %arg5[%arg0, %mul3A_14, %dma_wait3A] : memref<2x10240x128xf32, #tpu.memory_space<hbm>> -> memref<1x640x128xf32, #tpu.memory_space<hbm>>
      %dma_wait3A_20 = tpu.memref_squeeze %dma_wait3A_19 : memref<1x640x128xf32, #tpu.memory_space<hbm>> -> memref<640x128xf32, #tpu.memory_space<hbm>>
      %dma_wait3A_21 = arith.constant 0 : i32
      %dma_wait3A_22 = tpu.memref_slice %arg8[%mul3A_12, %dma_wait3A_21] : memref<10240x128xf32, #tpu.memory_space<vmem_shared>> -> memref<640x128xf32, #tpu.memory_space<vmem_shared>>
      tpu.wait_dma2 semaphore(%run_scoped3A : memref<!tpu.dma_semaphore, #tpu.memory_space<semaphore_mem>>) src(%dma_wait3A_22 : memref<640x128xf32, #tpu.memory_space<vmem_shared>>) dst(%dma_wait3A_20 : memref<640x128xf32, #tpu.memory_space<hbm>>)
      tpu.yield
    }) : () -> ()
    return
  }
}

module attributes {stable_mosaic.version = 14 : i64} {
  func.func @body(%arg0: memref<10000x128xf32, #tpu.memory_space<vmem>>, %arg1: memref<128x384xf32, #tpu.memory_space<vmem>>, %arg2: memref<10000x384xf32, #tpu.memory_space<vmem>>, %arg3: memref<1x8xf32, #tpu.memory_space<vmem>>, %arg4: memref<1x8xf32, #tpu.memory_space<vmem>>) attributes {dimension_semantics = [], scalar_prefetch = 0 : i64, scratch_operands = 0 : i64, tpu.core_type = #tpu.core_type<tc>} {
    %get3A = arith.constant 0 : index
    %get3A_0 = arith.constant 0 : index
    %get3A_1 = vector.load %arg0[%get3A, %get3A_0] : memref<10000x128xf32, #tpu.memory_space<vmem>>, vector<10000x128xf32>
    %get3A_2 = arith.constant 0 : index
    %get3A_3 = arith.constant 0 : index
    %get3A_4 = vector.load %arg1[%get3A_2, %get3A_3] : memref<128x384xf32, #tpu.memory_space<vmem>>, vector<128x384xf32>
    %dot_general3A = arith.constant dense<0.000000e+00> : vector<10000x384xf32>
    %dot_general3A_5 = tpu.matmul %get3A_1, %get3A_4, %dot_general3A {dimension_numbers = #tpu.dot_dimension_numbers<[1], [0], [0], [1], [0, 0, 1, 1], [], []>, transpose_lhs_hint = false} : vector<10000x128xf32>, vector<128x384xf32>, vector<10000x384xf32> -> vector<10000x384xf32>
    %swap3A = arith.constant 0 : index
    %swap3A_6 = arith.constant 0 : index
    %swap3A_7 = vector.load %arg2[%swap3A, %swap3A_6] : memref<10000x384xf32, #tpu.memory_space<vmem>>, vector<10000x384xf32>
    tpu.vector_store %arg2[%swap3A, %swap3A_6], %dot_general3A_5 {strides = array<i32>} : memref<10000x384xf32, #tpu.memory_space<vmem>>, vector<10000x384xf32>,
    %iota3A = tpu.iota {dimensions = array<i32: 0>} : vector<128x8xi32>
    %iota3A_8 = tpu.iota {dimensions = array<i32: 1>} : vector<128x8xi32>
    %jit3A = arith.constant 16 : i32
    %div3A = vector.broadcast %jit3A : i32 to vector<128x8xi32>
    %div3A_9 = arith.divsi %iota3A, %div3A : vector<128x8xi32>
    %sign3A = arith.constant 0 : i32
    %sign3A_10 = vector.broadcast %sign3A : i32 to vector<128x8xi32>
    %sign3A_11 = arith.cmpi sgt, %iota3A, %sign3A_10 : vector<128x8xi32>
    %sign3A_12 = arith.extui %sign3A_11 : vector<128x8xi1> to vector<128x8xi32>
    %sign3A_13 = arith.constant 0 : i32
    %sign3A_14 = vector.broadcast %sign3A_13 : i32 to vector<128x8xi32>
    %sign3A_15 = arith.cmpi slt, %iota3A, %sign3A_14 : vector<128x8xi32>
    %sign3A_16 = arith.extui %sign3A_15 : vector<128x8xi1> to vector<128x8xi32>
    %sign3A_17 = arith.subi %sign3A_12, %sign3A_16 : vector<128x8xi32>
    %sign3A_18 = arith.constant 0 : i32
    %sign3A_19 = arith.cmpi sgt, %jit3A, %sign3A_18 : i32
    %sign3A_20 = arith.extui %sign3A_19 : i1 to i32
    %sign3A_21 = arith.constant 0 : i32
    %sign3A_22 = arith.cmpi slt, %jit3A, %sign3A_21 : i32
    %sign3A_23 = arith.extui %sign3A_22 : i1 to i32
    %sign3A_24 = arith.subi %sign3A_20, %sign3A_23 : i32
    %ne3A = vector.broadcast %sign3A_24 : i32 to vector<128x8xi32>
    %ne3A_25 = arith.cmpi ne, %sign3A_17, %ne3A : vector<128x8xi32>
    %rem3A = vector.broadcast %jit3A : i32 to vector<128x8xi32>
    %rem3A_26 = arith.remsi %iota3A, %rem3A : vector<128x8xi32>
    %ne3A_27 = arith.constant 0 : i32
    %ne3A_28 = vector.broadcast %ne3A_27 : i32 to vector<128x8xi32>
    %ne3A_29 = arith.cmpi ne, %rem3A_26, %ne3A_28 : vector<128x8xi32>
    %and3A = arith.andi %ne3A_25, %ne3A_29 : vector<128x8xi1>
    %sub3A = arith.constant 1 : i32
    %sub3A_30 = vector.broadcast %sub3A : i32 to vector<128x8xi32>
    %sub3A_31 = arith.subi %div3A_9, %sub3A_30 : vector<128x8xi32>
    %select_n3A = arith.select %and3A, %sub3A_31, %div3A_9 : vector<128x8xi1>, vector<128x8xi32>
    %eq3A = arith.cmpi eq, %select_n3A, %iota3A_8 : vector<128x8xi32>
    %convert_element_type3A = arith.extui %eq3A : vector<128x8xi1> to vector<128x8xi32>
    %convert_element_type3A_32 = arith.sitofp %convert_element_type3A : vector<128x8xi32> to vector<128x8xf32>
    %slice3A = vector.extract_strided_slice %dot_general3A_5 {offsets = [0, 0], sizes = [10000, 128], strides = [1, 1]} : vector<10000x384xf32> to vector<10000x128xf32>
    %slice3A_33 = vector.extract_strided_slice %dot_general3A_5 {offsets = [0, 128], sizes = [10000, 128], strides = [1, 1]} : vector<10000x384xf32> to vector<10000x128xf32>
    %mul3A = arith.mulf %slice3A, %slice3A : vector<10000x128xf32>
    %dot_general3A_34 = arith.constant dense<0.000000e+00> : vector<10000x8xf32>
    %dot_general3A_35 = tpu.matmul %mul3A, %convert_element_type3A_32, %dot_general3A_34 {dimension_numbers = #tpu.dot_dimension_numbers<[1], [0], [0], [1], [0, 0, 1, 1], [], []>, transpose_lhs_hint = false} : vector<10000x128xf32>, vector<128x8xf32>, vector<10000x8xf32> -> vector<10000x8xf32>
    %mul3A_36 = arith.mulf %slice3A_33, %slice3A_33 : vector<10000x128xf32>
    %dot_general3A_37 = arith.constant dense<0.000000e+00> : vector<10000x8xf32>
    %dot_general3A_38 = tpu.matmul %mul3A_36, %convert_element_type3A_32, %dot_general3A_37 {dimension_numbers = #tpu.dot_dimension_numbers<[1], [0], [0], [1], [0, 0, 1, 1], [], []>, transpose_lhs_hint = false} : vector<10000x128xf32>, vector<128x8xf32>, vector<10000x8xf32> -> vector<10000x8xf32>
    %reduce_max3A = arith.constant dense<0xFF800000> : vector<8xf32>
    %reduce_max3A_39 = vector.multi_reduction <maximumf>, %dot_general3A_35, %reduce_max3A [0] : vector<10000x8xf32> to vector<8xf32>
    %broadcast_in_dim3A = vector.shape_cast %reduce_max3A_39 : vector<8xf32> to vector<1x8xf32>
    %swap3A_40 = arith.constant 0 : index
    %swap3A_41 = arith.constant 0 : index
    %swap3A_42 = vector.load %arg3[%swap3A_40, %swap3A_41] : memref<1x8xf32, #tpu.memory_space<vmem>>, vector<1x8xf32>
    tpu.vector_store %arg3[%swap3A_40, %swap3A_41], %broadcast_in_dim3A {strides = array<i32>} : memref<1x8xf32, #tpu.memory_space<vmem>>, vector<1x8xf32>,
    %reduce_max3A_43 = arith.constant dense<0xFF800000> : vector<8xf32>
    %reduce_max3A_44 = vector.multi_reduction <maximumf>, %dot_general3A_38, %reduce_max3A_43 [0] : vector<10000x8xf32> to vector<8xf32>
    %broadcast_in_dim3A_45 = vector.shape_cast %reduce_max3A_44 : vector<8xf32> to vector<1x8xf32>
    %swap3A_46 = arith.constant 0 : index
    %swap3A_47 = arith.constant 0 : index
    %swap3A_48 = vector.load %arg4[%swap3A_46, %swap3A_47] : memref<1x8xf32, #tpu.memory_space<vmem>>, vector<1x8xf32>
    tpu.vector_store %arg4[%swap3A_46, %swap3A_47], %broadcast_in_dim3A_45 {strides = array<i32>} : memref<1x8xf32, #tpu.memory_space<vmem>>, vector<1x8xf32>,
    return
  }
}

module attributes {stable_mosaic.version = 14 : i64} {
  func.func @body(%arg0: i32, %arg1: memref<3200x128xf32, #tpu.memory_space<vmem>>, %arg2: memref<3200x128xf32, #tpu.memory_space<vmem>>, %arg3: memref<3200x128xf32, #tpu.memory_space<vmem>>, %arg4: memref<1x1x3200xf32, #tpu.memory_space<vmem>>, %arg5: memref<1x1x3200xf32, #tpu.memory_space<vmem>>, %arg6: memref<8x100xf32, #tpu.memory_space<vmem>>, %arg7: memref<8x16xf32, #tpu.memory_space<vmem>>, %arg8: memref<16x16xf32, #tpu.memory_space<vmem>>, %arg9: memref<16x1xf32, #tpu.memory_space<vmem>>, %arg10: memref<1x16xf32, #tpu.memory_space<vmem>>, %arg11: memref<1x1xf32, #tpu.memory_space<vmem>>, %arg12: memref<1x8xf32, #tpu.memory_space<vmem>>, %arg13: memref<1x8xf32, #tpu.memory_space<vmem>>, %arg14: memref<3200x128xf32, #tpu.memory_space<vmem>>, %arg15: memref<3200x128xf32, #tpu.memory_space<vmem>>) attributes {dimension_semantics = [#tpu.dimension_semantics<arbitrary>], iteration_bounds = array<i64: 100>, scalar_prefetch = 0 : i64, scratch_operands = 0 : i64, tpu.core_type = #tpu.core_type<tc>, window_params = [{transform_indices = @transform_0, window_bounds = array<i64: 3200, 128>}, {transform_indices = @transform_1, window_bounds = array<i64: 3200, 128>}, {transform_indices = @transform_2, window_bounds = array<i64: 3200, 128>}, {transform_indices = @transform_3, window_bounds = array<i64: 1, 1, 3200>}, {transform_indices = @transform_4, window_bounds = array<i64: 1, 1, 3200>}, {pipeline_mode = #tpu.pipeline_mode<synchronous>, transform_indices = @transform_5, window_bounds = array<i64: 8, 100>}, {pipeline_mode = #tpu.pipeline_mode<synchronous>, transform_indices = @transform_6, window_bounds = array<i64: 8, 16>}, {pipeline_mode = #tpu.pipeline_mode<synchronous>, transform_indices = @transform_7, window_bounds = array<i64: 16, 16>}, {pipeline_mode = #tpu.pipeline_mode<synchronous>, transform_indices = @transform_8, window_bounds = array<i64: 16, 1>}, {pipeline_mode = #tpu.pipeline_mode<synchronous>, transform_indices = @transform_9, window_bounds = array<i64: 1, 16>}, {pipeline_mode = #tpu.pipeline_mode<synchronous>, transform_indices = @transform_10, window_bounds = array<i64: 1, 1>}, {pipeline_mode = #tpu.pipeline_mode<synchronous>, transform_indices = @transform_11, window_bounds = array<i64: 1, 8>}, {pipeline_mode = #tpu.pipeline_mode<synchronous>, transform_indices = @transform_12, window_bounds = array<i64: 1, 8>}, {transform_indices = @transform_13, window_bounds = array<i64: 3200, 128>}, {transform_indices = @transform_14, window_bounds = array<i64: 3200, 128>}]} {
    %get3A = arith.constant 0 : index
    %get3A_0 = arith.constant 0 : index
    %get3A_1 = arith.constant 0 : index
    %get3A_2 = vector.load %arg4[%get3A, %get3A_0, %get3A_1] : memref<1x1x3200xf32, #tpu.memory_space<vmem>>, vector<1x1x3200xf32>
    %reshape3A = vector.shape_cast %get3A_2 : vector<1x1x3200xf32> to vector<1x3200xf32>
    %get3A_3 = arith.constant 0 : index
    %get3A_4 = arith.constant 0 : index
    %get3A_5 = arith.constant 0 : index
    %get3A_6 = vector.load %arg5[%get3A_3, %get3A_4, %get3A_5] : memref<1x1x3200xf32, #tpu.memory_space<vmem>>, vector<1x1x3200xf32>
    %reshape3A_7 = vector.shape_cast %get3A_6 : vector<1x1x3200xf32> to vector<1x3200xf32>
    %mul3A = arith.mulf %reshape3A, %reshape3A : vector<1x3200xf32>
    %mul3A_8 = arith.mulf %reshape3A_7, %reshape3A_7 : vector<1x3200xf32>
    %add3A = arith.addf %mul3A, %mul3A_8 : vector<1x3200xf32>
    %sqrt3A = math.sqrt %add3A : vector<1x3200xf32>
    %atan23A = math.atan2 %reshape3A_7, %reshape3A : vector<1x3200xf32>
    %div3A = arith.constant 5.000000e+02 : f32
    %div3A_9 = vector.broadcast %div3A : f32 to vector<1x3200xf32>
    %div3A_10 = arith.divf %sqrt3A, %div3A_9 : vector<1x3200xf32>
    %mul3A_11 = arith.constant 9.900000e+01 : f32
    %mul3A_12 = vector.broadcast %mul3A_11 : f32 to vector<1x3200xf32>
    %mul3A_13 = arith.mulf %div3A_10, %mul3A_12 : vector<1x3200xf32>
    %convert_element_type3A = arith.fptosi %mul3A_13 : vector<1x3200xf32> to vector<1x3200xi32>
    %jit3A = arith.constant 0 : i32
    %jit3A_14 = arith.constant 99 : i32
    %max3A = vector.broadcast %jit3A : i32 to vector<1x3200xi32>
    %max3A_15 = arith.maxsi %max3A, %convert_element_type3A : vector<1x3200xi32>
    %min3A = vector.broadcast %jit3A_14 : i32 to vector<1x3200xi32>
    %min3A_16 = arith.minsi %min3A, %max3A_15 : vector<1x3200xi32>
    %add3A_17 = arith.constant 3.14159274 : f32
    %add3A_18 = vector.broadcast %add3A_17 : f32 to vector<1x3200xf32>
    %add3A_19 = arith.addf %atan23A, %add3A_18 : vector<1x3200xf32>
    %div3A_20 = arith.constant 6.28318548 : f32
    %div3A_21 = vector.broadcast %div3A_20 : f32 to vector<1x3200xf32>
    %div3A_22 = arith.divf %add3A_19, %div3A_21 : vector<1x3200xf32>
    %mul3A_23 = arith.constant 1.500000e+01 : f32
    %mul3A_24 = vector.broadcast %mul3A_23 : f32 to vector<1x3200xf32>
    %mul3A_25 = arith.mulf %div3A_22, %mul3A_24 : vector<1x3200xf32>
    %convert_element_type3A_26 = arith.fptosi %mul3A_25 : vector<1x3200xf32> to vector<1x3200xi32>
    %jit3A_27 = arith.constant 0 : i32
    %jit3A_28 = arith.constant 15 : i32
    %max3A_29 = vector.broadcast %jit3A_27 : i32 to vector<1x3200xi32>
    %max3A_30 = arith.maxsi %max3A_29, %convert_element_type3A_26 : vector<1x3200xi32>
    %min3A_31 = vector.broadcast %jit3A_28 : i32 to vector<1x3200xi32>
    %min3A_32 = arith.minsi %min3A_31, %max3A_30 : vector<1x3200xi32>
    %iota3A = tpu.iota {dimensions = array<i32: 0>} : vector<100x3200xi32>
    %eq3A = vector.broadcast %min3A_16 : vector<1x3200xi32> to vector<100x3200xi32>
    %eq3A_33 = arith.cmpi eq, %iota3A, %eq3A : vector<100x3200xi32>
    %convert_element_type3A_34 = arith.extui %eq3A_33 : vector<100x3200xi1> to vector<100x3200xi32>
    %convert_element_type3A_35 = arith.sitofp %convert_element_type3A_34 : vector<100x3200xi32> to vector<100x3200xf32>
    %get3A_36 = arith.constant 0 : index
    %get3A_37 = arith.constant 0 : index
    %get3A_38 = vector.load %arg6[%get3A_36, %get3A_37] : memref<8x100xf32, #tpu.memory_space<vmem>>, vector<8x100xf32>
    %dot_general3A = arith.constant dense<0.000000e+00> : vector<8x3200xf32>
    %dot_general3A_39 = tpu.matmul %get3A_38, %convert_element_type3A_35, %dot_general3A {dimension_numbers = #tpu.dot_dimension_numbers<[1], [0], [0], [1], [0, 0, 1, 1], [], []>, transpose_lhs_hint = false} : vector<8x100xf32>, vector<100x3200xf32>, vector<8x3200xf32> -> vector<8x3200xf32>
    %iota3A_40 = tpu.iota {dimensions = array<i32: 0>} : vector<16x3200xi32>
    %eq3A_41 = vector.broadcast %min3A_32 : vector<1x3200xi32> to vector<16x3200xi32>
    %eq3A_42 = arith.cmpi eq, %iota3A_40, %eq3A_41 : vector<16x3200xi32>
    %convert_element_type3A_43 = arith.extui %eq3A_42 : vector<16x3200xi1> to vector<16x3200xi32>
    %convert_element_type3A_44 = arith.sitofp %convert_element_type3A_43 : vector<16x3200xi32> to vector<16x3200xf32>
    %get3A_45 = arith.constant 0 : index
    %get3A_46 = arith.constant 0 : index
    %get3A_47 = vector.load %arg7[%get3A_45, %get3A_46] : memref<8x16xf32, #tpu.memory_space<vmem>>, vector<8x16xf32>
    %dot_general3A_48 = arith.constant dense<0.000000e+00> : vector<8x3200xf32>
    %dot_general3A_49 = tpu.matmul %get3A_47, %convert_element_type3A_44, %dot_general3A_48 {dimension_numbers = #tpu.dot_dimension_numbers<[1], [0], [0], [1], [0, 0, 1, 1], [], []>, transpose_lhs_hint = false} : vector<8x16xf32>, vector<16x3200xf32>, vector<8x3200xf32> -> vector<8x3200xf32>
    %concatenate3A = tpu.concatenate %dot_general3A_39, %dot_general3A_49 in 0 : vector<8x3200xf32>, vector<8x3200xf32> -> vector<16x3200xf32>
    %get3A_50 = arith.constant 0 : index
    %get3A_51 = arith.constant 0 : index
    %get3A_52 = vector.load %arg8[%get3A_50, %get3A_51] : memref<16x16xf32, #tpu.memory_space<vmem>>, vector<16x16xf32>
    %dot_general3A_53 = arith.constant dense<0.000000e+00> : vector<16x3200xf32>
    %dot_general3A_54 = tpu.matmul %get3A_52, %concatenate3A, %dot_general3A_53 {dimension_numbers = #tpu.dot_dimension_numbers<[1], [0], [0], [1], [0, 0, 1, 1], [], []>, transpose_lhs_hint = false} : vector<16x16xf32>, vector<16x3200xf32>, vector<16x3200xf32> -> vector<16x3200xf32>
    %get3A_55 = arith.constant 0 : index
    %get3A_56 = arith.constant 0 : index
    %get3A_57 = vector.load %arg9[%get3A_55, %get3A_56] : memref<16x1xf32, #tpu.memory_space<vmem>>, vector<16x1xf32>
    %add3A_58 = vector.broadcast %get3A_57 : vector<16x1xf32> to vector<16x3200xf32>
    %add3A_59 = arith.addf %dot_general3A_54, %add3A_58 : vector<16x3200xf32>
    %max3A_60 = arith.constant 0.000000e+00 : f32
    %max3A_61 = vector.broadcast %max3A_60 : f32 to vector<16x3200xf32>
    %max3A_62 = arith.maximumf %add3A_59, %max3A_61 : vector<16x3200xf32>
    %get3A_63 = arith.constant 0 : index
    %get3A_64 = arith.constant 0 : index
    %get3A_65 = vector.load %arg10[%get3A_63, %get3A_64] : memref<1x16xf32, #tpu.memory_space<vmem>>, vector<1x16xf32>
    %dot_general3A_66 = arith.constant dense<0.000000e+00> : vector<1x3200xf32>
    %dot_general3A_67 = tpu.matmul %get3A_65, %max3A_62, %dot_general3A_66 {dimension_numbers = #tpu.dot_dimension_numbers<[1], [0], [0], [1], [0, 0, 1, 1], [], []>, transpose_lhs_hint = false} : vector<1x16xf32>, vector<16x3200xf32>, vector<1x3200xf32> -> vector<1x3200xf32>
    %get3A_68 = arith.constant 0 : index
    %get3A_69 = arith.constant 0 : index
    %get3A_70 = vector.load %arg11[%get3A_68, %get3A_69] : memref<1x1xf32, #tpu.memory_space<vmem>>, vector<1x1xf32>
    %add3A_71 = vector.broadcast %get3A_70 : vector<1x1xf32> to vector<1x3200xf32>
    %add3A_72 = arith.addf %dot_general3A_67, %add3A_71 : vector<1x3200xf32>
    %reshape3A_73 = vector.shape_cast %add3A_72 : vector<1x3200xf32> to vector<3200x1xf32>
    %iota3A_74 = tpu.iota {dimensions = array<i32: 0>} : vector<128x8xi32>
    %iota3A_75 = tpu.iota {dimensions = array<i32: 1>} : vector<128x8xi32>
    %jit3A_76 = arith.constant 16 : i32
    %div3A_77 = vector.broadcast %jit3A_76 : i32 to vector<128x8xi32>
    %div3A_78 = arith.divsi %iota3A_74, %div3A_77 : vector<128x8xi32>
    %sign3A = arith.constant 0 : i32
    %sign3A_79 = vector.broadcast %sign3A : i32 to vector<128x8xi32>
    %sign3A_80 = arith.cmpi sgt, %iota3A_74, %sign3A_79 : vector<128x8xi32>
    %sign3A_81 = arith.extui %sign3A_80 : vector<128x8xi1> to vector<128x8xi32>
    %sign3A_82 = arith.constant 0 : i32
    %sign3A_83 = vector.broadcast %sign3A_82 : i32 to vector<128x8xi32>
    %sign3A_84 = arith.cmpi slt, %iota3A_74, %sign3A_83 : vector<128x8xi32>
    %sign3A_85 = arith.extui %sign3A_84 : vector<128x8xi1> to vector<128x8xi32>
    %sign3A_86 = arith.subi %sign3A_81, %sign3A_85 : vector<128x8xi32>
    %sign3A_87 = arith.constant 0 : i32
    %sign3A_88 = arith.cmpi sgt, %jit3A_76, %sign3A_87 : i32
    %sign3A_89 = arith.extui %sign3A_88 : i1 to i32
    %sign3A_90 = arith.constant 0 : i32
    %sign3A_91 = arith.cmpi slt, %jit3A_76, %sign3A_90 : i32
    %sign3A_92 = arith.extui %sign3A_91 : i1 to i32
    %sign3A_93 = arith.subi %sign3A_89, %sign3A_92 : i32
    %ne3A = vector.broadcast %sign3A_93 : i32 to vector<128x8xi32>
    %ne3A_94 = arith.cmpi ne, %sign3A_86, %ne3A : vector<128x8xi32>
    %rem3A = vector.broadcast %jit3A_76 : i32 to vector<128x8xi32>
    %rem3A_95 = arith.remsi %iota3A_74, %rem3A : vector<128x8xi32>
    %ne3A_96 = arith.constant 0 : i32
    %ne3A_97 = vector.broadcast %ne3A_96 : i32 to vector<128x8xi32>
    %ne3A_98 = arith.cmpi ne, %rem3A_95, %ne3A_97 : vector<128x8xi32>
    %and3A = arith.andi %ne3A_94, %ne3A_98 : vector<128x8xi1>
    %sub3A = arith.constant 1 : i32
    %sub3A_99 = vector.broadcast %sub3A : i32 to vector<128x8xi32>
    %sub3A_100 = arith.subi %div3A_78, %sub3A_99 : vector<128x8xi32>
    %select_n3A = arith.select %and3A, %sub3A_100, %div3A_78 : vector<128x8xi1>, vector<128x8xi32>
    %eq3A_101 = arith.cmpi eq, %select_n3A, %iota3A_75 : vector<128x8xi32>
    %convert_element_type3A_102 = arith.extui %eq3A_101 : vector<128x8xi1> to vector<128x8xi32>
    %convert_element_type3A_103 = arith.sitofp %convert_element_type3A_102 : vector<128x8xi32> to vector<128x8xf32>
    %get3A_104 = arith.constant 0 : index
    %get3A_105 = arith.constant 0 : index
    %get3A_106 = vector.load %arg1[%get3A_104, %get3A_105] : memref<3200x128xf32, #tpu.memory_space<vmem>>, vector<3200x128xf32>
    %get3A_107 = arith.constant 0 : index
    %get3A_108 = arith.constant 0 : index
    %get3A_109 = vector.load %arg2[%get3A_107, %get3A_108] : memref<3200x128xf32, #tpu.memory_space<vmem>>, vector<3200x128xf32>
    %mul3A_110 = arith.mulf %get3A_106, %get3A_109 : vector<3200x128xf32>
    %dot_general3A_111 = arith.constant dense<0.000000e+00> : vector<3200x8xf32>
    %dot_general3A_112 = tpu.matmul %mul3A_110, %convert_element_type3A_103, %dot_general3A_111 {dimension_numbers = #tpu.dot_dimension_numbers<[1], [0], [0], [1], [0, 0, 1, 1], [], []>, transpose_lhs_hint = false} : vector<3200x128xf32>, vector<128x8xf32>, vector<3200x8xf32> -> vector<3200x8xf32>
    %div3A_113 = arith.constant 4.000000e+00 : f32
    %div3A_114 = vector.broadcast %div3A_113 : f32 to vector<3200x8xf32>
    %div3A_115 = arith.divf %dot_general3A_112, %div3A_114 : vector<3200x8xf32>
    %add3A_116 = vector.broadcast %reshape3A_73 : vector<3200x1xf32> to vector<3200x8xf32>
    %add3A_117 = arith.addf %div3A_115, %add3A_116 : vector<3200x8xf32>
    %get3A_118 = arith.constant 0 : index
    %get3A_119 = arith.constant 0 : index
    %get3A_120 = vector.load %arg12[%get3A_118, %get3A_119] : memref<1x8xf32, #tpu.memory_space<vmem>>, vector<1x8xf32>
    %div3A_121 = vector.broadcast %get3A_120 : vector<1x8xf32> to vector<3200x8xf32>
    %div3A_122 = arith.divf %add3A_117, %div3A_121 : vector<3200x8xf32>
    %get3A_123 = arith.constant 0 : index
    %get3A_124 = arith.constant 0 : index
    %get3A_125 = vector.load %arg13[%get3A_123, %get3A_124] : memref<1x8xf32, #tpu.memory_space<vmem>>, vector<1x8xf32>
    %sub3A_126 = vector.broadcast %get3A_125 : vector<1x8xf32> to vector<3200x8xf32>
    %sub3A_127 = arith.subf %div3A_122, %sub3A_126 : vector<3200x8xf32>
    %exp3A = math.exp %sub3A_127 : vector<3200x8xf32>
    %iota3A_128 = tpu.iota {dimensions = array<i32: 0>} : vector<8x128xi32>
    %iota3A_129 = tpu.iota {dimensions = array<i32: 1>} : vector<8x128xi32>
    %jit3A_130 = arith.constant 16 : i32
    %div3A_131 = vector.broadcast %jit3A_130 : i32 to vector<8x128xi32>
    %div3A_132 = arith.divsi %iota3A_129, %div3A_131 : vector<8x128xi32>
    %sign3A_133 = arith.constant 0 : i32
    %sign3A_134 = vector.broadcast %sign3A_133 : i32 to vector<8x128xi32>
    %sign3A_135 = arith.cmpi sgt, %iota3A_129, %sign3A_134 : vector<8x128xi32>
    %sign3A_136 = arith.extui %sign3A_135 : vector<8x128xi1> to vector<8x128xi32>
    %sign3A_137 = arith.constant 0 : i32
    %sign3A_138 = vector.broadcast %sign3A_137 : i32 to vector<8x128xi32>
    %sign3A_139 = arith.cmpi slt, %iota3A_129, %sign3A_138 : vector<8x128xi32>
    %sign3A_140 = arith.extui %sign3A_139 : vector<8x128xi1> to vector<8x128xi32>
    %sign3A_141 = arith.subi %sign3A_136, %sign3A_140 : vector<8x128xi32>
    %sign3A_142 = arith.constant 0 : i32
    %sign3A_143 = arith.cmpi sgt, %jit3A_130, %sign3A_142 : i32
    %sign3A_144 = arith.extui %sign3A_143 : i1 to i32
    %sign3A_145 = arith.constant 0 : i32
    %sign3A_146 = arith.cmpi slt, %jit3A_130, %sign3A_145 : i32
    %sign3A_147 = arith.extui %sign3A_146 : i1 to i32
    %sign3A_148 = arith.subi %sign3A_144, %sign3A_147 : i32
    %ne3A_149 = vector.broadcast %sign3A_148 : i32 to vector<8x128xi32>
    %ne3A_150 = arith.cmpi ne, %sign3A_141, %ne3A_149 : vector<8x128xi32>
    %rem3A_151 = vector.broadcast %jit3A_130 : i32 to vector<8x128xi32>
    %rem3A_152 = arith.remsi %iota3A_129, %rem3A_151 : vector<8x128xi32>
    %ne3A_153 = arith.constant 0 : i32
    %ne3A_154 = vector.broadcast %ne3A_153 : i32 to vector<8x128xi32>
    %ne3A_155 = arith.cmpi ne, %rem3A_152, %ne3A_154 : vector<8x128xi32>
    %and3A_156 = arith.andi %ne3A_150, %ne3A_155 : vector<8x128xi1>
    %sub3A_157 = arith.constant 1 : i32
    %sub3A_158 = vector.broadcast %sub3A_157 : i32 to vector<8x128xi32>
    %sub3A_159 = arith.subi %div3A_132, %sub3A_158 : vector<8x128xi32>
    %select_n3A_160 = arith.select %and3A_156, %sub3A_159, %div3A_132 : vector<8x128xi1>, vector<8x128xi32>
    %eq3A_161 = arith.cmpi eq, %select_n3A_160, %iota3A_128 : vector<8x128xi32>
    %convert_element_type3A_162 = arith.extui %eq3A_161 : vector<8x128xi1> to vector<8x128xi32>
    %convert_element_type3A_163 = arith.sitofp %convert_element_type3A_162 : vector<8x128xi32> to vector<8x128xf32>
    %dot_general3A_164 = arith.constant dense<0.000000e+00> : vector<3200x128xf32>
    %dot_general3A_165 = tpu.matmul %exp3A, %convert_element_type3A_163, %dot_general3A_164 {dimension_numbers = #tpu.dot_dimension_numbers<[1], [0], [0], [1], [0, 0, 1, 1], [], []>, transpose_lhs_hint = false} : vector<3200x8xf32>, vector<8x128xf32>, vector<3200x128xf32> -> vector<3200x128xf32>
    %get3A_166 = arith.constant 0 : index
    %get3A_167 = arith.constant 0 : index
    %get3A_168 = vector.load %arg3[%get3A_166, %get3A_167] : memref<3200x128xf32, #tpu.memory_space<vmem>>, vector<3200x128xf32>
    %mul3A_169 = arith.mulf %get3A_168, %dot_general3A_165 : vector<3200x128xf32>
    %slice3A = vector.extract_strided_slice %mul3A_169 {offsets = [0, 0], sizes = [3200, 64], strides = [1, 1]} : vector<3200x128xf32> to vector<3200x64xf32>
    %broadcast_in_dim3A = arith.constant 1.000000e+00 : f32
    %broadcast_in_dim3A_170 = vector.broadcast %broadcast_in_dim3A : f32 to vector<3200x1xf32>
    %broadcast_in_dim3A_171 = arith.constant 0.000000e+00 : f32
    %broadcast_in_dim3A_172 = vector.broadcast %broadcast_in_dim3A_171 : f32 to vector<3200x55xf32>
    %concatenate3A_173 = tpu.concatenate %slice3A, %exp3A, %broadcast_in_dim3A_170, %broadcast_in_dim3A_172 in 1 : vector<3200x64xf32>, vector<3200x8xf32>, vector<3200x1xf32>, vector<3200x55xf32> -> vector<3200x128xf32>
    %swap3A = arith.constant 0 : index
    %swap3A_174 = arith.constant 0 : index
    %swap3A_175 = vector.load %arg14[%swap3A, %swap3A_174] : memref<3200x128xf32, #tpu.memory_space<vmem>>, vector<3200x128xf32>
    tpu.vector_store %arg14[%swap3A, %swap3A_174], %concatenate3A_173 {strides = array<i32>} : memref<3200x128xf32, #tpu.memory_space<vmem>>, vector<3200x128xf32>,
    %slice3A_176 = vector.extract_strided_slice %mul3A_169 {offsets = [0, 64], sizes = [3200, 64], strides = [1, 1]} : vector<3200x128xf32> to vector<3200x64xf32>
    %broadcast_in_dim3A_177 = arith.constant 0.000000e+00 : f32
    %broadcast_in_dim3A_178 = vector.broadcast %broadcast_in_dim3A_177 : f32 to vector<3200x64xf32>
    %concatenate3A_179 = tpu.concatenate %slice3A_176, %broadcast_in_dim3A_178 in 1 : vector<3200x64xf32>, vector<3200x64xf32> -> vector<3200x128xf32>
    %swap3A_180 = arith.constant 0 : index
    %swap3A_181 = arith.constant 0 : index
    %swap3A_182 = vector.load %arg15[%swap3A_180, %swap3A_181] : memref<3200x128xf32, #tpu.memory_space<vmem>>, vector<3200x128xf32>
    tpu.vector_store %arg15[%swap3A_180, %swap3A_181], %concatenate3A_179 {strides = array<i32>} : memref<3200x128xf32, #tpu.memory_space<vmem>>, vector<3200x128xf32>,
    return
  }
  func.func @transform_0(%arg0: i32) -> (i32, i32) {
    %c0_i32 = arith.constant 0 : i32
    %c0_i32_0 = arith.constant 0 : i32
    return %arg0, %c0_i32 : i32, i32
  }
  func.func @transform_1(%arg0: i32) -> (i32, i32) {
    %c0_i32 = arith.constant 0 : i32
    %c0_i32_0 = arith.constant 0 : i32
    return %arg0, %c0_i32 : i32, i32
  }
  func.func @transform_2(%arg0: i32) -> (i32, i32) {
    %c0_i32 = arith.constant 0 : i32
    %c0_i32_0 = arith.constant 0 : i32
    return %arg0, %c0_i32 : i32, i32
  }
  func.func @transform_3(%arg0: i32) -> (i32, i32, i32) {
    %c0_i32 = arith.constant 0 : i32
    %c0_i32_0 = arith.constant 0 : i32
    %c0_i32_1 = arith.constant 0 : i32
    return %arg0, %c0_i32, %c0_i32_0 : i32, i32, i32
  }
  func.func @transform_4(%arg0: i32) -> (i32, i32, i32) {
    %c0_i32 = arith.constant 0 : i32
    %c0_i32_0 = arith.constant 0 : i32
    %c0_i32_1 = arith.constant 0 : i32
    return %arg0, %c0_i32, %c0_i32_0 : i32, i32, i32
  }
  func.func @transform_5(%arg0: i32) -> (i32, i32) {
    %c0_i32 = arith.constant 0 : i32
    %c0_i32_0 = arith.constant 0 : i32
    %c0_i32_1 = arith.constant 0 : i32
    return %c0_i32, %c0_i32_0 : i32, i32
  }
  func.func @transform_6(%arg0: i32) -> (i32, i32) {
    %c0_i32 = arith.constant 0 : i32
    %c0_i32_0 = arith.constant 0 : i32
    %c0_i32_1 = arith.constant 0 : i32
    return %c0_i32, %c0_i32_0 : i32, i32
  }
  func.func @transform_7(%arg0: i32) -> (i32, i32) {
    %c0_i32 = arith.constant 0 : i32
    %c0_i32_0 = arith.constant 0 : i32
    %c0_i32_1 = arith.constant 0 : i32
    return %c0_i32, %c0_i32_0 : i32, i32
  }
  func.func @transform_8(%arg0: i32) -> (i32, i32) {
    %c0_i32 = arith.constant 0 : i32
    %c0_i32_0 = arith.constant 0 : i32
    %c0_i32_1 = arith.constant 0 : i32
    return %c0_i32, %c0_i32_0 : i32, i32
  }
  func.func @transform_9(%arg0: i32) -> (i32, i32) {
    %c0_i32 = arith.constant 0 : i32
    %c0_i32_0 = arith.constant 0 : i32
    %c0_i32_1 = arith.constant 0 : i32
    return %c0_i32, %c0_i32_0 : i32, i32
  }
  func.func @transform_10(%arg0: i32) -> (i32, i32) {
    %c0_i32 = arith.constant 0 : i32
    %c0_i32_0 = arith.constant 0 : i32
    %c0_i32_1 = arith.constant 0 : i32
    return %c0_i32, %c0_i32_0 : i32, i32
  }
  func.func @transform_11(%arg0: i32) -> (i32, i32) {
    %c0_i32 = arith.constant 0 : i32
    %c0_i32_0 = arith.constant 0 : i32
    %c0_i32_1 = arith.constant 0 : i32
    return %c0_i32, %c0_i32_0 : i32, i32
  }
  func.func @transform_12(%arg0: i32) -> (i32, i32) {
    %c0_i32 = arith.constant 0 : i32
    %c0_i32_0 = arith.constant 0 : i32
    %c0_i32_1 = arith.constant 0 : i32
    return %c0_i32, %c0_i32_0 : i32, i32
  }
  func.func @transform_13(%arg0: i32) -> (i32, i32) {
    %c0_i32 = arith.constant 0 : i32
    %c0_i32_0 = arith.constant 0 : i32
    return %arg0, %c0_i32 : i32, i32
  }
  func.func @transform_14(%arg0: i32) -> (i32, i32) {
    %c0_i32 = arith.constant 0 : i32
    %c0_i32_0 = arith.constant 0 : i32
    return %arg0, %c0_i32 : i32, i32
  }
}

module attributes {stable_mosaic.version = 14 : i64} {
  func.func @body(%arg0: memref<10000x128xf32, #tpu.memory_space<vmem>>, %arg1: memref<10000x128xf32, #tpu.memory_space<vmem>>, %arg2: memref<10000x128xf32, #tpu.memory_space<vmem>>, %arg3: memref<10000x1xf32, #tpu.memory_space<vmem>>, %arg4: memref<10000x128xf32, #tpu.memory_space<vmem>>, %arg5: memref<3x64xf32, #tpu.memory_space<vmem>>, %arg6: memref<1x64xf32, #tpu.memory_space<vmem>>, %arg7: memref<64x128xf32, #tpu.memory_space<vmem>>, %arg8: memref<1x128xf32, #tpu.memory_space<vmem>>, %arg9: memref<128x128xf32, #tpu.memory_space<vmem>>, %arg10: memref<1x128xf32, #tpu.memory_space<vmem>>, %arg11: memref<10000x128xf32, #tpu.memory_space<vmem>>) attributes {dimension_semantics = [], scalar_prefetch = 0 : i64, scratch_operands = 0 : i64, tpu.core_type = #tpu.core_type<tc>} {
    %get3A = arith.constant 0 : index
    %get3A_0 = arith.constant 0 : index
    %get3A_1 = vector.load %arg0[%get3A, %get3A_0] : memref<10000x128xf32, #tpu.memory_space<vmem>>, vector<10000x128xf32>
    %get3A_2 = arith.constant 0 : index
    %get3A_3 = arith.constant 0 : index
    %get3A_4 = vector.load %arg1[%get3A_2, %get3A_3] : memref<10000x128xf32, #tpu.memory_space<vmem>>, vector<10000x128xf32>
    %slice3A = vector.extract_strided_slice %get3A_1 {offsets = [0, 72], sizes = [10000, 1], strides = [1, 1]} : vector<10000x128xf32> to vector<10000x1xf32>
    %max3A = arith.constant 1.000000e+00 : f32
    %max3A_5 = vector.broadcast %max3A : f32 to vector<10000x1xf32>
    %max3A_6 = arith.maximumf %slice3A, %max3A_5 : vector<10000x1xf32>
    %get3A_7 = arith.constant 0 : index
    %get3A_8 = arith.constant 0 : index
    %get3A_9 = vector.load %arg4[%get3A_7, %get3A_8] : memref<10000x128xf32, #tpu.memory_space<vmem>>, vector<10000x128xf32>
    %get3A_10 = arith.constant 0 : index
    %get3A_11 = arith.constant 0 : index
    %get3A_12 = vector.load %arg2[%get3A_10, %get3A_11] : memref<10000x128xf32, #tpu.memory_space<vmem>>, vector<10000x128xf32>
    %div3A = vector.broadcast %max3A_6 : vector<10000x1xf32> to vector<10000x128xf32>
    %div3A_13 = arith.divf %get3A_12, %div3A : vector<10000x128xf32>
    %sub3A = arith.subf %get3A_9, %div3A_13 : vector<10000x128xf32>
    %broadcast_in_dim3A = arith.constant 1.000000e+00 : f32
    %broadcast_in_dim3A_14 = vector.broadcast %broadcast_in_dim3A : f32 to vector<128x1xf32>
    %mul3A = arith.mulf %sub3A, %sub3A : vector<10000x128xf32>
    %dot_general3A = arith.constant dense<0.000000e+00> : vector<10000x1xf32>
    %dot_general3A_15 = tpu.matmul %mul3A, %broadcast_in_dim3A_14, %dot_general3A {dimension_numbers = #tpu.dot_dimension_numbers<[1], [0], [0], [1], [0, 0, 1, 1], [], []>, transpose_lhs_hint = false} : vector<10000x128xf32>, vector<128x1xf32>, vector<10000x1xf32> -> vector<10000x1xf32>
    %sqrt3A = math.sqrt %dot_general3A_15 : vector<10000x1xf32>
    %reduce_max3A = vector.shape_cast %sqrt3A : vector<10000x1xf32> to vector<1x10000x1xf32>
    %reduce_max3A_16 = arith.constant dense<0xFF800000> : vector<1xf32>
    %reduce_max3A_17 = vector.multi_reduction <maximumf>, %reduce_max3A, %reduce_max3A_16 [1, 2] : vector<1x10000x1xf32> to vector<1xf32>
    %reduce_max3A_18 = vector.shape_cast %reduce_max3A_17 : vector<1xf32> to vector<1x1x1xf32>
    %reduce_max3A_19 = vector.extract %reduce_max3A_18[0, 0, 0] : f32 from vector<1x1x1xf32>
    %add3A = arith.constant 9.99999993E-9 : f32
    %add3A_20 = arith.addf %reduce_max3A_19, %add3A : f32
    %div3A_21 = vector.broadcast %add3A_20 : f32 to vector<10000x1xf32>
    %div3A_22 = arith.divf %sqrt3A, %div3A_21 : vector<10000x1xf32>
    %reduce_max3A_23 = vector.shape_cast %slice3A : vector<10000x1xf32> to vector<1x10000x1xf32>
    %reduce_max3A_24 = arith.constant dense<0xFF800000> : vector<1xf32>
    %reduce_max3A_25 = vector.multi_reduction <maximumf>, %reduce_max3A_23, %reduce_max3A_24 [1, 2] : vector<1x10000x1xf32> to vector<1xf32>
    %reduce_max3A_26 = vector.shape_cast %reduce_max3A_25 : vector<1xf32> to vector<1x1x1xf32>
    %reduce_max3A_27 = vector.extract %reduce_max3A_26[0, 0, 0] : f32 from vector<1x1x1xf32>
    %add3A_28 = arith.constant 9.99999993E-9 : f32
    %add3A_29 = arith.addf %reduce_max3A_27, %add3A_28 : f32
    %div3A_30 = vector.broadcast %add3A_29 : f32 to vector<10000x1xf32>
    %div3A_31 = arith.divf %slice3A, %div3A_30 : vector<10000x1xf32>
    %get3A_32 = arith.constant 0 : index
    %get3A_33 = arith.constant 0 : index
    %get3A_34 = vector.load %arg3[%get3A_32, %get3A_33] : memref<10000x1xf32, #tpu.memory_space<vmem>>, vector<10000x1xf32>
    %concatenate3A = tpu.concatenate %div3A_31, %get3A_34, %div3A_22 in 1 : vector<10000x1xf32>, vector<10000x1xf32>, vector<10000x1xf32> -> vector<10000x3xf32>
    %get3A_35 = arith.constant 0 : index
    %get3A_36 = arith.constant 0 : index
    %get3A_37 = vector.load %arg5[%get3A_35, %get3A_36] : memref<3x64xf32, #tpu.memory_space<vmem>>, vector<3x64xf32>
    %dot_general3A_38 = arith.constant dense<0.000000e+00> : vector<10000x64xf32>
    %dot_general3A_39 = tpu.matmul %concatenate3A, %get3A_37, %dot_general3A_38 {dimension_numbers = #tpu.dot_dimension_numbers<[1], [0], [0], [1], [0, 0, 1, 1], [], []>, transpose_lhs_hint = false} : vector<10000x3xf32>, vector<3x64xf32>, vector<10000x64xf32> -> vector<10000x64xf32>
    %get3A_40 = arith.constant 0 : index
    %get3A_41 = arith.constant 0 : index
    %get3A_42 = vector.load %arg6[%get3A_40, %get3A_41] : memref<1x64xf32, #tpu.memory_space<vmem>>, vector<1x64xf32>
    %add3A_43 = vector.broadcast %get3A_42 : vector<1x64xf32> to vector<10000x64xf32>
    %add3A_44 = arith.addf %dot_general3A_39, %add3A_43 : vector<10000x64xf32>
    %max3A_45 = arith.constant 0.000000e+00 : f32
    %max3A_46 = vector.broadcast %max3A_45 : f32 to vector<10000x64xf32>
    %max3A_47 = arith.maximumf %add3A_44, %max3A_46 : vector<10000x64xf32>
    %get3A_48 = arith.constant 0 : index
    %get3A_49 = arith.constant 0 : index
    %get3A_50 = vector.load %arg7[%get3A_48, %get3A_49] : memref<64x128xf32, #tpu.memory_space<vmem>>, vector<64x128xf32>
    %dot_general3A_51 = arith.constant dense<0.000000e+00> : vector<10000x128xf32>
    %dot_general3A_52 = tpu.matmul %max3A_47, %get3A_50, %dot_general3A_51 {dimension_numbers = #tpu.dot_dimension_numbers<[1], [0], [0], [1], [0, 0, 1, 1], [], []>, transpose_lhs_hint = false} : vector<10000x64xf32>, vector<64x128xf32>, vector<10000x128xf32> -> vector<10000x128xf32>
    %get3A_53 = arith.constant 0 : index
    %get3A_54 = arith.constant 0 : index
    %get3A_55 = vector.load %arg8[%get3A_53, %get3A_54] : memref<1x128xf32, #tpu.memory_space<vmem>>, vector<1x128xf32>
    %add3A_56 = vector.broadcast %get3A_55 : vector<1x128xf32> to vector<10000x128xf32>
    %add3A_57 = arith.addf %dot_general3A_52, %add3A_56 : vector<10000x128xf32>
    %iota3A = tpu.iota {dimensions = array<i32: 0>} : vector<8x128xi32>
    %iota3A_58 = tpu.iota {dimensions = array<i32: 1>} : vector<8x128xi32>
    %jit3A = arith.constant 16 : i32
    %div3A_59 = vector.broadcast %jit3A : i32 to vector<8x128xi32>
    %div3A_60 = arith.divsi %iota3A_58, %div3A_59 : vector<8x128xi32>
    %sign3A = arith.constant 0 : i32
    %sign3A_61 = vector.broadcast %sign3A : i32 to vector<8x128xi32>
    %sign3A_62 = arith.cmpi sgt, %iota3A_58, %sign3A_61 : vector<8x128xi32>
    %sign3A_63 = arith.extui %sign3A_62 : vector<8x128xi1> to vector<8x128xi32>
    %sign3A_64 = arith.constant 0 : i32
    %sign3A_65 = vector.broadcast %sign3A_64 : i32 to vector<8x128xi32>
    %sign3A_66 = arith.cmpi slt, %iota3A_58, %sign3A_65 : vector<8x128xi32>
    %sign3A_67 = arith.extui %sign3A_66 : vector<8x128xi1> to vector<8x128xi32>
    %sign3A_68 = arith.subi %sign3A_63, %sign3A_67 : vector<8x128xi32>
    %sign3A_69 = arith.constant 0 : i32
    %sign3A_70 = arith.cmpi sgt, %jit3A, %sign3A_69 : i32
    %sign3A_71 = arith.extui %sign3A_70 : i1 to i32
    %sign3A_72 = arith.constant 0 : i32
    %sign3A_73 = arith.cmpi slt, %jit3A, %sign3A_72 : i32
    %sign3A_74 = arith.extui %sign3A_73 : i1 to i32
    %sign3A_75 = arith.subi %sign3A_71, %sign3A_74 : i32
    %ne3A = vector.broadcast %sign3A_75 : i32 to vector<8x128xi32>
    %ne3A_76 = arith.cmpi ne, %sign3A_68, %ne3A : vector<8x128xi32>
    %rem3A = vector.broadcast %jit3A : i32 to vector<8x128xi32>
    %rem3A_77 = arith.remsi %iota3A_58, %rem3A : vector<8x128xi32>
    %ne3A_78 = arith.constant 0 : i32
    %ne3A_79 = vector.broadcast %ne3A_78 : i32 to vector<8x128xi32>
    %ne3A_80 = arith.cmpi ne, %rem3A_77, %ne3A_79 : vector<8x128xi32>
    %and3A = arith.andi %ne3A_76, %ne3A_80 : vector<8x128xi1>
    %sub3A_81 = arith.constant 1 : i32
    %sub3A_82 = vector.broadcast %sub3A_81 : i32 to vector<8x128xi32>
    %sub3A_83 = arith.subi %div3A_60, %sub3A_82 : vector<8x128xi32>
    %select_n3A = arith.select %and3A, %sub3A_83, %div3A_60 : vector<8x128xi1>, vector<8x128xi32>
    %eq3A = arith.cmpi eq, %select_n3A, %iota3A : vector<8x128xi32>
    %convert_element_type3A = arith.extui %eq3A : vector<8x128xi1> to vector<8x128xi32>
    %convert_element_type3A_84 = arith.sitofp %convert_element_type3A : vector<8x128xi32> to vector<8x128xf32>
    %slice3A_85 = vector.extract_strided_slice %get3A_1 {offsets = [0, 64], sizes = [10000, 8], strides = [1, 1]} : vector<10000x128xf32> to vector<10000x8xf32>
    %dot_general3A_86 = arith.constant dense<0.000000e+00> : vector<10000x128xf32>
    %dot_general3A_87 = tpu.matmul %slice3A_85, %convert_element_type3A_84, %dot_general3A_86 {dimension_numbers = #tpu.dot_dimension_numbers<[1], [0], [0], [1], [0, 0, 1, 1], [], []>, transpose_lhs_hint = false} : vector<10000x8xf32>, vector<8x128xf32>, vector<10000x128xf32> -> vector<10000x128xf32>
    %add3A_88 = arith.constant 1.000000e-16 : f32
    %add3A_89 = vector.broadcast %add3A_88 : f32 to vector<10000x128xf32>
    %add3A_90 = arith.addf %dot_general3A_87, %add3A_89 : vector<10000x128xf32>
    %slice3A_91 = vector.extract_strided_slice %get3A_1 {offsets = [0, 0], sizes = [10000, 64], strides = [1, 1]} : vector<10000x128xf32> to vector<10000x64xf32>
    %slice3A_92 = vector.extract_strided_slice %get3A_4 {offsets = [0, 0], sizes = [10000, 64], strides = [1, 1]} : vector<10000x128xf32> to vector<10000x64xf32>
    %concatenate3A_93 = tpu.concatenate %slice3A_91, %slice3A_92 in 1 : vector<10000x64xf32>, vector<10000x64xf32> -> vector<10000x128xf32>
    %div3A_94 = arith.divf %concatenate3A_93, %add3A_90 : vector<10000x128xf32>
    %add3A_95 = arith.addf %div3A_94, %add3A_57 : vector<10000x128xf32>
    %get3A_96 = arith.constant 0 : index
    %get3A_97 = arith.constant 0 : index
    %get3A_98 = vector.load %arg9[%get3A_96, %get3A_97] : memref<128x128xf32, #tpu.memory_space<vmem>>, vector<128x128xf32>
    %dot_general3A_99 = arith.constant dense<0.000000e+00> : vector<10000x128xf32>
    %dot_general3A_100 = tpu.matmul %add3A_95, %get3A_98, %dot_general3A_99 {dimension_numbers = #tpu.dot_dimension_numbers<[1], [0], [0], [1], [0, 0, 1, 1], [], []>, transpose_lhs_hint = false} : vector<10000x128xf32>, vector<128x128xf32>, vector<10000x128xf32> -> vector<10000x128xf32>
    %get3A_101 = arith.constant 0 : index
    %get3A_102 = arith.constant 0 : index
    %get3A_103 = vector.load %arg10[%get3A_101, %get3A_102] : memref<1x128xf32, #tpu.memory_space<vmem>>, vector<1x128xf32>
    %add3A_104 = vector.broadcast %get3A_103 : vector<1x128xf32> to vector<10000x128xf32>
    %add3A_105 = arith.addf %dot_general3A_100, %add3A_104 : vector<10000x128xf32>
    %swap3A = arith.constant 0 : index
    %swap3A_106 = arith.constant 0 : index
    %swap3A_107 = vector.load %arg11[%swap3A, %swap3A_106] : memref<10000x128xf32, #tpu.memory_space<vmem>>, vector<10000x128xf32>
    tpu.vector_store %arg11[%swap3A, %swap3A_106], %add3A_105 {strides = array<i32>} : memref<10000x128xf32, #tpu.memory_space<vmem>>, vector<10000x128xf32>,
    return
  }
}

</mosaic_0001>

<sc_bundles>
// kernel: kernel.12.cloned.1.call-start
scs
__scs_entry_jumppad:
0x0: {  	(pc) =	sbr.rel $0x88, $3  }
0x1: {  	(tag) =	ssettag $0x0;
	lr =	simm.s32 $0x1  }
0x2: {  	[smem:$0x3F8E] =	sst lr;
	_ =	strace $0xD0000000  }
0x3: {  	_ = 	snop  }
0x4: {  	_ = 	snop  }
0x5: {  	_ = 	snop  }
0x6: {  	_ = 	snop  }
0x7: {  	_ = 	snop  }
__scs_overlays_trampoline_lowered:
0x8: {  	[smem:$0x3F9D] =	sst s0  }
0x9: {  	[smem:$0x3F9E] =	sst s1  }
0xa: {  	[smem:$0x3F9F] =	sst s2  }
0xb: {  	[smem:$0x3FA0] =	sst s3  }
0xc: {  	[smem:$0x3FA1] =	sst s4  }
0xd: {  	[smem:$0x3FA2] =	sst s5  }
0xe: {  	[smem:$0x3FA3] =	sst s6  }
0xf: {  	[smem:$0x3FA4] =	sst s7  }
0x10: {  	[smem:$0x3FA5] =	sst s8  }
0x11: {  	[smem:$0x3FA6] =	sst s9;
	s0 =	simm.s32 @!p0 $0x0  }
0x12: {  	s1 =	sld [smem:$0x3F8C];
	s0 =	simm.s32 @p0 $0x1  }
0x13: {  	[smem:$0x3FA7] =	sst s0;
	s0 =	simm.s32 @!p1 $0x0  }
0x14: {  	s2 =	sld [smem:$0x3F8B];
	s0 =	simm.s32 @p1 $0x1  }
0x15: {  	[smem:$0x3FA8] =	sst s0;
	s0 =	simm.s32 @!p2 $0x0  }
0x16: {  	s3 =	sld [smem:$0x3FDB];
	s0 =	simm.s32 @p2 $0x1  }
0x17: {  	s4 =	simm.s32 $0x1BF5;
	[smem:$0x3FAA] =	sst s0  }
0x18: {  	s0 =	sld [smem:$0x3F8D];
	_ =	swait.ge [sflag:s4], $0x0  }
0x19: {  	s7 =	sld [smem:$0x3F8E]  }
0x1a: {  	s8 =	sadd.s32 $0xFFFFE003, lr  }
0x1b: {  	s9 =	sadd.s32 $0xFFFFFEF7, lr;
	s5 =	simm.s32 $0xFFFFFFFF;
	p2 =	slt.u32 s8, $0xFFFFF086  }
0x1c: {  	p1 =	slt.u32 s9, $0xF7A;
	s5 =	simm.s32 @!p2 $0x0  }
0x1d: {  	s5 =	simm.s32 @p1 $0x1;
	p0 =	seq.s32 s7, s2  }
0x1e: {  	s7 =	smul.u32 @!p0 $0xF7A, s2;
	p2 =	seq.s32 @!p0 s5, $0x0  }
0x1f: {  	s9 =	smul.u32 $0xF7A, s1;
	s8 =	simm.s32 @!p0 $0x1BF5;
	p2 =	por !p2, p0  }
0x20: {  	[sflag:s8] =	ssyncset.s32 @!p0 $0xFFFFF086;
	s6 =	sadd.s32 @!p0 s3, s7;
	s7 =	simm.s32 @!p0 $0x108  }
0x21: {  	s3 =	sadd.s32 s3, s9;
	s6 =	sadd.s32 @!p0 $0x88, s6;
	s7 =	simm.s32 @p2 $0x1082  }
0x22: {  	[simem:s7], [sflag:s8] =	dma.local @!p0 [hbm:s6], $0xF7A  }
0x23: {  	s9 =	sor.u32 $0xD0000000, s2;
	s6 =	simm.s32 $0x108;
	_ =	swait.ge @!p0 [sflag:s8], $0x0  }
0x24: {  	s3 =	sadd.s32 $0x88, s3;
	s6 =	simm.s32 @!p1 $0x1082;
	[sflag:s4] =	ssyncset.s32 $0xFFFFF086  }
0x25: {  	[simem:s6], [sflag:s4] =	dma.local [hbm:s3], $0xF7A  }
0x26: {  	[smem:$0x3F8E] =	sst s1;
	(tag) =	ssettag s2;
	_ =	strace s9  }
0x27: {  	s1 =	sld [smem:$0x3F9E]  }
0x28: {  	s2 =	sld [smem:$0x3F9F]  }
0x29: {  	s4 =	sld [smem:$0x3FA1]  }
0x2a: {  	p0 =	seq.s32 s5, $0x0;
	s5 =	sld [smem:$0x3FA2]  }
0x2b: {  	s6 =	sld [smem:$0x3FA3]  }
0x2c: {  	s7 =	sld [smem:$0x3FA4]  }
0x2d: {  	s3 =	simm.s32 $0x108;
	s8 =	sld [smem:$0x3FA5]  }
0x2e: {  	s3 =	simm.s32 @!p0 $0x1082;
	s9 =	sld [smem:$0x3FA6]  }
0x2f: {  	lr =	sadd.s32 s0, s3;
	s0 =	sld [smem:$0x3F9D]  }
0x30: {  	s3 =	sld [smem:$0x3FA0]  }
0x31: {  	[smem:$0x3FA9] =	sst s10  }
0x32: {  	s10 =	sld [smem:$0x3FA7];
	_ =	sdelay $0x3  }
0x33: {  	p0 =	seq.s32 s10, $0x1;
	s10 =	sld [smem:$0x3FA9];
	_ =	sdelay $0x3  }
0x34: {  	[smem:$0x3FA9] =	sst s10  }
0x35: {  	s10 =	sld [smem:$0x3FA8];
	_ =	sdelay $0x3  }
0x36: {  	p1 =	seq.s32 s10, $0x1;
	s10 =	sld [smem:$0x3FA9];
	_ =	sdelay $0x3  }
0x37: {  	[smem:$0x3FA9] =	sst s10  }
0x38: {  	s10 =	sld [smem:$0x3FAA]  }
0x39: {  	_ = 	snop;
	(pc) =	sbr.ind lr, $3  }
0x3a: {  	_ = 	snop  }
0x3b: {  	_ = 	snop  }
0x3c: {  	p2 =	seq.s32 s10, $0x1;
	s10 =	sld [smem:$0x3FA9]  }
0x3d: {  	_ =	shalt  }
0x3e: {  	_ =	shalt  }
0x3f: {  	_ =	shalt  }
0x40: {  	_ =	shalt  }
0x41: {  	_ =	shalt  }
0x42: {  	_ =	shalt  }
0x43: {  	_ =	shalt  }
0x44: {  	_ =	shalt  }
0x45: {  	_ =	shalt  }
0x46: {  	_ =	shalt  }
0x47: {  	_ =	shalt  }
0x48: {  	_ =	shalt  }
0x49: {  	_ =	shalt  }
0x4a: {  	_ =	shalt  }
0x4b: {  	_ =	shalt  }
0x4c: {  	_ =	shalt  }
0x4d: {  	_ =	shalt  }
0x4e: {  	_ =	shalt  }
0x4f: {  	_ =	shalt  }
0x50: {  	_ =	shalt  }
0x51: {  	_ =	shalt  }
0x52: {  	_ =	shalt  }
0x53: {  	_ =	shalt  }
0x54: {  	_ =	shalt  }
0x55: {  	_ =	shalt  }
0x56: {  	_ =	shalt  }
0x57: {  	_ =	shalt  }
0x58: {  	_ =	shalt  }
0x59: {  	_ =	shalt  }
0x5a: {  	_ =	shalt  }
0x5b: {  	_ =	shalt  }
0x5c: {  	_ =	shalt  }
0x5d: {  	_ =	shalt  }
0x5e: {  	_ =	shalt  }
0x5f: {  	_ =	shalt  }
0x60: {  	_ =	shalt  }
0x61: {  	_ =	shalt  }
0x62: {  	_ =	shalt  }
0x63: {  	_ =	shalt  }
0x64: {  	_ =	shalt  }
0x65: {  	_ =	shalt  }
0x66: {  	_ =	shalt  }
0x67: {  	_ =	shalt  }
0x68: {  	_ =	shalt  }
0x69: {  	_ =	shalt  }
0x6a: {  	_ =	shalt  }
0x6b: {  	_ =	shalt  }
0x6c: {  	_ =	shalt  }
0x6d: {  	_ =	shalt  }
0x6e: {  	_ =	shalt  }
0x6f: {  	_ =	shalt  }
0x70: {  	_ =	shalt  }
0x71: {  	_ =	shalt  }
0x72: {  	_ =	shalt  }
0x73: {  	_ =	shalt  }
0x74: {  	_ =	shalt  }
0x75: {  	_ =	shalt  }
0x76: {  	_ =	shalt  }
0x77: {  	_ =	shalt  }
0x78: {  	_ =	shalt  }
0x79: {  	_ =	shalt  }
0x7a: {  	_ =	shalt  }
0x7b: {  	_ =	shalt  }
0x7c: {  	_ =	shalt  }
0x7d: {  	_ =	shalt  }
0x7e: {  	_ =	shalt  }
0x7f: {  	_ =	shalt  }
0x80: {  	_ =	shalt  }
0x81: {  	_ =	shalt  }
0x82: {  	_ =	shalt  }
0x83: {  	_ =	shalt  }
0x84: {  	_ =	shalt  }
0x85: {  	_ =	shalt  }
0x86: {  	_ =	shalt  }
0x87: {  	_ =	shalt  }
.Lfunc_end0:
.L_simem_size_0:
called_computation.1_lowered:
.L_overlay_start_0:
0x88: {  	s2 =	sld [smem:$0x3FD9]  }
0x89: {  	s3 =	sld [smem:$0x3FFE];
	_ =	sdelay $0x1  }
0x8a: {  	s1 =	srdreg.scid  }
0x8b: {  	s0 =	sand.u32 $0x1, s1  }
0x8c: {  	s17 =	sshll.u32 s0, $0xA;
	s2 =	sadd.s32 s3, s2  }
0x8d: {  	s2 =	sadd.s32 s2, s17  }
0x8e: {  	[smem:$0x3FB5] =	sst s2  }
0x8f: {  	_ = 	snop  }
0x90: {  	s18 =	sld [smem:$0x3FC9];
	(tm) =	ssettm $0x1  }
0x91: {  	s19 =	sld [smem:$0x3FFB];
	_ =	sdelay $0x3  }
0x92: {  	_ =	strace s19  }
0x93: {  	s2 =	sld [smem:$0x3FFC];
	_ =	sdelay $0x3  }
0x94: {  	_ =	strace s2  }
0x95: {  	s2 =	sld [smem:$0x3FFD];
	_ =	sdelay $0x3  }
0x96: {  	_ =	strace s2  }
0x97: {  	_ =	strace $0x8FFFFFFF  }
0x98: {  	s20 =	sld [smem:$0x3FDB];
	_ =	sdelay $0x1  }
0x99: {  	s4 =	simm.s32 $_scs_section_size  }
0x9a: {  	s5 =	simm.s32 $_size__tile_overlayer_lowered;
	s6 =	simm.s32 $_tile_overlayer_lowered  }
0x9b: {  	s7 =	simm.s32 $0x1BFF;
	s21 =	sshll.u32 s6, $0x1;
	s4 =	sadd.s32 s4, s20  }
0x9c: {  	s22 =	simm.s32 $0x0;
	s5 =	sshll.u32 s5, $0x1;
	s6 =	sadd.s32 s21, s4  }
0x9d: {  	[timem:s22], [sflag:s7] =	dma.local [hbm:s6], s5  }
0x9e: {  	_ =	swait.ge [sflag:s7], s5  }
0x9f: {  	s5 =	ssub.s32 $0x0, s5;
	[sflag:s7] =	ssyncset.done $0x0  }
0xa0: {  	[sflag:s7] =	ssyncadd.s32 s5;
	_ =	sdelay $0x1  }
0xa1: {  	s23 =	simm.s32 $0x1B8B  }
0xa2: {  	_ =	swait.ge [sflag:s23], $0x1  }
0xa3: {  	[sflag:s23] =	ssyncset.done $0x0  }
0xa4: {  	[sflag:s23] =	ssyncadd.s32 $0xFFFFFFFF  }
0xa5: {  	s5 =	sld [smem:$0x0]  }
0xa6: {  	s6 =	sand.u32 $0xFFFFFFFE, s1  }
0xa7: {  	p0 =	sne.s32 s1, s6  }
0xa8: {  	s6 =	sshll.u32 @p0 s6, $0xE  }
0xa9: {  	s6 =	sadd.s32 @p0 $0x11B8D, s6;
	s7 =	sshll.u32 @p0 s5, $0x11  }
0xaa: {  	s6 =	sor.u32 @p0 s7, s6  }
0xab: {  	[sflag:s6] =	ssyncadd.remote.s32 @p0 $0x1;
	_ =	sdelay $0x1  }
0xac: {  	s6 =	simm.s32 @p0 $0x1B8D  }
0xad: {  	_ =	swait.eq @p0 [sflag:s6], $0x1  }
0xae: {  	[sflag:s6] =	ssyncadd.s32 @p0 $0xFFFFFFFF  }
0xaf: {  	s7 =	sshll.u32 @!p0 s1, $0xE  }
0xb0: {  	s7 =	sor.u32 @!p0 $0x4000, s7;
	s6 =	simm.s32 @!p0 $0x1B8D  }
0xb1: {  	s5 =	sshll.u32 @!p0 s5, $0x11;
	s7 =	sadd.s32 @!p0 $0x11B8D, s7;
	_ =	swait.eq @!p0 [sflag:s6], $0x1  }
0xb2: {  	s5 =	sor.u32 @!p0 s5, s7;
	[sflag:s6] =	ssyncadd.s32 @!p0 $0xFFFFFFFF  }
0xb3: {  	s25 =	simm.s32 $0x1B8E;
	s24 =	sld [smem:$0x3FFE];
	[sflag:s5] =	ssyncadd.remote.s32 @!p0 $0x1  }
0xb4: {  	s26 =	simm.s32 $execute0_lowered;
	[smem:$0x3FD2] =	sst s25  }
0xb5: {  	s6 =	sshll.u32 s26, $0x1;
	_ =	strace $0x8000004C;
	[dreg:$0x1] =	wrdreg $0xFFFFFFFF  }
0xb6: {  	s28 =	simm.s32 $_size_execute0_lowered;
	s4 =	sadd.s32 s4, s6;
	[dreg:$0x0] =	wrdreg $0x0  }
0xb7: {  	s6 =	sshll.u32 s28, $0x1;
	[dreg:$0x2] =	wrdreg s4  }
0xb8: {  	[dreg:$0x3] =	wrdreg s6  }
0xb9: {  	[dreg:$0x4] =	wrdreg $0xC0  }
0xba: {  	_ =	task [dreg:s22], $0x5FFFF  }
0xbb: {  	[dreg:$0x1] =	wrdreg $0xFFFFFFFF  }
0xbc: {  	[dreg:$0x0] =	wrdreg $0x60  }
0xbd: {  	[dreg:$0x2] =	wrdreg s18  }
0xbe: {  	[dreg:$0x3] =	wrdreg s24  }
0xbf: {  	[dreg:$0x4] =	wrdreg $0x41000  }
0xc0: {  	[dreg:$0x5] =	wrdreg $0x9  }
0xc1: {  	_ =	task.clear_ibuf [dreg:s22], $0x6FFFF;
	_ =	strace $0x9000004C  }
0xc2: {  	s29 =	simm.s32 $0x9;
	_ =	strace $0x8000004E  }
0xc3: {  	_ =	swait.ge [sflag:s29], $0x1  }
0xc4: {  	[sflag:s29] =	ssyncadd.s32 $0xFFFFFFFF  }
0xc5: {  	_ =	strace $0x9000004E  }
0xc6: {  	_ =	sfence  }
0xc7: {  	s30 =	sld [smem:$0x0];
	_ =	sdelay $0x2  }
0xc8: {  	s31 =	sshll.u32 s1, $0xD;
	s1 =	sshrl.u32 s1, $0x2  }
0xc9: {  	s4 =	sand.u32 $0x4000, s31;
	s1 =	sadd.s32 s1, s30  }
0xca: {  	s0 =	sor.u32 s4, s0;
	s1 =	sshll.u32 s1, $0x11  }
0xcb: {  	s0 =	sor.u32 s1, s0  }
0xcc: {  	s0 =	sadd.s32 $0x8F2B, s0  }
0xcd: {  	[sflag:s0] =	ssyncadd.remote.s32 $0x1  }
0xce: {  	_ =	sfence.sel $0xFFFF  }
0xcf: {  	[dreg:$0x0] =	wrdreg $0xFFFFFFFF;
	(pc) =	sbr.abs _section_cstart, $3  }
0xd0: {  	[dreg:$0x1] =	wrdreg $0xFFFFFFFF  }
0xd1: {  	_ =	task.clear_ibuf [dreg:s22], $0x2FFFF;
	_ =	strace $0x9FFFFFFF  }
0xd2: {  	(tm) =	ssettm $0x7FFFFFFF  }
0xd3: {  	_ =	shalt  }
tec
execute0_lowered:
.L_overlay_start_1:
0x0: {  	(tag) =	ssettag $0x1  }
0x1: {  	s1 =	rddreg [dreg:$0x0]  }
0x2: {  	s5 =	rddreg [dreg:$0x1]  }
0x3: {  	s3 =	rddreg [dreg:$0x2]  }
0x4: {  	s0 =	rddreg [dreg:$0x3]  }
0x5: {  	s6 =	srdreg.scid;
	s4 =	simm.s32 $0x0;
	s2 =	stileid.u32  }
0x6: {  	s11 =	sand.u32 $0x1, s6;
	s28 =	sshll.u32 s2, $0x5;
	s8 =	smul.u32 $0x14000, s2  }
0x7: {  	[smem:$0x7FF] =	sst s4;
	s12 =	smul.u32 $0x50000, s2;
	s30 =	sshll.u32 s2, $0x1  }
0x8: {  	s31 =	sshll.u32 s2, $0x6;
	s7 =	sshll.u32 s11, $0x4;
	s29 =	smul.u32 $0x140000, s11  }
0x9: {  	_ =	strace $0x8000004D;
	s10 =	ssub.s32 $0x2, s11;
	s11 =	sor.u32 s11, s30  }
0xa: {  	s6 =	sor.u32 s7, s28;
	s13 =	sshrl.u32 s10, $0x1;
	s12 =	sshrl.u32 s12, $0x2  }
0xb: {  	s9 =	sand.u32 $0x180, s6;
	s7 =	sadd.s32 s8, s29;
	s10 =	ssub.s32 s10, s13  }
0xc: {  	s12 =	sadd.s32 s12, s3;
	s8 =	sshrl.u32 s8, $0x3;
	s14 =	sand.u32 $0x70, s6  }
0xd: {  	s6 =	sor.u32 $0x1C02, s31;
	s13 =	simm.s32 $0x2;
	s7 =	sshrl.u32 s7, $0x3  }
0xe: {  	s9 =	sadd.s32 s9, s5;
	s12 =	sshrl.u32 s12, $0x3;
	s7 =	sadd.s32 s7, s5  }
0xf: {  	s5 =	sadd.s32 s5, s8;
	s14 =	sadd.s32 s14, s9;
	s8 =	smax.u32 s10, $0x1  }
0x10: {  	s7 =	sadd.s32 $0x594000, s7;
	s9 =	sadd.s32 $0x58200, s14;
	s10 =	sadd.s32 $0x4E400, s14  }
.LBB2_1:
0x11: {  	[spmem:s12], [sflag:s6] =	dma.local [hbm:s5], $0x2800  }
0x12: {  	_ =	swait.ge [sflag:s13], $0x2800  }
0x13: {  	p0 =	sgt.u32 s11, $0x9C3;
	[sflag:s13] =	ssyncset.done $0x0  }
0x14: {  	s14 =	sadd.s32 @!p0 $0x0, s9;
	[sflag:s13] =	ssyncadd.s32 $0xFFFFD800  }
0x15: {  	s15 =	simm.s32 @!p0 $0x0;
	s16 =	simm.s32 @!p0 $0x3;
	[bflag:$0x0] =	sbarrier.arrive $0xFFFF  }
0x16: {  	[tilespmem:s15], [sflag:$0x3] =	stream.linear.gather @!p0 [hbm4b:s14+s15], $0x80, $0x38;
	[tilespmem:$0x18100] =	vst v63  }
0x17: {  	_ =	swait.ge @!p0 [sflag:s16], $0x80;
	p0 =	por p0, p0  }
0x18: {  	[sflag:s16] =	ssyncset.done @!p0 $0x0  }
0x19: {  	s14 =	sadd.s32 @!p0 $0x0, s10;
	s17 =	simm.s32 @!p0 $0x80;
	[sflag:s16] =	ssyncadd.s32 @!p0 $0xFFFFFF80  }
0x1a: {  	[tilespmem:s17], [sflag:$0x3] =	stream.linear.gather @!p0 [hbm4b:s14+s15], $0x80, $0x38;
	[tilespmem:$0x18100] =	vst v63  }
0x1b: {  	_ =	swait.ge @!p0 [sflag:s16], $0x80  }
0x1c: {  	[sflag:s16] =	ssyncset.done @!p0 $0x0  }
0x1d: {  	s14 =	simm.s32 @!p0 $0x100;
	[sflag:s16] =	ssyncadd.s32 @!p0 $0xFFFFFF80;
	s16 =	simm.s32 @!p0 $0x1  }
0x1e: {  	[tilespmem:s14], [sflag:$0x1] =	stream.indirect.gather @!p0 [hbm4b:s1+s17], $0x80, s17, s17, $0xb8;
	[tilespmem:$0x18100] =	vst v63  }
0x1f: {  	_ =	swait.ge @!p0 [sflag:s16], $0x4000  }
0x20: {  	[sflag:s16] =	ssyncset.done @!p0 $0x0  }
0x21: {  	[sflag:s16] =	ssyncadd.s32 @!p0 $0xFFFFC000  }
0x22: {  	[spmem:s3] =	stream.indirect.scatter.add.f32 @!p0 [tilespmem:s14], [sflag:$0x2], $0x80, s15, s17, $0xb8;
	[tilespmem:$0x18100] =	vst v63  }
0x23: {  	s16 =	simm.s32 $0x400;
	s17 =	simm.s32 @!p0 $0x2;
	s15 =	sadd.s32 $0x20, s11  }
0x24: {  	s14 =	simm.s32 $0x200;
	p2 =	sgt.u32 s15, $0x9C3;
	_ =	swait.ge @!p0 [sflag:s17], $0x4000  }
.LBB2_2:
0x25: {  	s18 =	sadd.s32 @!p2 s14, s9  }
0x26: {  	s19 =	simm.s32 @!p2 $0x0;
	[sflag:s17] =	ssyncset.done @!p0 $0x0;
	s20 =	smov.u32 s16  }
0x27: {  	s16 =	sadd.s32 $0x200, s16;
	s21 =	simm.s32 @!p2 $0x3;
	[sflag:s17] =	ssyncadd.s32 @!p0 $0xFFFFC000  }
0x28: {  	[tilespmem:s19], [sflag:$0x3] =	stream.linear.gather @!p2 [hbm4b:s18+s19], $0x80, $0x38;
	[tilespmem:$0x18100] =	vst v63  }
0x29: {  	p1 =	sne.s32 s16, $0x9E00;
	p0 =	por p2, p2;
	_ =	swait.ge @!p2 [sflag:s21], $0x80  }
0x2a: {  	[sflag:s21] =	ssyncset.done @!p0 $0x0  }
0x2b: {  	s14 =	sadd.s32 @!p0 s14, s10;
	s18 =	simm.s32 @!p0 $0x80;
	[sflag:s21] =	ssyncadd.s32 @!p0 $0xFFFFFF80  }
0x2c: {  	[tilespmem:s18], [sflag:$0x3] =	stream.linear.gather @!p0 [hbm4b:s14+s19], $0x80, $0x38;
	[tilespmem:$0x18100] =	vst v63  }
0x2d: {  	s14 =	smov.u32 s20;
	_ =	swait.ge @!p0 [sflag:s21], $0x80  }
0x2e: {  	[sflag:s21] =	ssyncset.done @!p0 $0x0  }
0x2f: {  	s17 =	simm.s32 @!p0 $0x1;
	s20 =	simm.s32 @!p0 $0x100;
	[sflag:s21] =	ssyncadd.s32 @!p0 $0xFFFFFF80  }
0x30: {  	[tilespmem:s20], [sflag:$0x1] =	stream.indirect.gather @!p0 [hbm4b:s1+s18], $0x80, s18, s18, $0xb8;
	[tilespmem:$0x18100] =	vst v63  }
.Ltmp0:
0x31: {  	_ =	swait.ge @!p0 [sflag:s17], $0x4000;
	(pc) =	sbr.rel @p1 .LBB2_2-.Ltmp0, $4  }
0x32: {  	[sflag:s17] =	ssyncset.done @!p0 $0x0  }
0x33: {  	s15 =	sadd.s32 $0x20, s15;
	[sflag:s17] =	ssyncadd.s32 @!p0 $0xFFFFC000;
	s17 =	simm.s32 @!p0 $0x2  }
0x34: {  	[spmem:s3] =	stream.indirect.scatter.add.f32 @!p0 [tilespmem:s20], [sflag:$0x2], $0x80, s19, s18, $0xb8;
	[tilespmem:$0x18100] =	vst v63  }
0x35: {  	p2 =	sgt.u32 s15, $0x9C3;
	_ =	swait.ge @!p0 [sflag:s17], $0x4000  }
0x36: {  	s15 =	sadd.s32 @!p2 s14, s9;
	[sflag:s17] =	ssyncset.done @!p0 $0x0  }
0x37: {  	s16 =	simm.s32 @!p2 $0x0;
	s18 =	simm.s32 @!p2 $0x3;
	[sflag:s17] =	ssyncadd.s32 @!p0 $0xFFFFC000  }
0x38: {  	[tilespmem:s16], [sflag:$0x3] =	stream.linear.gather @!p2 [hbm4b:s15+s16], $0x80, $0x38;
	[tilespmem:$0x18100] =	vst v63  }
0x39: {  	p0 =	por p2, p2;
	_ =	swait.ge @!p2 [sflag:s18], $0x80  }
0x3a: {  	[sflag:s18] =	ssyncset.done @!p0 $0x0  }
0x3b: {  	s14 =	sadd.s32 @!p0 s14, s10;
	s15 =	simm.s32 @!p0 $0x80;
	[sflag:s18] =	ssyncadd.s32 @!p0 $0xFFFFFF80  }
0x3c: {  	[tilespmem:s15], [sflag:$0x3] =	stream.linear.gather @!p0 [hbm4b:s14+s16], $0x80, $0x38;
	[tilespmem:$0x18100] =	vst v63  }
0x3d: {  	_ =	swait.ge @!p0 [sflag:s18], $0x80  }
0x3e: {  	[sflag:s18] =	ssyncset.done @!p0 $0x0  }
0x3f: {  	s17 =	simm.s32 @!p0 $0x1;
	s14 =	simm.s32 @!p0 $0x100;
	[sflag:s18] =	ssyncadd.s32 @!p0 $0xFFFFFF80  }
0x40: {  	[tilespmem:s14], [sflag:$0x1] =	stream.indirect.gather @!p0 [hbm4b:s1+s15], $0x80, s15, s15, $0xb8;
	[tilespmem:$0x18100] =	vst v63  }
0x41: {  	_ =	swait.ge @!p0 [sflag:s17], $0x4000  }
0x42: {  	[sflag:s17] =	ssyncset.done @!p0 $0x0  }
0x43: {  	[sflag:s17] =	ssyncadd.s32 @!p0 $0xFFFFC000;
	s17 =	simm.s32 @!p0 $0x2  }
0x44: {  	[spmem:s3] =	stream.indirect.scatter.add.f32 @!p0 [tilespmem:s14], [sflag:$0x2], $0x80, s16, s15, $0xb8;
	[tilespmem:$0x18100] =	vst v63  }
0x45: {  	_ =	swait.ge @!p0 [sflag:s17], $0x4000  }
0x46: {  	s4 =	sadd.s32 $0x1, s4;
	[sflag:s17] =	ssyncset.done @!p0 $0x0  }
0x47: {  	[sflag:s17] =	ssyncadd.s32 @!p0 $0xFFFFC000;
	p0 =	sne.s32 s4, s8  }
.Ltmp1:
0x48: {  	[bflag:$0x0] =	sbarrier.arrive $0xFFFF;
	(pc) =	sbr.rel @p0 .LBB2_1-.Ltmp1, $4  }
0x49: {  	[hbm:s7], [sflag:s6] =	dma.local [spmem:s12], $0x2800  }
0x4a: {  	_ =	swait.ge [sflag:s13], $0x2800  }
0x4b: {  	[sflag:s13] =	ssyncset.done $0x0  }
0x4c: {  	[sflag:s13] =	ssyncadd.s32 $0xFFFFD800  }
0x4d: {  	_ =	sfence.sel $0x180000  }
0x4e: {  	[bflag:$0x0] =	sbarrier.arrive $0xFFFF  }
0x4f: {  	p0 =	sne.s32 s2, $0x0;
	_ =	strace $0x9000004D  }
0x50: {  	s0 =	sadd.s32 @!p0 $0x100000, s0;
	[bflag:$0x2] =	sbarrier.arrive $0xFFFF  }
0x51: {  	[sflag:s0] =	ssyncadd.tile.s32 @!p0 $0x1;
	_ =	shalt  }
.Lfunc_end2:
_tile_overlayer_lowered:
.L_overlay_start_2:
0x52: {  	(tag) =	ssettag $0x2  }
0x53: {  	s0 =	rddreg [dreg:$0x0];
	s2 =	stileid.u32  }
0x54: {  	s1 =	rddreg [dreg:$0x1];
	p0 =	sne.s32 s2, $0x0  }
0x55: {  	s3 =	rddreg [dreg:$0x2];
	[bflag:$0x3] =	sbarrier.arrive $0xFFFF;
	s2 =	simm.s32 @!p0 $0x1C02  }
0x56: {  	[timem:s3], [sflag:s2] =	dma.local @!p0 [hbm:s0], s1  }
0x57: {  	s0 =	simm.s32 @!p0 $0x2  }
0x58: {  	_ =	swait.ge @!p0 [sflag:s0], s1  }
0x59: {  	s1 =	ssub.s32 @!p0 $0x0, s1;
	[sflag:s0] =	ssyncset.done @!p0 $0x0  }
0x5a: {  	[sflag:s0] =	ssyncadd.s32 @!p0 s1  }
0x5b: {  	[bflag:$0x3] =	sbarrier.arrive $0xFFFF  }
0x5c: {  	_ =	shalt  }

// kernel: kernel.15.cloned.1.call-start
scs
__scs_entry_jumppad:
0x0: {  	(pc) =	sbr.rel $0x88, $3  }
0x1: {  	(tag) =	ssettag $0x0;
	lr =	simm.s32 $0x1  }
0x2: {  	[smem:$0x3F8E] =	sst lr;
	_ =	strace $0xD0000000  }
0x3: {  	_ = 	snop  }
0x4: {  	_ = 	snop  }
0x5: {  	_ = 	snop  }
0x6: {  	_ = 	snop  }
0x7: {  	_ = 	snop  }
__scs_overlays_trampoline_lowered:
0x8: {  	[smem:$0x3F9D] =	sst s0  }
0x9: {  	[smem:$0x3F9E] =	sst s1  }
0xa: {  	[smem:$0x3F9F] =	sst s2  }
0xb: {  	[smem:$0x3FA0] =	sst s3  }
0xc: {  	[smem:$0x3FA1] =	sst s4  }
0xd: {  	[smem:$0x3FA2] =	sst s5  }
0xe: {  	[smem:$0x3FA3] =	sst s6  }
0xf: {  	[smem:$0x3FA4] =	sst s7  }
0x10: {  	[smem:$0x3FA5] =	sst s8  }
0x11: {  	[smem:$0x3FA6] =	sst s9;
	s0 =	simm.s32 @!p0 $0x0  }
0x12: {  	s1 =	sld [smem:$0x3F8C];
	s0 =	simm.s32 @p0 $0x1  }
0x13: {  	[smem:$0x3FA7] =	sst s0;
	s0 =	simm.s32 @!p1 $0x0  }
0x14: {  	s2 =	sld [smem:$0x3F8B];
	s0 =	simm.s32 @p1 $0x1  }
0x15: {  	[smem:$0x3FA8] =	sst s0;
	s0 =	simm.s32 @!p2 $0x0  }
0x16: {  	s3 =	sld [smem:$0x3FDB];
	s0 =	simm.s32 @p2 $0x1  }
0x17: {  	s4 =	simm.s32 $0x1BF5;
	[smem:$0x3FAA] =	sst s0  }
0x18: {  	s0 =	sld [smem:$0x3F8D];
	_ =	swait.ge [sflag:s4], $0x0  }
0x19: {  	s7 =	sld [smem:$0x3F8E]  }
0x1a: {  	s8 =	sadd.s32 $0xFFFFE003, lr  }
0x1b: {  	s9 =	sadd.s32 $0xFFFFFEF7, lr;
	s5 =	simm.s32 $0xFFFFFFFF;
	p2 =	slt.u32 s8, $0xFFFFF086  }
0x1c: {  	p1 =	slt.u32 s9, $0xF7A;
	s5 =	simm.s32 @!p2 $0x0  }
0x1d: {  	s5 =	simm.s32 @p1 $0x1;
	p0 =	seq.s32 s7, s2  }
0x1e: {  	s7 =	smul.u32 @!p0 $0xF7A, s2;
	p2 =	seq.s32 @!p0 s5, $0x0  }
0x1f: {  	s9 =	smul.u32 $0xF7A, s1;
	s8 =	simm.s32 @!p0 $0x1BF5;
	p2 =	por !p2, p0  }
0x20: {  	[sflag:s8] =	ssyncset.s32 @!p0 $0xFFFFF086;
	s6 =	sadd.s32 @!p0 s3, s7;
	s7 =	simm.s32 @!p0 $0x108  }
0x21: {  	s3 =	sadd.s32 s3, s9;
	s6 =	sadd.s32 @!p0 $0x88, s6;
	s7 =	simm.s32 @p2 $0x1082  }
0x22: {  	[simem:s7], [sflag:s8] =	dma.local @!p0 [hbm:s6], $0xF7A  }
0x23: {  	s9 =	sor.u32 $0xD0000000, s2;
	s6 =	simm.s32 $0x108;
	_ =	swait.ge @!p0 [sflag:s8], $0x0  }
0x24: {  	s3 =	sadd.s32 $0x88, s3;
	s6 =	simm.s32 @!p1 $0x1082;
	[sflag:s4] =	ssyncset.s32 $0xFFFFF086  }
0x25: {  	[simem:s6], [sflag:s4] =	dma.local [hbm:s3], $0xF7A  }
0x26: {  	[smem:$0x3F8E] =	sst s1;
	(tag) =	ssettag s2;
	_ =	strace s9  }
0x27: {  	s1 =	sld [smem:$0x3F9E]  }
0x28: {  	s2 =	sld [smem:$0x3F9F]  }
0x29: {  	s4 =	sld [smem:$0x3FA1]  }
0x2a: {  	p0 =	seq.s32 s5, $0x0;
	s5 =	sld [smem:$0x3FA2]  }
0x2b: {  	s6 =	sld [smem:$0x3FA3]  }
0x2c: {  	s7 =	sld [smem:$0x3FA4]  }
0x2d: {  	s3 =	simm.s32 $0x108;
	s8 =	sld [smem:$0x3FA5]  }
0x2e: {  	s3 =	simm.s32 @!p0 $0x1082;
	s9 =	sld [smem:$0x3FA6]  }
0x2f: {  	lr =	sadd.s32 s0, s3;
	s0 =	sld [smem:$0x3F9D]  }
0x30: {  	s3 =	sld [smem:$0x3FA0]  }
0x31: {  	[smem:$0x3FA9] =	sst s10  }
0x32: {  	s10 =	sld [smem:$0x3FA7];
	_ =	sdelay $0x3  }
0x33: {  	p0 =	seq.s32 s10, $0x1;
	s10 =	sld [smem:$0x3FA9];
	_ =	sdelay $0x3  }
0x34: {  	[smem:$0x3FA9] =	sst s10  }
0x35: {  	s10 =	sld [smem:$0x3FA8];
	_ =	sdelay $0x3  }
0x36: {  	p1 =	seq.s32 s10, $0x1;
	s10 =	sld [smem:$0x3FA9];
	_ =	sdelay $0x3  }
0x37: {  	[smem:$0x3FA9] =	sst s10  }
0x38: {  	s10 =	sld [smem:$0x3FAA]  }
0x39: {  	_ = 	snop;
	(pc) =	sbr.ind lr, $3  }
0x3a: {  	_ = 	snop  }
0x3b: {  	_ = 	snop  }
0x3c: {  	p2 =	seq.s32 s10, $0x1;
	s10 =	sld [smem:$0x3FA9]  }
0x3d: {  	_ =	shalt  }
0x3e: {  	_ =	shalt  }
0x3f: {  	_ =	shalt  }
0x40: {  	_ =	shalt  }
0x41: {  	_ =	shalt  }
0x42: {  	_ =	shalt  }
0x43: {  	_ =	shalt  }
0x44: {  	_ =	shalt  }
0x45: {  	_ =	shalt  }
0x46: {  	_ =	shalt  }
0x47: {  	_ =	shalt  }
0x48: {  	_ =	shalt  }
0x49: {  	_ =	shalt  }
0x4a: {  	_ =	shalt  }
0x4b: {  	_ =	shalt  }
0x4c: {  	_ =	shalt  }
0x4d: {  	_ =	shalt  }
0x4e: {  	_ =	shalt  }
0x4f: {  	_ =	shalt  }
0x50: {  	_ =	shalt  }
0x51: {  	_ =	shalt  }
0x52: {  	_ =	shalt  }
0x53: {  	_ =	shalt  }
0x54: {  	_ =	shalt  }
0x55: {  	_ =	shalt  }
0x56: {  	_ =	shalt  }
0x57: {  	_ =	shalt  }
0x58: {  	_ =	shalt  }
0x59: {  	_ =	shalt  }
0x5a: {  	_ =	shalt  }
0x5b: {  	_ =	shalt  }
0x5c: {  	_ =	shalt  }
0x5d: {  	_ =	shalt  }
0x5e: {  	_ =	shalt  }
0x5f: {  	_ =	shalt  }
0x60: {  	_ =	shalt  }
0x61: {  	_ =	shalt  }
0x62: {  	_ =	shalt  }
0x63: {  	_ =	shalt  }
0x64: {  	_ =	shalt  }
0x65: {  	_ =	shalt  }
0x66: {  	_ =	shalt  }
0x67: {  	_ =	shalt  }
0x68: {  	_ =	shalt  }
0x69: {  	_ =	shalt  }
0x6a: {  	_ =	shalt  }
0x6b: {  	_ =	shalt  }
0x6c: {  	_ =	shalt  }
0x6d: {  	_ =	shalt  }
0x6e: {  	_ =	shalt  }
0x6f: {  	_ =	shalt  }
0x70: {  	_ =	shalt  }
0x71: {  	_ =	shalt  }
0x72: {  	_ =	shalt  }
0x73: {  	_ =	shalt  }
0x74: {  	_ =	shalt  }
0x75: {  	_ =	shalt  }
0x76: {  	_ =	shalt  }
0x77: {  	_ =	shalt  }
0x78: {  	_ =	shalt  }
0x79: {  	_ =	shalt  }
0x7a: {  	_ =	shalt  }
0x7b: {  	_ =	shalt  }
0x7c: {  	_ =	shalt  }
0x7d: {  	_ =	shalt  }
0x7e: {  	_ =	shalt  }
0x7f: {  	_ =	shalt  }
0x80: {  	_ =	shalt  }
0x81: {  	_ =	shalt  }
0x82: {  	_ =	shalt  }
0x83: {  	_ =	shalt  }
0x84: {  	_ =	shalt  }
0x85: {  	_ =	shalt  }
0x86: {  	_ =	shalt  }
0x87: {  	_ =	shalt  }
.Lfunc_end0:
.L_simem_size_0:
called_computation.2_lowered:
.L_overlay_start_0:
0x88: {  	s2 =	sld [smem:$0x3FD9]  }
0x89: {  	s3 =	sld [smem:$0x3FFE];
	_ =	sdelay $0x1  }
0x8a: {  	s1 =	srdreg.scid  }
0x8b: {  	s0 =	sand.u32 $0x1, s1  }
0x8c: {  	s16 =	sshll.u32 s0, $0xA;
	s2 =	sadd.s32 s3, s2  }
0x8d: {  	s2 =	sadd.s32 s2, s16  }
0x8e: {  	[smem:$0x3FB5] =	sst s2  }
0x8f: {  	_ = 	snop  }
0x90: {  	(tm) =	ssettm $0x1  }
0x91: {  	s17 =	sld [smem:$0x3FFB];
	_ =	sdelay $0x3  }
0x92: {  	_ =	strace s17  }
0x93: {  	s2 =	sld [smem:$0x3FFC];
	_ =	sdelay $0x3  }
0x94: {  	_ =	strace s2  }
0x95: {  	s2 =	sld [smem:$0x3FFD];
	_ =	sdelay $0x3  }
0x96: {  	_ =	strace s2  }
0x97: {  	_ =	strace $0x8FFFFFFF  }
0x98: {  	s18 =	sld [smem:$0x3FDB];
	_ =	sdelay $0x1  }
0x99: {  	s19 =	simm.s32 $_scs_section_size  }
0x9a: {  	s4 =	simm.s32 $_size__tile_overlayer_lowered;
	s5 =	simm.s32 $_tile_overlayer_lowered  }
0x9b: {  	s22 =	simm.s32 $0x1BFF;
	s21 =	sshll.u32 s5, $0x1;
	s2 =	sadd.s32 s19, s18  }
0x9c: {  	s6 =	simm.s32 $0x0;
	s20 =	sshll.u32 s4, $0x1;
	s4 =	sadd.s32 s21, s2  }
0x9d: {  	[timem:s6], [sflag:s22] =	dma.local [hbm:s4], s20  }
0x9e: {  	_ =	swait.ge [sflag:s22], s20  }
0x9f: {  	s3 =	ssub.s32 $0x0, s20;
	[sflag:s22] =	ssyncset.done $0x0  }
0xa0: {  	[sflag:s22] =	ssyncadd.s32 s3;
	_ =	sdelay $0x1  }
0xa1: {  	s23 =	simm.s32 $0x1B8B  }
0xa2: {  	_ =	swait.ge [sflag:s23], $0x1  }
0xa3: {  	[sflag:s23] =	ssyncset.done $0x0  }
0xa4: {  	s25 =	simm.s32 $0x1B8E;
	s24 =	sld [smem:$0x3FFE];
	[sflag:s23] =	ssyncadd.s32 $0xFFFFFFFF  }
0xa5: {  	s26 =	simm.s32 $execute0_lowered;
	[smem:$0x3FD2] =	sst s25  }
0xa6: {  	s4 =	sshll.u32 s26, $0x1;
	_ =	strace $0x80000049;
	[dreg:$0x1] =	wrdreg $0xFFFFFFFF  }
0xa7: {  	s28 =	simm.s32 $_size_execute0_lowered;
	s2 =	sadd.s32 s2, s4;
	[dreg:$0x0] =	wrdreg $0x0  }
0xa8: {  	s4 =	sshll.u32 s28, $0x1;
	[dreg:$0x2] =	wrdreg s2  }
0xa9: {  	[dreg:$0x3] =	wrdreg s4  }
0xaa: {  	[dreg:$0x4] =	wrdreg $0xC0  }
0xab: {  	_ =	task [dreg:s6], $0x5FFFF  }
0xac: {  	[dreg:$0x1] =	wrdreg $0xFFFFFFFF  }
0xad: {  	[dreg:$0x0] =	wrdreg $0x60  }
0xae: {  	[dreg:$0x2] =	wrdreg s24  }
0xaf: {  	[dreg:$0x3] =	wrdreg $0x40800  }
0xb0: {  	[dreg:$0x4] =	wrdreg $0xA  }
0xb1: {  	_ =	task.clear_ibuf [dreg:s6], $0x5FFFF;
	_ =	strace $0x90000049  }
0xb2: {  	s29 =	simm.s32 $0xA;
	_ =	strace $0x8000004B  }
0xb3: {  	_ =	swait.ge [sflag:s29], $0x1  }
0xb4: {  	[sflag:s29] =	ssyncadd.s32 $0xFFFFFFFF  }
0xb5: {  	_ =	strace $0x9000004B  }
0xb6: {  	_ =	sfence  }
0xb7: {  	s30 =	sld [smem:$0x0];
	_ =	sdelay $0x2  }
0xb8: {  	s31 =	sshll.u32 s1, $0xD;
	s1 =	sshrl.u32 s1, $0x2  }
0xb9: {  	s3 =	sand.u32 $0x4000, s31;
	s1 =	sadd.s32 s1, s30  }
0xba: {  	s0 =	sor.u32 s3, s0;
	s1 =	sshll.u32 s1, $0x11  }
0xbb: {  	s0 =	sor.u32 s1, s0  }
0xbc: {  	s0 =	sadd.s32 $0x8F2B, s0  }
0xbd: {  	[sflag:s0] =	ssyncadd.remote.s32 $0x1  }
0xbe: {  	_ =	sfence.sel $0xFFFF  }
0xbf: {  	[dreg:$0x0] =	wrdreg $0xFFFFFFFF;
	(pc) =	sbr.abs _section_cstart, $3  }
0xc0: {  	[dreg:$0x1] =	wrdreg $0xFFFFFFFF  }
0xc1: {  	_ =	task.clear_ibuf [dreg:s6], $0x2FFFF;
	_ =	strace $0x9FFFFFFF  }
0xc2: {  	(tm) =	ssettm $0x7FFFFFFF  }
0xc3: {  	_ =	shalt  }
tec
execute0_lowered:
.L_overlay_start_1:
0x0: {  	(tag) =	ssettag $0x1  }
0x1: {  	s4 =	rddreg [dreg:$0x0]  }
0x2: {  	s2 =	rddreg [dreg:$0x1]  }
0x3: {  	s0 =	rddreg [dreg:$0x2];
	s3 =	simm.s32 $0x0;
	s1 =	stileid.u32  }
0x4: {  	s5 =	srdreg.scid;
	[smem:$0x7FF] =	sst s3  }
0x5: {  	s6 =	sshll.u32 s1, $0xC;
	s10 =	sand.u32 $0x1, s5;
	s23 =	smul.u32 $0x14000, s1  }
0x6: {  	s7 =	sshll.u32 s1, $0x5;
	s13 =	smul.u32 $0x50000, s1;
	s28 =	sshll.u32 s1, $0x1  }
0x7: {  	s30 =	sshll.u32 s1, $0x6;
	s8 =	sshll.u32 s10, $0x4;
	s9 =	smul.u32 $0x140000, s10  }
0x8: {  	_ =	strace $0x8000004A;
	s11 =	sadd.s32 s6, s4;
	s26 =	ssub.s32 $0x2, s10  }
0x9: {  	s31 =	sshll.u32 s10, $0xB;
	s10 =	sor.u32 s10, s28;
	s24 =	sor.u32 s8, s7  }
0xa: {  	s12 =	sshrl.u32 s26, $0x1;
	s13 =	sshrl.u32 s13, $0x2;
	s5 =	sshrl.u32 s23, $0x3  }
0xb: {  	s11 =	sadd.s32 s31, s11;
	s7 =	sand.u32 $0x180, s24;
	s25 =	sadd.s32 s23, s9  }
0xc: {  	s9 =	ssub.s32 s26, s12;
	s13 =	sadd.s32 s13, s2;
	s29 =	sand.u32 $0x70, s24  }
0xd: {  	s12 =	simm.s32 $0x1;
	s8 =	sshrl.u32 s25, $0x3;
	s7 =	sadd.s32 s7, s4  }
0xe: {  	s8 =	sadd.s32 s8, s4;
	s4 =	sadd.s32 s4, s5;
	s14 =	sadd.s32 s29, s7  }
0xf: {  	s5 =	sor.u32 $0x1C01, s30;
	s7 =	smax.u32 s9, $0x1;
	s9 =	sadd.s32 $0x62000, s11  }
0x10: {  	s11 =	sshrl.u32 s13, $0x3;
	s6 =	sadd.s32 $0x544000, s8;
	s8 =	sadd.s32 $0x58200, s14  }
.LBB2_1:
0x11: {  	[spmem:s11], [sflag:s5] =	dma.local [hbm:s4], $0x2800  }
0x12: {  	_ =	swait.ge [sflag:s12], $0x2800  }
0x13: {  	s13 =	sadd.s32 $0x0, s10;
	[sflag:s12] =	ssyncset.done $0x0  }
0x14: {  	p0 =	sgt.u32 s13, $0x9C3;
	[sflag:s12] =	ssyncadd.s32 $0xFFFFD800  }
0x15: {  	s13 =	simm.s32 @!p0 $0x0;
	s15 =	simm.s32 @!p0 $0x2;
	[bflag:$0x0] =	sbarrier.arrive $0xFFFF  }
0x16: {  	[tilespmem:s13], [sflag:$0x2] =	stream.linear.gather @!p0 [hbm4b:s8+s13], $0x80, $0x38;
	[tilespmem:$0x18080] =	vst v63  }
0x17: {  	_ =	swait.ge @!p0 [sflag:s15], $0x80  }
0x18: {  	[sflag:s15] =	ssyncset.done @!p0 $0x0;
	p0 =	por p0, p0  }
0x19: {  	[sflag:s15] =	ssyncadd.s32 @!p0 $0xFFFFFF80;
	s17 =	simm.s32 @!p0 $0x80  }
0x1a: {  	[tilespmem:s17], [sflag:$0x2] =	stream.linear.gather @!p0 [hbm4b:s9+s13], $0x4000, $0x38;
	[tilespmem:$0x18080] =	vst v63  }
0x1b: {  	_ =	swait.ge @!p0 [sflag:s15], $0x4000  }
0x1c: {  	[sflag:s15] =	ssyncset.done @!p0 $0x0  }
0x1d: {  	s31 =	sadd.s32 $0x20, s10;
	s16 =	simm.s32 @!p0 $0x1;
	[sflag:s15] =	ssyncadd.s32 @!p0 $0xFFFFC000  }
0x1e: {  	[spmem:s2] =	stream.indirect.scatter.add.f32 @!p0 [tilespmem:s17], [sflag:$0x1], $0x80, s13, s17, $0xb8;
	[tilespmem:$0x18080] =	vst v63  }
0x1f: {  	s14 =	simm.s32 $0x40;
	p1 =	sgt.u32 s31, $0x9C3;
	_ =	swait.ge @!p0 [sflag:s16], $0x4000  }
0x20: {  	s15 =	sadd.s32 $0x200, s8;
	s13 =	sadd.s32 $0x10000, s9;
	[sflag:s16] =	ssyncset.done @!p0 $0x0  }
.LBB2_2:
0x21: {  	s17 =	simm.s32 @!p1 $0x0;
	s18 =	simm.s32 @!p1 $0x2;
	[sflag:s16] =	ssyncadd.s32 @!p0 $0xFFFFC000  }
0x22: {  	[tilespmem:s17], [sflag:$0x2] =	stream.linear.gather @!p1 [hbm4b:s15+s17], $0x80, $0x38;
	[tilespmem:$0x18080] =	vst v63  }
0x23: {  	s19 =	smov.u32 s14;
	s14 =	sadd.s32 $0x20, s14;
	_ =	swait.ge @!p1 [sflag:s18], $0x80  }
0x24: {  	p0 =	por p1, p1;
	p2 =	sne.s32 s14, $0x9E0;
	[sflag:s18] =	ssyncset.done @!p1 $0x0  }
0x25: {  	s20 =	simm.s32 @!p0 $0x80;
	[sflag:s18] =	ssyncadd.s32 @!p0 $0xFFFFFF80  }
0x26: {  	[tilespmem:s20], [sflag:$0x2] =	stream.linear.gather @!p0 [hbm4b:s13+s17], $0x4000, $0x38;
	[tilespmem:$0x18080] =	vst v63  }
0x27: {  	_ =	swait.ge @!p0 [sflag:s18], $0x4000  }
.Ltmp0:
0x28: {  	[sflag:s18] =	ssyncset.done @!p0 $0x0;
	(pc) =	sbr.rel @p2 .LBB2_2-.Ltmp0, $4  }
0x29: {  	s16 =	simm.s32 @!p0 $0x1;
	[sflag:s18] =	ssyncadd.s32 @!p0 $0xFFFFC000  }
0x2a: {  	[spmem:s2] =	stream.indirect.scatter.add.f32 @!p0 [tilespmem:s20], [sflag:$0x1], $0x80, s17, s20, $0xb8;
	[tilespmem:$0x18080] =	vst v63  }
0x2b: {  	s13 =	sadd.s32 $0x10000, s13;
	s17 =	sadd.s32 s19, s10;
	_ =	swait.ge @!p0 [sflag:s16], $0x4000  }
0x2c: {  	s15 =	sadd.s32 $0x200, s15;
	p1 =	sgt.u32 s17, $0x9C3;
	[sflag:s16] =	ssyncset.done @!p0 $0x0  }
0x2d: {  	s14 =	simm.s32 @!p1 $0x0;
	s17 =	simm.s32 @!p1 $0x2;
	[sflag:s16] =	ssyncadd.s32 @!p0 $0xFFFFC000  }
0x2e: {  	[tilespmem:s14], [sflag:$0x2] =	stream.linear.gather @!p1 [hbm4b:s15+s14], $0x80, $0x38;
	[tilespmem:$0x18080] =	vst v63  }
0x2f: {  	_ =	swait.ge @!p1 [sflag:s17], $0x80  }
0x30: {  	p0 =	por p1, p1;
	[sflag:s17] =	ssyncset.done @!p1 $0x0  }
0x31: {  	s15 =	simm.s32 @!p0 $0x80;
	[sflag:s17] =	ssyncadd.s32 @!p0 $0xFFFFFF80  }
0x32: {  	[tilespmem:s15], [sflag:$0x2] =	stream.linear.gather @!p0 [hbm4b:s13+s14], $0x4000, $0x38;
	[tilespmem:$0x18080] =	vst v63  }
0x33: {  	_ =	swait.ge @!p0 [sflag:s17], $0x4000  }
0x34: {  	[sflag:s17] =	ssyncset.done @!p0 $0x0  }
0x35: {  	s13 =	simm.s32 @!p0 $0x1;
	[sflag:s17] =	ssyncadd.s32 @!p0 $0xFFFFC000  }
0x36: {  	[spmem:s2] =	stream.indirect.scatter.add.f32 @!p0 [tilespmem:s15], [sflag:$0x1], $0x80, s14, s15, $0xb8;
	[tilespmem:$0x18080] =	vst v63  }
0x37: {  	_ =	swait.ge @!p0 [sflag:s13], $0x4000  }
0x38: {  	s3 =	sadd.s32 $0x1, s3;
	[sflag:s13] =	ssyncset.done @!p0 $0x0  }
0x39: {  	[sflag:s13] =	ssyncadd.s32 @!p0 $0xFFFFC000;
	p0 =	sne.s32 s3, s7  }
.Ltmp1:
0x3a: {  	[bflag:$0x0] =	sbarrier.arrive $0xFFFF;
	(pc) =	sbr.rel @p0 .LBB2_1-.Ltmp1, $4  }
0x3b: {  	[hbm:s6], [sflag:s5] =	dma.local [spmem:s11], $0x2800  }
0x3c: {  	_ =	swait.ge [sflag:s12], $0x2800  }
0x3d: {  	[sflag:s12] =	ssyncset.done $0x0  }
0x3e: {  	[sflag:s12] =	ssyncadd.s32 $0xFFFFD800  }
0x3f: {  	_ =	sfence.sel $0x180000  }
0x40: {  	[bflag:$0x0] =	sbarrier.arrive $0xFFFF  }
0x41: {  	p0 =	sne.s32 s1, $0x0;
	_ =	strace $0x9000004A  }
0x42: {  	s0 =	sadd.s32 @!p0 $0x100000, s0;
	[bflag:$0x2] =	sbarrier.arrive $0xFFFF  }
0x43: {  	[sflag:s0] =	ssyncadd.tile.s32 @!p0 $0x1;
	_ =	shalt  }
.Lfunc_end2:
_tile_overlayer_lowered:
.L_overlay_start_2:
0x44: {  	(tag) =	ssettag $0x2  }
0x45: {  	s0 =	rddreg [dreg:$0x0];
	s2 =	stileid.u32  }
0x46: {  	s1 =	rddreg [dreg:$0x1];
	p0 =	sne.s32 s2, $0x0  }
0x47: {  	s3 =	rddreg [dreg:$0x2];
	[bflag:$0x3] =	sbarrier.arrive $0xFFFF;
	s2 =	simm.s32 @!p0 $0x1C01  }
0x48: {  	[timem:s3], [sflag:s2] =	dma.local @!p0 [hbm:s0], s1  }
0x49: {  	s0 =	simm.s32 @!p0 $0x1  }
0x4a: {  	_ =	swait.ge @!p0 [sflag:s0], s1  }
0x4b: {  	s1 =	ssub.s32 @!p0 $0x0, s1;
	[sflag:s0] =	ssyncset.done @!p0 $0x0  }
0x4c: {  	[sflag:s0] =	ssyncadd.s32 @!p0 s1  }
0x4d: {  	[bflag:$0x3] =	sbarrier.arrive $0xFFFF  }
0x4e: {  	_ =	shalt  }

// kernel: kernel.18.cloned.1.call-start
scs
__scs_entry_jumppad:
0x0: {  	(pc) =	sbr.rel $0x88, $3  }
0x1: {  	(tag) =	ssettag $0x0;
	lr =	simm.s32 $0x1  }
0x2: {  	[smem:$0x3F8E] =	sst lr;
	_ =	strace $0xD0000000  }
0x3: {  	_ = 	snop  }
0x4: {  	_ = 	snop  }
0x5: {  	_ = 	snop  }
0x6: {  	_ = 	snop  }
0x7: {  	_ = 	snop  }
__scs_overlays_trampoline_lowered:
0x8: {  	[smem:$0x3F9D] =	sst s0  }
0x9: {  	[smem:$0x3F9E] =	sst s1  }
0xa: {  	[smem:$0x3F9F] =	sst s2  }
0xb: {  	[smem:$0x3FA0] =	sst s3  }
0xc: {  	[smem:$0x3FA1] =	sst s4  }
0xd: {  	[smem:$0x3FA2] =	sst s5  }
0xe: {  	[smem:$0x3FA3] =	sst s6  }
0xf: {  	[smem:$0x3FA4] =	sst s7  }
0x10: {  	[smem:$0x3FA5] =	sst s8  }
0x11: {  	[smem:$0x3FA6] =	sst s9;
	s0 =	simm.s32 @!p0 $0x0  }
0x12: {  	s1 =	sld [smem:$0x3F8C];
	s0 =	simm.s32 @p0 $0x1  }
0x13: {  	[smem:$0x3FA7] =	sst s0;
	s0 =	simm.s32 @!p1 $0x0  }
0x14: {  	s2 =	sld [smem:$0x3F8B];
	s0 =	simm.s32 @p1 $0x1  }
0x15: {  	[smem:$0x3FA8] =	sst s0;
	s0 =	simm.s32 @!p2 $0x0  }
0x16: {  	s3 =	sld [smem:$0x3FDB];
	s0 =	simm.s32 @p2 $0x1  }
0x17: {  	s4 =	simm.s32 $0x1BF5;
	[smem:$0x3FAA] =	sst s0  }
0x18: {  	s0 =	sld [smem:$0x3F8D];
	_ =	swait.ge [sflag:s4], $0x0  }
0x19: {  	s7 =	sld [smem:$0x3F8E]  }
0x1a: {  	s8 =	sadd.s32 $0xFFFFE003, lr  }
0x1b: {  	s9 =	sadd.s32 $0xFFFFFEF7, lr;
	s5 =	simm.s32 $0xFFFFFFFF;
	p2 =	slt.u32 s8, $0xFFFFF086  }
0x1c: {  	p1 =	slt.u32 s9, $0xF7A;
	s5 =	simm.s32 @!p2 $0x0  }
0x1d: {  	s5 =	simm.s32 @p1 $0x1;
	p0 =	seq.s32 s7, s2  }
0x1e: {  	s7 =	smul.u32 @!p0 $0xF7A, s2;
	p2 =	seq.s32 @!p0 s5, $0x0  }
0x1f: {  	s9 =	smul.u32 $0xF7A, s1;
	s8 =	simm.s32 @!p0 $0x1BF5;
	p2 =	por !p2, p0  }
0x20: {  	[sflag:s8] =	ssyncset.s32 @!p0 $0xFFFFF086;
	s6 =	sadd.s32 @!p0 s3, s7;
	s7 =	simm.s32 @!p0 $0x108  }
0x21: {  	s3 =	sadd.s32 s3, s9;
	s6 =	sadd.s32 @!p0 $0x88, s6;
	s7 =	simm.s32 @p2 $0x1082  }
0x22: {  	[simem:s7], [sflag:s8] =	dma.local @!p0 [hbm:s6], $0xF7A  }
0x23: {  	s9 =	sor.u32 $0xD0000000, s2;
	s6 =	simm.s32 $0x108;
	_ =	swait.ge @!p0 [sflag:s8], $0x0  }
0x24: {  	s3 =	sadd.s32 $0x88, s3;
	s6 =	simm.s32 @!p1 $0x1082;
	[sflag:s4] =	ssyncset.s32 $0xFFFFF086  }
0x25: {  	[simem:s6], [sflag:s4] =	dma.local [hbm:s3], $0xF7A  }
0x26: {  	[smem:$0x3F8E] =	sst s1;
	(tag) =	ssettag s2;
	_ =	strace s9  }
0x27: {  	s1 =	sld [smem:$0x3F9E]  }
0x28: {  	s2 =	sld [smem:$0x3F9F]  }
0x29: {  	s4 =	sld [smem:$0x3FA1]  }
0x2a: {  	p0 =	seq.s32 s5, $0x0;
	s5 =	sld [smem:$0x3FA2]  }
0x2b: {  	s6 =	sld [smem:$0x3FA3]  }
0x2c: {  	s7 =	sld [smem:$0x3FA4]  }
0x2d: {  	s3 =	simm.s32 $0x108;
	s8 =	sld [smem:$0x3FA5]  }
0x2e: {  	s3 =	simm.s32 @!p0 $0x1082;
	s9 =	sld [smem:$0x3FA6]  }
0x2f: {  	lr =	sadd.s32 s0, s3;
	s0 =	sld [smem:$0x3F9D]  }
0x30: {  	s3 =	sld [smem:$0x3FA0]  }
0x31: {  	[smem:$0x3FA9] =	sst s10  }
0x32: {  	s10 =	sld [smem:$0x3FA7];
	_ =	sdelay $0x3  }
0x33: {  	p0 =	seq.s32 s10, $0x1;
	s10 =	sld [smem:$0x3FA9];
	_ =	sdelay $0x3  }
0x34: {  	[smem:$0x3FA9] =	sst s10  }
0x35: {  	s10 =	sld [smem:$0x3FA8];
	_ =	sdelay $0x3  }
0x36: {  	p1 =	seq.s32 s10, $0x1;
	s10 =	sld [smem:$0x3FA9];
	_ =	sdelay $0x3  }
0x37: {  	[smem:$0x3FA9] =	sst s10  }
0x38: {  	s10 =	sld [smem:$0x3FAA]  }
0x39: {  	_ = 	snop;
	(pc) =	sbr.ind lr, $3  }
0x3a: {  	_ = 	snop  }
0x3b: {  	_ = 	snop  }
0x3c: {  	p2 =	seq.s32 s10, $0x1;
	s10 =	sld [smem:$0x3FA9]  }
0x3d: {  	_ =	shalt  }
0x3e: {  	_ =	shalt  }
0x3f: {  	_ =	shalt  }
0x40: {  	_ =	shalt  }
0x41: {  	_ =	shalt  }
0x42: {  	_ =	shalt  }
0x43: {  	_ =	shalt  }
0x44: {  	_ =	shalt  }
0x45: {  	_ =	shalt  }
0x46: {  	_ =	shalt  }
0x47: {  	_ =	shalt  }
0x48: {  	_ =	shalt  }
0x49: {  	_ =	shalt  }
0x4a: {  	_ =	shalt  }
0x4b: {  	_ =	shalt  }
0x4c: {  	_ =	shalt  }
0x4d: {  	_ =	shalt  }
0x4e: {  	_ =	shalt  }
0x4f: {  	_ =	shalt  }
0x50: {  	_ =	shalt  }
0x51: {  	_ =	shalt  }
0x52: {  	_ =	shalt  }
0x53: {  	_ =	shalt  }
0x54: {  	_ =	shalt  }
0x55: {  	_ =	shalt  }
0x56: {  	_ =	shalt  }
0x57: {  	_ =	shalt  }
0x58: {  	_ =	shalt  }
0x59: {  	_ =	shalt  }
0x5a: {  	_ =	shalt  }
0x5b: {  	_ =	shalt  }
0x5c: {  	_ =	shalt  }
0x5d: {  	_ =	shalt  }
0x5e: {  	_ =	shalt  }
0x5f: {  	_ =	shalt  }
0x60: {  	_ =	shalt  }
0x61: {  	_ =	shalt  }
0x62: {  	_ =	shalt  }
0x63: {  	_ =	shalt  }
0x64: {  	_ =	shalt  }
0x65: {  	_ =	shalt  }
0x66: {  	_ =	shalt  }
0x67: {  	_ =	shalt  }
0x68: {  	_ =	shalt  }
0x69: {  	_ =	shalt  }
0x6a: {  	_ =	shalt  }
0x6b: {  	_ =	shalt  }
0x6c: {  	_ =	shalt  }
0x6d: {  	_ =	shalt  }
0x6e: {  	_ =	shalt  }
0x6f: {  	_ =	shalt  }
0x70: {  	_ =	shalt  }
0x71: {  	_ =	shalt  }
0x72: {  	_ =	shalt  }
0x73: {  	_ =	shalt  }
0x74: {  	_ =	shalt  }
0x75: {  	_ =	shalt  }
0x76: {  	_ =	shalt  }
0x77: {  	_ =	shalt  }
0x78: {  	_ =	shalt  }
0x79: {  	_ =	shalt  }
0x7a: {  	_ =	shalt  }
0x7b: {  	_ =	shalt  }
0x7c: {  	_ =	shalt  }
0x7d: {  	_ =	shalt  }
0x7e: {  	_ =	shalt  }
0x7f: {  	_ =	shalt  }
0x80: {  	_ =	shalt  }
0x81: {  	_ =	shalt  }
0x82: {  	_ =	shalt  }
0x83: {  	_ =	shalt  }
0x84: {  	_ =	shalt  }
0x85: {  	_ =	shalt  }
0x86: {  	_ =	shalt  }
0x87: {  	_ =	shalt  }
.Lfunc_end0:
.L_simem_size_0:
called_computation.3_lowered:
.L_overlay_start_0:
0x88: {  	s2 =	sld [smem:$0x3FD9]  }
0x89: {  	s3 =	sld [smem:$0x3FFE];
	_ =	sdelay $0x1  }
0x8a: {  	s1 =	srdreg.scid  }
0x8b: {  	s0 =	sand.u32 $0x1, s1  }
0x8c: {  	s17 =	sshll.u32 s0, $0xA;
	s2 =	sadd.s32 s3, s2  }
0x8d: {  	s2 =	sadd.s32 s2, s17  }
0x8e: {  	[smem:$0x3FB5] =	sst s2  }
0x8f: {  	_ = 	snop  }
0x90: {  	(tm) =	ssettm $0x1  }
0x91: {  	s18 =	sld [smem:$0x3FFB];
	_ =	sdelay $0x3  }
0x92: {  	_ =	strace s18  }
0x93: {  	s2 =	sld [smem:$0x3FFC];
	_ =	sdelay $0x3  }
0x94: {  	_ =	strace s2  }
0x95: {  	s2 =	sld [smem:$0x3FFD];
	_ =	sdelay $0x3  }
0x96: {  	_ =	strace s2  }
0x97: {  	_ =	strace $0x8FFFFFFF  }
0x98: {  	s19 =	sld [smem:$0x3FDB];
	_ =	sdelay $0x1  }
0x99: {  	s20 =	simm.s32 $_scs_section_size  }
0x9a: {  	s4 =	simm.s32 $_size__tile_overlayer_lowered;
	s5 =	simm.s32 $_tile_overlayer_lowered  }
0x9b: {  	s6 =	simm.s32 $0x1BFF;
	s21 =	sshll.u32 s5, $0x1;
	s3 =	sadd.s32 s20, s19  }
0x9c: {  	s22 =	simm.s32 $0x0;
	s4 =	sshll.u32 s4, $0x1;
	s5 =	sadd.s32 s21, s3  }
0x9d: {  	[timem:s22], [sflag:s6] =	dma.local [hbm:s5], s4  }
0x9e: {  	_ =	swait.ge [sflag:s6], s4  }
0x9f: {  	s4 =	ssub.s32 $0x0, s4;
	[sflag:s6] =	ssyncset.done $0x0  }
0xa0: {  	[sflag:s6] =	ssyncadd.s32 s4;
	_ =	sdelay $0x1  }
0xa1: {  	s23 =	simm.s32 $0x1B8B  }
0xa2: {  	_ =	swait.ge [sflag:s23], $0x1  }
0xa3: {  	[sflag:s23] =	ssyncset.done $0x0  }
0xa4: {  	[sflag:s23] =	ssyncadd.s32 $0xFFFFFFFF  }
0xa5: {  	s4 =	sld [smem:$0x0]  }
0xa6: {  	s5 =	sand.u32 $0xFFFFFFFE, s1  }
0xa7: {  	p0 =	sne.s32 s1, s5  }
0xa8: {  	s5 =	sshll.u32 @p0 s5, $0xE  }
0xa9: {  	s5 =	sadd.s32 @p0 $0x11B8D, s5;
	s6 =	sshll.u32 @p0 s4, $0x11  }
0xaa: {  	s5 =	sor.u32 @p0 s6, s5  }
0xab: {  	[sflag:s5] =	ssyncadd.remote.s32 @p0 $0x1;
	_ =	sdelay $0x1  }
0xac: {  	s5 =	simm.s32 @p0 $0x1B8D  }
0xad: {  	_ =	swait.eq @p0 [sflag:s5], $0x1  }
0xae: {  	[sflag:s5] =	ssyncadd.s32 @p0 $0xFFFFFFFF  }
0xaf: {  	s6 =	sshll.u32 @!p0 s1, $0xE  }
0xb0: {  	s6 =	sor.u32 @!p0 $0x4000, s6;
	s5 =	simm.s32 @!p0 $0x1B8D  }
0xb1: {  	s4 =	sshll.u32 @!p0 s4, $0x11;
	s6 =	sadd.s32 @!p0 $0x11B8D, s6;
	_ =	swait.eq @!p0 [sflag:s5], $0x1  }
0xb2: {  	s4 =	sor.u32 @!p0 s4, s6;
	[sflag:s5] =	ssyncadd.s32 @!p0 $0xFFFFFFFF  }
0xb3: {  	s25 =	simm.s32 $0x1B8E;
	s24 =	sld [smem:$0x3FFE];
	[sflag:s4] =	ssyncadd.remote.s32 @!p0 $0x1  }
0xb4: {  	s26 =	simm.s32 $execute0_lowered;
	[smem:$0x3FD2] =	sst s25  }
0xb5: {  	s5 =	sshll.u32 s26, $0x1;
	_ =	strace $0x8000004F;
	[dreg:$0x1] =	wrdreg $0xFFFFFFFF  }
0xb6: {  	s28 =	simm.s32 $_size_execute0_lowered;
	s3 =	sadd.s32 s3, s5;
	[dreg:$0x0] =	wrdreg $0x0  }
0xb7: {  	s5 =	sshll.u32 s28, $0x1;
	[dreg:$0x2] =	wrdreg s3  }
0xb8: {  	[dreg:$0x3] =	wrdreg s5  }
0xb9: {  	[dreg:$0x4] =	wrdreg $0xC0  }
0xba: {  	_ =	task [dreg:s22], $0x5FFFF  }
0xbb: {  	[dreg:$0x1] =	wrdreg $0xFFFFFFFF  }
0xbc: {  	[dreg:$0x0] =	wrdreg $0x60  }
0xbd: {  	[dreg:$0x2] =	wrdreg s24  }
0xbe: {  	[dreg:$0x3] =	wrdreg $0x40800  }
0xbf: {  	[dreg:$0x4] =	wrdreg $0xB  }
0xc0: {  	_ =	task.clear_ibuf [dreg:s22], $0x5FFFF;
	_ =	strace $0x9000004F  }
0xc1: {  	s29 =	simm.s32 $0xB;
	_ =	strace $0x80000051  }
0xc2: {  	_ =	swait.ge [sflag:s29], $0x1  }
0xc3: {  	[sflag:s29] =	ssyncadd.s32 $0xFFFFFFFF  }
0xc4: {  	_ =	strace $0x90000051  }
0xc5: {  	_ =	sfence  }
0xc6: {  	s30 =	sld [smem:$0x0];
	_ =	sdelay $0x2  }
0xc7: {  	s31 =	sshll.u32 s1, $0xD;
	s1 =	sshrl.u32 s1, $0x2  }
0xc8: {  	s4 =	sand.u32 $0x4000, s31;
	s1 =	sadd.s32 s1, s30  }
0xc9: {  	s0 =	sor.u32 s4, s0;
	s1 =	sshll.u32 s1, $0x11  }
0xca: {  	s0 =	sor.u32 s1, s0  }
0xcb: {  	s0 =	sadd.s32 $0x8F2B, s0  }
0xcc: {  	[sflag:s0] =	ssyncadd.remote.s32 $0x1  }
0xcd: {  	_ =	sfence.sel $0xFFFF  }
0xce: {  	[dreg:$0x0] =	wrdreg $0xFFFFFFFF;
	(pc) =	sbr.abs _section_cstart, $3  }
0xcf: {  	[dreg:$0x1] =	wrdreg $0xFFFFFFFF  }
0xd0: {  	_ =	task.clear_ibuf [dreg:s22], $0x2FFFF;
	_ =	strace $0x9FFFFFFF  }
0xd1: {  	(tm) =	ssettm $0x7FFFFFFF  }
tec
execute0_lowered:
.L_overlay_start_1:
0x0: {  	(tag) =	ssettag $0x1  }
0x1: {  	s4 =	rddreg [dreg:$0x0]  }
0x2: {  	s2 =	rddreg [dreg:$0x1]  }
0x3: {  	s0 =	rddreg [dreg:$0x2];
	s3 =	simm.s32 $0x0;
	s1 =	stileid.u32  }
0x4: {  	s5 =	srdreg.scid;
	[smem:$0x7FF] =	sst s3  }
0x5: {  	s6 =	sshll.u32 s1, $0xC;
	s10 =	sand.u32 $0x1, s5;
	s23 =	smul.u32 $0x14000, s1  }
0x6: {  	s7 =	sshll.u32 s1, $0x5;
	s13 =	smul.u32 $0x50000, s1;
	s28 =	sshll.u32 s1, $0x1  }
0x7: {  	s30 =	sshll.u32 s1, $0x6;
	s8 =	sshll.u32 s10, $0x4;
	s9 =	smul.u32 $0x140000, s10  }
0x8: {  	_ =	strace $0x80000050;
	s11 =	sadd.s32 s6, s4;
	s26 =	ssub.s32 $0x2, s10  }
0x9: {  	s31 =	sshll.u32 s10, $0xB;
	s10 =	sor.u32 s10, s28;
	s24 =	sor.u32 s8, s7  }
0xa: {  	s12 =	sshrl.u32 s26, $0x1;
	s13 =	sshrl.u32 s13, $0x2;
	s5 =	sshrl.u32 s23, $0x3  }
0xb: {  	s11 =	sadd.s32 s31, s11;
	s7 =	sand.u32 $0x180, s24;
	s25 =	sadd.s32 s23, s9  }
0xc: {  	s9 =	ssub.s32 s26, s12;
	s13 =	sadd.s32 s13, s2;
	s29 =	sand.u32 $0x70, s24  }
0xd: {  	s12 =	simm.s32 $0x1;
	s8 =	sshrl.u32 s25, $0x3;
	s7 =	sadd.s32 s7, s4  }
0xe: {  	s8 =	sadd.s32 s8, s4;
	s4 =	sadd.s32 s4, s5;
	s14 =	sadd.s32 s29, s7  }
0xf: {  	s5 =	sor.u32 $0x1C01, s30;
	s7 =	smax.u32 s9, $0x1;
	s9 =	sadd.s32 $0x1411400, s11  }
0x10: {  	s11 =	sshrl.u32 s13, $0x3;
	s6 =	sadd.s32 $0x5E4000, s8;
	s8 =	sadd.s32 $0x58200, s14  }
.LBB2_1:
0x11: {  	[spmem:s11], [sflag:s5] =	dma.local [hbm:s4], $0x2800  }
0x12: {  	_ =	swait.ge [sflag:s12], $0x2800  }
0x13: {  	s13 =	sadd.s32 $0x0, s10;
	[sflag:s12] =	ssyncset.done $0x0  }
0x14: {  	p0 =	sgt.u32 s13, $0x9C3;
	[sflag:s12] =	ssyncadd.s32 $0xFFFFD800  }
0x15: {  	s13 =	simm.s32 @!p0 $0x0;
	s15 =	simm.s32 @!p0 $0x2;
	[bflag:$0x0] =	sbarrier.arrive $0xFFFF  }
0x16: {  	[tilespmem:s13], [sflag:$0x2] =	stream.linear.gather @!p0 [hbm4b:s8+s13], $0x80, $0x38;
	[tilespmem:$0x18080] =	vst v63  }
0x17: {  	_ =	swait.ge @!p0 [sflag:s15], $0x80  }
0x18: {  	[sflag:s15] =	ssyncset.done @!p0 $0x0;
	p0 =	por p0, p0  }
0x19: {  	[sflag:s15] =	ssyncadd.s32 @!p0 $0xFFFFFF80;
	s17 =	simm.s32 @!p0 $0x80  }
0x1a: {  	[tilespmem:s17], [sflag:$0x2] =	stream.linear.gather @!p0 [hbm4b:s9+s13], $0x4000, $0x38;
	[tilespmem:$0x18080] =	vst v63  }
0x1b: {  	_ =	swait.ge @!p0 [sflag:s15], $0x4000  }
0x1c: {  	[sflag:s15] =	ssyncset.done @!p0 $0x0  }
0x1d: {  	s31 =	sadd.s32 $0x20, s10;
	s16 =	simm.s32 @!p0 $0x1;
	[sflag:s15] =	ssyncadd.s32 @!p0 $0xFFFFC000  }
0x1e: {  	[spmem:s2] =	stream.indirect.scatter.add.f32 @!p0 [tilespmem:s17], [sflag:$0x1], $0x80, s13, s17, $0xb8;
	[tilespmem:$0x18080] =	vst v63  }
0x1f: {  	s14 =	simm.s32 $0x40;
	p1 =	sgt.u32 s31, $0x9C3;
	_ =	swait.ge @!p0 [sflag:s16], $0x4000  }
0x20: {  	s15 =	sadd.s32 $0x200, s8;
	s13 =	sadd.s32 $0x10000, s9;
	[sflag:s16] =	ssyncset.done @!p0 $0x0  }
.LBB2_2:
0x21: {  	s17 =	simm.s32 @!p1 $0x0;
	s18 =	simm.s32 @!p1 $0x2;
	[sflag:s16] =	ssyncadd.s32 @!p0 $0xFFFFC000  }
0x22: {  	[tilespmem:s17], [sflag:$0x2] =	stream.linear.gather @!p1 [hbm4b:s15+s17], $0x80, $0x38;
	[tilespmem:$0x18080] =	vst v63  }
0x23: {  	s19 =	smov.u32 s14;
	s14 =	sadd.s32 $0x20, s14;
	_ =	swait.ge @!p1 [sflag:s18], $0x80  }
0x24: {  	p0 =	por p1, p1;
	p2 =	sne.s32 s14, $0x9E0;
	[sflag:s18] =	ssyncset.done @!p1 $0x0  }
0x25: {  	s20 =	simm.s32 @!p0 $0x80;
	[sflag:s18] =	ssyncadd.s32 @!p0 $0xFFFFFF80  }
0x26: {  	[tilespmem:s20], [sflag:$0x2] =	stream.linear.gather @!p0 [hbm4b:s13+s17], $0x4000, $0x38;
	[tilespmem:$0x18080] =	vst v63  }
0x27: {  	_ =	swait.ge @!p0 [sflag:s18], $0x4000  }
.Ltmp0:
0x28: {  	[sflag:s18] =	ssyncset.done @!p0 $0x0;
	(pc) =	sbr.rel @p2 .LBB2_2-.Ltmp0, $4  }
0x29: {  	s16 =	simm.s32 @!p0 $0x1;
	[sflag:s18] =	ssyncadd.s32 @!p0 $0xFFFFC000  }
0x2a: {  	[spmem:s2] =	stream.indirect.scatter.add.f32 @!p0 [tilespmem:s20], [sflag:$0x1], $0x80, s17, s20, $0xb8;
	[tilespmem:$0x18080] =	vst v63  }
0x2b: {  	s13 =	sadd.s32 $0x10000, s13;
	s17 =	sadd.s32 s19, s10;
	_ =	swait.ge @!p0 [sflag:s16], $0x4000  }
0x2c: {  	s15 =	sadd.s32 $0x200, s15;
	p1 =	sgt.u32 s17, $0x9C3;
	[sflag:s16] =	ssyncset.done @!p0 $0x0  }
0x2d: {  	s14 =	simm.s32 @!p1 $0x0;
	s17 =	simm.s32 @!p1 $0x2;
	[sflag:s16] =	ssyncadd.s32 @!p0 $0xFFFFC000  }
0x2e: {  	[tilespmem:s14], [sflag:$0x2] =	stream.linear.gather @!p1 [hbm4b:s15+s14], $0x80, $0x38;
	[tilespmem:$0x18080] =	vst v63  }
0x2f: {  	_ =	swait.ge @!p1 [sflag:s17], $0x80  }
0x30: {  	p0 =	por p1, p1;
	[sflag:s17] =	ssyncset.done @!p1 $0x0  }
0x31: {  	s15 =	simm.s32 @!p0 $0x80;
	[sflag:s17] =	ssyncadd.s32 @!p0 $0xFFFFFF80  }
0x32: {  	[tilespmem:s15], [sflag:$0x2] =	stream.linear.gather @!p0 [hbm4b:s13+s14], $0x4000, $0x38;
	[tilespmem:$0x18080] =	vst v63  }
0x33: {  	_ =	swait.ge @!p0 [sflag:s17], $0x4000  }
0x34: {  	[sflag:s17] =	ssyncset.done @!p0 $0x0  }
0x35: {  	s13 =	simm.s32 @!p0 $0x1;
	[sflag:s17] =	ssyncadd.s32 @!p0 $0xFFFFC000  }
0x36: {  	[spmem:s2] =	stream.indirect.scatter.add.f32 @!p0 [tilespmem:s15], [sflag:$0x1], $0x80, s14, s15, $0xb8;
	[tilespmem:$0x18080] =	vst v63  }
0x37: {  	_ =	swait.ge @!p0 [sflag:s13], $0x4000  }
0x38: {  	s3 =	sadd.s32 $0x1, s3;
	[sflag:s13] =	ssyncset.done @!p0 $0x0  }
0x39: {  	[sflag:s13] =	ssyncadd.s32 @!p0 $0xFFFFC000;
	p0 =	sne.s32 s3, s7  }
.Ltmp1:
0x3a: {  	[bflag:$0x0] =	sbarrier.arrive $0xFFFF;
	(pc) =	sbr.rel @p0 .LBB2_1-.Ltmp1, $4  }
0x3b: {  	[hbm:s6], [sflag:s5] =	dma.local [spmem:s11], $0x2800  }
0x3c: {  	_ =	swait.ge [sflag:s12], $0x2800  }
0x3d: {  	[sflag:s12] =	ssyncset.done $0x0  }
0x3e: {  	[sflag:s12] =	ssyncadd.s32 $0xFFFFD800  }
0x3f: {  	_ =	sfence.sel $0x180000  }
0x40: {  	[bflag:$0x0] =	sbarrier.arrive $0xFFFF  }
0x41: {  	p0 =	sne.s32 s1, $0x0;
	_ =	strace $0x90000050  }
0x42: {  	s0 =	sadd.s32 @!p0 $0x100000, s0;
	[bflag:$0x2] =	sbarrier.arrive $0xFFFF  }
0x43: {  	[sflag:s0] =	ssyncadd.tile.s32 @!p0 $0x1;
	_ =	shalt  }
.Lfunc_end2:
_tile_overlayer_lowered:
.L_overlay_start_2:
0x44: {  	(tag) =	ssettag $0x2  }
0x45: {  	s0 =	rddreg [dreg:$0x0];
	s2 =	stileid.u32  }
0x46: {  	s1 =	rddreg [dreg:$0x1];
	p0 =	sne.s32 s2, $0x0  }
0x47: {  	s3 =	rddreg [dreg:$0x2];
	[bflag:$0x3] =	sbarrier.arrive $0xFFFF;
	s2 =	simm.s32 @!p0 $0x1C01  }
0x48: {  	[timem:s3], [sflag:s2] =	dma.local @!p0 [hbm:s0], s1  }
0x49: {  	s0 =	simm.s32 @!p0 $0x1  }
0x4a: {  	_ =	swait.ge @!p0 [sflag:s0], s1  }
0x4b: {  	s1 =	ssub.s32 @!p0 $0x0, s1;
	[sflag:s0] =	ssyncset.done @!p0 $0x0  }
0x4c: {  	[sflag:s0] =	ssyncadd.s32 @!p0 s1  }
0x4d: {  	[bflag:$0x3] =	sbarrier.arrive $0xFFFF  }
0x4e: {  	_ =	shalt  }

// kernel: kernel.9.cloned.1.call-start
scs
__scs_entry_jumppad:
0x0: {  	(pc) =	sbr.rel $0x88, $3  }
0x1: {  	(tag) =	ssettag $0x0;
	lr =	simm.s32 $0x1  }
0x2: {  	[smem:$0x3F8E] =	sst lr;
	_ =	strace $0xD0000000  }
0x3: {  	_ = 	snop  }
0x4: {  	_ = 	snop  }
0x5: {  	_ = 	snop  }
0x6: {  	_ = 	snop  }
0x7: {  	_ = 	snop  }
__scs_overlays_trampoline_lowered:
0x8: {  	[smem:$0x3F9D] =	sst s0  }
0x9: {  	[smem:$0x3F9E] =	sst s1  }
0xa: {  	[smem:$0x3F9F] =	sst s2  }
0xb: {  	[smem:$0x3FA0] =	sst s3  }
0xc: {  	[smem:$0x3FA1] =	sst s4  }
0xd: {  	[smem:$0x3FA2] =	sst s5  }
0xe: {  	[smem:$0x3FA3] =	sst s6  }
0xf: {  	[smem:$0x3FA4] =	sst s7  }
0x10: {  	[smem:$0x3FA5] =	sst s8  }
0x11: {  	[smem:$0x3FA6] =	sst s9;
	s0 =	simm.s32 @!p0 $0x0  }
0x12: {  	s1 =	sld [smem:$0x3F8C];
	s0 =	simm.s32 @p0 $0x1  }
0x13: {  	[smem:$0x3FA7] =	sst s0;
	s0 =	simm.s32 @!p1 $0x0  }
0x14: {  	s2 =	sld [smem:$0x3F8B];
	s0 =	simm.s32 @p1 $0x1  }
0x15: {  	[smem:$0x3FA8] =	sst s0;
	s0 =	simm.s32 @!p2 $0x0  }
0x16: {  	s3 =	sld [smem:$0x3FDB];
	s0 =	simm.s32 @p2 $0x1  }
0x17: {  	s4 =	simm.s32 $0x1BF5;
	[smem:$0x3FAA] =	sst s0  }
0x18: {  	s0 =	sld [smem:$0x3F8D];
	_ =	swait.ge [sflag:s4], $0x0  }
0x19: {  	s7 =	sld [smem:$0x3F8E]  }
0x1a: {  	s8 =	sadd.s32 $0xFFFFE003, lr  }
0x1b: {  	s9 =	sadd.s32 $0xFFFFFEF7, lr;
	s5 =	simm.s32 $0xFFFFFFFF;
	p2 =	slt.u32 s8, $0xFFFFF086  }
0x1c: {  	p1 =	slt.u32 s9, $0xF7A;
	s5 =	simm.s32 @!p2 $0x0  }
0x1d: {  	s5 =	simm.s32 @p1 $0x1;
	p0 =	seq.s32 s7, s2  }
0x1e: {  	s7 =	smul.u32 @!p0 $0xF7A, s2;
	p2 =	seq.s32 @!p0 s5, $0x0  }
0x1f: {  	s9 =	smul.u32 $0xF7A, s1;
	s8 =	simm.s32 @!p0 $0x1BF5;
	p2 =	por !p2, p0  }
0x20: {  	[sflag:s8] =	ssyncset.s32 @!p0 $0xFFFFF086;
	s6 =	sadd.s32 @!p0 s3, s7;
	s7 =	simm.s32 @!p0 $0x108  }
0x21: {  	s3 =	sadd.s32 s3, s9;
	s6 =	sadd.s32 @!p0 $0x88, s6;
	s7 =	simm.s32 @p2 $0x1082  }
0x22: {  	[simem:s7], [sflag:s8] =	dma.local @!p0 [hbm:s6], $0xF7A  }
0x23: {  	s9 =	sor.u32 $0xD0000000, s2;
	s6 =	simm.s32 $0x108;
	_ =	swait.ge @!p0 [sflag:s8], $0x0  }
0x24: {  	s3 =	sadd.s32 $0x88, s3;
	s6 =	simm.s32 @!p1 $0x1082;
	[sflag:s4] =	ssyncset.s32 $0xFFFFF086  }
0x25: {  	[simem:s6], [sflag:s4] =	dma.local [hbm:s3], $0xF7A  }
0x26: {  	[smem:$0x3F8E] =	sst s1;
	(tag) =	ssettag s2;
	_ =	strace s9  }
0x27: {  	s1 =	sld [smem:$0x3F9E]  }
0x28: {  	s2 =	sld [smem:$0x3F9F]  }
0x29: {  	s4 =	sld [smem:$0x3FA1]  }
0x2a: {  	p0 =	seq.s32 s5, $0x0;
	s5 =	sld [smem:$0x3FA2]  }
0x2b: {  	s6 =	sld [smem:$0x3FA3]  }
0x2c: {  	s7 =	sld [smem:$0x3FA4]  }
0x2d: {  	s3 =	simm.s32 $0x108;
	s8 =	sld [smem:$0x3FA5]  }
0x2e: {  	s3 =	simm.s32 @!p0 $0x1082;
	s9 =	sld [smem:$0x3FA6]  }
0x2f: {  	lr =	sadd.s32 s0, s3;
	s0 =	sld [smem:$0x3F9D]  }
0x30: {  	s3 =	sld [smem:$0x3FA0]  }
0x31: {  	[smem:$0x3FA9] =	sst s10  }
0x32: {  	s10 =	sld [smem:$0x3FA7];
	_ =	sdelay $0x3  }
0x33: {  	p0 =	seq.s32 s10, $0x1;
	s10 =	sld [smem:$0x3FA9];
	_ =	sdelay $0x3  }
0x34: {  	[smem:$0x3FA9] =	sst s10  }
0x35: {  	s10 =	sld [smem:$0x3FA8];
	_ =	sdelay $0x3  }
0x36: {  	p1 =	seq.s32 s10, $0x1;
	s10 =	sld [smem:$0x3FA9];
	_ =	sdelay $0x3  }
0x37: {  	[smem:$0x3FA9] =	sst s10  }
0x38: {  	s10 =	sld [smem:$0x3FAA]  }
0x39: {  	_ = 	snop;
	(pc) =	sbr.ind lr, $3  }
0x3a: {  	_ = 	snop  }
0x3b: {  	_ = 	snop  }
0x3c: {  	p2 =	seq.s32 s10, $0x1;
	s10 =	sld [smem:$0x3FA9]  }
0x3d: {  	_ =	shalt  }
0x3e: {  	_ =	shalt  }
0x3f: {  	_ =	shalt  }
0x40: {  	_ =	shalt  }
0x41: {  	_ =	shalt  }
0x42: {  	_ =	shalt  }
0x43: {  	_ =	shalt  }
0x44: {  	_ =	shalt  }
0x45: {  	_ =	shalt  }
0x46: {  	_ =	shalt  }
0x47: {  	_ =	shalt  }
0x48: {  	_ =	shalt  }
0x49: {  	_ =	shalt  }
0x4a: {  	_ =	shalt  }
0x4b: {  	_ =	shalt  }
0x4c: {  	_ =	shalt  }
0x4d: {  	_ =	shalt  }
0x4e: {  	_ =	shalt  }
0x4f: {  	_ =	shalt  }
0x50: {  	_ =	shalt  }
0x51: {  	_ =	shalt  }
0x52: {  	_ =	shalt  }
0x53: {  	_ =	shalt  }
0x54: {  	_ =	shalt  }
0x55: {  	_ =	shalt  }
0x56: {  	_ =	shalt  }
0x57: {  	_ =	shalt  }
0x58: {  	_ =	shalt  }
0x59: {  	_ =	shalt  }
0x5a: {  	_ =	shalt  }
0x5b: {  	_ =	shalt  }
0x5c: {  	_ =	shalt  }
0x5d: {  	_ =	shalt  }
0x5e: {  	_ =	shalt  }
0x5f: {  	_ =	shalt  }
0x60: {  	_ =	shalt  }
0x61: {  	_ =	shalt  }
0x62: {  	_ =	shalt  }
0x63: {  	_ =	shalt  }
0x64: {  	_ =	shalt  }
0x65: {  	_ =	shalt  }
0x66: {  	_ =	shalt  }
0x67: {  	_ =	shalt  }
0x68: {  	_ =	shalt  }
0x69: {  	_ =	shalt  }
0x6a: {  	_ =	shalt  }
0x6b: {  	_ =	shalt  }
0x6c: {  	_ =	shalt  }
0x6d: {  	_ =	shalt  }
0x6e: {  	_ =	shalt  }
0x6f: {  	_ =	shalt  }
0x70: {  	_ =	shalt  }
0x71: {  	_ =	shalt  }
0x72: {  	_ =	shalt  }
0x73: {  	_ =	shalt  }
0x74: {  	_ =	shalt  }
0x75: {  	_ =	shalt  }
0x76: {  	_ =	shalt  }
0x77: {  	_ =	shalt  }
0x78: {  	_ =	shalt  }
0x79: {  	_ =	shalt  }
0x7a: {  	_ =	shalt  }
0x7b: {  	_ =	shalt  }
0x7c: {  	_ =	shalt  }
0x7d: {  	_ =	shalt  }
0x7e: {  	_ =	shalt  }
0x7f: {  	_ =	shalt  }
0x80: {  	_ =	shalt  }
0x81: {  	_ =	shalt  }
0x82: {  	_ =	shalt  }
0x83: {  	_ =	shalt  }
0x84: {  	_ =	shalt  }
0x85: {  	_ =	shalt  }
0x86: {  	_ =	shalt  }
0x87: {  	_ =	shalt  }
.Lfunc_end0:
.L_simem_size_0:
called_computation_lowered:
.L_overlay_start_0:
0x88: {  	s2 =	sld [smem:$0x3FD9]  }
0x89: {  	s3 =	sld [smem:$0x3FFE];
	_ =	sdelay $0x1  }
0x8a: {  	s1 =	srdreg.scid  }
0x8b: {  	s0 =	sand.u32 $0x1, s1  }
0x8c: {  	s17 =	sshll.u32 s0, $0xA;
	s2 =	sadd.s32 s3, s2  }
0x8d: {  	s2 =	sadd.s32 s2, s17  }
0x8e: {  	[smem:$0x3FB5] =	sst s2  }
0x8f: {  	_ = 	snop  }
0x90: {  	s2 =	sld [smem:$0x3FD0];
	(tm) =	ssettm $0x1  }
0x91: {  	s18 =	sld [smem:$0x3FFB];
	_ =	sdelay $0x3  }
0x92: {  	_ =	strace s18  }
0x93: {  	s3 =	sld [smem:$0x3FFC];
	_ =	sdelay $0x3  }
0x94: {  	_ =	strace s3  }
0x95: {  	s3 =	sld [smem:$0x3FFD];
	_ =	sdelay $0x3  }
0x96: {  	_ =	strace s3  }
0x97: {  	_ =	strace $0x8FFFFFFF  }
0x98: {  	s19 =	sld [smem:$0x3FDB];
	_ =	sdelay $0x1  }
0x99: {  	s4 =	simm.s32 $_scs_section_size  }
0x9a: {  	s5 =	simm.s32 $_size__tile_overlayer_lowered;
	s6 =	simm.s32 $_tile_overlayer_lowered  }
0x9b: {  	s22 =	simm.s32 $0x1BFF;
	s21 =	sshll.u32 s6, $0x1;
	s3 =	sadd.s32 s4, s19  }
0x9c: {  	s7 =	simm.s32 $0x0;
	s20 =	sshll.u32 s5, $0x1;
	s5 =	sadd.s32 s21, s3  }
0x9d: {  	[timem:s7], [sflag:s22] =	dma.local [hbm:s5], s20  }
0x9e: {  	_ =	swait.ge [sflag:s22], s20  }
0x9f: {  	s4 =	ssub.s32 $0x0, s20;
	[sflag:s22] =	ssyncset.done $0x0  }
0xa0: {  	[sflag:s22] =	ssyncadd.s32 s4;
	_ =	sdelay $0x1  }
0xa1: {  	s23 =	simm.s32 $0x1B8B  }
0xa2: {  	_ =	swait.ge [sflag:s23], $0x1  }
0xa3: {  	[sflag:s23] =	ssyncset.done $0x0  }
0xa4: {  	s25 =	simm.s32 $0x1B8E;
	s24 =	sld [smem:$0x3FFE];
	[sflag:s23] =	ssyncadd.s32 $0xFFFFFFFF  }
0xa5: {  	s26 =	simm.s32 $execute0_lowered;
	[smem:$0x3FD2] =	sst s25  }
0xa6: {  	s5 =	sshll.u32 s26, $0x1;
	_ =	strace $0x80000046;
	[dreg:$0x1] =	wrdreg $0xFFFFFFFF  }
0xa7: {  	s28 =	simm.s32 $_size_execute0_lowered;
	s3 =	sadd.s32 s3, s5;
	[dreg:$0x0] =	wrdreg $0x0  }
0xa8: {  	s5 =	sshll.u32 s28, $0x1;
	[dreg:$0x2] =	wrdreg s3  }
0xa9: {  	[dreg:$0x3] =	wrdreg s5  }
0xaa: {  	[dreg:$0x4] =	wrdreg $0xC0  }
0xab: {  	_ =	task [dreg:s7], $0x5FFFF  }
0xac: {  	[dreg:$0x1] =	wrdreg $0xFFFFFFFF  }
0xad: {  	[dreg:$0x0] =	wrdreg $0x60  }
0xae: {  	[dreg:$0x2] =	wrdreg s24  }
0xaf: {  	[dreg:$0x3] =	wrdreg s2  }
0xb0: {  	[dreg:$0x4] =	wrdreg $0x9  }
0xb1: {  	_ =	task.clear_ibuf [dreg:s7], $0x5FFFF;
	_ =	strace $0x90000046  }
0xb2: {  	s29 =	simm.s32 $0x9;
	_ =	strace $0x80000048  }
0xb3: {  	_ =	swait.ge [sflag:s29], $0x1  }
0xb4: {  	[sflag:s29] =	ssyncadd.s32 $0xFFFFFFFF  }
0xb5: {  	_ =	strace $0x90000048  }
0xb6: {  	_ =	sfence  }
0xb7: {  	s30 =	sld [smem:$0x0];
	_ =	sdelay $0x2  }
0xb8: {  	s31 =	sshll.u32 s1, $0xD;
	s1 =	sshrl.u32 s1, $0x2  }
0xb9: {  	s3 =	sand.u32 $0x4000, s31;
	s1 =	sadd.s32 s1, s30  }
0xba: {  	s0 =	sor.u32 s3, s0;
	s1 =	sshll.u32 s1, $0x11  }
0xbb: {  	s0 =	sor.u32 s1, s0  }
0xbc: {  	s0 =	sadd.s32 $0x8F2B, s0  }
0xbd: {  	[sflag:s0] =	ssyncadd.remote.s32 $0x1  }
0xbe: {  	_ =	sfence.sel $0xFFFF  }
0xbf: {  	[dreg:$0x0] =	wrdreg $0xFFFFFFFF;
	(pc) =	sbr.abs _section_cstart, $3  }
0xc0: {  	[dreg:$0x1] =	wrdreg $0xFFFFFFFF  }
0xc1: {  	_ =	task.clear_ibuf [dreg:s7], $0x2FFFF;
	_ =	strace $0x9FFFFFFF  }
0xc2: {  	(tm) =	ssettm $0x7FFFFFFF  }
0xc3: {  	_ =	shalt  }
tec
execute0_lowered:
.L_overlay_start_1:
0x0: {  	(tag) =	ssettag $0x1  }
0x1: {  	s1 =	rddreg [dreg:$0x0]  }
0x2: {  	s3 =	rddreg [dreg:$0x1]  }
0x3: {  	s0 =	rddreg [dreg:$0x2];
	s5 =	srdreg.scid  }
0x4: {  	s4 =	simm.s32 $0x0;
	s2 =	stileid.u32;
	s16 =	simm.s32 $0x80  }
0x5: {  	s17 =	simm.s32 $0x100;
	s18 =	simm.s32 $0x4100;
	s19 =	simm.s32 $0x8100  }
0x6: {  	s20 =	simm.s32 $0xC100;
	s21 =	simm.s32 $0x10100;
	s22 =	simm.s32 $0x1  }
0x7: {  	s23 =	simm.s32 $0x14100;
	s24 =	simm.s32 $0x2;
	s25 =	simm.s32 $0x0  }
0x8: {  	s14 =	sand.u32 $0x1, s5;
	[smem:$0x7FF] =	sst s4;
	s30 =	sshll.u32 s2, $0x5  }
0x9: {  	s5 =	sadd.s32 $0x27200, s1;
	s9 =	sshll.u32 s2, $0xC;
	s15 =	sshll.u32 s2, $0x1  }
0xa: {  	s6 =	sshll.u32 s14, $0x4;
	_ =	strace $0x80000047;
	s10 =	ssub.s32 $0x2, s14  }
0xb: {  	s9 =	sadd.s32 s9, s1;
	s31 =	sshll.u32 s14, $0xB;
	s14 =	sor.u32 s14, s15  }
0xc: {  	s15 =	simm.s32 $0x3;
	s7 =	sor.u32 s6, s30;
	s6 =	sadd.s32 $0x62000, s1  }
.Ltmp0:
0xd: {  	s11 =	sshrl.u32 s10, $0x1;
	s13 =	sadd.s32 s31, s9;
	(pc) =	sbr.rel .LBB2_1-.Ltmp0, $4  }
0xe: {  	s8 =	sand.u32 $0x180, s7;
	s7 =	sand.u32 $0x70, s7;
	s11 =	ssub.s32 s10, s11  }
0xf: {  	s9 =	sadd.s32 $0x89200, s13;
	s10 =	sadd.s32 $0xF2F200, s13;
	s8 =	sadd.s32 s8, s1  }
0x10: {  	s12 =	sadd.s32 $0xA4D200, s13;
	s13 =	sadd.s32 $0x56B200, s13;
	s8 =	sadd.s32 s7, s8  }
0x11: {  	s11 =	smax.u32 s11, $0x1;
	s7 =	sadd.s32 $0x58200, s8;
	s8 =	sadd.s32 $0x4E400, s8  }
.LBB2_5:
0x12: {  	s25 =	sadd.s32 $0x1, s25  }
0x13: {  	p0 =	sne.s32 s25, s11  }
.Ltmp1:
0x14: {  	_ = 	snop;
	(pc) =	sbr.rel @!p0 .LBB2_6-.Ltmp1, $1  }
0x15: {  	_ =	sdelay $0x3  }
.LBB2_1:
.Ltmp2:
0x16: {  	(pc) =	sbr.rel .LBB2_2-.Ltmp2, $3  }
0x17: {  	_ =	sdelay $0x1  }
0x18: {  	s26 =	smov.u32 s14  }
0x19: {  	s28 =	smov.u32 s8;
	s29 =	smov.u32 s7;
	s30 =	simm.s32 $0x0  }
.LBB2_4:
0x1a: {  	s30 =	sadd.s32 $0x10000, s30  }
0x1b: {  	p0 =	sne.s32 s30, $0x4F0000  }
.Ltmp3:
0x1c: {  	_ = 	snop;
	(pc) =	sbr.rel @!p0 .LBB2_5-.Ltmp3, $2  }
0x1d: {  	_ =	sdelay $0x2  }
0x1e: {  	s29 =	sadd.s32 $0x200, s29;
	s28 =	sadd.s32 $0x200, s28;
	s26 =	sadd.s32 $0x20, s26  }
.LBB2_2:
0x1f: {  	p0 =	sgt.u32 s26, $0x9C3  }
.Ltmp4:
0x20: {  	_ = 	snop;
	(pc) =	sbr.rel @p0 .LBB2_4-.Ltmp4, $1  }
0x21: {  	_ =	sdelay $0x3  }
0x22: {  	[tilespmem:s4], [sflag:$0x3] =	stream.linear.gather [hbm4b:s29+s4], $0x80, $0x38;
	[tilespmem:$0x18100] =	vst v63  }
0x23: {  	_ =	swait.ge [sflag:s15], $0x80  }
0x24: {  	[sflag:s15] =	ssyncset.done $0x0  }
0x25: {  	[sflag:s15] =	ssyncadd.s32 $0xFFFFFF80  }
0x26: {  	[tilespmem:s16], [sflag:$0x3] =	stream.linear.gather [hbm4b:s28+s4], $0x80, $0x38;
	[tilespmem:$0x18100] =	vst v63  }
0x27: {  	_ =	swait.ge [sflag:s15], $0x80  }
0x28: {  	[sflag:s15] =	ssyncset.done $0x0  }
0x29: {  	[sflag:s15] =	ssyncadd.s32 $0xFFFFFF80  }
0x2a: {  	[tilespmem:s17], [sflag:$0x1] =	stream.indirect.gather [hbm4b:s5+s16], $0x80, s4, s16, $0xb8;
	[tilespmem:$0x18100] =	vst v63  }
0x2b: {  	_ = 	snop  }
0x2c: {  	[tilespmem:s18], [sflag:$0x1] =	stream.indirect.gather [hbm4b:s1+s16], $0x80, s16, s16, $0xb8;
	[tilespmem:$0x18100] =	vst v63  }
0x2d: {  	_ = 	snop  }
0x2e: {  	[tilespmem:s19], [sflag:$0x1] =	stream.indirect.gather [hbm4b:s3+s16], $0x80, s16, s16, $0xb8;
	[tilespmem:$0x18100] =	vst v63  }
0x2f: {  	_ = 	snop  }
0x30: {  	[tilespmem:s20], [sflag:$0x1] =	stream.indirect.gather [hbm4b:s6+s16], $0x80, s4, s16, $0xb8;
	[tilespmem:$0x18100] =	vst v63  }
0x31: {  	_ = 	snop  }
0x32: {  	[tilespmem:s21], [sflag:$0x1] =	stream.indirect.gather [hbm4b:s6+s16], $0x80, s16, s16, $0xb8;
	[tilespmem:$0x18100] =	vst v63  }
0x33: {  	_ =	swait.ge [sflag:s22], $0x4000  }
0x34: {  	[sflag:s22] =	ssyncset.done $0x0  }
0x35: {  	[sflag:s22] =	ssyncadd.s32 $0xFFFFC000  }
0x36: {  	_ =	swait.ge [sflag:s22], $0x4000  }
0x37: {  	[sflag:s22] =	ssyncset.done $0x0  }
0x38: {  	[sflag:s22] =	ssyncadd.s32 $0xFFFFC000  }
0x39: {  	_ =	swait.ge [sflag:s22], $0x4000  }
0x3a: {  	[sflag:s22] =	ssyncset.done $0x0  }
0x3b: {  	[sflag:s22] =	ssyncadd.s32 $0xFFFFC000  }
0x3c: {  	_ =	swait.ge [sflag:s22], $0x4000  }
0x3d: {  	[sflag:s22] =	ssyncset.done $0x0  }
0x3e: {  	[sflag:s22] =	ssyncadd.s32 $0xFFFFC000  }
0x3f: {  	_ =	swait.ge [sflag:s22], $0x4000  }
0x40: {  	[sflag:s22] =	ssyncset.done $0x0  }
0x41: {  	s31 =	sadd.s32 s30, s13;
	[sflag:s22] =	ssyncadd.s32 $0xFFFFC000  }
0x42: {  	[hbm4b:s31+s4] =	stream.linear.scatter [tilespmem:s17], [sflag:$0x3], $0x4000, $0x38;
	[tilespmem:$0x18100] =	vst v63  }
0x43: {  	_ =	swait.ge [sflag:s15], $0x4000  }
0x44: {  	[sflag:s15] =	ssyncset.done $0x0  }
0x45: {  	s31 =	sadd.s32 s30, s12;
	[sflag:s15] =	ssyncadd.s32 $0xFFFFC000  }
0x46: {  	[hbm4b:s31+s4] =	stream.linear.scatter [tilespmem:s18], [sflag:$0x3], $0x4000, $0x38;
	[tilespmem:$0x18100] =	vst v63  }
0x47: {  	_ =	swait.ge [sflag:s15], $0x4000  }
0x48: {  	[sflag:s15] =	ssyncset.done $0x0  }
0x49: {  	s31 =	sadd.s32 s30, s10;
	[sflag:s15] =	ssyncadd.s32 $0xFFFFC000  }
0x4a: {  	[hbm4b:s31+s4] =	stream.linear.scatter [tilespmem:s19], [sflag:$0x3], $0x4000, $0x38;
	[tilespmem:$0x18100] =	vst v63  }
0x4b: {  	_ =	swait.ge [sflag:s15], $0x4000  }
0x4c: {  	[sflag:s15] =	ssyncset.done $0x0  }
0x4d: {  	[sflag:s15] =	ssyncadd.s32 $0xFFFFC000  }
0x4e: {  	v3 =	vld [tilespmem:$0x10100]  }
0x4f: {  	v0 =	vld [tilespmem:$0xC100]  }
0x50: {  	v4 =	vld [tilespmem:$0x10180]  }
0x51: {  	v1 =	vld [tilespmem:$0xC180]  }
0x52: {  	v6 =	vld [tilespmem:$0x10200]  }
0x53: {  	v2 =	vld [tilespmem:$0xC200]  }
0x54: {  	v8 =	vld [tilespmem:$0x10280]  }
0x55: {  	v5 =	vld [tilespmem:$0xC280]  }
0x56: {  	v10 =	vld [tilespmem:$0x10300]  }
0x57: {  	v7 =	vld [tilespmem:$0xC300]  }
0x58: {  	v12 =	vld [tilespmem:$0x10380]  }
0x59: {  	v9 =	vld [tilespmem:$0xC380]  }
0x5a: {  	v14 =	vld [tilespmem:$0x10400]  }
0x5b: {  	v11 =	vld [tilespmem:$0xC400]  }
0x5c: {  	v16 =	vld [tilespmem:$0x10480]  }
0x5d: {  	v13 =	vld [tilespmem:$0xC480]  }
0x5e: {  	v18 =	vld [tilespmem:$0x10500]  }
0x5f: {  	v15 =	vld [tilespmem:$0xC500]  }
0x60: {  	v20 =	vld [tilespmem:$0x10580]  }
0x61: {  	v17 =	vld [tilespmem:$0xC580]  }
0x62: {  	v22 =	vld [tilespmem:$0x10600]  }
0x63: {  	v19 =	vld [tilespmem:$0xC600]  }
0x64: {  	v24 =	vld [tilespmem:$0x10680]  }
0x65: {  	v21 =	vld [tilespmem:$0xC680]  }
0x66: {  	v26 =	vld [tilespmem:$0x10700]  }
0x67: {  	v23 =	vld [tilespmem:$0xC700]  }
0x68: {  	v28 =	vld [tilespmem:$0x10780]  }
0x69: {  	v25 =	vld [tilespmem:$0xC780]  }
0x6a: {  	v58 =	vld [tilespmem:$0x10800]  }
0x6b: {  	v27 =	vld [tilespmem:$0xC800]  }
0x6c: {  	v59 =	vld [tilespmem:$0x10880]  }
0x6d: {  	v29 =	vld [tilespmem:$0xC880]  }
0x6e: {  	v50 =	vld [tilespmem:$0x10900]  }
0x6f: {  	v30 =	vld [tilespmem:$0xC900]  }
0x70: {  	v47 =	vld [tilespmem:$0x10980]  }
0x71: {  	v31 =	vld [tilespmem:$0xC980]  }
0x72: {  	v38 =	vld [tilespmem:$0x10A00]  }
0x73: {  	v32 =	vld [tilespmem:$0xCA00]  }
0x74: {  	v39 =	vld [tilespmem:$0x10A80]  }
0x75: {  	v33 =	vld [tilespmem:$0xCA80]  }
0x76: {  	v36 =	vld [tilespmem:$0x10B00]  }
0x77: {  	v34 =	vld [tilespmem:$0xCB00]  }
0x78: {  	v40 =	vld [tilespmem:$0x10B80]  }
0x79: {  	v35 =	vld [tilespmem:$0xCB80]  }
0x7a: {  	v42 =	vld [tilespmem:$0x10C00]  }
0x7b: {  	v37 =	vld [tilespmem:$0xCC00]  }
0x7c: {  	v43 =	vld [tilespmem:$0x10C80]  }
0x7d: {  	v41 =	vld [tilespmem:$0xCC80]  }
0x7e: {  	v46 =	vld [tilespmem:$0x10D00]  }
0x7f: {  	v44 =	vld [tilespmem:$0xCD00]  }
0x80: {  	v49 =	vld [tilespmem:$0x10D80]  }
0x81: {  	v45 =	vld [tilespmem:$0xCD80]  }
0x82: {  	v52 =	vld [tilespmem:$0x10E00]  }
0x83: {  	v48 =	vld [tilespmem:$0xCE00]  }
0x84: {  	v63 =	vld [tilespmem:$0x11100];
	_ =	sdelay $0x4  }
0x85: {  	[tilespmem:$0x1FAE0] =	vst v63;
	v63 =	vld [tilespmem:$0xD100];
	_ =	sdelay $0x4  }
0x86: {  	[tilespmem:$0x1FAF0] =	vst v63;
	v63 =	vld [tilespmem:$0x11180];
	_ =	sdelay $0x4  }
0x87: {  	[tilespmem:$0x1FB00] =	vst v63;
	v63 =	vld [tilespmem:$0xD180];
	_ =	sdelay $0x4  }
0x88: {  	[tilespmem:$0x1FB10] =	vst v63;
	v63 =	vld [tilespmem:$0x11200];
	_ =	sdelay $0x4  }
0x89: {  	[tilespmem:$0x1FB20] =	vst v63;
	v63 =	vld [tilespmem:$0xD200];
	_ =	sdelay $0x4  }
0x8a: {  	[tilespmem:$0x1FB30] =	vst v63;
	v63 =	vld [tilespmem:$0x11280];
	_ =	sdelay $0x4  }
0x8b: {  	[tilespmem:$0x1FB40] =	vst v63;
	v63 =	vld [tilespmem:$0xD280];
	_ =	sdelay $0x4  }
0x8c: {  	[tilespmem:$0x1FB50] =	vst v63;
	v63 =	vld [tilespmem:$0x11300];
	_ =	sdelay $0x4  }
0x8d: {  	[tilespmem:$0x1FB60] =	vst v63;
	v63 =	vld [tilespmem:$0xD300];
	_ =	sdelay $0x4  }
0x8e: {  	[tilespmem:$0x1FB70] =	vst v63;
	v63 =	vld [tilespmem:$0x11380];
	_ =	sdelay $0x4  }
0x8f: {  	[tilespmem:$0x1FB80] =	vst v63;
	v63 =	vld [tilespmem:$0xD380];
	_ =	sdelay $0x4  }
0x90: {  	[tilespmem:$0x1FB90] =	vst v63;
	v63 =	vld [tilespmem:$0x11400];
	_ =	sdelay $0x4  }
0x91: {  	[tilespmem:$0x1FBA0] =	vst v63;
	v63 =	vld [tilespmem:$0xD400];
	_ =	sdelay $0x4  }
0x92: {  	[tilespmem:$0x1FBB0] =	vst v63;
	v63 =	vld [tilespmem:$0x11480];
	_ =	sdelay $0x4  }
0x93: {  	[tilespmem:$0x1FBC0] =	vst v63;
	v63 =	vld [tilespmem:$0xD480];
	_ =	sdelay $0x4  }
0x94: {  	[tilespmem:$0x1FBD0] =	vst v63;
	v63 =	vld [tilespmem:$0x11500];
	_ =	sdelay $0x4  }
0x95: {  	[tilespmem:$0x1FBE0] =	vst v63;
	v63 =	vld [tilespmem:$0xD500];
	_ =	sdelay $0x4  }
0x96: {  	[tilespmem:$0x1FBF0] =	vst v63;
	v63 =	vld [tilespmem:$0x11580];
	_ =	sdelay $0x4  }
0x97: {  	[tilespmem:$0x1FC00] =	vst v63;
	v63 =	vld [tilespmem:$0xD580];
	_ =	sdelay $0x4  }
0x98: {  	[tilespmem:$0x1FC10] =	vst v63;
	v63 =	vld [tilespmem:$0x11600];
	_ =	sdelay $0x4  }
0x99: {  	[tilespmem:$0x1FC20] =	vst v63;
	v63 =	vld [tilespmem:$0xD600];
	_ =	sdelay $0x4  }
0x9a: {  	[tilespmem:$0x1FC30] =	vst v63;
	v63 =	vld [tilespmem:$0x11680];
	_ =	sdelay $0x4  }
0x9b: {  	[tilespmem:$0x1FC40] =	vst v63;
	v63 =	vld [tilespmem:$0xD680];
	_ =	sdelay $0x4  }
0x9c: {  	[tilespmem:$0x1FC50] =	vst v63;
	v63 =	vld [tilespmem:$0x11700];
	_ =	sdelay $0x4  }
0x9d: {  	[tilespmem:$0x1FC60] =	vst v63;
	v63 =	vld [tilespmem:$0xD700];
	_ =	sdelay $0x4  }
0x9e: {  	[tilespmem:$0x1FC70] =	vst v63;
	v63 =	vld [tilespmem:$0x11780];
	_ =	sdelay $0x4  }
0x9f: {  	[tilespmem:$0x1FC80] =	vst v63;
	v63 =	vld [tilespmem:$0xD780];
	_ =	sdelay $0x4  }
0xa0: {  	[tilespmem:$0x1FC90] =	vst v63;
	v63 =	vld [tilespmem:$0x11800];
	_ =	sdelay $0x2  }
0xa1: {  	v54 =	vld [tilespmem:$0x10E80]  }
0xa2: {  	v51 =	vld [tilespmem:$0xCE80]  }
0xa3: {  	[tilespmem:$0x1FCA0] =	vst v63;
	v63 =	vld [tilespmem:$0xD800]  }
0xa4: {  	v56 =	vld [tilespmem:$0x10F00]  }
0xa5: {  	v53 =	vld [tilespmem:$0xCF00]  }
0xa6: {  	v57 =	vld [tilespmem:$0x10F80]  }
0xa7: {  	v61 =	vld [tilespmem:$0x11080]  }
0xa8: {  	[tilespmem:$0x1FCB0] =	vst v63;
	v63 =	vld [tilespmem:$0x11880]  }
0xa9: {  	v55 =	vld [tilespmem:$0xCF80]  }
0xaa: {  	v62 =	vld [tilespmem:$0x11000]  }
0xab: {  	v60 =	vld [tilespmem:$0xD000]  }
0xac: {  	[tilespmem:$0x1FAD0] =	vst v61;
	v61 =	vld [tilespmem:$0xD080]  }
0xad: {  	[tilespmem:$0x1FCC0] =	vst v63;
	v63 =	vld [tilespmem:$0xD880]  }
0xae: {  	v1 =	vsub.f32 v4, v1;
	v4 =	vld [tilespmem:$0xE280]  }
0xaf: {  	v5 =	vsub.f32 v8, v5;
	v8 =	vld [tilespmem:$0xE300]  }
0xb0: {  	v7 =	vsub.f32 v10, v7;
	v10 =	vld [tilespmem:$0x12380]  }
0xb1: {  	v9 =	vsub.f32 v12, v9;
	v12 =	vld [tilespmem:$0xE380]  }
0xb2: {  	[tilespmem:$0x1FCD0] =	vst v63;
	v63 =	vld [tilespmem:$0x11900]  }
0xb3: {  	v11 =	vsub.f32 v14, v11;
	v14 =	vld [tilespmem:$0x12400]  }
0xb4: {  	v13 =	vsub.f32 v16, v13;
	v16 =	vld [tilespmem:$0xE400]  }
0xb5: {  	v15 =	vsub.f32 v18, v15;
	v18 =	vld [tilespmem:$0x12480]  }
0xb6: {  	v17 =	vsub.f32 v20, v17;
	v20 =	vld [tilespmem:$0xE480]  }
0xb7: {  	[tilespmem:$0x1FCE0] =	vst v63;
	v63 =	vld [tilespmem:$0xD900]  }
0xb8: {  	v19 =	vsub.f32 v22, v19;
	v22 =	vld [tilespmem:$0x12500]  }
0xb9: {  	v21 =	vsub.f32 v24, v21;
	v24 =	vld [tilespmem:$0xE500]  }
0xba: {  	v23 =	vsub.f32 v26, v23;
	v26 =	vld [tilespmem:$0x12580]  }
0xbb: {  	v25 =	vsub.f32 v28, v25;
	v28 =	vsub.f32 v58, v27;
	v58 =	vld [tilespmem:$0xE580]  }
0xbc: {  	[tilespmem:$0x1FCF0] =	vst v63;
	v63 =	vld [tilespmem:$0x11980]  }
0xbd: {  	v29 =	vsub.f32 v59, v29;
	v59 =	vld [tilespmem:$0x12600]  }
0xbe: {  	v30 =	vsub.f32 v50, v30;
	v50 =	vld [tilespmem:$0xE600]  }
0xbf: {  	v31 =	vsub.f32 v47, v31;
	v47 =	vld [tilespmem:$0x12680]  }
0xc0: {  	v32 =	vsub.f32 v38, v32;
	v38 =	vld [tilespmem:$0xE680]  }
0xc1: {  	[tilespmem:$0x1FD00] =	vst v63;
	v63 =	vld [tilespmem:$0xD980]  }
0xc2: {  	v33 =	vsub.f32 v39, v33;
	v39 =	vld [tilespmem:$0x12700]  }
0xc3: {  	v27 =	vld [tilespmem:$0x12780]  }
0xc4: {  	v0 =	vsub.f32 v3, v0;
	v44 =	vsub.f32 v46, v44;
	v3 =	vld [tilespmem:$0x12980]  }
0xc5: {  	v46 =	vsub.f32 v49, v45;
	v49 =	vsub.f32 v54, v51;
	v54 =	vld [tilespmem:$0x1FAD0]  }
0xc6: {  	[tilespmem:$0x1FD10] =	vst v63;
	v63 =	vld [tilespmem:$0x11A00]  }
0xc7: {  	v51 =	vsub.f32 v56, v53;
	v56 =	vld [tilespmem:$0x1FAE0]  }
0xc8: {  	[tilespmem:$0x14100] =	vst v0;
	v0 =	vsub.f32 v6, v2;
	v6 =	vld [tilespmem:$0x12300]  }
0xc9: {  	[tilespmem:$0x14900] =	vst v30;
	v30 =	vld [tilespmem:$0xE700]  }
0xca: {  	[tilespmem:$0x14600] =	vst v19;
	v19 =	vld [tilespmem:$0x12800]  }
0xcb: {  	[tilespmem:$0x1FD20] =	vst v63;
	v63 =	vld [tilespmem:$0xDA00]  }
0xcc: {  	[tilespmem:$0x14300] =	vst v7;
	v7 =	vld [tilespmem:$0x12880]  }
0xcd: {  	[tilespmem:$0x14180] =	vst v1;
	v1 =	vld [tilespmem:$0x12900]  }
0xce: {  	v2 =	vld [tilespmem:$0xE900]  }
0xcf: {  	[tilespmem:$0x14280] =	vst v5;
	v5 =	vld [tilespmem:$0x12A00]  }
0xd0: {  	[tilespmem:$0x1FD30] =	vst v63;
	v63 =	vld [tilespmem:$0x11A80]  }
0xd1: {  	[tilespmem:$0x14200] =	vst v0;
	v0 =	vld [tilespmem:$0xE880]  }
0xd2: {  	[tilespmem:$0x1FFB0] =	vst v18;
	v18 =	vld [tilespmem:$0xE780]  }
0xd3: {  	[tilespmem:$0x1FF70] =	vst v10;
	v10 =	vld [tilespmem:$0xE800]  }
0xd4: {  	v48 =	vsub.f32 v52, v48;
	v52 =	vsub.f32 v57, v55;
	v57 =	vld [tilespmem:$0x1FAF0]  }
0xd5: {  	[tilespmem:$0x1FD40] =	vst v63;
	v63 =	vld [tilespmem:$0xDA80]  }
0xd6: {  	[tilespmem:$0x1FF40] =	vst v4;
	v4 =	vld [tilespmem:$0xE980]  }
0xd7: {  	[tilespmem:$0x1FF60] =	vst v8;
	v8 =	vld [tilespmem:$0x12A80]  }
0xd8: {  	[tilespmem:$0x1FF50] =	vst v6;
	v6 =	vld [tilespmem:$0xEA00]  }
0xd9: {  	[tilespmem:$0x14380] =	vst v9;
	v1 =	vsub.f32 v1, v2;
	v2 =	vld [tilespmem:$0xF600];
	v9 =	vsub.f32 v56, v57  }
0xda: {  	[tilespmem:$0x1FD50] =	vst v63;
	v63 =	vld [tilespmem:$0x11B00]  }
0xdb: {  	[tilespmem:$0x15100] =	vst v9;
	v9 =	vld [tilespmem:$0xEA80]  }
0xdc: {  	v0 =	vsub.f32 v7, v0;
	v7 =	vld [tilespmem:$0x13600]  }
0xdd: {  	v53 =	vsub.f32 v62, v60;
	[tilespmem:$0x14400] =	vst v11;
	v60 =	vld [tilespmem:$0x1FB00]  }
0xde: {  	[tilespmem:$0x14480] =	vst v13;
	v55 =	vsub.f32 v54, v61;
	v10 =	vsub.f32 v19, v10;
	v61 =	vld [tilespmem:$0x1FB10]  }
0xdf: {  	[tilespmem:$0x1FD60] =	vst v63;
	v63 =	vld [tilespmem:$0xDB00]  }
0xe0: {  	[tilespmem:$0x16800] =	vst v10;
	v10 =	vsub.f32 v8, v9;
	v8 =	vld [tilespmem:$0x13780]  }
0xe1: {  	[tilespmem:$0x14580] =	vst v17;
	v9 =	vld [tilespmem:$0xF780]  }
0xe2: {  	[tilespmem:$0x14680] =	vst v21;
	v62 =	vld [tilespmem:$0x1FB20]  }
0xe3: {  	[tilespmem:$0x1FFA0] =	vst v16;
	v16 =	vld [tilespmem:$0x1FB30]  }
0xe4: {  	[tilespmem:$0x1FD70] =	vst v63;
	v63 =	vld [tilespmem:$0x11B80]  }
0xe5: {  	[tilespmem:$0x1FF80] =	vst v12;
	v17 =	vld [tilespmem:$0x1FB40]  }
0xe6: {  	[tilespmem:$0x1FFC0] =	vst v20;
	v20 =	vld [tilespmem:$0x1FB50]  }
0xe7: {  	[tilespmem:$0x1FF90] =	vst v14;
	v21 =	vld [tilespmem:$0x1FB60]  }
0xe8: {  	[tilespmem:$0x1FFD0] =	vst v22;
	v22 =	vld [tilespmem:$0x1FB70]  }
0xe9: {  	v11 =	vsub.f32 v60, v61;
	[tilespmem:$0x1FD80] =	vst v63;
	v63 =	vld [tilespmem:$0xDB80]  }
0xea: {  	[tilespmem:$0x16A80] =	vst v10;
	v10 =	vld [tilespmem:$0x13800];
	v12 =	vsub.f32 v62, v16  }
0xeb: {  	[tilespmem:$0x15180] =	vst v11;
	v11 =	vld [tilespmem:$0x12B00];
	v13 =	vsub.f32 v17, v20  }
0xec: {  	[tilespmem:$0x15200] =	vst v12;
	v12 =	vld [tilespmem:$0xEB00]  }
0xed: {  	[tilespmem:$0x15280] =	vst v13;
	v13 =	vld [tilespmem:$0x12B80]  }
0xee: {  	v14 =	vsub.f32 v21, v22;
	[tilespmem:$0x1FD90] =	vst v63;
	v63 =	vld [tilespmem:$0x11C00]  }
0xef: {  	[tilespmem:$0x14700] =	vst v23;
	v23 =	vld [tilespmem:$0x1FB80]  }
0xf0: {  	[tilespmem:$0x15300] =	vst v14;
	v14 =	vld [tilespmem:$0xEB80]  }
0xf1: {  	[tilespmem:$0x1FFE0] =	vst v24;
	v24 =	vld [tilespmem:$0x1FB90]  }
0xf2: {  	[tilespmem:$0x14780] =	vst v25;
	v25 =	vld [tilespmem:$0x1FBA0]  }
0xf3: {  	[tilespmem:$0x1FDA0] =	vst v63;
	v63 =	vld [tilespmem:$0xDC00]  }
0xf4: {  	[tilespmem:$0x1FFF0] =	vst v26;
	v12 =	vsub.f32 v11, v12;
	v26 =	vld [tilespmem:$0x1FBB0]  }
0xf5: {  	v11 =	vld [tilespmem:$0xF800]  }
0xf6: {  	[tilespmem:$0x16B00] =	vst v12;
	v12 =	vld [tilespmem:$0x13880]  }
0xf7: {  	[tilespmem:$0x14500] =	vst v15;
	v14 =	vsub.f32 v13, v14;
	v13 =	vld [tilespmem:$0xF880]  }
0xf8: {  	v15 =	vsub.f32 v23, v24;
	[tilespmem:$0x1FDB0] =	vst v63;
	v63 =	vld [tilespmem:$0x11C80]  }
0xf9: {  	[tilespmem:$0x16B80] =	vst v14;
	v14 =	vld [tilespmem:$0x13900];
	v16 =	vsub.f32 v25, v26  }
0xfa: {  	[tilespmem:$0x15380] =	vst v15;
	v15 =	vld [tilespmem:$0x12C00]  }
0xfb: {  	[tilespmem:$0x15400] =	vst v16;
	v16 =	vld [tilespmem:$0xEC00]  }
0xfc: {  	[tilespmem:$0x14800] =	vst v28;
	v28 =	vld [tilespmem:$0x1FBC0]  }
0xfd: {  	[tilespmem:$0x1FDC0] =	vst v63;
	v63 =	vld [tilespmem:$0xDC80]  }
0xfe: {  	v18 =	vsub.f32 v27, v18;
	v26 =	vld [tilespmem:$0xED80]  }
0xff: {  	[tilespmem:$0x14880] =	vst v29;
	v29 =	vld [tilespmem:$0x1FBD0]  }
0x100: {  	[tilespmem:$0x16780] =	vst v18;
	v18 =	vsub.f32 v15, v16;
	v15 =	vld [tilespmem:$0xF900]  }
0x101: {  	v16 =	vld [tilespmem:$0x13980]  }
0x102: {  	[tilespmem:$0x1FDD0] =	vst v63;
	v63 =	vld [tilespmem:$0x11D00]  }
0x103: {  	[tilespmem:$0x14980] =	vst v31;
	v31 =	vld [tilespmem:$0x1FBE0]  }
0x104: {  	[tilespmem:$0x14A00] =	vst v32;
	v32 =	vld [tilespmem:$0x1FBF0]  }
0x105: {  	[tilespmem:$0x16C00] =	vst v18;
	v18 =	vld [tilespmem:$0x13A00]  }
0x106: {  	v17 =	vsub.f32 v28, v29;
	v28 =	vld [tilespmem:$0x12E00]  }
0x107: {  	[tilespmem:$0x1FDE0] =	vst v63;
	v63 =	vld [tilespmem:$0xDD00]  }
0x108: {  	[tilespmem:$0x15480] =	vst v17;
	v17 =	vld [tilespmem:$0x12C80]  }
0x109: {  	v20 =	vsub.f32 v31, v32;
	v31 =	vld [tilespmem:$0x12E80]  }
0x10a: {  	v32 =	vld [tilespmem:$0xEE80]  }
0x10b: {  	[tilespmem:$0x15500] =	vst v20;
	v20 =	vld [tilespmem:$0xEC80]  }
0x10c: {  	[tilespmem:$0x1FDF0] =	vst v63;
	v63 =	vld [tilespmem:$0x11D80]  }
0x10d: {  	v29 =	vld [tilespmem:$0xEE00]  }
0x10e: {  	[tilespmem:$0x14A80] =	vst v33;
	v33 =	vld [tilespmem:$0x1FC00]  }
0x10f: {  	v36 =	vsub.f32 v36, v34;
	v34 =	vld [tilespmem:$0x1FC10]  }
0x110: {  	v32 =	vsub.f32 v31, v32;
	v20 =	vsub.f32 v17, v20;
	v17 =	vld [tilespmem:$0xF980]  }
0x111: {  	[tilespmem:$0x1FE00] =	vst v63;
	v63 =	vld [tilespmem:$0xDD80]  }
0x112: {  	[tilespmem:$0x16E80] =	vst v32;
	v32 =	vld [tilespmem:$0x13D80]  }
0x113: {  	v40 =	vsub.f32 v40, v35;
	v35 =	vld [tilespmem:$0x1FC20]  }
0x114: {  	v21 =	vsub.f32 v33, v34;
	v33 =	vld [tilespmem:$0x12F00]  }
0x115: {  	v34 =	vld [tilespmem:$0xEF00]  }
0x116: {  	[tilespmem:$0x1FE10] =	vst v63;
	v63 =	vld [tilespmem:$0x11E00]  }
0x117: {  	[tilespmem:$0x14B00] =	vst v36;
	v36 =	vld [tilespmem:$0x1FC30]  }
0x118: {  	[tilespmem:$0x15580] =	vst v21;
	v21 =	vld [tilespmem:$0x12D00]  }
0x119: {  	v42 =	vsub.f32 v42, v37;
	v37 =	vld [tilespmem:$0x1FC40]  }
0x11a: {  	[tilespmem:$0x14B80] =	vst v40;
	v34 =	vsub.f32 v33, v34;
	v40 =	vld [tilespmem:$0x1FC50]  }
0x11b: {  	[tilespmem:$0x1FE20] =	vst v63;
	v63 =	vld [tilespmem:$0xDE00]  }
0x11c: {  	[tilespmem:$0x16F00] =	vst v34;
	v34 =	vld [tilespmem:$0xFD80];
	v22 =	vsub.f32 v35, v36  }
0x11d: {  	v35 =	vld [tilespmem:$0x12F80]  }
0x11e: {  	[tilespmem:$0x15600] =	vst v22;
	v22 =	vld [tilespmem:$0xED00]  }
0x11f: {  	v43 =	vsub.f32 v43, v41;
	v23 =	vsub.f32 v37, v40;
	v41 =	vld [tilespmem:$0x1FC60]  }
0x120: {  	[tilespmem:$0x1FE30] =	vst v63;
	v63 =	vld [tilespmem:$0x11E80]  }
0x121: {  	[tilespmem:$0x15680] =	vst v23;
	v23 =	vld [tilespmem:$0x12D80]  }
0x122: {  	[tilespmem:$0x14C00] =	vst v42;
	v42 =	vld [tilespmem:$0x1FC70]  }
0x123: {  	[tilespmem:$0x14C80] =	vst v43;
	v43 =	vld [tilespmem:$0x1FC80]  }
0x124: {  	[tilespmem:$0x14D00] =	vst v44;
	v44 =	vld [tilespmem:$0x1FC90]  }
0x125: {  	[tilespmem:$0x1FE40] =	vst v63;
	v63 =	vld [tilespmem:$0xDE80]  }
0x126: {  	v45 =	vld [tilespmem:$0x1FCA0]  }
0x127: {  	[tilespmem:$0x14D80] =	vst v46;
	v46 =	vld [tilespmem:$0x1FCB0]  }
0x128: {  	[tilespmem:$0x14E00] =	vst v48;
	v48 =	vld [tilespmem:$0x1FCC0]  }
0x129: {  	[tilespmem:$0x14E80] =	vst v49;
	v49 =	vld [tilespmem:$0x1FCD0]  }
0x12a: {  	[tilespmem:$0x1FE50] =	vst v63;
	v63 =	vld [tilespmem:$0x11F00]  }
0x12b: {  	[tilespmem:$0x14F00] =	vst v51;
	v51 =	vld [tilespmem:$0x1FCE0]  }
0x12c: {  	[tilespmem:$0x14F80] =	vst v52;
	v52 =	vld [tilespmem:$0x1FCF0]  }
0x12d: {  	[tilespmem:$0x15000] =	vst v53;
	v53 =	vld [tilespmem:$0x1FD00]  }
0x12e: {  	v54 =	vld [tilespmem:$0x1FD10]  }
0x12f: {  	v25 =	vsub.f32 v43, v44;
	[tilespmem:$0x1FE60] =	vst v63;
	v63 =	vld [tilespmem:$0xDF00]  }
0x130: {  	v57 =	vld [tilespmem:$0x1FD40]  }
0x131: {  	[tilespmem:$0x15780] =	vst v25;
	v25 =	vsub.f32 v48, v49;
	v60 =	vld [tilespmem:$0x1FD50]  }
0x132: {  	v36 =	vld [tilespmem:$0x1FD80]  }
0x133: {  	[tilespmem:$0x15880] =	vst v25;
	v37 =	vld [tilespmem:$0x1FD90]  }
0x134: {  	v25 =	vsub.f32 v53, v54;
	[tilespmem:$0x1FE70] =	vst v63;
	v63 =	vld [tilespmem:$0x11F80]  }
0x135: {  	[tilespmem:$0x15080] =	vst v55;
	v55 =	vld [tilespmem:$0x1FD20]  }
0x136: {  	[tilespmem:$0x15980] =	vst v25;
	v56 =	vld [tilespmem:$0x1FD30];
	v25 =	vsub.f32 v57, v60  }
0x137: {  	v61 =	vld [tilespmem:$0x1FD60]  }
0x138: {  	[tilespmem:$0x15A80] =	vst v25;
	v25 =	vsub.f32 v36, v37;
	v36 =	vld [tilespmem:$0xEF80]  }
0x139: {  	v24 =	vsub.f32 v41, v42;
	[tilespmem:$0x1FE80] =	vst v63;
	v63 =	vld [tilespmem:$0xDF80]  }
0x13a: {  	v62 =	vld [tilespmem:$0x1FD70]  }
0x13b: {  	[tilespmem:$0x15700] =	vst v24;
	v24 =	vsub.f32 v45, v46;
	v40 =	vld [tilespmem:$0x1FDA0]  }
0x13c: {  	v37 =	vld [tilespmem:$0x13000]  }
0x13d: {  	[tilespmem:$0x15800] =	vst v24;
	v41 =	vld [tilespmem:$0x1FDB0];
	v36 =	vsub.f32 v35, v36  }
0x13e: {  	v24 =	vsub.f32 v51, v52;
	[tilespmem:$0x1FE90] =	vst v63;
	v63 =	vld [tilespmem:$0x12000]  }
0x13f: {  	[tilespmem:$0x16F80] =	vst v36;
	v36 =	vld [tilespmem:$0x13E00]  }
0x140: {  	[tilespmem:$0x15900] =	vst v24;
	v24 =	vsub.f32 v55, v56;
	v42 =	vld [tilespmem:$0x1FDC0]  }
0x141: {  	v43 =	vld [tilespmem:$0x1FDD0]  }
0x142: {  	[tilespmem:$0x15A00] =	vst v24;
	v44 =	vld [tilespmem:$0x1FDE0]  }
0x143: {  	v24 =	vsub.f32 v61, v62;
	[tilespmem:$0x1FEA0] =	vst v63;
	v63 =	vld [tilespmem:$0xE000]  }
0x144: {  	v45 =	vld [tilespmem:$0x1FDF0]  }
0x145: {  	[tilespmem:$0x15B00] =	vst v24;
	v24 =	vsub.f32 v40, v41;
	v40 =	vld [tilespmem:$0xF000]  }
0x146: {  	v41 =	vld [tilespmem:$0x13080]  }
0x147: {  	[tilespmem:$0x15B80] =	vst v25;
	v25 =	vsub.f32 v42, v43;
	v43 =	vld [tilespmem:$0x13100]  }
0x148: {  	[tilespmem:$0x1FEB0] =	vst v63;
	v63 =	vld [tilespmem:$0x12080]  }
0x149: {  	[tilespmem:$0x15C00] =	vst v24;
	v24 =	vsub.f32 v44, v45;
	v44 =	vld [tilespmem:$0xF100]  }
0x14a: {  	v42 =	vld [tilespmem:$0xF080]  }
0x14b: {  	v46 =	vld [tilespmem:$0x1FE00]  }
0x14c: {  	v45 =	vld [tilespmem:$0x13180]  }
0x14d: {  	[tilespmem:$0x1FEC0] =	vst v63;
	v63 =	vld [tilespmem:$0xE080]  }
0x14e: {  	v37 =	vsub.f32 v37, v40;
	v48 =	vld [tilespmem:$0x1FE10];
	v40 =	vsub.f32 v43, v44  }
0x14f: {  	v44 =	vld [tilespmem:$0xFA80]  }
0x150: {  	[tilespmem:$0x17100] =	vst v40;
	v40 =	vld [tilespmem:$0x13E80]  }
0x151: {  	v49 =	vld [tilespmem:$0x1FE20]  }
0x152: {  	[tilespmem:$0x1FED0] =	vst v63;
	v63 =	vld [tilespmem:$0x12100]  }
0x153: {  	v51 =	vld [tilespmem:$0x1FE30]  }
0x154: {  	[tilespmem:$0x15C80] =	vst v25;
	v25 =	vsub.f32 v46, v48;
	v46 =	vld [tilespmem:$0xF180]  }
0x155: {  	v48 =	vld [tilespmem:$0x13200]  }
0x156: {  	v52 =	vld [tilespmem:$0x1FE40]  }
0x157: {  	[tilespmem:$0x1FEE0] =	vst v63;
	v63 =	vld [tilespmem:$0xE100]  }
0x158: {  	[tilespmem:$0x15D00] =	vst v24;
	v24 =	vsub.f32 v49, v51;
	v49 =	vld [tilespmem:$0xF200]  }
0x159: {  	v51 =	vld [tilespmem:$0x13280]  }
0x15a: {  	v53 =	vld [tilespmem:$0x1FE50]  }
0x15b: {  	v54 =	vld [tilespmem:$0x1FE60]  }
0x15c: {  	[tilespmem:$0x1FEF0] =	vst v63;
	v63 =	vld [tilespmem:$0x12180]  }
0x15d: {  	v55 =	vld [tilespmem:$0x1FE70]  }
0x15e: {  	v56 =	vld [tilespmem:$0x1FE80]  }
0x15f: {  	v57 =	vld [tilespmem:$0x1FE90]  }
0x160: {  	v60 =	vld [tilespmem:$0x1FEA0]  }
0x161: {  	[tilespmem:$0x1FF00] =	vst v63;
	v63 =	vld [tilespmem:$0xE180]  }
0x162: {  	v61 =	vld [tilespmem:$0x1FEB0]  }
0x163: {  	[tilespmem:$0x15D80] =	vst v25;
	v25 =	vsub.f32 v52, v53;
	v62 =	vld [tilespmem:$0x1FEC0]  }
0x164: {  	[tilespmem:$0x15E00] =	vst v24;
	v52 =	vld [tilespmem:$0x1FED0]  }
0x165: {  	v43 =	vsub.f32 v48, v49;
	v48 =	vld [tilespmem:$0xFB00];
	[tilespmem:$0x15E80] =	vst v25;
	v24 =	vsub.f32 v54, v55  }
0x166: {  	[tilespmem:$0x1FF10] =	vst v63;
	v63 =	vld [tilespmem:$0x12200]  }
0x167: {  	[tilespmem:$0x15F00] =	vst v24;
	v25 =	vsub.f32 v56, v57;
	v24 =	vsub.f32 v60, v61;
	v61 =	vld [tilespmem:$0x1FF40]  }
0x168: {  	v53 =	vld [tilespmem:$0x1FEE0]  }
0x169: {  	[tilespmem:$0x15F80] =	vst v25;
	v25 =	vsub.f32 v62, v52;
	v52 =	vld [tilespmem:$0xF280]  }
0x16a: {  	v54 =	vld [tilespmem:$0x1FEF0]  }
0x16b: {  	[tilespmem:$0x1FF20] =	vst v63;
	v63 =	vld [tilespmem:$0xE200]  }
0x16c: {  	v62 =	vld [tilespmem:$0x1FF50]  }
0x16d: {  	v55 =	vld [tilespmem:$0x1FF00]  }
0x16e: {  	v56 =	vld [tilespmem:$0x1FF10]  }
0x16f: {  	[tilespmem:$0x16000] =	vst v24;
	v24 =	vsub.f32 v53, v54;
	v53 =	vld [tilespmem:$0x13300]  }
0x170: {  	[tilespmem:$0x1FF30] =	vst v63;
	v63 =	vld [tilespmem:$0x12280]  }
0x171: {  	[tilespmem:$0x16900] =	vst v1;
	v57 =	vld [tilespmem:$0x1FF20]  }
0x172: {  	[tilespmem:$0x16880] =	vst v0;
	v29 =	vsub.f32 v28, v29;
	v60 =	vld [tilespmem:$0x1FF30]  }
0x173: {  	[tilespmem:$0x16080] =	vst v25;
	v54 =	vld [tilespmem:$0xF300];
	v25 =	vsub.f32 v55, v56  }
0x174: {  	[tilespmem:$0x16E00] =	vst v29;
	v31 =	vsub.f32 v8, v9;
	v55 =	vld [tilespmem:$0x13380]  }
0x175: {  	[tilespmem:$0x16180] =	vst v25;
	v25 =	vsub.f32 v63, v61;
	v63 =	vld [tilespmem:$0x1FF60]  }
0x176: {  	[tilespmem:$0x17780] =	vst v31;
	v56 =	vld [tilespmem:$0xF380]  }
0x177: {  	v33 =	vsub.f32 v10, v11;
	[tilespmem:$0x16100] =	vst v24;
	v24 =	vsub.f32 v57, v60;
	v57 =	vld [tilespmem:$0x1FF70]  }
0x178: {  	[tilespmem:$0x16C80] =	vst v20;
	v60 =	vld [tilespmem:$0x1FF80]  }
0x179: {  	[tilespmem:$0x17800] =	vst v33;
	v27 =	vsub.f32 v23, v26;
	v61 =	vld [tilespmem:$0x1FF90]  }
0x17a: {  	v35 =	vsub.f32 v12, v13;
	[tilespmem:$0x16200] =	vst v24;
	v24 =	vsub.f32 v62, v63;
	v62 =	vld [tilespmem:$0x1FFA0]  }
0x17b: {  	[tilespmem:$0x16D80] =	vst v27;
	v49 =	vsub.f32 v55, v56;
	v55 =	vld [tilespmem:$0x13C00]  }
0x17c: {  	[tilespmem:$0x17880] =	vst v35;
	v63 =	vld [tilespmem:$0x1FFB0]  }
0x17d: {  	[tilespmem:$0x16280] =	vst v25;
	v25 =	vsub.f32 v57, v60;
	v60 =	vld [tilespmem:$0x1FFC0]  }
0x17e: {  	[tilespmem:$0x17000] =	vst v37;
	v37 =	vsub.f32 v14, v15;
	v57 =	vld [tilespmem:$0x13400]  }
0x17f: {  	[tilespmem:$0x16300] =	vst v24;
	v24 =	vsub.f32 v61, v62;
	v61 =	vld [tilespmem:$0x1FFF0]  }
0x180: {  	[tilespmem:$0x17900] =	vst v37;
	v62 =	vsub.f32 v59, v50;
	v50 =	vld [tilespmem:$0xF480]  }
0x181: {  	[tilespmem:$0x17200] =	vst v43;
	v59 =	vld [tilespmem:$0xF580]  }
0x182: {  	[tilespmem:$0x16380] =	vst v25;
	v25 =	vsub.f32 v63, v60;
	v60 =	vld [tilespmem:$0x1FFE0]  }
0x183: {  	[tilespmem:$0x17380] =	vst v49;
	v63 =	vsub.f32 v47, v38;
	v38 =	vld [tilespmem:$0x13500]  }
0x184: {  	v47 =	vsub.f32 v39, v30;
	v30 =	vld [tilespmem:$0xF500];
	[tilespmem:$0x16400] =	vst v24  }
0x185: {  	v39 =	vsub.f32 v41, v42;
	v41 =	vld [tilespmem:$0xFA00];
	[tilespmem:$0x16600] =	vst v62  }
0x186: {  	v42 =	vsub.f32 v45, v46;
	v46 =	vld [tilespmem:$0x13B00];
	[tilespmem:$0x16480] =	vst v25  }
0x187: {  	v45 =	vsub.f32 v51, v52;
	v51 =	vld [tilespmem:$0x13B80];
	[tilespmem:$0x16680] =	vst v63  }
0x188: {  	v24 =	vld [tilespmem:$0x1FFD0];
	[tilespmem:$0x16700] =	vst v47  }
0x189: {  	v62 =	vsub.f32 v5, v6;
	v5 =	vld [tilespmem:$0x13700];
	[tilespmem:$0x17080] =	vst v39  }
0x18a: {  	v6 =	vld [tilespmem:$0xF700];
	[tilespmem:$0x17180] =	vst v42  }
0x18b: {  	v63 =	vld [tilespmem:$0xF680];
	v47 =	vsub.f32 v53, v54;
	[tilespmem:$0x17280] =	vst v45  }
0x18c: {  	v53 =	vld [tilespmem:$0xFB80];
	v39 =	vsub.f32 v16, v17;
	[tilespmem:$0x16A00] =	vst v62  }
0x18d: {  	v42 =	vld [tilespmem:$0xFE80];
	v25 =	vsub.f32 v61, v58;
	[tilespmem:$0x17300] =	vst v47  }
0x18e: {  	v58 =	vld [tilespmem:$0x13480];
	v61 =	vsub.f32 v3, v4;
	[tilespmem:$0x17980] =	vst v39  }
0x18f: {  	v3 =	vld [tilespmem:$0x13680];
	v56 =	vsub.f32 v38, v30;
	[tilespmem:$0x16580] =	vst v25  }
0x190: {  	v30 =	vld [tilespmem:$0xFD00];
	v41 =	vsub.f32 v18, v41;
	[tilespmem:$0x16980] =	vst v61  }
0x191: {  	v38 =	vld [tilespmem:$0xFE00];
	v45 =	vsub.f32 v46, v48;
	[tilespmem:$0x17500] =	vst v56  }
0x192: {  	v24 =	vsub.f32 v24, v60;
	v60 =	vld [tilespmem:$0xF400];
	[tilespmem:$0x17A00] =	vst v41  }
0x193: {  	v25 =	vld [tilespmem:$0x13580];
	v47 =	vsub.f32 v51, v53;
	[tilespmem:$0x17B00] =	vst v45  }
0x194: {  	v46 =	vld [tilespmem:$0xFF00];
	[tilespmem:$0x16500] =	vst v24;
	v24 =	vsub.f32 v21, v22  }
0x195: {  	v61 =	vld [tilespmem:$0xFC80];
	v54 =	vsub.f32 v58, v50;
	[tilespmem:$0x17B80] =	vst v47  }
0x196: {  	v21 =	vld [tilespmem:$0x13A80];
	v62 =	vsub.f32 v3, v63;
	[tilespmem:$0x16D00] =	vst v24  }
0x197: {  	v63 =	vld [tilespmem:$0x13D00];
	v52 =	vsub.f32 v57, v60;
	[tilespmem:$0x17480] =	vst v54  }
0x198: {  	v57 =	vld [tilespmem:$0xFC00];
	v58 =	vsub.f32 v25, v59;
	[tilespmem:$0x17680] =	vst v62  }
0x199: {  	v59 =	vld [tilespmem:$0x13C80];
	v60 =	vsub.f32 v7, v2;
	[tilespmem:$0x17400] =	vst v52  }
0x19a: {  	v48 =	vld [tilespmem:$0x13F80];
	v25 =	vsub.f32 v5, v6;
	[tilespmem:$0x17580] =	vst v58  }
0x19b: {  	v56 =	vld [tilespmem:$0x14080];
	[tilespmem:$0x17600] =	vst v60;
	v43 =	vsub.f32 v21, v44  }
0x19c: {  	v50 =	vld [tilespmem:$0xFF80];
	[tilespmem:$0x17700] =	vst v25;
	v53 =	vsub.f32 v63, v30  }
0x19d: {  	v54 =	vld [tilespmem:$0x10000];
	[tilespmem:$0x17A80] =	vst v43;
	v49 =	vsub.f32 v55, v57  }
0x19e: {  	v44 =	vld [tilespmem:$0x13F00];
	v51 =	vsub.f32 v59, v61;
	[tilespmem:$0x17D00] =	vst v53  }
0x19f: {  	v52 =	vld [tilespmem:$0x14000];
	v55 =	vsub.f32 v32, v34;
	[tilespmem:$0x17C00] =	vst v49  }
0x1a0: {  	v58 =	vld [tilespmem:$0x10080];
	v57 =	vsub.f32 v36, v38;
	[tilespmem:$0x17C80] =	vst v51  }
0x1a1: {  	v59 =	vsub.f32 v40, v42;
	[tilespmem:$0x17D80] =	vst v55  }
0x1a2: {  	v61 =	vsub.f32 v48, v50;
	[tilespmem:$0x17E00] =	vst v57  }
0x1a3: {  	v60 =	vsub.f32 v44, v46;
	[tilespmem:$0x17E80] =	vst v59  }
0x1a4: {  	v62 =	vsub.f32 v52, v54;
	[tilespmem:$0x17F80] =	vst v61  }
0x1a5: {  	v63 =	vsub.f32 v56, v58;
	[tilespmem:$0x17F00] =	vst v60  }
0x1a6: {  	[tilespmem:$0x18000] =	vst v62  }
.Ltmp5:
0x1a7: {  	s31 =	sadd.s32 s30, s9;
	[tilespmem:$0x18080] =	vst v63;
	(pc) =	sbr.rel .LBB2_4-.Ltmp5, $4  }
0x1a8: {  	[hbm4b:s31+s4] =	stream.linear.scatter [tilespmem:s23], [sflag:$0x2], $0x4000, $0x38;
	[tilespmem:$0x18100] =	vst v63  }
0x1a9: {  	_ =	swait.ge [sflag:s24], $0x4000  }
0x1aa: {  	[sflag:s24] =	ssyncset.done $0x0  }
0x1ab: {  	[sflag:s24] =	ssyncadd.s32 $0xFFFFC000  }
.LBB2_6:
0x1ac: {  	_ =	sfence.sel $0x180000  }
0x1ad: {  	[bflag:$0x0] =	sbarrier.arrive $0xFFFF  }
0x1ae: {  	p0 =	sne.s32 s2, $0x0;
	_ =	strace $0x90000047  }
0x1af: {  	s0 =	sadd.s32 @!p0 $0x100000, s0;
	[bflag:$0x2] =	sbarrier.arrive $0xFFFF  }
0x1b0: {  	[sflag:s0] =	ssyncadd.tile.s32 @!p0 $0x1;
	_ =	shalt  }
.Lfunc_end2:
_tile_overlayer_lowered:
.L_overlay_start_2:
0x1b1: {  	(tag) =	ssettag $0x2  }
0x1b2: {  	s0 =	rddreg [dreg:$0x0];
	s2 =	stileid.u32  }
0x1b3: {  	s1 =	rddreg [dreg:$0x1];
	p0 =	sne.s32 s2, $0x0  }
0x1b4: {  	s3 =	rddreg [dreg:$0x2];
	[bflag:$0x3] =	sbarrier.arrive $0xFFFF;
	s2 =	simm.s32 @!p0 $0x1C02  }
0x1b5: {  	[timem:s3], [sflag:s2] =	dma.local @!p0 [hbm:s0], s1  }
0x1b6: {  	s0 =	simm.s32 @!p0 $0x2  }
0x1b7: {  	_ =	swait.ge @!p0 [sflag:s0], s1  }
0x1b8: {  	s1 =	ssub.s32 @!p0 $0x0, s1;
	[sflag:s0] =	ssyncset.done @!p0 $0x0  }
0x1b9: {  	[sflag:s0] =	ssyncadd.s32 @!p0 s1  }
0x1ba: {  	[bflag:$0x3] =	sbarrier.arrive $0xFFFF  }
0x1bb: {  	_ =	shalt  }

</sc_bundles>
